<compile_context>
chip_gen: v7x
topology: tpu7x:2x2x1
jax: 0.10.2.dev20260603
libtpu: 0.0.44.dev20260713+nightly
codegen_flags: <defaults>
</compile_context>

<pallas_src>
import jax
import jax.numpy as jnp
from jax import lax
from jax.experimental import pallas as pl
from jax.experimental.pallas import tpu as pltpu
from jax.experimental.pallas import tpu_sc as plsc

N = 10000
E_RAW = 320000
E_AUG = E_RAW + N
D = 128
DE = 144
NG = 16
NLAYERS = 4

NW = 32
CHUNK = 96
CPW = 108
E_PAD = NW * CPW * CHUNK
JUNK = N
BLK = 632
GRID = 16
N2 = BLK * GRID


def _mm_body(h_ref, wext_ref, wd_ref, wsa_ref, t_ref, ad_ref, ms_ref, md_ref):
    i = pl.program_id(0)
    h = h_ref[...]
    t_ref[...] = jnp.dot(h, wext_ref[...], preferred_element_type=jnp.float32)
    ad = jnp.dot(h, wd_ref[...], preferred_element_type=jnp.float32)
    asv = jnp.dot(h, wsa_ref[...], preferred_element_type=jnp.float32)
    ad_ref[...] = ad
    ms = jnp.max(asv, axis=0, keepdims=True)
    md = jnp.max(ad, axis=0, keepdims=True)

    @pl.when(i == 0)
    def _():
        ms_ref[...] = ms
        md_ref[...] = md

    @pl.when(i > 0)
    def _():
        ms_ref[...] = jnp.maximum(ms_ref[...], ms)
        md_ref[...] = jnp.maximum(md_ref[...], md)


_mm_call = pl.pallas_call(
    _mm_body,
    grid=(GRID,),
    in_specs=[
        pl.BlockSpec((BLK, D), lambda i: (i, 0)),
        pl.BlockSpec((D, DE), lambda i: (0, 0)),
        pl.BlockSpec((D, 16), lambda i: (0, 0)),
        pl.BlockSpec((D, 16), lambda i: (0, 0)),
    ],
    out_specs=[
        pl.BlockSpec((BLK, DE), lambda i: (i, 0)),
        pl.BlockSpec((BLK, 16), lambda i: (i, 0)),
        pl.BlockSpec((1, 16), lambda i: (0, 0)),
        pl.BlockSpec((1, 16), lambda i: (0, 0)),
    ],
    out_shape=[
        jax.ShapeDtypeStruct((N2, DE), jnp.float32),
        jax.ShapeDtypeStruct((N2, 16), jnp.float32),
        jax.ShapeDtypeStruct((1, 16), jnp.float32),
        jax.ShapeDtypeStruct((1, 16), jnp.float32),
    ],
)


G = 36


def _sc_edge_body(t_hbm, ad_hbm, c_hbm, src_hbm, dst_hbm, zer_hbm,
                  out_hbm, acc_sh, srcv, dstv, rows0, rows1, adv0, adv1, cv,
                  semt0, semt1, sema0, sema1):
    cid = lax.axis_index("c")
    sid = lax.axis_index("s")
    wid = cid * 16 + sid

    pltpu.sync_copy(zer_hbm, acc_sh.at[pl.ds(sid * BLK, BLK)])
    pltpu.sync_copy(c_hbm, cv)
    plsc.subcore_barrier()

    cvec = cv[...]

    def compute(rows, adv):
        @plsc.parallel_loop(0, CHUNK, unroll=8)
        def edge_body(k):
            a_s = rows[k, pl.ds(D, 16)]
            a_d = adv[k, :]
            t = a_s + a_d
            alpha = jnp.where(t > 0, t, t * 0.2)
            w = jnp.exp(alpha - cvec)
            rows[k, pl.ds(D, 16)] = w
            for f in range(8):
                rows[k, pl.ds(f * 16, 16)] = rows[k, pl.ds(f * 16, 16)] * w

    def stage_body(s, carry):
        pltpu.sync_copy(src_hbm.at[wid, pl.ds(s * G, G)], srcv)
        pltpu.sync_copy(dst_hbm.at[wid, pl.ds(s * G, G)], dstv)

        def pair_body(p, c2):
            e = 2 * p
            o = e + 1
            cpt0 = pltpu.async_copy(t_hbm.at[srcv.at[e]], rows0, semt0)
            cpa0 = pltpu.async_copy(ad_hbm.at[dstv.at[e]], adv0, sema0)
            cpt1 = pltpu.async_copy(t_hbm.at[srcv.at[o]], rows1, semt1)
            cpa1 = pltpu.async_copy(ad_hbm.at[dstv.at[o]], adv1, sema1)
            cpt0.wait()
            cpa0.wait()
            compute(rows0, adv0)
            sc0 = pltpu.async_copy(rows0, acc_sh.at[dstv.at[e]], semt0,
                                   add=True)
            cpt1.wait()
            cpa1.wait()
            compute(rows1, adv1)
            sc1 = pltpu.async_copy(rows1, acc_sh.at[dstv.at[o]], semt1,
                                   add=True)
            sc0.wait()
            sc1.wait()
            return c2

        lax.fori_loop(0, G // 2, pair_body, 0)
        return carry

    lax.fori_loop(0, CPW // G, stage_body, 0)

    plsc.subcore_barrier()
    pltpu.sync_copy(
        acc_sh.at[pl.ds(sid * BLK, BLK)],
        out_hbm.at[cid, pl.ds(sid * BLK, BLK)],
    )


_sc_edge = pl.kernel(
    _sc_edge_body,
    out_type=jax.ShapeDtypeStruct((2, N2, DE), jnp.float32),
    mesh=plsc.VectorSubcoreMesh(core_axis_name="c", subcore_axis_name="s"),
    compiler_params=pltpu.CompilerParams(use_tc_tiling_on_sc=False),
    scratch_types=[
        pltpu.VMEM_SHARED((N2, DE), jnp.float32),
        pltpu.VMEM((G, CHUNK), jnp.int32),
        pltpu.VMEM((G, CHUNK), jnp.int32),
        pltpu.VMEM((CHUNK, DE), jnp.float32),
        pltpu.VMEM((CHUNK, DE), jnp.float32),
        pltpu.VMEM((CHUNK, 16), jnp.float32),
        pltpu.VMEM((CHUNK, 16), jnp.float32),
        pltpu.VMEM((16,), jnp.float32),
        pltpu.SemaphoreType.DMA,
        pltpu.SemaphoreType.DMA,
        pltpu.SemaphoreType.DMA,
        pltpu.SemaphoreType.DMA,
    ],
)


def _make_comb_body(h1):
    def body(o_ref, b_ref, z_ref, s_ref, q_ref):
        i = pl.program_id(0)
        y = o_ref[0] + o_ref[1]
        if h1:
            num = y[:, :D]
            den = jnp.broadcast_to(y[:, D:D + 1], (BLK, D))
        else:
            row = lax.broadcasted_iota(jnp.int32, (D, D), 0)
            col = lax.broadcasted_iota(jnp.int32, (D, D), 1)
            perm_m = (row == (col % 8) * 16 + col // 8).astype(jnp.float32)
            num = jnp.dot(y[:, :D], perm_m, preferred_element_type=jnp.float32)
            dh = y[:, D:DE]
            hrow = lax.broadcasted_iota(jnp.int32, (16, D), 0)
            hcol = lax.broadcasted_iota(jnp.int32, (16, D), 1) // 8
            expand_m = (hrow == hcol).astype(jnp.float32)
            den = jnp.dot(dh, expand_m, preferred_element_type=jnp.float32)
        z = num / den + b_ref[...]
        rid = i * BLK + lax.broadcasted_iota(jnp.int32, (BLK, D), 0)
        z = jnp.where(rid < N, z, 0.0)
        z_ref[...] = z
        s = jnp.sum(z, axis=0, keepdims=True)
        q = jnp.sum(z * z, axis=0, keepdims=True)

        @pl.when(i == 0)
        def _():
            s_ref[...] = s
            q_ref[...] = q

        @pl.when(i > 0)
        def _():
            s_ref[...] = s_ref[...] + s
            q_ref[...] = q_ref[...] + q

    return body


def _make_comb_call(h1):
    return pl.pallas_call(
        _make_comb_body(h1),
        grid=(GRID,),
        in_specs=[
            pl.BlockSpec((2, BLK, DE), lambda i: (0, i, 0)),
            pl.BlockSpec((1, D), lambda i: (0, 0)),
        ],
        out_specs=[
            pl.BlockSpec((BLK, D), lambda i: (i, 0)),
            pl.BlockSpec((1, D), lambda i: (0, 0)),
            pl.BlockSpec((1, D), lambda i: (0, 0)),
        ],
        out_shape=[
            jax.ShapeDtypeStruct((N2, D), jnp.float32),
            jax.ShapeDtypeStruct((1, D), jnp.float32),
            jax.ShapeDtypeStruct((1, D), jnp.float32),
        ],
    )


_comb_h16 = _make_comb_call(False)
_comb_h1 = _make_comb_call(True)


def _bn_body(z_ref, s_ref, q_ref, g_ref, be_ref, r_ref, o_ref):
    i = pl.program_id(0)
    mu = s_ref[...] * (1.0 / N)
    var = q_ref[...] * (1.0 / N) - mu * mu
    scale = g_ref[...] * lax.rsqrt(var + 1e-5)
    xn = (z_ref[...] - mu) * scale + be_ref[...]
    o = jnp.maximum(xn, 0.0) + r_ref[...]
    rid = i * BLK + lax.broadcasted_iota(jnp.int32, (BLK, D), 0)
    o_ref[...] = jnp.where(rid < N, o, 0.0)


_bn_call = pl.pallas_call(
    _bn_body,
    grid=(GRID,),
    in_specs=[
        pl.BlockSpec((BLK, D), lambda i: (i, 0)),
        pl.BlockSpec((1, D), lambda i: (0, 0)),
        pl.BlockSpec((1, D), lambda i: (0, 0)),
        pl.BlockSpec((1, D), lambda i: (0, 0)),
        pl.BlockSpec((1, D), lambda i: (0, 0)),
        pl.BlockSpec((BLK, D), lambda i: (i, 0)),
    ],
    out_specs=pl.BlockSpec((BLK, D), lambda i: (i, 0)),
    out_shape=jax.ShapeDtypeStruct((N2, D), jnp.float32),
)


def _pool_body(h_ref, oh_ref, p_ref, c_ref):
    i = pl.program_id(0)
    oh = oh_ref[...]
    part = lax.dot_general(oh, h_ref[...], (((0,), (0,)), ((), ())),
                           preferred_element_type=jnp.float32)
    cnt = lax.dot_general(oh, jnp.ones((BLK, D), jnp.float32),
                          (((0,), (0,)), ((), ())),
                          preferred_element_type=jnp.float32)

    @pl.when(i == 0)
    def _():
        p_ref[...] = part
        c_ref[...] = cnt

    @pl.when(i > 0)
    def _():
        p_ref[...] = p_ref[...] + part
        c_ref[...] = c_ref[...] + cnt

    @pl.when(i == GRID - 1)
    def _():
        p_ref[...] = p_ref[...] / jnp.maximum(c_ref[...], 1.0)


_pool_call = pl.pallas_call(
    _pool_body,
    grid=(GRID,),
    in_specs=[
        pl.BlockSpec((BLK, D), lambda i: (i, 0)),
        pl.BlockSpec((BLK, NG), lambda i: (i, 0)),
    ],
    out_specs=[
        pl.BlockSpec((NG, D), lambda i: (0, 0)),
        pl.BlockSpec((NG, D), lambda i: (0, 0)),
    ],
    out_shape=[
        jax.ShapeDtypeStruct((NG, D), jnp.float32),
        jax.ShapeDtypeStruct((NG, D), jnp.float32),
    ],
)


def kernel(x, edge_index, batch, params):
    loop = jnp.arange(N, dtype=jnp.int32)
    src = jnp.concatenate([
        edge_index[0].astype(jnp.int32), loop,
        jnp.zeros((E_PAD - E_AUG,), jnp.int32),
    ])
    dst = jnp.concatenate([
        edge_index[1].astype(jnp.int32), loop,
        jnp.full((E_PAD - E_AUG,), JUNK, jnp.int32),
    ])
    srcw = src.reshape(NW, CPW, CHUNK)
    dstw = dst.reshape(NW, CPW, CHUNK)
    zer = jnp.zeros((BLK, DE), jnp.float32)
    batchp = jnp.concatenate([batch.astype(jnp.int32),
                              jnp.full((N2 - N,), NG, jnp.int32)])
    onehot = (batchp[:, None] == jnp.arange(NG, dtype=jnp.int32)[None, :]
              ).astype(jnp.float32)

    h = jnp.concatenate([x, jnp.zeros((N2 - N, D), jnp.float32)], axis=0)
    for i in range(NLAYERS):
        p = params['conv%d' % i]
        H = 16 if i == 0 else 1
        OC = 8 if i == 0 else 128
        w3 = p['W'].reshape(D, H, OC)
        asm = jnp.einsum('dhc,hc->dh', w3, p['att_src'])
        adm = jnp.einsum('dhc,hc->dh', w3, p['att_dst'])
        if H == 1:
            asm = jnp.broadcast_to(asm, (D, 16))
            adm = jnp.broadcast_to(adm, (D, 16))
            wf = p['W']
        else:
            wf = jnp.transpose(w3, (0, 2, 1)).reshape(D, D)
        wext = jnp.concatenate([wf, asm], axis=1)

        t_tab, ad_tab, ms, md = _mm_call(h, wext, adm, asm)
        cvec = jax.nn.leaky_relu(ms + md, 0.2).reshape(16)

        out_sc = _sc_edge(t_tab, ad_tab, cvec, srcw, dstw, zer)

        comb = _comb_h16 if H == 16 else _comb_h1
        z, s, q = comb(out_sc, p['bias'].reshape(1, D))
        h = _bn_call(z, s, q, p['gamma'].reshape(1, D),
                     p['beta'].reshape(1, D), h)

    pooled, _ = _pool_call(h, onehot)
    return pooled

# --- scband reference (transcript-rebuilt; emitter-appended) ---
"""Pipeline reference for scband-wsi-gat-40235253629415 (READ-ONLY COPY).

The authoritative reference and input builder live on the scoring server;
editing this copy changes nothing except your own understanding.
"""

import jax, jax.numpy as jnp
import numpy as np

N_NODES = 10000
N_EDGES = 320000
IN_DIM = 128
HIDDEN = 8
HEADS = 16
N_LAYERS = 4
NUM_GRAPHS = 16
HID = HEADS * HIDDEN


def _make_params(key):
    params = {}
    dims = [(IN_DIM, HEADS, HIDDEN)] + [(HID, 1, HID)] * (N_LAYERS - 1)
    for i, (din, h, c) in enumerate(dims):
        key, k1, k2, k3 = jax.random.split(key, 4)
        params['conv%d' % i] = {
            'W': jax.random.normal(k1, (din, h * c), dtype=jnp.float32) * (1.0 / np.sqrt(din)),
            'att_src': jax.random.normal(k2, (h, c), dtype=jnp.float32) * 0.1,
            'att_dst': jax.random.normal(k3, (h, c), dtype=jnp.float32) * 0.1,
            'bias': jnp.zeros((h * c,), dtype=jnp.float32),
            'gamma': jnp.ones((h * c,), dtype=jnp.float32),
            'beta': jnp.zeros((h * c,), dtype=jnp.float32),
        }
    return params


def setup_inputs(seed: int = 0):
    key = jax.random.key(seed)
    k1, k2, k3, k4 = jax.random.split(key, 4)
    x = jax.random.normal(k1, (N_NODES, IN_DIM), dtype=jnp.float32)
    edge_index = jax.random.randint(k2, (2, N_EDGES), 0, N_NODES, dtype=jnp.int32)
    batch = jnp.sort(jax.random.randint(k3, (N_NODES,), 0, NUM_GRAPHS, dtype=jnp.int32))
    return {'x': x, 'edge_index': edge_index, 'batch': batch, 'params': _make_params(k4)}


def _gat_conv(x, edge_index, p, heads, out_ch):
    n = x.shape[0]
    loop = jnp.arange(n, dtype=edge_index.dtype)
    src = jnp.concatenate([edge_index[0], loop])
    dst = jnp.concatenate([edge_index[1], loop])
    h = (x @ p['W']).reshape(n, heads, out_ch)
    a_src = (h * p['att_src'][None]).sum(-1)
    a_dst = (h * p['att_dst'][None]).sum(-1)
    alpha = a_src[src] + a_dst[dst]
    alpha = jax.nn.leaky_relu(alpha, 0.2)
    amax = jax.ops.segment_max(alpha, dst, num_segments=n)
    amax = jnp.where(jnp.isfinite(amax), amax, 0.0)
    alpha = jnp.exp(alpha - amax[dst])
    denom = jax.ops.segment_sum(alpha, dst, num_segments=n)
    alpha = alpha / (denom[dst] + 1e-16)
    msg = h[src] * alpha[..., None]
    out = jax.ops.segment_sum(msg, dst, num_segments=n)
    return out.reshape(n, heads * out_ch) + p['bias']


def _batch_norm(x, gamma, beta):
    mu = x.mean(0)
    var = x.var(0)
    return gamma * (x - mu) / jnp.sqrt(var + 1e-5) + beta


def reference(x, edge_index, batch, params):
    h = x
    for i in range(N_LAYERS):
        p = params['conv%d' % i]
        heads = HEADS if i == 0 else 1
        out_ch = HIDDEN if i == 0 else HID
        h_res = h
        h = _gat_conv(h, edge_index, p, heads, out_ch)
        h = _batch_norm(h, p['gamma'], p['beta'])
        h = jax.nn.relu(h)
        if h.shape == h_res.shape:
            h = h + h_res
    sums = jax.ops.segment_sum(h, batch, num_segments=NUM_GRAPHS)
    counts = jax.ops.segment_sum(jnp.ones((h.shape[0],), dtype=h.dtype), batch, num_segments=NUM_GRAPHS)
    graph_feat = sums / jnp.maximum(counts, 1.0)[:, None]
    return graph_feat

if __name__ == "__main__":
    import jax
    _d = setup_inputs()
    print(jax.jit(kernel)(*tuple(_d.values())))

</pallas_src>

<mosaic_0001>
#map = affine_map<(d0, d1) -> (0, 0)>
#map1 = affine_map<(d0, d1) -> (0)>
#map2 = affine_map<(d0, d1) -> (0, 0, 0)>
module attributes {stable_mosaic.version = 14 : i64} {
  func.func @_sc_edge_body(%arg0: i32, %arg1: i32, %arg2: memref<10112x144xf32, #tpu.memory_space<hbm>>, %arg3: memref<10112x16xf32, #tpu.memory_space<hbm>>, %arg4: memref<16xf32, #tpu.memory_space<hbm>>, %arg5: memref<32x108x96xi32, #tpu.memory_space<hbm>>, %arg6: memref<32x108x96xi32, #tpu.memory_space<hbm>>, %arg7: memref<632x144xf32, #tpu.memory_space<hbm>>, %arg8: memref<2x10112x144xf32, #tpu.memory_space<hbm>>, %arg9: memref<10112x144xf32, #tpu.memory_space<vmem_shared>>, %arg10: memref<36x96xi32, #tpu.memory_space<vmem>>, %arg11: memref<36x96xi32, #tpu.memory_space<vmem>>, %arg12: memref<96x144xf32, #tpu.memory_space<vmem>>, %arg13: memref<96x144xf32, #tpu.memory_space<vmem>>, %arg14: memref<96x16xf32, #tpu.memory_space<vmem>>, %arg15: memref<96x16xf32, #tpu.memory_space<vmem>>, %arg16: memref<16xf32, #tpu.memory_space<vmem>>, %arg17: memref<!tpu.dma_semaphore, #tpu.memory_space<semaphore_mem>>, %arg18: memref<!tpu.dma_semaphore, #tpu.memory_space<semaphore_mem>>, %arg19: memref<!tpu.dma_semaphore, #tpu.memory_space<semaphore_mem>>, %arg20: memref<!tpu.dma_semaphore, #tpu.memory_space<semaphore_mem>>) attributes {dimension_semantics = [#tpu.dimension_semantics<core_parallel>, #tpu.dimension_semantics<subcore_parallel>], iteration_bounds = array<i64: 2, 16>, scalar_prefetch = 0 : i64, scratch_operands = 12 : i64, tpu.core_type = #tpu.core_type<sc_vector_subcore>, window_params = [{transform_indices = #map}, {transform_indices = #map}, {transform_indices = #map1}, {transform_indices = #map2}, {transform_indices = #map2}, {transform_indices = #map}, {transform_indices = #map2}]} {
    %mul3A = arith.constant 16 : i32
    %mul3A_0 = arith.muli %arg0, %mul3A : i32
    %add3A = arith.addi %mul3A_0, %arg1 : i32
    %mul3A_1 = arith.constant 632 : i32
    %mul3A_2 = arith.muli %arg1, %mul3A_1 : i32
    "tpu.region"() ({
      %run_scoped3A = tpu.sem_alloc : memref<!tpu.dma_semaphore, #tpu.memory_space<semaphore_mem>>
      %dma_start3A = arith.constant 0 : i32
      %dma_start3A_15 = tpu.memref_slice %arg9[%mul3A_2, %dma_start3A] : memref<10112x144xf32, #tpu.memory_space<vmem_shared>> -> memref<632x144xf32, #tpu.memory_space<vmem_shared>>
      tpu.enqueue_dma source(%arg7 : memref<632x144xf32, #tpu.memory_space<hbm>>) target(%dma_start3A_15 : memref<632x144xf32, #tpu.memory_space<vmem_shared>>) target_semaphore(%run_scoped3A : memref<!tpu.dma_semaphore, #tpu.memory_space<semaphore_mem>>)
      %dma_wait3A = arith.constant 0 : i32
      %dma_wait3A_16 = tpu.memref_slice %arg9[%mul3A_2, %dma_wait3A] : memref<10112x144xf32, #tpu.memory_space<vmem_shared>> -> memref<632x144xf32, #tpu.memory_space<vmem_shared>>
      tpu.wait_dma2 semaphore(%run_scoped3A : memref<!tpu.dma_semaphore, #tpu.memory_space<semaphore_mem>>) src(%arg7 : memref<632x144xf32, #tpu.memory_space<hbm>>) dst(%dma_wait3A_16 : memref<632x144xf32, #tpu.memory_space<vmem_shared>>)
      tpu.yield
    }) : () -> ()
    "tpu.region"() ({
      %run_scoped3A = tpu.sem_alloc : memref<!tpu.dma_semaphore, #tpu.memory_space<semaphore_mem>>
      tpu.enqueue_dma source(%arg4 : memref<16xf32, #tpu.memory_space<hbm>>) target(%arg16 : memref<16xf32, #tpu.memory_space<vmem>>) target_semaphore(%run_scoped3A : memref<!tpu.dma_semaphore, #tpu.memory_space<semaphore_mem>>)
      tpu.wait_dma2 semaphore(%run_scoped3A : memref<!tpu.dma_semaphore, #tpu.memory_space<semaphore_mem>>) src(%arg4 : memref<16xf32, #tpu.memory_space<hbm>>) dst(%arg16 : memref<16xf32, #tpu.memory_space<vmem>>)
      tpu.yield
    }) : () -> ()
    %barrier3A = arith.constant 0 : index
    tpu.barrier barrier_id(%barrier3A)
    %get3A = arith.constant 0 : index
    %get3A_3 = tpu.vector_load %arg16[%get3A] {strides = array<i32>} : memref<16xf32, #tpu.memory_space<vmem>>, vector<16xf32>,
    %get3A_4 = vector.shape_cast %get3A_3 : vector<16xf32> to vector<16xf32>
    %scan3A = arith.constant 0 : i32
    %scan3A_5 = arith.constant 0 : i32
    %scan3A_6 = arith.constant 3 : i32
    %scan3A_7 = arith.addi %scan3A_5, %scan3A_6 : i32
    %scan3A_8 = arith.constant 1 : i32
    scf.for %scan3A_15 = %scan3A_5 to %scan3A_7 step %scan3A_8  : i32 {
      %mul3A_16 = arith.constant 36 : i32
      %mul3A_17 = arith.muli %scan3A_15, %mul3A_16 : i32
      "tpu.region"() ({
        %run_scoped3A = tpu.sem_alloc : memref<!tpu.dma_semaphore, #tpu.memory_space<semaphore_mem>>
        %dma_start3A = arith.constant 0 : i32
        %dma_start3A_26 = tpu.memref_slice %arg5[%add3A, %mul3A_17, %dma_start3A] : memref<32x108x96xi32, #tpu.memory_space<hbm>> -> memref<1x36x96xi32, #tpu.memory_space<hbm>>
        %dma_start3A_27 = tpu.memref_squeeze %dma_start3A_26 : memref<1x36x96xi32, #tpu.memory_space<hbm>> -> memref<36x96xi32, #tpu.memory_space<hbm>>
        %dma_start3A_28 = arith.constant 0 : i32
        %dma_start3A_29 = tpu.memref_slice %arg5[%add3A, %mul3A_17, %dma_start3A_28] : memref<32x108x96xi32, #tpu.memory_space<hbm>> -> memref<1x36x96xi32, #tpu.memory_space<hbm>>
        %dma_start3A_30 = tpu.memref_squeeze %dma_start3A_29 : memref<1x36x96xi32, #tpu.memory_space<hbm>> -> memref<36x96xi32, #tpu.memory_space<hbm>>
        tpu.enqueue_dma source(%dma_start3A_30 : memref<36x96xi32, #tpu.memory_space<hbm>>) target(%arg10 : memref<36x96xi32, #tpu.memory_space<vmem>>) target_semaphore(%run_scoped3A : memref<!tpu.dma_semaphore, #tpu.memory_space<semaphore_mem>>)
        %dma_wait3A = arith.constant 0 : i32
        %dma_wait3A_31 = tpu.memref_slice %arg5[%add3A, %mul3A_17, %dma_wait3A] : memref<32x108x96xi32, #tpu.memory_space<hbm>> -> memref<1x36x96xi32, #tpu.memory_space<hbm>>
        %dma_wait3A_32 = tpu.memref_squeeze %dma_wait3A_31 : memref<1x36x96xi32, #tpu.memory_space<hbm>> -> memref<36x96xi32, #tpu.memory_space<hbm>>
        %dma_wait3A_33 = arith.constant 0 : i32
        %dma_wait3A_34 = tpu.memref_slice %arg5[%add3A, %mul3A_17, %dma_wait3A_33] : memref<32x108x96xi32, #tpu.memory_space<hbm>> -> memref<1x36x96xi32, #tpu.memory_space<hbm>>
        %dma_wait3A_35 = tpu.memref_squeeze %dma_wait3A_34 : memref<1x36x96xi32, #tpu.memory_space<hbm>> -> memref<36x96xi32, #tpu.memory_space<hbm>>
        tpu.wait_dma2 semaphore(%run_scoped3A : memref<!tpu.dma_semaphore, #tpu.memory_space<semaphore_mem>>) src(%dma_wait3A_35 : memref<36x96xi32, #tpu.memory_space<hbm>>) dst(%arg10 : memref<36x96xi32, #tpu.memory_space<vmem>>)
        tpu.yield
      }) : () -> ()
      %mul3A_18 = arith.constant 36 : i32
      %mul3A_19 = arith.muli %scan3A_15, %mul3A_18 : i32
      "tpu.region"() ({
        %run_scoped3A = tpu.sem_alloc : memref<!tpu.dma_semaphore, #tpu.memory_space<semaphore_mem>>
        %dma_start3A = arith.constant 0 : i32
        %dma_start3A_26 = tpu.memref_slice %arg6[%add3A, %mul3A_19, %dma_start3A] : memref<32x108x96xi32, #tpu.memory_space<hbm>> -> memref<1x36x96xi32, #tpu.memory_space<hbm>>
        %dma_start3A_27 = tpu.memref_squeeze %dma_start3A_26 : memref<1x36x96xi32, #tpu.memory_space<hbm>> -> memref<36x96xi32, #tpu.memory_space<hbm>>
        %dma_start3A_28 = arith.constant 0 : i32
        %dma_start3A_29 = tpu.memref_slice %arg6[%add3A, %mul3A_19, %dma_start3A_28] : memref<32x108x96xi32, #tpu.memory_space<hbm>> -> memref<1x36x96xi32, #tpu.memory_space<hbm>>
        %dma_start3A_30 = tpu.memref_squeeze %dma_start3A_29 : memref<1x36x96xi32, #tpu.memory_space<hbm>> -> memref<36x96xi32, #tpu.memory_space<hbm>>
        tpu.enqueue_dma source(%dma_start3A_30 : memref<36x96xi32, #tpu.memory_space<hbm>>) target(%arg11 : memref<36x96xi32, #tpu.memory_space<vmem>>) target_semaphore(%run_scoped3A : memref<!tpu.dma_semaphore, #tpu.memory_space<semaphore_mem>>)
        %dma_wait3A = arith.constant 0 : i32
        %dma_wait3A_31 = tpu.memref_slice %arg6[%add3A, %mul3A_19, %dma_wait3A] : memref<32x108x96xi32, #tpu.memory_space<hbm>> -> memref<1x36x96xi32, #tpu.memory_space<hbm>>
        %dma_wait3A_32 = tpu.memref_squeeze %dma_wait3A_31 : memref<1x36x96xi32, #tpu.memory_space<hbm>> -> memref<36x96xi32, #tpu.memory_space<hbm>>
        %dma_wait3A_33 = arith.constant 0 : i32
        %dma_wait3A_34 = tpu.memref_slice %arg6[%add3A, %mul3A_19, %dma_wait3A_33] : memref<32x108x96xi32, #tpu.memory_space<hbm>> -> memref<1x36x96xi32, #tpu.memory_space<hbm>>
        %dma_wait3A_35 = tpu.memref_squeeze %dma_wait3A_34 : memref<1x36x96xi32, #tpu.memory_space<hbm>> -> memref<36x96xi32, #tpu.memory_space<hbm>>
        tpu.wait_dma2 semaphore(%run_scoped3A : memref<!tpu.dma_semaphore, #tpu.memory_space<semaphore_mem>>) src(%dma_wait3A_35 : memref<36x96xi32, #tpu.memory_space<hbm>>) dst(%arg11 : memref<36x96xi32, #tpu.memory_space<vmem>>)
        tpu.yield
      }) : () -> ()
      %scan3A_20 = arith.constant 0 : i32
      %scan3A_21 = arith.constant 0 : i32
      %scan3A_22 = arith.constant 18 : i32
      %scan3A_23 = arith.addi %scan3A_21, %scan3A_22 : i32
      %scan3A_24 = arith.constant 1 : i32
      scf.for %scan3A_26 = %scan3A_21 to %scan3A_23 step %scan3A_24  : i32 {
        %mul3A_27 = arith.constant 2 : i32
        %mul3A_28 = arith.muli %mul3A_27, %scan3A_26 : i32
        %add3A_29 = arith.constant 1 : i32
        %add3A_30 = arith.addi %mul3A_28, %add3A_29 : i32
        %dma_start3A = arith.constant 0 : i32
        %dma_start3A_31 = tpu.memref_slice %arg10[%mul3A_28, %dma_start3A] : memref<36x96xi32, #tpu.memory_space<vmem>> -> memref<1x96xi32, #tpu.memory_space<vmem>>
        %dma_start3A_32 = tpu.memref_squeeze %dma_start3A_31 : memref<1x96xi32, #tpu.memory_space<vmem>> -> memref<96xi32, #tpu.memory_space<vmem>>
        %dma_start3A_33 = arith.constant 0 : i32
        %dma_start3A_34 = arith.constant 0 : i32
        %dma_start3A_35 = tpu.memref_slice %arg2[%dma_start3A_33, %dma_start3A_34] : memref<10112x144xf32, #tpu.memory_space<hbm>> -> memref<10112x144xf32, #tpu.memory_space<hbm>>
        tpu.enqueue_indirect_dma source(%dma_start3A_35 : memref<10112x144xf32, #tpu.memory_space<hbm>>) target(%arg12 : memref<96x144xf32, #tpu.memory_space<vmem>>) offsets(%dma_start3A_32 : memref<96xi32, #tpu.memory_space<vmem>>) semaphore(%arg17 : memref<!tpu.dma_semaphore, #tpu.memory_space<semaphore_mem>>)
        %dma_start3A_36 = arith.constant 0 : i32
        %dma_start3A_37 = tpu.memref_slice %arg11[%mul3A_28, %dma_start3A_36] : memref<36x96xi32, #tpu.memory_space<vmem>> -> memref<1x96xi32, #tpu.memory_space<vmem>>
        %dma_start3A_38 = tpu.memref_squeeze %dma_start3A_37 : memref<1x96xi32, #tpu.memory_space<vmem>> -> memref<96xi32, #tpu.memory_space<vmem>>
        %dma_start3A_39 = arith.constant 0 : i32
        %dma_start3A_40 = arith.constant 0 : i32
        %dma_start3A_41 = tpu.memref_slice %arg3[%dma_start3A_39, %dma_start3A_40] : memref<10112x16xf32, #tpu.memory_space<hbm>> -> memref<10112x16xf32, #tpu.memory_space<hbm>>
        tpu.enqueue_indirect_dma source(%dma_start3A_41 : memref<10112x16xf32, #tpu.memory_space<hbm>>) target(%arg14 : memref<96x16xf32, #tpu.memory_space<vmem>>) offsets(%dma_start3A_38 : memref<96xi32, #tpu.memory_space<vmem>>) semaphore(%arg19 : memref<!tpu.dma_semaphore, #tpu.memory_space<semaphore_mem>>)
        %dma_start3A_42 = arith.constant 0 : i32
        %dma_start3A_43 = tpu.memref_slice %arg10[%add3A_30, %dma_start3A_42] : memref<36x96xi32, #tpu.memory_space<vmem>> -> memref<1x96xi32, #tpu.memory_space<vmem>>
        %dma_start3A_44 = tpu.memref_squeeze %dma_start3A_43 : memref<1x96xi32, #tpu.memory_space<vmem>> -> memref<96xi32, #tpu.memory_space<vmem>>
        %dma_start3A_45 = arith.constant 0 : i32
        %dma_start3A_46 = arith.constant 0 : i32
        %dma_start3A_47 = tpu.memref_slice %arg2[%dma_start3A_45, %dma_start3A_46] : memref<10112x144xf32, #tpu.memory_space<hbm>> -> memref<10112x144xf32, #tpu.memory_space<hbm>>
        tpu.enqueue_indirect_dma source(%dma_start3A_47 : memref<10112x144xf32, #tpu.memory_space<hbm>>) target(%arg13 : memref<96x144xf32, #tpu.memory_space<vmem>>) offsets(%dma_start3A_44 : memref<96xi32, #tpu.memory_space<vmem>>) semaphore(%arg18 : memref<!tpu.dma_semaphore, #tpu.memory_space<semaphore_mem>>)
        %dma_start3A_48 = arith.constant 0 : i32
        %dma_start3A_49 = tpu.memref_slice %arg11[%add3A_30, %dma_start3A_48] : memref<36x96xi32, #tpu.memory_space<vmem>> -> memref<1x96xi32, #tpu.memory_space<vmem>>
        %dma_start3A_50 = tpu.memref_squeeze %dma_start3A_49 : memref<1x96xi32, #tpu.memory_space<vmem>> -> memref<96xi32, #tpu.memory_space<vmem>>
        %dma_start3A_51 = arith.constant 0 : i32
        %dma_start3A_52 = arith.constant 0 : i32
        %dma_start3A_53 = tpu.memref_slice %arg3[%dma_start3A_51, %dma_start3A_52] : memref<10112x16xf32, #tpu.memory_space<hbm>> -> memref<10112x16xf32, #tpu.memory_space<hbm>>
        tpu.enqueue_indirect_dma source(%dma_start3A_53 : memref<10112x16xf32, #tpu.memory_space<hbm>>) target(%arg15 : memref<96x16xf32, #tpu.memory_space<vmem>>) offsets(%dma_start3A_50 : memref<96xi32, #tpu.memory_space<vmem>>) semaphore(%arg20 : memref<!tpu.dma_semaphore, #tpu.memory_space<semaphore_mem>>)
        %dma_wait3A = arith.constant 0 : i32
        %dma_wait3A_54 = tpu.memref_slice %arg10[%mul3A_28, %dma_wait3A] : memref<36x96xi32, #tpu.memory_space<vmem>> -> memref<1x96xi32, #tpu.memory_space<vmem>>
        %dma_wait3A_55 = tpu.memref_squeeze %dma_wait3A_54 : memref<1x96xi32, #tpu.memory_space<vmem>> -> memref<96xi32, #tpu.memory_space<vmem>>
        %dma_wait3A_56 = arith.constant 0 : i32
        %dma_wait3A_57 = arith.constant 0 : i32
        %dma_wait3A_58 = tpu.memref_slice %arg2[%dma_wait3A_56, %dma_wait3A_57] : memref<10112x144xf32, #tpu.memory_space<hbm>> -> memref<10112x144xf32, #tpu.memory_space<hbm>>
        tpu.wait_indirect_dma semaphore(%arg17 : memref<!tpu.dma_semaphore, #tpu.memory_space<semaphore_mem>>) src(%dma_wait3A_58 : memref<10112x144xf32, #tpu.memory_space<hbm>>) dst(%arg12 : memref<96x144xf32, #tpu.memory_space<vmem>>)
        %dma_wait3A_59 = arith.constant 0 : i32
        %dma_wait3A_60 = tpu.memref_slice %arg11[%mul3A_28, %dma_wait3A_59] : memref<36x96xi32, #tpu.memory_space<vmem>> -> memref<1x96xi32, #tpu.memory_space<vmem>>
        %dma_wait3A_61 = tpu.memref_squeeze %dma_wait3A_60 : memref<1x96xi32, #tpu.memory_space<vmem>> -> memref<96xi32, #tpu.memory_space<vmem>>
        %dma_wait3A_62 = arith.constant 0 : i32
        %dma_wait3A_63 = arith.constant 0 : i32
        %dma_wait3A_64 = tpu.memref_slice %arg3[%dma_wait3A_62, %dma_wait3A_63] : memref<10112x16xf32, #tpu.memory_space<hbm>> -> memref<10112x16xf32, #tpu.memory_space<hbm>>
        tpu.wait_indirect_dma semaphore(%arg19 : memref<!tpu.dma_semaphore, #tpu.memory_space<semaphore_mem>>) src(%dma_wait3A_64 : memref<10112x16xf32, #tpu.memory_space<hbm>>) dst(%arg14 : memref<96x16xf32, #tpu.memory_space<vmem>>)
        %parallel_loop3A = arith.constant 0 : i32
        %parallel_loop3A_65 = arith.constant 96 : i32
        %parallel_loop3A_66 = arith.constant 1 : i32
        scf.for %parallel_loop3A_106 = %parallel_loop3A to %parallel_loop3A_65 step %parallel_loop3A_66  : i32 {
          %parallel_loop3A_107 = arith.index_cast %parallel_loop3A_106 : i32 to index
          %parallel_loop3A_108 = arith.constant 128 : index
          %parallel_loop3A_109 = tpu.vector_load %arg12[%parallel_loop3A_107, %parallel_loop3A_108] {strides = array<i32>} : memref<96x144xf32, #tpu.memory_space<vmem>>, vector<1x16xf32>,
          %parallel_loop3A_110 = vector.shape_cast %parallel_loop3A_109 : vector<1x16xf32> to vector<16xf32>
          %parallel_loop3A_111 = arith.index_cast %parallel_loop3A_106 : i32 to index
          %parallel_loop3A_112 = arith.constant 0 : index
          %parallel_loop3A_113 = tpu.vector_load %arg14[%parallel_loop3A_111, %parallel_loop3A_112] {strides = array<i32>} : memref<96x16xf32, #tpu.memory_space<vmem>>, vector<1x16xf32>,
          %parallel_loop3A_114 = vector.shape_cast %parallel_loop3A_113 : vector<1x16xf32> to vector<16xf32>
          %parallel_loop3A_115 = arith.addf %parallel_loop3A_110, %parallel_loop3A_114 : vector<16xf32>
          %parallel_loop3A_116 = arith.constant 0.000000e+00 : f32
          %parallel_loop3A_117 = vector.broadcast %parallel_loop3A_116 : f32 to vector<16xf32>
          %parallel_loop3A_118 = arith.cmpf ogt, %parallel_loop3A_115, %parallel_loop3A_117 : vector<16xf32>
          %parallel_loop3A_119 = arith.constant 2.000000e-01 : f32
          %parallel_loop3A_120 = vector.broadcast %parallel_loop3A_119 : f32 to vector<16xf32>
          %parallel_loop3A_121 = arith.mulf %parallel_loop3A_115, %parallel_loop3A_120 : vector<16xf32>
          %parallel_loop3A_122 = arith.select %parallel_loop3A_118, %parallel_loop3A_115, %parallel_loop3A_121 : vector<16xi1>, vector<16xf32>
          %parallel_loop3A_123 = arith.subf %parallel_loop3A_122, %get3A_4 : vector<16xf32>
          %parallel_loop3A_124 = math.exp %parallel_loop3A_123 : vector<16xf32>
          %parallel_loop3A_125 = arith.index_cast %parallel_loop3A_106 : i32 to index
          %parallel_loop3A_126 = arith.constant 128 : index
          %parallel_loop3A_127 = tpu.vector_load %arg12[%parallel_loop3A_125, %parallel_loop3A_126] {strides = array<i32>} : memref<96x144xf32, #tpu.memory_space<vmem>>, vector<1x16xf32>,
          %parallel_loop3A_128 = vector.shape_cast %parallel_loop3A_127 : vector<1x16xf32> to vector<16xf32>
          %parallel_loop3A_129 = vector.shape_cast %parallel_loop3A_124 : vector<16xf32> to vector<1x16xf32>
          tpu.vector_store %arg12[%parallel_loop3A_125, %parallel_loop3A_126], %parallel_loop3A_129 {strides = array<i32>} : memref<96x144xf32, #tpu.memory_space<vmem>>, vector<1x16xf32>,
          %parallel_loop3A_130 = arith.index_cast %parallel_loop3A_106 : i32 to index
          %parallel_loop3A_131 = arith.constant 0 : index
          %parallel_loop3A_132 = tpu.vector_load %arg12[%parallel_loop3A_130, %parallel_loop3A_131] {strides = array<i32>} : memref<96x144xf32, #tpu.memory_space<vmem>>, vector<1x16xf32>,
          %parallel_loop3A_133 = vector.shape_cast %parallel_loop3A_132 : vector<1x16xf32> to vector<16xf32>
          %parallel_loop3A_134 = arith.mulf %parallel_loop3A_133, %parallel_loop3A_124 : vector<16xf32>
          %parallel_loop3A_135 = arith.index_cast %parallel_loop3A_106 : i32 to index
          %parallel_loop3A_136 = arith.constant 0 : index
          %parallel_loop3A_137 = tpu.vector_load %arg12[%parallel_loop3A_135, %parallel_loop3A_136] {strides = array<i32>} : memref<96x144xf32, #tpu.memory_space<vmem>>, vector<1x16xf32>,
          %parallel_loop3A_138 = vector.shape_cast %parallel_loop3A_137 : vector<1x16xf32> to vector<16xf32>
          %parallel_loop3A_139 = vector.shape_cast %parallel_loop3A_134 : vector<16xf32> to vector<1x16xf32>
          tpu.vector_store %arg12[%parallel_loop3A_135, %parallel_loop3A_136], %parallel_loop3A_139 {strides = array<i32>} : memref<96x144xf32, #tpu.memory_space<vmem>>, vector<1x16xf32>,
          %parallel_loop3A_140 = arith.index_cast %parallel_loop3A_106 : i32 to index
          %parallel_loop3A_141 = arith.constant 16 : index
          %parallel_loop3A_142 = tpu.vector_load %arg12[%parallel_loop3A_140, %parallel_loop3A_141] {strides = array<i32>} : memref<96x144xf32, #tpu.memory_space<vmem>>, vector<1x16xf32>,
          %parallel_loop3A_143 = vector.shape_cast %parallel_loop3A_142 : vector<1x16xf32> to vector<16xf32>
          %parallel_loop3A_144 = arith.mulf %parallel_loop3A_143, %parallel_loop3A_124 : vector<16xf32>
          %parallel_loop3A_145 = arith.index_cast %parallel_loop3A_106 : i32 to index
          %parallel_loop3A_146 = arith.constant 16 : index
          %parallel_loop3A_147 = tpu.vector_load %arg12[%parallel_loop3A_145, %parallel_loop3A_146] {strides = array<i32>} : memref<96x144xf32, #tpu.memory_space<vmem>>, vector<1x16xf32>,
          %parallel_loop3A_148 = vector.shape_cast %parallel_loop3A_147 : vector<1x16xf32> to vector<16xf32>
          %parallel_loop3A_149 = vector.shape_cast %parallel_loop3A_144 : vector<16xf32> to vector<1x16xf32>
          tpu.vector_store %arg12[%parallel_loop3A_145, %parallel_loop3A_146], %parallel_loop3A_149 {strides = array<i32>} : memref<96x144xf32, #tpu.memory_space<vmem>>, vector<1x16xf32>,
          %parallel_loop3A_150 = arith.index_cast %parallel_loop3A_106 : i32 to index
          %parallel_loop3A_151 = arith.constant 32 : index
          %parallel_loop3A_152 = tpu.vector_load %arg12[%parallel_loop3A_150, %parallel_loop3A_151] {strides = array<i32>} : memref<96x144xf32, #tpu.memory_space<vmem>>, vector<1x16xf32>,
          %parallel_loop3A_153 = vector.shape_cast %parallel_loop3A_152 : vector<1x16xf32> to vector<16xf32>
          %parallel_loop3A_154 = arith.mulf %parallel_loop3A_153, %parallel_loop3A_124 : vector<16xf32>
          %parallel_loop3A_155 = arith.index_cast %parallel_loop3A_106 : i32 to index
          %parallel_loop3A_156 = arith.constant 32 : index
          %parallel_loop3A_157 = tpu.vector_load %arg12[%parallel_loop3A_155, %parallel_loop3A_156] {strides = array<i32>} : memref<96x144xf32, #tpu.memory_space<vmem>>, vector<1x16xf32>,
          %parallel_loop3A_158 = vector.shape_cast %parallel_loop3A_157 : vector<1x16xf32> to vector<16xf32>
          %parallel_loop3A_159 = vector.shape_cast %parallel_loop3A_154 : vector<16xf32> to vector<1x16xf32>
          tpu.vector_store %arg12[%parallel_loop3A_155, %parallel_loop3A_156], %parallel_loop3A_159 {strides = array<i32>} : memref<96x144xf32, #tpu.memory_space<vmem>>, vector<1x16xf32>,
          %parallel_loop3A_160 = arith.index_cast %parallel_loop3A_106 : i32 to index
          %parallel_loop3A_161 = arith.constant 48 : index
          %parallel_loop3A_162 = tpu.vector_load %arg12[%parallel_loop3A_160, %parallel_loop3A_161] {strides = array<i32>} : memref<96x144xf32, #tpu.memory_space<vmem>>, vector<1x16xf32>,
          %parallel_loop3A_163 = vector.shape_cast %parallel_loop3A_162 : vector<1x16xf32> to vector<16xf32>
          %parallel_loop3A_164 = arith.mulf %parallel_loop3A_163, %parallel_loop3A_124 : vector<16xf32>
          %parallel_loop3A_165 = arith.index_cast %parallel_loop3A_106 : i32 to index
          %parallel_loop3A_166 = arith.constant 48 : index
          %parallel_loop3A_167 = tpu.vector_load %arg12[%parallel_loop3A_165, %parallel_loop3A_166] {strides = array<i32>} : memref<96x144xf32, #tpu.memory_space<vmem>>, vector<1x16xf32>,
          %parallel_loop3A_168 = vector.shape_cast %parallel_loop3A_167 : vector<1x16xf32> to vector<16xf32>
          %parallel_loop3A_169 = vector.shape_cast %parallel_loop3A_164 : vector<16xf32> to vector<1x16xf32>
          tpu.vector_store %arg12[%parallel_loop3A_165, %parallel_loop3A_166], %parallel_loop3A_169 {strides = array<i32>} : memref<96x144xf32, #tpu.memory_space<vmem>>, vector<1x16xf32>,
          %parallel_loop3A_170 = arith.index_cast %parallel_loop3A_106 : i32 to index
          %parallel_loop3A_171 = arith.constant 64 : index
          %parallel_loop3A_172 = tpu.vector_load %arg12[%parallel_loop3A_170, %parallel_loop3A_171] {strides = array<i32>} : memref<96x144xf32, #tpu.memory_space<vmem>>, vector<1x16xf32>,
          %parallel_loop3A_173 = vector.shape_cast %parallel_loop3A_172 : vector<1x16xf32> to vector<16xf32>
          %parallel_loop3A_174 = arith.mulf %parallel_loop3A_173, %parallel_loop3A_124 : vector<16xf32>
          %parallel_loop3A_175 = arith.index_cast %parallel_loop3A_106 : i32 to index
          %parallel_loop3A_176 = arith.constant 64 : index
          %parallel_loop3A_177 = tpu.vector_load %arg12[%parallel_loop3A_175, %parallel_loop3A_176] {strides = array<i32>} : memref<96x144xf32, #tpu.memory_space<vmem>>, vector<1x16xf32>,
          %parallel_loop3A_178 = vector.shape_cast %parallel_loop3A_177 : vector<1x16xf32> to vector<16xf32>
          %parallel_loop3A_179 = vector.shape_cast %parallel_loop3A_174 : vector<16xf32> to vector<1x16xf32>
          tpu.vector_store %arg12[%parallel_loop3A_175, %parallel_loop3A_176], %parallel_loop3A_179 {strides = array<i32>} : memref<96x144xf32, #tpu.memory_space<vmem>>, vector<1x16xf32>,
          %parallel_loop3A_180 = arith.index_cast %parallel_loop3A_106 : i32 to index
          %parallel_loop3A_181 = arith.constant 80 : index
          %parallel_loop3A_182 = tpu.vector_load %arg12[%parallel_loop3A_180, %parallel_loop3A_181] {strides = array<i32>} : memref<96x144xf32, #tpu.memory_space<vmem>>, vector<1x16xf32>,
          %parallel_loop3A_183 = vector.shape_cast %parallel_loop3A_182 : vector<1x16xf32> to vector<16xf32>
          %parallel_loop3A_184 = arith.mulf %parallel_loop3A_183, %parallel_loop3A_124 : vector<16xf32>
          %parallel_loop3A_185 = arith.index_cast %parallel_loop3A_106 : i32 to index
          %parallel_loop3A_186 = arith.constant 80 : index
          %parallel_loop3A_187 = tpu.vector_load %arg12[%parallel_loop3A_185, %parallel_loop3A_186] {strides = array<i32>} : memref<96x144xf32, #tpu.memory_space<vmem>>, vector<1x16xf32>,
          %parallel_loop3A_188 = vector.shape_cast %parallel_loop3A_187 : vector<1x16xf32> to vector<16xf32>
          %parallel_loop3A_189 = vector.shape_cast %parallel_loop3A_184 : vector<16xf32> to vector<1x16xf32>
          tpu.vector_store %arg12[%parallel_loop3A_185, %parallel_loop3A_186], %parallel_loop3A_189 {strides = array<i32>} : memref<96x144xf32, #tpu.memory_space<vmem>>, vector<1x16xf32>,
          %parallel_loop3A_190 = arith.index_cast %parallel_loop3A_106 : i32 to index
          %parallel_loop3A_191 = arith.constant 96 : index
          %parallel_loop3A_192 = tpu.vector_load %arg12[%parallel_loop3A_190, %parallel_loop3A_191] {strides = array<i32>} : memref<96x144xf32, #tpu.memory_space<vmem>>, vector<1x16xf32>,
          %parallel_loop3A_193 = vector.shape_cast %parallel_loop3A_192 : vector<1x16xf32> to vector<16xf32>
          %parallel_loop3A_194 = arith.mulf %parallel_loop3A_193, %parallel_loop3A_124 : vector<16xf32>
          %parallel_loop3A_195 = arith.index_cast %parallel_loop3A_106 : i32 to index
          %parallel_loop3A_196 = arith.constant 96 : index
          %parallel_loop3A_197 = tpu.vector_load %arg12[%parallel_loop3A_195, %parallel_loop3A_196] {strides = array<i32>} : memref<96x144xf32, #tpu.memory_space<vmem>>, vector<1x16xf32>,
          %parallel_loop3A_198 = vector.shape_cast %parallel_loop3A_197 : vector<1x16xf32> to vector<16xf32>
          %parallel_loop3A_199 = vector.shape_cast %parallel_loop3A_194 : vector<16xf32> to vector<1x16xf32>
          tpu.vector_store %arg12[%parallel_loop3A_195, %parallel_loop3A_196], %parallel_loop3A_199 {strides = array<i32>} : memref<96x144xf32, #tpu.memory_space<vmem>>, vector<1x16xf32>,
          %parallel_loop3A_200 = arith.index_cast %parallel_loop3A_106 : i32 to index
          %parallel_loop3A_201 = arith.constant 112 : index
          %parallel_loop3A_202 = tpu.vector_load %arg12[%parallel_loop3A_200, %parallel_loop3A_201] {strides = array<i32>} : memref<96x144xf32, #tpu.memory_space<vmem>>, vector<1x16xf32>,
          %parallel_loop3A_203 = vector.shape_cast %parallel_loop3A_202 : vector<1x16xf32> to vector<16xf32>
          %parallel_loop3A_204 = arith.mulf %parallel_loop3A_203, %parallel_loop3A_124 : vector<16xf32>
          %parallel_loop3A_205 = arith.index_cast %parallel_loop3A_106 : i32 to index
          %parallel_loop3A_206 = arith.constant 112 : index
          %parallel_loop3A_207 = tpu.vector_load %arg12[%parallel_loop3A_205, %parallel_loop3A_206] {strides = array<i32>} : memref<96x144xf32, #tpu.memory_space<vmem>>, vector<1x16xf32>,
          %parallel_loop3A_208 = vector.shape_cast %parallel_loop3A_207 : vector<1x16xf32> to vector<16xf32>
          %parallel_loop3A_209 = vector.shape_cast %parallel_loop3A_204 : vector<16xf32> to vector<1x16xf32>
          tpu.vector_store %arg12[%parallel_loop3A_205, %parallel_loop3A_206], %parallel_loop3A_209 {strides = array<i32>} : memref<96x144xf32, #tpu.memory_space<vmem>>, vector<1x16xf32>,
        } {sc.loop_unroll_factor = 8 : i64, sc.parallel_access}
        %dma_start3A_67 = arith.constant 0 : i32
        %dma_start3A_68 = tpu.memref_slice %arg11[%mul3A_28, %dma_start3A_67] : memref<36x96xi32, #tpu.memory_space<vmem>> -> memref<1x96xi32, #tpu.memory_space<vmem>>
        %dma_start3A_69 = tpu.memref_squeeze %dma_start3A_68 : memref<1x96xi32, #tpu.memory_space<vmem>> -> memref<96xi32, #tpu.memory_space<vmem>>
        %dma_start3A_70 = arith.constant 0 : i32
        %dma_start3A_71 = arith.constant 0 : i32
        %dma_start3A_72 = tpu.memref_slice %arg9[%dma_start3A_70, %dma_start3A_71] : memref<10112x144xf32, #tpu.memory_space<vmem_shared>> -> memref<10112x144xf32, #tpu.memory_space<vmem_shared>>
        tpu.enqueue_indirect_dma source(%arg12 : memref<96x144xf32, #tpu.memory_space<vmem>>) target(%dma_start3A_72 : memref<10112x144xf32, #tpu.memory_space<vmem_shared>>) offsets(%dma_start3A_69 : memref<96xi32, #tpu.memory_space<vmem>>) semaphore(%arg17 : memref<!tpu.dma_semaphore, #tpu.memory_space<semaphore_mem>>) {add = true}
        %dma_wait3A_73 = arith.constant 0 : i32
        %dma_wait3A_74 = tpu.memref_slice %arg10[%add3A_30, %dma_wait3A_73] : memref<36x96xi32, #tpu.memory_space<vmem>> -> memref<1x96xi32, #tpu.memory_space<vmem>>
        %dma_wait3A_75 = tpu.memref_squeeze %dma_wait3A_74 : memref<1x96xi32, #tpu.memory_space<vmem>> -> memref<96xi32, #tpu.memory_space<vmem>>
        %dma_wait3A_76 = arith.constant 0 : i32
        %dma_wait3A_77 = arith.constant 0 : i32
        %dma_wait3A_78 = tpu.memref_slice %arg2[%dma_wait3A_76, %dma_wait3A_77] : memref<10112x144xf32, #tpu.memory_space<hbm>> -> memref<10112x144xf32, #tpu.memory_space<hbm>>
        tpu.wait_indirect_dma semaphore(%arg18 : memref<!tpu.dma_semaphore, #tpu.memory_space<semaphore_mem>>) src(%dma_wait3A_78 : memref<10112x144xf32, #tpu.memory_space<hbm>>) dst(%arg13 : memref<96x144xf32, #tpu.memory_space<vmem>>)
        %dma_wait3A_79 = arith.constant 0 : i32
        %dma_wait3A_80 = tpu.memref_slice %arg11[%add3A_30, %dma_wait3A_79] : memref<36x96xi32, #tpu.memory_space<vmem>> -> memref<1x96xi32, #tpu.memory_space<vmem>>
        %dma_wait3A_81 = tpu.memref_squeeze %dma_wait3A_80 : memref<1x96xi32, #tpu.memory_space<vmem>> -> memref<96xi32, #tpu.memory_space<vmem>>
        %dma_wait3A_82 = arith.constant 0 : i32
        %dma_wait3A_83 = arith.constant 0 : i32
        %dma_wait3A_84 = tpu.memref_slice %arg3[%dma_wait3A_82, %dma_wait3A_83] : memref<10112x16xf32, #tpu.memory_space<hbm>> -> memref<10112x16xf32, #tpu.memory_space<hbm>>
        tpu.wait_indirect_dma semaphore(%arg20 : memref<!tpu.dma_semaphore, #tpu.memory_space<semaphore_mem>>) src(%dma_wait3A_84 : memref<10112x16xf32, #tpu.memory_space<hbm>>) dst(%arg15 : memref<96x16xf32, #tpu.memory_space<vmem>>)
        %parallel_loop3A_85 = arith.constant 0 : i32
        %parallel_loop3A_86 = arith.constant 96 : i32
        %parallel_loop3A_87 = arith.constant 1 : i32
        scf.for %parallel_loop3A_106 = %parallel_loop3A_85 to %parallel_loop3A_86 step %parallel_loop3A_87  : i32 {
          %parallel_loop3A_107 = arith.index_cast %parallel_loop3A_106 : i32 to index
          %parallel_loop3A_108 = arith.constant 128 : index
          %parallel_loop3A_109 = tpu.vector_load %arg13[%parallel_loop3A_107, %parallel_loop3A_108] {strides = array<i32>} : memref<96x144xf32, #tpu.memory_space<vmem>>, vector<1x16xf32>,
          %parallel_loop3A_110 = vector.shape_cast %parallel_loop3A_109 : vector<1x16xf32> to vector<16xf32>
          %parallel_loop3A_111 = arith.index_cast %parallel_loop3A_106 : i32 to index
          %parallel_loop3A_112 = arith.constant 0 : index
          %parallel_loop3A_113 = tpu.vector_load %arg15[%parallel_loop3A_111, %parallel_loop3A_112] {strides = array<i32>} : memref<96x16xf32, #tpu.memory_space<vmem>>, vector<1x16xf32>,
          %parallel_loop3A_114 = vector.shape_cast %parallel_loop3A_113 : vector<1x16xf32> to vector<16xf32>
          %parallel_loop3A_115 = arith.addf %parallel_loop3A_110, %parallel_loop3A_114 : vector<16xf32>
          %parallel_loop3A_116 = arith.constant 0.000000e+00 : f32
          %parallel_loop3A_117 = vector.broadcast %parallel_loop3A_116 : f32 to vector<16xf32>
          %parallel_loop3A_118 = arith.cmpf ogt, %parallel_loop3A_115, %parallel_loop3A_117 : vector<16xf32>
          %parallel_loop3A_119 = arith.constant 2.000000e-01 : f32
          %parallel_loop3A_120 = vector.broadcast %parallel_loop3A_119 : f32 to vector<16xf32>
          %parallel_loop3A_121 = arith.mulf %parallel_loop3A_115, %parallel_loop3A_120 : vector<16xf32>
          %parallel_loop3A_122 = arith.select %parallel_loop3A_118, %parallel_loop3A_115, %parallel_loop3A_121 : vector<16xi1>, vector<16xf32>
          %parallel_loop3A_123 = arith.subf %parallel_loop3A_122, %get3A_4 : vector<16xf32>
          %parallel_loop3A_124 = math.exp %parallel_loop3A_123 : vector<16xf32>
          %parallel_loop3A_125 = arith.index_cast %parallel_loop3A_106 : i32 to index
          %parallel_loop3A_126 = arith.constant 128 : index
          %parallel_loop3A_127 = tpu.vector_load %arg13[%parallel_loop3A_125, %parallel_loop3A_126] {strides = array<i32>} : memref<96x144xf32, #tpu.memory_space<vmem>>, vector<1x16xf32>,
          %parallel_loop3A_128 = vector.shape_cast %parallel_loop3A_127 : vector<1x16xf32> to vector<16xf32>
          %parallel_loop3A_129 = vector.shape_cast %parallel_loop3A_124 : vector<16xf32> to vector<1x16xf32>
          tpu.vector_store %arg13[%parallel_loop3A_125, %parallel_loop3A_126], %parallel_loop3A_129 {strides = array<i32>} : memref<96x144xf32, #tpu.memory_space<vmem>>, vector<1x16xf32>,
          %parallel_loop3A_130 = arith.index_cast %parallel_loop3A_106 : i32 to index
          %parallel_loop3A_131 = arith.constant 0 : index
          %parallel_loop3A_132 = tpu.vector_load %arg13[%parallel_loop3A_130, %parallel_loop3A_131] {strides = array<i32>} : memref<96x144xf32, #tpu.memory_space<vmem>>, vector<1x16xf32>,
          %parallel_loop3A_133 = vector.shape_cast %parallel_loop3A_132 : vector<1x16xf32> to vector<16xf32>
          %parallel_loop3A_134 = arith.mulf %parallel_loop3A_133, %parallel_loop3A_124 : vector<16xf32>
          %parallel_loop3A_135 = arith.index_cast %parallel_loop3A_106 : i32 to index
          %parallel_loop3A_136 = arith.constant 0 : index
          %parallel_loop3A_137 = tpu.vector_load %arg13[%parallel_loop3A_135, %parallel_loop3A_136] {strides = array<i32>} : memref<96x144xf32, #tpu.memory_space<vmem>>, vector<1x16xf32>,
          %parallel_loop3A_138 = vector.shape_cast %parallel_loop3A_137 : vector<1x16xf32> to vector<16xf32>
          %parallel_loop3A_139 = vector.shape_cast %parallel_loop3A_134 : vector<16xf32> to vector<1x16xf32>
          tpu.vector_store %arg13[%parallel_loop3A_135, %parallel_loop3A_136], %parallel_loop3A_139 {strides = array<i32>} : memref<96x144xf32, #tpu.memory_space<vmem>>, vector<1x16xf32>,
          %parallel_loop3A_140 = arith.index_cast %parallel_loop3A_106 : i32 to index
          %parallel_loop3A_141 = arith.constant 16 : index
          %parallel_loop3A_142 = tpu.vector_load %arg13[%parallel_loop3A_140, %parallel_loop3A_141] {strides = array<i32>} : memref<96x144xf32, #tpu.memory_space<vmem>>, vector<1x16xf32>,
          %parallel_loop3A_143 = vector.shape_cast %parallel_loop3A_142 : vector<1x16xf32> to vector<16xf32>
          %parallel_loop3A_144 = arith.mulf %parallel_loop3A_143, %parallel_loop3A_124 : vector<16xf32>
          %parallel_loop3A_145 = arith.index_cast %parallel_loop3A_106 : i32 to index
          %parallel_loop3A_146 = arith.constant 16 : index
          %parallel_loop3A_147 = tpu.vector_load %arg13[%parallel_loop3A_145, %parallel_loop3A_146] {strides = array<i32>} : memref<96x144xf32, #tpu.memory_space<vmem>>, vector<1x16xf32>,
          %parallel_loop3A_148 = vector.shape_cast %parallel_loop3A_147 : vector<1x16xf32> to vector<16xf32>
          %parallel_loop3A_149 = vector.shape_cast %parallel_loop3A_144 : vector<16xf32> to vector<1x16xf32>
          tpu.vector_store %arg13[%parallel_loop3A_145, %parallel_loop3A_146], %parallel_loop3A_149 {strides = array<i32>} : memref<96x144xf32, #tpu.memory_space<vmem>>, vector<1x16xf32>,
          %parallel_loop3A_150 = arith.index_cast %parallel_loop3A_106 : i32 to index
          %parallel_loop3A_151 = arith.constant 32 : index
          %parallel_loop3A_152 = tpu.vector_load %arg13[%parallel_loop3A_150, %parallel_loop3A_151] {strides = array<i32>} : memref<96x144xf32, #tpu.memory_space<vmem>>, vector<1x16xf32>,
          %parallel_loop3A_153 = vector.shape_cast %parallel_loop3A_152 : vector<1x16xf32> to vector<16xf32>
          %parallel_loop3A_154 = arith.mulf %parallel_loop3A_153, %parallel_loop3A_124 : vector<16xf32>
          %parallel_loop3A_155 = arith.index_cast %parallel_loop3A_106 : i32 to index
          %parallel_loop3A_156 = arith.constant 32 : index
          %parallel_loop3A_157 = tpu.vector_load %arg13[%parallel_loop3A_155, %parallel_loop3A_156] {strides = array<i32>} : memref<96x144xf32, #tpu.memory_space<vmem>>, vector<1x16xf32>,
          %parallel_loop3A_158 = vector.shape_cast %parallel_loop3A_157 : vector<1x16xf32> to vector<16xf32>
          %parallel_loop3A_159 = vector.shape_cast %parallel_loop3A_154 : vector<16xf32> to vector<1x16xf32>
          tpu.vector_store %arg13[%parallel_loop3A_155, %parallel_loop3A_156], %parallel_loop3A_159 {strides = array<i32>} : memref<96x144xf32, #tpu.memory_space<vmem>>, vector<1x16xf32>,
          %parallel_loop3A_160 = arith.index_cast %parallel_loop3A_106 : i32 to index
          %parallel_loop3A_161 = arith.constant 48 : index
          %parallel_loop3A_162 = tpu.vector_load %arg13[%parallel_loop3A_160, %parallel_loop3A_161] {strides = array<i32>} : memref<96x144xf32, #tpu.memory_space<vmem>>, vector<1x16xf32>,
          %parallel_loop3A_163 = vector.shape_cast %parallel_loop3A_162 : vector<1x16xf32> to vector<16xf32>
          %parallel_loop3A_164 = arith.mulf %parallel_loop3A_163, %parallel_loop3A_124 : vector<16xf32>
          %parallel_loop3A_165 = arith.index_cast %parallel_loop3A_106 : i32 to index
          %parallel_loop3A_166 = arith.constant 48 : index
          %parallel_loop3A_167 = tpu.vector_load %arg13[%parallel_loop3A_165, %parallel_loop3A_166] {strides = array<i32>} : memref<96x144xf32, #tpu.memory_space<vmem>>, vector<1x16xf32>,
          %parallel_loop3A_168 = vector.shape_cast %parallel_loop3A_167 : vector<1x16xf32> to vector<16xf32>
          %parallel_loop3A_169 = vector.shape_cast %parallel_loop3A_164 : vector<16xf32> to vector<1x16xf32>
          tpu.vector_store %arg13[%parallel_loop3A_165, %parallel_loop3A_166], %parallel_loop3A_169 {strides = array<i32>} : memref<96x144xf32, #tpu.memory_space<vmem>>, vector<1x16xf32>,
          %parallel_loop3A_170 = arith.index_cast %parallel_loop3A_106 : i32 to index
          %parallel_loop3A_171 = arith.constant 64 : index
          %parallel_loop3A_172 = tpu.vector_load %arg13[%parallel_loop3A_170, %parallel_loop3A_171] {strides = array<i32>} : memref<96x144xf32, #tpu.memory_space<vmem>>, vector<1x16xf32>,
          %parallel_loop3A_173 = vector.shape_cast %parallel_loop3A_172 : vector<1x16xf32> to vector<16xf32>
          %parallel_loop3A_174 = arith.mulf %parallel_loop3A_173, %parallel_loop3A_124 : vector<16xf32>
          %parallel_loop3A_175 = arith.index_cast %parallel_loop3A_106 : i32 to index
          %parallel_loop3A_176 = arith.constant 64 : index
          %parallel_loop3A_177 = tpu.vector_load %arg13[%parallel_loop3A_175, %parallel_loop3A_176] {strides = array<i32>} : memref<96x144xf32, #tpu.memory_space<vmem>>, vector<1x16xf32>,
          %parallel_loop3A_178 = vector.shape_cast %parallel_loop3A_177 : vector<1x16xf32> to vector<16xf32>
          %parallel_loop3A_179 = vector.shape_cast %parallel_loop3A_174 : vector<16xf32> to vector<1x16xf32>
          tpu.vector_store %arg13[%parallel_loop3A_175, %parallel_loop3A_176], %parallel_loop3A_179 {strides = array<i32>} : memref<96x144xf32, #tpu.memory_space<vmem>>, vector<1x16xf32>,
          %parallel_loop3A_180 = arith.index_cast %parallel_loop3A_106 : i32 to index
          %parallel_loop3A_181 = arith.constant 80 : index
          %parallel_loop3A_182 = tpu.vector_load %arg13[%parallel_loop3A_180, %parallel_loop3A_181] {strides = array<i32>} : memref<96x144xf32, #tpu.memory_space<vmem>>, vector<1x16xf32>,
          %parallel_loop3A_183 = vector.shape_cast %parallel_loop3A_182 : vector<1x16xf32> to vector<16xf32>
          %parallel_loop3A_184 = arith.mulf %parallel_loop3A_183, %parallel_loop3A_124 : vector<16xf32>
          %parallel_loop3A_185 = arith.index_cast %parallel_loop3A_106 : i32 to index
          %parallel_loop3A_186 = arith.constant 80 : index
          %parallel_loop3A_187 = tpu.vector_load %arg13[%parallel_loop3A_185, %parallel_loop3A_186] {strides = array<i32>} : memref<96x144xf32, #tpu.memory_space<vmem>>, vector<1x16xf32>,
          %parallel_loop3A_188 = vector.shape_cast %parallel_loop3A_187 : vector<1x16xf32> to vector<16xf32>
          %parallel_loop3A_189 = vector.shape_cast %parallel_loop3A_184 : vector<16xf32> to vector<1x16xf32>
          tpu.vector_store %arg13[%parallel_loop3A_185, %parallel_loop3A_186], %parallel_loop3A_189 {strides = array<i32>} : memref<96x144xf32, #tpu.memory_space<vmem>>, vector<1x16xf32>,
          %parallel_loop3A_190 = arith.index_cast %parallel_loop3A_106 : i32 to index
          %parallel_loop3A_191 = arith.constant 96 : index
          %parallel_loop3A_192 = tpu.vector_load %arg13[%parallel_loop3A_190, %parallel_loop3A_191] {strides = array<i32>} : memref<96x144xf32, #tpu.memory_space<vmem>>, vector<1x16xf32>,
          %parallel_loop3A_193 = vector.shape_cast %parallel_loop3A_192 : vector<1x16xf32> to vector<16xf32>
          %parallel_loop3A_194 = arith.mulf %parallel_loop3A_193, %parallel_loop3A_124 : vector<16xf32>
          %parallel_loop3A_195 = arith.index_cast %parallel_loop3A_106 : i32 to index
          %parallel_loop3A_196 = arith.constant 96 : index
          %parallel_loop3A_197 = tpu.vector_load %arg13[%parallel_loop3A_195, %parallel_loop3A_196] {strides = array<i32>} : memref<96x144xf32, #tpu.memory_space<vmem>>, vector<1x16xf32>,
          %parallel_loop3A_198 = vector.shape_cast %parallel_loop3A_197 : vector<1x16xf32> to vector<16xf32>
          %parallel_loop3A_199 = vector.shape_cast %parallel_loop3A_194 : vector<16xf32> to vector<1x16xf32>
          tpu.vector_store %arg13[%parallel_loop3A_195, %parallel_loop3A_196], %parallel_loop3A_199 {strides = array<i32>} : memref<96x144xf32, #tpu.memory_space<vmem>>, vector<1x16xf32>,
          %parallel_loop3A_200 = arith.index_cast %parallel_loop3A_106 : i32 to index
          %parallel_loop3A_201 = arith.constant 112 : index
          %parallel_loop3A_202 = tpu.vector_load %arg13[%parallel_loop3A_200, %parallel_loop3A_201] {strides = array<i32>} : memref<96x144xf32, #tpu.memory_space<vmem>>, vector<1x16xf32>,
          %parallel_loop3A_203 = vector.shape_cast %parallel_loop3A_202 : vector<1x16xf32> to vector<16xf32>
          %parallel_loop3A_204 = arith.mulf %parallel_loop3A_203, %parallel_loop3A_124 : vector<16xf32>
          %parallel_loop3A_205 = arith.index_cast %parallel_loop3A_106 : i32 to index
          %parallel_loop3A_206 = arith.constant 112 : index
          %parallel_loop3A_207 = tpu.vector_load %arg13[%parallel_loop3A_205, %parallel_loop3A_206] {strides = array<i32>} : memref<96x144xf32, #tpu.memory_space<vmem>>, vector<1x16xf32>,
          %parallel_loop3A_208 = vector.shape_cast %parallel_loop3A_207 : vector<1x16xf32> to vector<16xf32>
          %parallel_loop3A_209 = vector.shape_cast %parallel_loop3A_204 : vector<16xf32> to vector<1x16xf32>
          tpu.vector_store %arg13[%parallel_loop3A_205, %parallel_loop3A_206], %parallel_loop3A_209 {strides = array<i32>} : memref<96x144xf32, #tpu.memory_space<vmem>>, vector<1x16xf32>,
        } {sc.loop_unroll_factor = 8 : i64, sc.parallel_access}
        %dma_start3A_88 = arith.constant 0 : i32
        %dma_start3A_89 = tpu.memref_slice %arg11[%add3A_30, %dma_start3A_88] : memref<36x96xi32, #tpu.memory_space<vmem>> -> memref<1x96xi32, #tpu.memory_space<vmem>>
        %dma_start3A_90 = tpu.memref_squeeze %dma_start3A_89 : memref<1x96xi32, #tpu.memory_space<vmem>> -> memref<96xi32, #tpu.memory_space<vmem>>
        %dma_start3A_91 = arith.constant 0 : i32
        %dma_start3A_92 = arith.constant 0 : i32
        %dma_start3A_93 = tpu.memref_slice %arg9[%dma_start3A_91, %dma_start3A_92] : memref<10112x144xf32, #tpu.memory_space<vmem_shared>> -> memref<10112x144xf32, #tpu.memory_space<vmem_shared>>
        tpu.enqueue_indirect_dma source(%arg13 : memref<96x144xf32, #tpu.memory_space<vmem>>) target(%dma_start3A_93 : memref<10112x144xf32, #tpu.memory_space<vmem_shared>>) offsets(%dma_start3A_90 : memref<96xi32, #tpu.memory_space<vmem>>) semaphore(%arg18 : memref<!tpu.dma_semaphore, #tpu.memory_space<semaphore_mem>>) {add = true}
        %dma_wait3A_94 = arith.constant 0 : i32
        %dma_wait3A_95 = tpu.memref_slice %arg11[%mul3A_28, %dma_wait3A_94] : memref<36x96xi32, #tpu.memory_space<vmem>> -> memref<1x96xi32, #tpu.memory_space<vmem>>
        %dma_wait3A_96 = tpu.memref_squeeze %dma_wait3A_95 : memref<1x96xi32, #tpu.memory_space<vmem>> -> memref<96xi32, #tpu.memory_space<vmem>>
        %dma_wait3A_97 = arith.constant 0 : i32
        %dma_wait3A_98 = arith.constant 0 : i32
        %dma_wait3A_99 = tpu.memref_slice %arg9[%dma_wait3A_97, %dma_wait3A_98] : memref<10112x144xf32, #tpu.memory_space<vmem_shared>> -> memref<10112x144xf32, #tpu.memory_space<vmem_shared>>
        tpu.wait_indirect_dma semaphore(%arg17 : memref<!tpu.dma_semaphore, #tpu.memory_space<semaphore_mem>>) src(%arg12 : memref<96x144xf32, #tpu.memory_space<vmem>>) dst(%dma_wait3A_99 : memref<10112x144xf32, #tpu.memory_space<vmem_shared>>)
        %dma_wait3A_100 = arith.constant 0 : i32
        %dma_wait3A_101 = tpu.memref_slice %arg11[%add3A_30, %dma_wait3A_100] : memref<36x96xi32, #tpu.memory_space<vmem>> -> memref<1x96xi32, #tpu.memory_space<vmem>>
        %dma_wait3A_102 = tpu.memref_squeeze %dma_wait3A_101 : memref<1x96xi32, #tpu.memory_space<vmem>> -> memref<96xi32, #tpu.memory_space<vmem>>
        %dma_wait3A_103 = arith.constant 0 : i32
        %dma_wait3A_104 = arith.constant 0 : i32
        %dma_wait3A_105 = tpu.memref_slice %arg9[%dma_wait3A_103, %dma_wait3A_104] : memref<10112x144xf32, #tpu.memory_space<vmem_shared>> -> memref<10112x144xf32, #tpu.memory_space<vmem_shared>>
        tpu.wait_indirect_dma semaphore(%arg18 : memref<!tpu.dma_semaphore, #tpu.memory_space<semaphore_mem>>) src(%arg13 : memref<96x144xf32, #tpu.memory_space<vmem>>) dst(%dma_wait3A_105 : memref<10112x144xf32, #tpu.memory_space<vmem_shared>>)
      }
      %scan3A_25 = arith.constant 18 : i32
    }
    %scan3A_9 = arith.constant 3 : i32
    %barrier3A_10 = arith.constant 0 : index
    tpu.barrier barrier_id(%barrier3A_10)
    %mul3A_11 = arith.constant 632 : i32
    %mul3A_12 = arith.muli %arg1, %mul3A_11 : i32
    %mul3A_13 = arith.constant 632 : i32
    %mul3A_14 = arith.muli %arg1, %mul3A_13 : i32
    "tpu.region"() ({
      %run_scoped3A = tpu.sem_alloc : memref<!tpu.dma_semaphore, #tpu.memory_space<semaphore_mem>>
      %dma_start3A = arith.constant 0 : i32
      %dma_start3A_15 = tpu.memref_slice %arg8[%arg0, %mul3A_14, %dma_start3A] : memref<2x10112x144xf32, #tpu.memory_space<hbm>> -> memref<1x632x144xf32, #tpu.memory_space<hbm>>
      %dma_start3A_16 = tpu.memref_squeeze %dma_start3A_15 : memref<1x632x144xf32, #tpu.memory_space<hbm>> -> memref<632x144xf32, #tpu.memory_space<hbm>>
      %dma_start3A_17 = arith.constant 0 : i32
      %dma_start3A_18 = tpu.memref_slice %arg9[%mul3A_12, %dma_start3A_17] : memref<10112x144xf32, #tpu.memory_space<vmem_shared>> -> memref<632x144xf32, #tpu.memory_space<vmem_shared>>
      tpu.enqueue_dma source(%dma_start3A_18 : memref<632x144xf32, #tpu.memory_space<vmem_shared>>) target(%dma_start3A_16 : memref<632x144xf32, #tpu.memory_space<hbm>>) target_semaphore(%run_scoped3A : memref<!tpu.dma_semaphore, #tpu.memory_space<semaphore_mem>>)
      %dma_wait3A = arith.constant 0 : i32
      %dma_wait3A_19 = tpu.memref_slice %arg8[%arg0, %mul3A_14, %dma_wait3A] : memref<2x10112x144xf32, #tpu.memory_space<hbm>> -> memref<1x632x144xf32, #tpu.memory_space<hbm>>
      %dma_wait3A_20 = tpu.memref_squeeze %dma_wait3A_19 : memref<1x632x144xf32, #tpu.memory_space<hbm>> -> memref<632x144xf32, #tpu.memory_space<hbm>>
      %dma_wait3A_21 = arith.constant 0 : i32
      %dma_wait3A_22 = tpu.memref_slice %arg9[%mul3A_12, %dma_wait3A_21] : memref<10112x144xf32, #tpu.memory_space<vmem_shared>> -> memref<632x144xf32, #tpu.memory_space<vmem_shared>>
      tpu.wait_dma2 semaphore(%run_scoped3A : memref<!tpu.dma_semaphore, #tpu.memory_space<semaphore_mem>>) src(%dma_wait3A_22 : memref<632x144xf32, #tpu.memory_space<vmem_shared>>) dst(%dma_wait3A_20 : memref<632x144xf32, #tpu.memory_space<hbm>>)
      tpu.yield
    }) : () -> ()
    return
  }
}

#map = affine_map<(d0, d1) -> (0, 0)>
#map1 = affine_map<(d0, d1) -> (0)>
#map2 = affine_map<(d0, d1) -> (0, 0, 0)>
module attributes {stable_mosaic.version = 14 : i64} {
  func.func @_sc_edge_body(%arg0: i32, %arg1: i32, %arg2: memref<10112x144xf32, #tpu.memory_space<hbm>>, %arg3: memref<10112x16xf32, #tpu.memory_space<hbm>>, %arg4: memref<16xf32, #tpu.memory_space<hbm>>, %arg5: memref<32x108x96xi32, #tpu.memory_space<hbm>>, %arg6: memref<32x108x96xi32, #tpu.memory_space<hbm>>, %arg7: memref<632x144xf32, #tpu.memory_space<hbm>>, %arg8: memref<2x10112x144xf32, #tpu.memory_space<hbm>>, %arg9: memref<10112x144xf32, #tpu.memory_space<vmem_shared>>, %arg10: memref<36x96xi32, #tpu.memory_space<vmem>>, %arg11: memref<36x96xi32, #tpu.memory_space<vmem>>, %arg12: memref<96x144xf32, #tpu.memory_space<vmem>>, %arg13: memref<96x144xf32, #tpu.memory_space<vmem>>, %arg14: memref<96x16xf32, #tpu.memory_space<vmem>>, %arg15: memref<96x16xf32, #tpu.memory_space<vmem>>, %arg16: memref<16xf32, #tpu.memory_space<vmem>>, %arg17: memref<!tpu.dma_semaphore, #tpu.memory_space<semaphore_mem>>, %arg18: memref<!tpu.dma_semaphore, #tpu.memory_space<semaphore_mem>>, %arg19: memref<!tpu.dma_semaphore, #tpu.memory_space<semaphore_mem>>, %arg20: memref<!tpu.dma_semaphore, #tpu.memory_space<semaphore_mem>>) attributes {dimension_semantics = [#tpu.dimension_semantics<core_parallel>, #tpu.dimension_semantics<subcore_parallel>], iteration_bounds = array<i64: 2, 16>, scalar_prefetch = 0 : i64, scratch_operands = 12 : i64, tpu.core_type = #tpu.core_type<sc_vector_subcore>, window_params = [{transform_indices = #map}, {transform_indices = #map}, {transform_indices = #map1}, {transform_indices = #map2}, {transform_indices = #map2}, {transform_indices = #map}, {transform_indices = #map2}]} {
    %mul3A = arith.constant 16 : i32
    %mul3A_0 = arith.muli %arg0, %mul3A : i32
    %add3A = arith.addi %mul3A_0, %arg1 : i32
    %mul3A_1 = arith.constant 632 : i32
    %mul3A_2 = arith.muli %arg1, %mul3A_1 : i32
    "tpu.region"() ({
      %run_scoped3A = tpu.sem_alloc : memref<!tpu.dma_semaphore, #tpu.memory_space<semaphore_mem>>
      %dma_start3A = arith.constant 0 : i32
      %dma_start3A_15 = tpu.memref_slice %arg9[%mul3A_2, %dma_start3A] : memref<10112x144xf32, #tpu.memory_space<vmem_shared>> -> memref<632x144xf32, #tpu.memory_space<vmem_shared>>
      tpu.enqueue_dma source(%arg7 : memref<632x144xf32, #tpu.memory_space<hbm>>) target(%dma_start3A_15 : memref<632x144xf32, #tpu.memory_space<vmem_shared>>) target_semaphore(%run_scoped3A : memref<!tpu.dma_semaphore, #tpu.memory_space<semaphore_mem>>)
      %dma_wait3A = arith.constant 0 : i32
      %dma_wait3A_16 = tpu.memref_slice %arg9[%mul3A_2, %dma_wait3A] : memref<10112x144xf32, #tpu.memory_space<vmem_shared>> -> memref<632x144xf32, #tpu.memory_space<vmem_shared>>
      tpu.wait_dma2 semaphore(%run_scoped3A : memref<!tpu.dma_semaphore, #tpu.memory_space<semaphore_mem>>) src(%arg7 : memref<632x144xf32, #tpu.memory_space<hbm>>) dst(%dma_wait3A_16 : memref<632x144xf32, #tpu.memory_space<vmem_shared>>)
      tpu.yield
    }) : () -> ()
    "tpu.region"() ({
      %run_scoped3A = tpu.sem_alloc : memref<!tpu.dma_semaphore, #tpu.memory_space<semaphore_mem>>
      tpu.enqueue_dma source(%arg4 : memref<16xf32, #tpu.memory_space<hbm>>) target(%arg16 : memref<16xf32, #tpu.memory_space<vmem>>) target_semaphore(%run_scoped3A : memref<!tpu.dma_semaphore, #tpu.memory_space<semaphore_mem>>)
      tpu.wait_dma2 semaphore(%run_scoped3A : memref<!tpu.dma_semaphore, #tpu.memory_space<semaphore_mem>>) src(%arg4 : memref<16xf32, #tpu.memory_space<hbm>>) dst(%arg16 : memref<16xf32, #tpu.memory_space<vmem>>)
      tpu.yield
    }) : () -> ()
    %barrier3A = arith.constant 0 : index
    tpu.barrier barrier_id(%barrier3A)
    %get3A = arith.constant 0 : index
    %get3A_3 = tpu.vector_load %arg16[%get3A] {strides = array<i32>} : memref<16xf32, #tpu.memory_space<vmem>>, vector<16xf32>,
    %get3A_4 = vector.shape_cast %get3A_3 : vector<16xf32> to vector<16xf32>
    %scan3A = arith.constant 0 : i32
    %scan3A_5 = arith.constant 0 : i32
    %scan3A_6 = arith.constant 3 : i32
    %scan3A_7 = arith.addi %scan3A_5, %scan3A_6 : i32
    %scan3A_8 = arith.constant 1 : i32
    scf.for %scan3A_15 = %scan3A_5 to %scan3A_7 step %scan3A_8  : i32 {
      %mul3A_16 = arith.constant 36 : i32
      %mul3A_17 = arith.muli %scan3A_15, %mul3A_16 : i32
      "tpu.region"() ({
        %run_scoped3A = tpu.sem_alloc : memref<!tpu.dma_semaphore, #tpu.memory_space<semaphore_mem>>
        %dma_start3A = arith.constant 0 : i32
        %dma_start3A_26 = tpu.memref_slice %arg5[%add3A, %mul3A_17, %dma_start3A] : memref<32x108x96xi32, #tpu.memory_space<hbm>> -> memref<1x36x96xi32, #tpu.memory_space<hbm>>
        %dma_start3A_27 = tpu.memref_squeeze %dma_start3A_26 : memref<1x36x96xi32, #tpu.memory_space<hbm>> -> memref<36x96xi32, #tpu.memory_space<hbm>>
        %dma_start3A_28 = arith.constant 0 : i32
        %dma_start3A_29 = tpu.memref_slice %arg5[%add3A, %mul3A_17, %dma_start3A_28] : memref<32x108x96xi32, #tpu.memory_space<hbm>> -> memref<1x36x96xi32, #tpu.memory_space<hbm>>
        %dma_start3A_30 = tpu.memref_squeeze %dma_start3A_29 : memref<1x36x96xi32, #tpu.memory_space<hbm>> -> memref<36x96xi32, #tpu.memory_space<hbm>>
        tpu.enqueue_dma source(%dma_start3A_30 : memref<36x96xi32, #tpu.memory_space<hbm>>) target(%arg10 : memref<36x96xi32, #tpu.memory_space<vmem>>) target_semaphore(%run_scoped3A : memref<!tpu.dma_semaphore, #tpu.memory_space<semaphore_mem>>)
        %dma_wait3A = arith.constant 0 : i32
        %dma_wait3A_31 = tpu.memref_slice %arg5[%add3A, %mul3A_17, %dma_wait3A] : memref<32x108x96xi32, #tpu.memory_space<hbm>> -> memref<1x36x96xi32, #tpu.memory_space<hbm>>
        %dma_wait3A_32 = tpu.memref_squeeze %dma_wait3A_31 : memref<1x36x96xi32, #tpu.memory_space<hbm>> -> memref<36x96xi32, #tpu.memory_space<hbm>>
        %dma_wait3A_33 = arith.constant 0 : i32
        %dma_wait3A_34 = tpu.memref_slice %arg5[%add3A, %mul3A_17, %dma_wait3A_33] : memref<32x108x96xi32, #tpu.memory_space<hbm>> -> memref<1x36x96xi32, #tpu.memory_space<hbm>>
        %dma_wait3A_35 = tpu.memref_squeeze %dma_wait3A_34 : memref<1x36x96xi32, #tpu.memory_space<hbm>> -> memref<36x96xi32, #tpu.memory_space<hbm>>
        tpu.wait_dma2 semaphore(%run_scoped3A : memref<!tpu.dma_semaphore, #tpu.memory_space<semaphore_mem>>) src(%dma_wait3A_35 : memref<36x96xi32, #tpu.memory_space<hbm>>) dst(%arg10 : memref<36x96xi32, #tpu.memory_space<vmem>>)
        tpu.yield
      }) : () -> ()
      %mul3A_18 = arith.constant 36 : i32
      %mul3A_19 = arith.muli %scan3A_15, %mul3A_18 : i32
      "tpu.region"() ({
        %run_scoped3A = tpu.sem_alloc : memref<!tpu.dma_semaphore, #tpu.memory_space<semaphore_mem>>
        %dma_start3A = arith.constant 0 : i32
        %dma_start3A_26 = tpu.memref_slice %arg6[%add3A, %mul3A_19, %dma_start3A] : memref<32x108x96xi32, #tpu.memory_space<hbm>> -> memref<1x36x96xi32, #tpu.memory_space<hbm>>
        %dma_start3A_27 = tpu.memref_squeeze %dma_start3A_26 : memref<1x36x96xi32, #tpu.memory_space<hbm>> -> memref<36x96xi32, #tpu.memory_space<hbm>>
        %dma_start3A_28 = arith.constant 0 : i32
        %dma_start3A_29 = tpu.memref_slice %arg6[%add3A, %mul3A_19, %dma_start3A_28] : memref<32x108x96xi32, #tpu.memory_space<hbm>> -> memref<1x36x96xi32, #tpu.memory_space<hbm>>
        %dma_start3A_30 = tpu.memref_squeeze %dma_start3A_29 : memref<1x36x96xi32, #tpu.memory_space<hbm>> -> memref<36x96xi32, #tpu.memory_space<hbm>>
        tpu.enqueue_dma source(%dma_start3A_30 : memref<36x96xi32, #tpu.memory_space<hbm>>) target(%arg11 : memref<36x96xi32, #tpu.memory_space<vmem>>) target_semaphore(%run_scoped3A : memref<!tpu.dma_semaphore, #tpu.memory_space<semaphore_mem>>)
        %dma_wait3A = arith.constant 0 : i32
        %dma_wait3A_31 = tpu.memref_slice %arg6[%add3A, %mul3A_19, %dma_wait3A] : memref<32x108x96xi32, #tpu.memory_space<hbm>> -> memref<1x36x96xi32, #tpu.memory_space<hbm>>
        %dma_wait3A_32 = tpu.memref_squeeze %dma_wait3A_31 : memref<1x36x96xi32, #tpu.memory_space<hbm>> -> memref<36x96xi32, #tpu.memory_space<hbm>>
        %dma_wait3A_33 = arith.constant 0 : i32
        %dma_wait3A_34 = tpu.memref_slice %arg6[%add3A, %mul3A_19, %dma_wait3A_33] : memref<32x108x96xi32, #tpu.memory_space<hbm>> -> memref<1x36x96xi32, #tpu.memory_space<hbm>>
        %dma_wait3A_35 = tpu.memref_squeeze %dma_wait3A_34 : memref<1x36x96xi32, #tpu.memory_space<hbm>> -> memref<36x96xi32, #tpu.memory_space<hbm>>
        tpu.wait_dma2 semaphore(%run_scoped3A : memref<!tpu.dma_semaphore, #tpu.memory_space<semaphore_mem>>) src(%dma_wait3A_35 : memref<36x96xi32, #tpu.memory_space<hbm>>) dst(%arg11 : memref<36x96xi32, #tpu.memory_space<vmem>>)
        tpu.yield
      }) : () -> ()
      %scan3A_20 = arith.constant 0 : i32
      %scan3A_21 = arith.constant 0 : i32
      %scan3A_22 = arith.constant 18 : i32
      %scan3A_23 = arith.addi %scan3A_21, %scan3A_22 : i32
      %scan3A_24 = arith.constant 1 : i32
      scf.for %scan3A_26 = %scan3A_21 to %scan3A_23 step %scan3A_24  : i32 {
        %mul3A_27 = arith.constant 2 : i32
        %mul3A_28 = arith.muli %mul3A_27, %scan3A_26 : i32
        %add3A_29 = arith.constant 1 : i32
        %add3A_30 = arith.addi %mul3A_28, %add3A_29 : i32
        %dma_start3A = arith.constant 0 : i32
        %dma_start3A_31 = tpu.memref_slice %arg10[%mul3A_28, %dma_start3A] : memref<36x96xi32, #tpu.memory_space<vmem>> -> memref<1x96xi32, #tpu.memory_space<vmem>>
        %dma_start3A_32 = tpu.memref_squeeze %dma_start3A_31 : memref<1x96xi32, #tpu.memory_space<vmem>> -> memref<96xi32, #tpu.memory_space<vmem>>
        %dma_start3A_33 = arith.constant 0 : i32
        %dma_start3A_34 = arith.constant 0 : i32
        %dma_start3A_35 = tpu.memref_slice %arg2[%dma_start3A_33, %dma_start3A_34] : memref<10112x144xf32, #tpu.memory_space<hbm>> -> memref<10112x144xf32, #tpu.memory_space<hbm>>
        tpu.enqueue_indirect_dma source(%dma_start3A_35 : memref<10112x144xf32, #tpu.memory_space<hbm>>) target(%arg12 : memref<96x144xf32, #tpu.memory_space<vmem>>) offsets(%dma_start3A_32 : memref<96xi32, #tpu.memory_space<vmem>>) semaphore(%arg17 : memref<!tpu.dma_semaphore, #tpu.memory_space<semaphore_mem>>)
        %dma_start3A_36 = arith.constant 0 : i32
        %dma_start3A_37 = tpu.memref_slice %arg11[%mul3A_28, %dma_start3A_36] : memref<36x96xi32, #tpu.memory_space<vmem>> -> memref<1x96xi32, #tpu.memory_space<vmem>>
        %dma_start3A_38 = tpu.memref_squeeze %dma_start3A_37 : memref<1x96xi32, #tpu.memory_space<vmem>> -> memref<96xi32, #tpu.memory_space<vmem>>
        %dma_start3A_39 = arith.constant 0 : i32
        %dma_start3A_40 = arith.constant 0 : i32
        %dma_start3A_41 = tpu.memref_slice %arg3[%dma_start3A_39, %dma_start3A_40] : memref<10112x16xf32, #tpu.memory_space<hbm>> -> memref<10112x16xf32, #tpu.memory_space<hbm>>
        tpu.enqueue_indirect_dma source(%dma_start3A_41 : memref<10112x16xf32, #tpu.memory_space<hbm>>) target(%arg14 : memref<96x16xf32, #tpu.memory_space<vmem>>) offsets(%dma_start3A_38 : memref<96xi32, #tpu.memory_space<vmem>>) semaphore(%arg19 : memref<!tpu.dma_semaphore, #tpu.memory_space<semaphore_mem>>)
        %dma_start3A_42 = arith.constant 0 : i32
        %dma_start3A_43 = tpu.memref_slice %arg10[%add3A_30, %dma_start3A_42] : memref<36x96xi32, #tpu.memory_space<vmem>> -> memref<1x96xi32, #tpu.memory_space<vmem>>
        %dma_start3A_44 = tpu.memref_squeeze %dma_start3A_43 : memref<1x96xi32, #tpu.memory_space<vmem>> -> memref<96xi32, #tpu.memory_space<vmem>>
        %dma_start3A_45 = arith.constant 0 : i32
        %dma_start3A_46 = arith.constant 0 : i32
        %dma_start3A_47 = tpu.memref_slice %arg2[%dma_start3A_45, %dma_start3A_46] : memref<10112x144xf32, #tpu.memory_space<hbm>> -> memref<10112x144xf32, #tpu.memory_space<hbm>>
        tpu.enqueue_indirect_dma source(%dma_start3A_47 : memref<10112x144xf32, #tpu.memory_space<hbm>>) target(%arg13 : memref<96x144xf32, #tpu.memory_space<vmem>>) offsets(%dma_start3A_44 : memref<96xi32, #tpu.memory_space<vmem>>) semaphore(%arg18 : memref<!tpu.dma_semaphore, #tpu.memory_space<semaphore_mem>>)
        %dma_start3A_48 = arith.constant 0 : i32
        %dma_start3A_49 = tpu.memref_slice %arg11[%add3A_30, %dma_start3A_48] : memref<36x96xi32, #tpu.memory_space<vmem>> -> memref<1x96xi32, #tpu.memory_space<vmem>>
        %dma_start3A_50 = tpu.memref_squeeze %dma_start3A_49 : memref<1x96xi32, #tpu.memory_space<vmem>> -> memref<96xi32, #tpu.memory_space<vmem>>
        %dma_start3A_51 = arith.constant 0 : i32
        %dma_start3A_52 = arith.constant 0 : i32
        %dma_start3A_53 = tpu.memref_slice %arg3[%dma_start3A_51, %dma_start3A_52] : memref<10112x16xf32, #tpu.memory_space<hbm>> -> memref<10112x16xf32, #tpu.memory_space<hbm>>
        tpu.enqueue_indirect_dma source(%dma_start3A_53 : memref<10112x16xf32, #tpu.memory_space<hbm>>) target(%arg15 : memref<96x16xf32, #tpu.memory_space<vmem>>) offsets(%dma_start3A_50 : memref<96xi32, #tpu.memory_space<vmem>>) semaphore(%arg20 : memref<!tpu.dma_semaphore, #tpu.memory_space<semaphore_mem>>)
        %dma_wait3A = arith.constant 0 : i32
        %dma_wait3A_54 = tpu.memref_slice %arg10[%mul3A_28, %dma_wait3A] : memref<36x96xi32, #tpu.memory_space<vmem>> -> memref<1x96xi32, #tpu.memory_space<vmem>>
        %dma_wait3A_55 = tpu.memref_squeeze %dma_wait3A_54 : memref<1x96xi32, #tpu.memory_space<vmem>> -> memref<96xi32, #tpu.memory_space<vmem>>
        %dma_wait3A_56 = arith.constant 0 : i32
        %dma_wait3A_57 = arith.constant 0 : i32
        %dma_wait3A_58 = tpu.memref_slice %arg2[%dma_wait3A_56, %dma_wait3A_57] : memref<10112x144xf32, #tpu.memory_space<hbm>> -> memref<10112x144xf32, #tpu.memory_space<hbm>>
        tpu.wait_indirect_dma semaphore(%arg17 : memref<!tpu.dma_semaphore, #tpu.memory_space<semaphore_mem>>) src(%dma_wait3A_58 : memref<10112x144xf32, #tpu.memory_space<hbm>>) dst(%arg12 : memref<96x144xf32, #tpu.memory_space<vmem>>)
        %dma_wait3A_59 = arith.constant 0 : i32
        %dma_wait3A_60 = tpu.memref_slice %arg11[%mul3A_28, %dma_wait3A_59] : memref<36x96xi32, #tpu.memory_space<vmem>> -> memref<1x96xi32, #tpu.memory_space<vmem>>
        %dma_wait3A_61 = tpu.memref_squeeze %dma_wait3A_60 : memref<1x96xi32, #tpu.memory_space<vmem>> -> memref<96xi32, #tpu.memory_space<vmem>>
        %dma_wait3A_62 = arith.constant 0 : i32
        %dma_wait3A_63 = arith.constant 0 : i32
        %dma_wait3A_64 = tpu.memref_slice %arg3[%dma_wait3A_62, %dma_wait3A_63] : memref<10112x16xf32, #tpu.memory_space<hbm>> -> memref<10112x16xf32, #tpu.memory_space<hbm>>
        tpu.wait_indirect_dma semaphore(%arg19 : memref<!tpu.dma_semaphore, #tpu.memory_space<semaphore_mem>>) src(%dma_wait3A_64 : memref<10112x16xf32, #tpu.memory_space<hbm>>) dst(%arg14 : memref<96x16xf32, #tpu.memory_space<vmem>>)
        %parallel_loop3A = arith.constant 0 : i32
        %parallel_loop3A_65 = arith.constant 96 : i32
        %parallel_loop3A_66 = arith.constant 1 : i32
        scf.for %parallel_loop3A_106 = %parallel_loop3A to %parallel_loop3A_65 step %parallel_loop3A_66  : i32 {
          %parallel_loop3A_107 = arith.index_cast %parallel_loop3A_106 : i32 to index
          %parallel_loop3A_108 = arith.constant 128 : index
          %parallel_loop3A_109 = tpu.vector_load %arg12[%parallel_loop3A_107, %parallel_loop3A_108] {strides = array<i32>} : memref<96x144xf32, #tpu.memory_space<vmem>>, vector<1x16xf32>,
          %parallel_loop3A_110 = vector.shape_cast %parallel_loop3A_109 : vector<1x16xf32> to vector<16xf32>
          %parallel_loop3A_111 = arith.index_cast %parallel_loop3A_106 : i32 to index
          %parallel_loop3A_112 = arith.constant 0 : index
          %parallel_loop3A_113 = tpu.vector_load %arg14[%parallel_loop3A_111, %parallel_loop3A_112] {strides = array<i32>} : memref<96x16xf32, #tpu.memory_space<vmem>>, vector<1x16xf32>,
          %parallel_loop3A_114 = vector.shape_cast %parallel_loop3A_113 : vector<1x16xf32> to vector<16xf32>
          %parallel_loop3A_115 = arith.addf %parallel_loop3A_110, %parallel_loop3A_114 : vector<16xf32>
          %parallel_loop3A_116 = arith.constant 0.000000e+00 : f32
          %parallel_loop3A_117 = vector.broadcast %parallel_loop3A_116 : f32 to vector<16xf32>
          %parallel_loop3A_118 = arith.cmpf ogt, %parallel_loop3A_115, %parallel_loop3A_117 : vector<16xf32>
          %parallel_loop3A_119 = arith.constant 2.000000e-01 : f32
          %parallel_loop3A_120 = vector.broadcast %parallel_loop3A_119 : f32 to vector<16xf32>
          %parallel_loop3A_121 = arith.mulf %parallel_loop3A_115, %parallel_loop3A_120 : vector<16xf32>
          %parallel_loop3A_122 = arith.select %parallel_loop3A_118, %parallel_loop3A_115, %parallel_loop3A_121 : vector<16xi1>, vector<16xf32>
          %parallel_loop3A_123 = arith.subf %parallel_loop3A_122, %get3A_4 : vector<16xf32>
          %parallel_loop3A_124 = math.exp %parallel_loop3A_123 : vector<16xf32>
          %parallel_loop3A_125 = arith.index_cast %parallel_loop3A_106 : i32 to index
          %parallel_loop3A_126 = arith.constant 128 : index
          %parallel_loop3A_127 = tpu.vector_load %arg12[%parallel_loop3A_125, %parallel_loop3A_126] {strides = array<i32>} : memref<96x144xf32, #tpu.memory_space<vmem>>, vector<1x16xf32>,
          %parallel_loop3A_128 = vector.shape_cast %parallel_loop3A_127 : vector<1x16xf32> to vector<16xf32>
          %parallel_loop3A_129 = vector.shape_cast %parallel_loop3A_124 : vector<16xf32> to vector<1x16xf32>
          tpu.vector_store %arg12[%parallel_loop3A_125, %parallel_loop3A_126], %parallel_loop3A_129 {strides = array<i32>} : memref<96x144xf32, #tpu.memory_space<vmem>>, vector<1x16xf32>,
          %parallel_loop3A_130 = arith.index_cast %parallel_loop3A_106 : i32 to index
          %parallel_loop3A_131 = arith.constant 0 : index
          %parallel_loop3A_132 = tpu.vector_load %arg12[%parallel_loop3A_130, %parallel_loop3A_131] {strides = array<i32>} : memref<96x144xf32, #tpu.memory_space<vmem>>, vector<1x16xf32>,
          %parallel_loop3A_133 = vector.shape_cast %parallel_loop3A_132 : vector<1x16xf32> to vector<16xf32>
          %parallel_loop3A_134 = arith.mulf %parallel_loop3A_133, %parallel_loop3A_124 : vector<16xf32>
          %parallel_loop3A_135 = arith.index_cast %parallel_loop3A_106 : i32 to index
          %parallel_loop3A_136 = arith.constant 0 : index
          %parallel_loop3A_137 = tpu.vector_load %arg12[%parallel_loop3A_135, %parallel_loop3A_136] {strides = array<i32>} : memref<96x144xf32, #tpu.memory_space<vmem>>, vector<1x16xf32>,
          %parallel_loop3A_138 = vector.shape_cast %parallel_loop3A_137 : vector<1x16xf32> to vector<16xf32>
          %parallel_loop3A_139 = vector.shape_cast %parallel_loop3A_134 : vector<16xf32> to vector<1x16xf32>
          tpu.vector_store %arg12[%parallel_loop3A_135, %parallel_loop3A_136], %parallel_loop3A_139 {strides = array<i32>} : memref<96x144xf32, #tpu.memory_space<vmem>>, vector<1x16xf32>,
          %parallel_loop3A_140 = arith.index_cast %parallel_loop3A_106 : i32 to index
          %parallel_loop3A_141 = arith.constant 16 : index
          %parallel_loop3A_142 = tpu.vector_load %arg12[%parallel_loop3A_140, %parallel_loop3A_141] {strides = array<i32>} : memref<96x144xf32, #tpu.memory_space<vmem>>, vector<1x16xf32>,
          %parallel_loop3A_143 = vector.shape_cast %parallel_loop3A_142 : vector<1x16xf32> to vector<16xf32>
          %parallel_loop3A_144 = arith.mulf %parallel_loop3A_143, %parallel_loop3A_124 : vector<16xf32>
          %parallel_loop3A_145 = arith.index_cast %parallel_loop3A_106 : i32 to index
          %parallel_loop3A_146 = arith.constant 16 : index
          %parallel_loop3A_147 = tpu.vector_load %arg12[%parallel_loop3A_145, %parallel_loop3A_146] {strides = array<i32>} : memref<96x144xf32, #tpu.memory_space<vmem>>, vector<1x16xf32>,
          %parallel_loop3A_148 = vector.shape_cast %parallel_loop3A_147 : vector<1x16xf32> to vector<16xf32>
          %parallel_loop3A_149 = vector.shape_cast %parallel_loop3A_144 : vector<16xf32> to vector<1x16xf32>
          tpu.vector_store %arg12[%parallel_loop3A_145, %parallel_loop3A_146], %parallel_loop3A_149 {strides = array<i32>} : memref<96x144xf32, #tpu.memory_space<vmem>>, vector<1x16xf32>,
          %parallel_loop3A_150 = arith.index_cast %parallel_loop3A_106 : i32 to index
          %parallel_loop3A_151 = arith.constant 32 : index
          %parallel_loop3A_152 = tpu.vector_load %arg12[%parallel_loop3A_150, %parallel_loop3A_151] {strides = array<i32>} : memref<96x144xf32, #tpu.memory_space<vmem>>, vector<1x16xf32>,
          %parallel_loop3A_153 = vector.shape_cast %parallel_loop3A_152 : vector<1x16xf32> to vector<16xf32>
          %parallel_loop3A_154 = arith.mulf %parallel_loop3A_153, %parallel_loop3A_124 : vector<16xf32>
          %parallel_loop3A_155 = arith.index_cast %parallel_loop3A_106 : i32 to index
          %parallel_loop3A_156 = arith.constant 32 : index
          %parallel_loop3A_157 = tpu.vector_load %arg12[%parallel_loop3A_155, %parallel_loop3A_156] {strides = array<i32>} : memref<96x144xf32, #tpu.memory_space<vmem>>, vector<1x16xf32>,
          %parallel_loop3A_158 = vector.shape_cast %parallel_loop3A_157 : vector<1x16xf32> to vector<16xf32>
          %parallel_loop3A_159 = vector.shape_cast %parallel_loop3A_154 : vector<16xf32> to vector<1x16xf32>
          tpu.vector_store %arg12[%parallel_loop3A_155, %parallel_loop3A_156], %parallel_loop3A_159 {strides = array<i32>} : memref<96x144xf32, #tpu.memory_space<vmem>>, vector<1x16xf32>,
          %parallel_loop3A_160 = arith.index_cast %parallel_loop3A_106 : i32 to index
          %parallel_loop3A_161 = arith.constant 48 : index
          %parallel_loop3A_162 = tpu.vector_load %arg12[%parallel_loop3A_160, %parallel_loop3A_161] {strides = array<i32>} : memref<96x144xf32, #tpu.memory_space<vmem>>, vector<1x16xf32>,
          %parallel_loop3A_163 = vector.shape_cast %parallel_loop3A_162 : vector<1x16xf32> to vector<16xf32>
          %parallel_loop3A_164 = arith.mulf %parallel_loop3A_163, %parallel_loop3A_124 : vector<16xf32>
          %parallel_loop3A_165 = arith.index_cast %parallel_loop3A_106 : i32 to index
          %parallel_loop3A_166 = arith.constant 48 : index
          %parallel_loop3A_167 = tpu.vector_load %arg12[%parallel_loop3A_165, %parallel_loop3A_166] {strides = array<i32>} : memref<96x144xf32, #tpu.memory_space<vmem>>, vector<1x16xf32>,
          %parallel_loop3A_168 = vector.shape_cast %parallel_loop3A_167 : vector<1x16xf32> to vector<16xf32>
          %parallel_loop3A_169 = vector.shape_cast %parallel_loop3A_164 : vector<16xf32> to vector<1x16xf32>
          tpu.vector_store %arg12[%parallel_loop3A_165, %parallel_loop3A_166], %parallel_loop3A_169 {strides = array<i32>} : memref<96x144xf32, #tpu.memory_space<vmem>>, vector<1x16xf32>,
          %parallel_loop3A_170 = arith.index_cast %parallel_loop3A_106 : i32 to index
          %parallel_loop3A_171 = arith.constant 64 : index
          %parallel_loop3A_172 = tpu.vector_load %arg12[%parallel_loop3A_170, %parallel_loop3A_171] {strides = array<i32>} : memref<96x144xf32, #tpu.memory_space<vmem>>, vector<1x16xf32>,
          %parallel_loop3A_173 = vector.shape_cast %parallel_loop3A_172 : vector<1x16xf32> to vector<16xf32>
          %parallel_loop3A_174 = arith.mulf %parallel_loop3A_173, %parallel_loop3A_124 : vector<16xf32>
          %parallel_loop3A_175 = arith.index_cast %parallel_loop3A_106 : i32 to index
          %parallel_loop3A_176 = arith.constant 64 : index
          %parallel_loop3A_177 = tpu.vector_load %arg12[%parallel_loop3A_175, %parallel_loop3A_176] {strides = array<i32>} : memref<96x144xf32, #tpu.memory_space<vmem>>, vector<1x16xf32>,
          %parallel_loop3A_178 = vector.shape_cast %parallel_loop3A_177 : vector<1x16xf32> to vector<16xf32>
          %parallel_loop3A_179 = vector.shape_cast %parallel_loop3A_174 : vector<16xf32> to vector<1x16xf32>
          tpu.vector_store %arg12[%parallel_loop3A_175, %parallel_loop3A_176], %parallel_loop3A_179 {strides = array<i32>} : memref<96x144xf32, #tpu.memory_space<vmem>>, vector<1x16xf32>,
          %parallel_loop3A_180 = arith.index_cast %parallel_loop3A_106 : i32 to index
          %parallel_loop3A_181 = arith.constant 80 : index
          %parallel_loop3A_182 = tpu.vector_load %arg12[%parallel_loop3A_180, %parallel_loop3A_181] {strides = array<i32>} : memref<96x144xf32, #tpu.memory_space<vmem>>, vector<1x16xf32>,
          %parallel_loop3A_183 = vector.shape_cast %parallel_loop3A_182 : vector<1x16xf32> to vector<16xf32>
          %parallel_loop3A_184 = arith.mulf %parallel_loop3A_183, %parallel_loop3A_124 : vector<16xf32>
          %parallel_loop3A_185 = arith.index_cast %parallel_loop3A_106 : i32 to index
          %parallel_loop3A_186 = arith.constant 80 : index
          %parallel_loop3A_187 = tpu.vector_load %arg12[%parallel_loop3A_185, %parallel_loop3A_186] {strides = array<i32>} : memref<96x144xf32, #tpu.memory_space<vmem>>, vector<1x16xf32>,
          %parallel_loop3A_188 = vector.shape_cast %parallel_loop3A_187 : vector<1x16xf32> to vector<16xf32>
          %parallel_loop3A_189 = vector.shape_cast %parallel_loop3A_184 : vector<16xf32> to vector<1x16xf32>
          tpu.vector_store %arg12[%parallel_loop3A_185, %parallel_loop3A_186], %parallel_loop3A_189 {strides = array<i32>} : memref<96x144xf32, #tpu.memory_space<vmem>>, vector<1x16xf32>,
          %parallel_loop3A_190 = arith.index_cast %parallel_loop3A_106 : i32 to index
          %parallel_loop3A_191 = arith.constant 96 : index
          %parallel_loop3A_192 = tpu.vector_load %arg12[%parallel_loop3A_190, %parallel_loop3A_191] {strides = array<i32>} : memref<96x144xf32, #tpu.memory_space<vmem>>, vector<1x16xf32>,
          %parallel_loop3A_193 = vector.shape_cast %parallel_loop3A_192 : vector<1x16xf32> to vector<16xf32>
          %parallel_loop3A_194 = arith.mulf %parallel_loop3A_193, %parallel_loop3A_124 : vector<16xf32>
          %parallel_loop3A_195 = arith.index_cast %parallel_loop3A_106 : i32 to index
          %parallel_loop3A_196 = arith.constant 96 : index
          %parallel_loop3A_197 = tpu.vector_load %arg12[%parallel_loop3A_195, %parallel_loop3A_196] {strides = array<i32>} : memref<96x144xf32, #tpu.memory_space<vmem>>, vector<1x16xf32>,
          %parallel_loop3A_198 = vector.shape_cast %parallel_loop3A_197 : vector<1x16xf32> to vector<16xf32>
          %parallel_loop3A_199 = vector.shape_cast %parallel_loop3A_194 : vector<16xf32> to vector<1x16xf32>
          tpu.vector_store %arg12[%parallel_loop3A_195, %parallel_loop3A_196], %parallel_loop3A_199 {strides = array<i32>} : memref<96x144xf32, #tpu.memory_space<vmem>>, vector<1x16xf32>,
          %parallel_loop3A_200 = arith.index_cast %parallel_loop3A_106 : i32 to index
          %parallel_loop3A_201 = arith.constant 112 : index
          %parallel_loop3A_202 = tpu.vector_load %arg12[%parallel_loop3A_200, %parallel_loop3A_201] {strides = array<i32>} : memref<96x144xf32, #tpu.memory_space<vmem>>, vector<1x16xf32>,
          %parallel_loop3A_203 = vector.shape_cast %parallel_loop3A_202 : vector<1x16xf32> to vector<16xf32>
          %parallel_loop3A_204 = arith.mulf %parallel_loop3A_203, %parallel_loop3A_124 : vector<16xf32>
          %parallel_loop3A_205 = arith.index_cast %parallel_loop3A_106 : i32 to index
          %parallel_loop3A_206 = arith.constant 112 : index
          %parallel_loop3A_207 = tpu.vector_load %arg12[%parallel_loop3A_205, %parallel_loop3A_206] {strides = array<i32>} : memref<96x144xf32, #tpu.memory_space<vmem>>, vector<1x16xf32>,
          %parallel_loop3A_208 = vector.shape_cast %parallel_loop3A_207 : vector<1x16xf32> to vector<16xf32>
          %parallel_loop3A_209 = vector.shape_cast %parallel_loop3A_204 : vector<16xf32> to vector<1x16xf32>
          tpu.vector_store %arg12[%parallel_loop3A_205, %parallel_loop3A_206], %parallel_loop3A_209 {strides = array<i32>} : memref<96x144xf32, #tpu.memory_space<vmem>>, vector<1x16xf32>,
        } {sc.loop_unroll_factor = 8 : i64, sc.parallel_access}
        %dma_start3A_67 = arith.constant 0 : i32
        %dma_start3A_68 = tpu.memref_slice %arg11[%mul3A_28, %dma_start3A_67] : memref<36x96xi32, #tpu.memory_space<vmem>> -> memref<1x96xi32, #tpu.memory_space<vmem>>
        %dma_start3A_69 = tpu.memref_squeeze %dma_start3A_68 : memref<1x96xi32, #tpu.memory_space<vmem>> -> memref<96xi32, #tpu.memory_space<vmem>>
        %dma_start3A_70 = arith.constant 0 : i32
        %dma_start3A_71 = arith.constant 0 : i32
        %dma_start3A_72 = tpu.memref_slice %arg9[%dma_start3A_70, %dma_start3A_71] : memref<10112x144xf32, #tpu.memory_space<vmem_shared>> -> memref<10112x144xf32, #tpu.memory_space<vmem_shared>>
        tpu.enqueue_indirect_dma source(%arg12 : memref<96x144xf32, #tpu.memory_space<vmem>>) target(%dma_start3A_72 : memref<10112x144xf32, #tpu.memory_space<vmem_shared>>) offsets(%dma_start3A_69 : memref<96xi32, #tpu.memory_space<vmem>>) semaphore(%arg17 : memref<!tpu.dma_semaphore, #tpu.memory_space<semaphore_mem>>) {add = true}
        %dma_wait3A_73 = arith.constant 0 : i32
        %dma_wait3A_74 = tpu.memref_slice %arg10[%add3A_30, %dma_wait3A_73] : memref<36x96xi32, #tpu.memory_space<vmem>> -> memref<1x96xi32, #tpu.memory_space<vmem>>
        %dma_wait3A_75 = tpu.memref_squeeze %dma_wait3A_74 : memref<1x96xi32, #tpu.memory_space<vmem>> -> memref<96xi32, #tpu.memory_space<vmem>>
        %dma_wait3A_76 = arith.constant 0 : i32
        %dma_wait3A_77 = arith.constant 0 : i32
        %dma_wait3A_78 = tpu.memref_slice %arg2[%dma_wait3A_76, %dma_wait3A_77] : memref<10112x144xf32, #tpu.memory_space<hbm>> -> memref<10112x144xf32, #tpu.memory_space<hbm>>
        tpu.wait_indirect_dma semaphore(%arg18 : memref<!tpu.dma_semaphore, #tpu.memory_space<semaphore_mem>>) src(%dma_wait3A_78 : memref<10112x144xf32, #tpu.memory_space<hbm>>) dst(%arg13 : memref<96x144xf32, #tpu.memory_space<vmem>>)
        %dma_wait3A_79 = arith.constant 0 : i32
        %dma_wait3A_80 = tpu.memref_slice %arg11[%add3A_30, %dma_wait3A_79] : memref<36x96xi32, #tpu.memory_space<vmem>> -> memref<1x96xi32, #tpu.memory_space<vmem>>
        %dma_wait3A_81 = tpu.memref_squeeze %dma_wait3A_80 : memref<1x96xi32, #tpu.memory_space<vmem>> -> memref<96xi32, #tpu.memory_space<vmem>>
        %dma_wait3A_82 = arith.constant 0 : i32
        %dma_wait3A_83 = arith.constant 0 : i32
        %dma_wait3A_84 = tpu.memref_slice %arg3[%dma_wait3A_82, %dma_wait3A_83] : memref<10112x16xf32, #tpu.memory_space<hbm>> -> memref<10112x16xf32, #tpu.memory_space<hbm>>
        tpu.wait_indirect_dma semaphore(%arg20 : memref<!tpu.dma_semaphore, #tpu.memory_space<semaphore_mem>>) src(%dma_wait3A_84 : memref<10112x16xf32, #tpu.memory_space<hbm>>) dst(%arg15 : memref<96x16xf32, #tpu.memory_space<vmem>>)
        %parallel_loop3A_85 = arith.constant 0 : i32
        %parallel_loop3A_86 = arith.constant 96 : i32
        %parallel_loop3A_87 = arith.constant 1 : i32
        scf.for %parallel_loop3A_106 = %parallel_loop3A_85 to %parallel_loop3A_86 step %parallel_loop3A_87  : i32 {
          %parallel_loop3A_107 = arith.index_cast %parallel_loop3A_106 : i32 to index
          %parallel_loop3A_108 = arith.constant 128 : index
          %parallel_loop3A_109 = tpu.vector_load %arg13[%parallel_loop3A_107, %parallel_loop3A_108] {strides = array<i32>} : memref<96x144xf32, #tpu.memory_space<vmem>>, vector<1x16xf32>,
          %parallel_loop3A_110 = vector.shape_cast %parallel_loop3A_109 : vector<1x16xf32> to vector<16xf32>
          %parallel_loop3A_111 = arith.index_cast %parallel_loop3A_106 : i32 to index
          %parallel_loop3A_112 = arith.constant 0 : index
          %parallel_loop3A_113 = tpu.vector_load %arg15[%parallel_loop3A_111, %parallel_loop3A_112] {strides = array<i32>} : memref<96x16xf32, #tpu.memory_space<vmem>>, vector<1x16xf32>,
          %parallel_loop3A_114 = vector.shape_cast %parallel_loop3A_113 : vector<1x16xf32> to vector<16xf32>
          %parallel_loop3A_115 = arith.addf %parallel_loop3A_110, %parallel_loop3A_114 : vector<16xf32>
          %parallel_loop3A_116 = arith.constant 0.000000e+00 : f32
          %parallel_loop3A_117 = vector.broadcast %parallel_loop3A_116 : f32 to vector<16xf32>
          %parallel_loop3A_118 = arith.cmpf ogt, %parallel_loop3A_115, %parallel_loop3A_117 : vector<16xf32>
          %parallel_loop3A_119 = arith.constant 2.000000e-01 : f32
          %parallel_loop3A_120 = vector.broadcast %parallel_loop3A_119 : f32 to vector<16xf32>
          %parallel_loop3A_121 = arith.mulf %parallel_loop3A_115, %parallel_loop3A_120 : vector<16xf32>
          %parallel_loop3A_122 = arith.select %parallel_loop3A_118, %parallel_loop3A_115, %parallel_loop3A_121 : vector<16xi1>, vector<16xf32>
          %parallel_loop3A_123 = arith.subf %parallel_loop3A_122, %get3A_4 : vector<16xf32>
          %parallel_loop3A_124 = math.exp %parallel_loop3A_123 : vector<16xf32>
          %parallel_loop3A_125 = arith.index_cast %parallel_loop3A_106 : i32 to index
          %parallel_loop3A_126 = arith.constant 128 : index
          %parallel_loop3A_127 = tpu.vector_load %arg13[%parallel_loop3A_125, %parallel_loop3A_126] {strides = array<i32>} : memref<96x144xf32, #tpu.memory_space<vmem>>, vector<1x16xf32>,
          %parallel_loop3A_128 = vector.shape_cast %parallel_loop3A_127 : vector<1x16xf32> to vector<16xf32>
          %parallel_loop3A_129 = vector.shape_cast %parallel_loop3A_124 : vector<16xf32> to vector<1x16xf32>
          tpu.vector_store %arg13[%parallel_loop3A_125, %parallel_loop3A_126], %parallel_loop3A_129 {strides = array<i32>} : memref<96x144xf32, #tpu.memory_space<vmem>>, vector<1x16xf32>,
          %parallel_loop3A_130 = arith.index_cast %parallel_loop3A_106 : i32 to index
          %parallel_loop3A_131 = arith.constant 0 : index
          %parallel_loop3A_132 = tpu.vector_load %arg13[%parallel_loop3A_130, %parallel_loop3A_131] {strides = array<i32>} : memref<96x144xf32, #tpu.memory_space<vmem>>, vector<1x16xf32>,
          %parallel_loop3A_133 = vector.shape_cast %parallel_loop3A_132 : vector<1x16xf32> to vector<16xf32>
          %parallel_loop3A_134 = arith.mulf %parallel_loop3A_133, %parallel_loop3A_124 : vector<16xf32>
          %parallel_loop3A_135 = arith.index_cast %parallel_loop3A_106 : i32 to index
          %parallel_loop3A_136 = arith.constant 0 : index
          %parallel_loop3A_137 = tpu.vector_load %arg13[%parallel_loop3A_135, %parallel_loop3A_136] {strides = array<i32>} : memref<96x144xf32, #tpu.memory_space<vmem>>, vector<1x16xf32>,
          %parallel_loop3A_138 = vector.shape_cast %parallel_loop3A_137 : vector<1x16xf32> to vector<16xf32>
          %parallel_loop3A_139 = vector.shape_cast %parallel_loop3A_134 : vector<16xf32> to vector<1x16xf32>
          tpu.vector_store %arg13[%parallel_loop3A_135, %parallel_loop3A_136], %parallel_loop3A_139 {strides = array<i32>} : memref<96x144xf32, #tpu.memory_space<vmem>>, vector<1x16xf32>,
          %parallel_loop3A_140 = arith.index_cast %parallel_loop3A_106 : i32 to index
          %parallel_loop3A_141 = arith.constant 16 : index
          %parallel_loop3A_142 = tpu.vector_load %arg13[%parallel_loop3A_140, %parallel_loop3A_141] {strides = array<i32>} : memref<96x144xf32, #tpu.memory_space<vmem>>, vector<1x16xf32>,
          %parallel_loop3A_143 = vector.shape_cast %parallel_loop3A_142 : vector<1x16xf32> to vector<16xf32>
          %parallel_loop3A_144 = arith.mulf %parallel_loop3A_143, %parallel_loop3A_124 : vector<16xf32>
          %parallel_loop3A_145 = arith.index_cast %parallel_loop3A_106 : i32 to index
          %parallel_loop3A_146 = arith.constant 16 : index
          %parallel_loop3A_147 = tpu.vector_load %arg13[%parallel_loop3A_145, %parallel_loop3A_146] {strides = array<i32>} : memref<96x144xf32, #tpu.memory_space<vmem>>, vector<1x16xf32>,
          %parallel_loop3A_148 = vector.shape_cast %parallel_loop3A_147 : vector<1x16xf32> to vector<16xf32>
          %parallel_loop3A_149 = vector.shape_cast %parallel_loop3A_144 : vector<16xf32> to vector<1x16xf32>
          tpu.vector_store %arg13[%parallel_loop3A_145, %parallel_loop3A_146], %parallel_loop3A_149 {strides = array<i32>} : memref<96x144xf32, #tpu.memory_space<vmem>>, vector<1x16xf32>,
          %parallel_loop3A_150 = arith.index_cast %parallel_loop3A_106 : i32 to index
          %parallel_loop3A_151 = arith.constant 32 : index
          %parallel_loop3A_152 = tpu.vector_load %arg13[%parallel_loop3A_150, %parallel_loop3A_151] {strides = array<i32>} : memref<96x144xf32, #tpu.memory_space<vmem>>, vector<1x16xf32>,
          %parallel_loop3A_153 = vector.shape_cast %parallel_loop3A_152 : vector<1x16xf32> to vector<16xf32>
          %parallel_loop3A_154 = arith.mulf %parallel_loop3A_153, %parallel_loop3A_124 : vector<16xf32>
          %parallel_loop3A_155 = arith.index_cast %parallel_loop3A_106 : i32 to index
          %parallel_loop3A_156 = arith.constant 32 : index
          %parallel_loop3A_157 = tpu.vector_load %arg13[%parallel_loop3A_155, %parallel_loop3A_156] {strides = array<i32>} : memref<96x144xf32, #tpu.memory_space<vmem>>, vector<1x16xf32>,
          %parallel_loop3A_158 = vector.shape_cast %parallel_loop3A_157 : vector<1x16xf32> to vector<16xf32>
          %parallel_loop3A_159 = vector.shape_cast %parallel_loop3A_154 : vector<16xf32> to vector<1x16xf32>
          tpu.vector_store %arg13[%parallel_loop3A_155, %parallel_loop3A_156], %parallel_loop3A_159 {strides = array<i32>} : memref<96x144xf32, #tpu.memory_space<vmem>>, vector<1x16xf32>,
          %parallel_loop3A_160 = arith.index_cast %parallel_loop3A_106 : i32 to index
          %parallel_loop3A_161 = arith.constant 48 : index
          %parallel_loop3A_162 = tpu.vector_load %arg13[%parallel_loop3A_160, %parallel_loop3A_161] {strides = array<i32>} : memref<96x144xf32, #tpu.memory_space<vmem>>, vector<1x16xf32>,
          %parallel_loop3A_163 = vector.shape_cast %parallel_loop3A_162 : vector<1x16xf32> to vector<16xf32>
          %parallel_loop3A_164 = arith.mulf %parallel_loop3A_163, %parallel_loop3A_124 : vector<16xf32>
          %parallel_loop3A_165 = arith.index_cast %parallel_loop3A_106 : i32 to index
          %parallel_loop3A_166 = arith.constant 48 : index
          %parallel_loop3A_167 = tpu.vector_load %arg13[%parallel_loop3A_165, %parallel_loop3A_166] {strides = array<i32>} : memref<96x144xf32, #tpu.memory_space<vmem>>, vector<1x16xf32>,
          %parallel_loop3A_168 = vector.shape_cast %parallel_loop3A_167 : vector<1x16xf32> to vector<16xf32>
          %parallel_loop3A_169 = vector.shape_cast %parallel_loop3A_164 : vector<16xf32> to vector<1x16xf32>
          tpu.vector_store %arg13[%parallel_loop3A_165, %parallel_loop3A_166], %parallel_loop3A_169 {strides = array<i32>} : memref<96x144xf32, #tpu.memory_space<vmem>>, vector<1x16xf32>,
          %parallel_loop3A_170 = arith.index_cast %parallel_loop3A_106 : i32 to index
          %parallel_loop3A_171 = arith.constant 64 : index
          %parallel_loop3A_172 = tpu.vector_load %arg13[%parallel_loop3A_170, %parallel_loop3A_171] {strides = array<i32>} : memref<96x144xf32, #tpu.memory_space<vmem>>, vector<1x16xf32>,
          %parallel_loop3A_173 = vector.shape_cast %parallel_loop3A_172 : vector<1x16xf32> to vector<16xf32>
          %parallel_loop3A_174 = arith.mulf %parallel_loop3A_173, %parallel_loop3A_124 : vector<16xf32>
          %parallel_loop3A_175 = arith.index_cast %parallel_loop3A_106 : i32 to index
          %parallel_loop3A_176 = arith.constant 64 : index
          %parallel_loop3A_177 = tpu.vector_load %arg13[%parallel_loop3A_175, %parallel_loop3A_176] {strides = array<i32>} : memref<96x144xf32, #tpu.memory_space<vmem>>, vector<1x16xf32>,
          %parallel_loop3A_178 = vector.shape_cast %parallel_loop3A_177 : vector<1x16xf32> to vector<16xf32>
          %parallel_loop3A_179 = vector.shape_cast %parallel_loop3A_174 : vector<16xf32> to vector<1x16xf32>
          tpu.vector_store %arg13[%parallel_loop3A_175, %parallel_loop3A_176], %parallel_loop3A_179 {strides = array<i32>} : memref<96x144xf32, #tpu.memory_space<vmem>>, vector<1x16xf32>,
          %parallel_loop3A_180 = arith.index_cast %parallel_loop3A_106 : i32 to index
          %parallel_loop3A_181 = arith.constant 80 : index
          %parallel_loop3A_182 = tpu.vector_load %arg13[%parallel_loop3A_180, %parallel_loop3A_181] {strides = array<i32>} : memref<96x144xf32, #tpu.memory_space<vmem>>, vector<1x16xf32>,
          %parallel_loop3A_183 = vector.shape_cast %parallel_loop3A_182 : vector<1x16xf32> to vector<16xf32>
          %parallel_loop3A_184 = arith.mulf %parallel_loop3A_183, %parallel_loop3A_124 : vector<16xf32>
          %parallel_loop3A_185 = arith.index_cast %parallel_loop3A_106 : i32 to index
          %parallel_loop3A_186 = arith.constant 80 : index
          %parallel_loop3A_187 = tpu.vector_load %arg13[%parallel_loop3A_185, %parallel_loop3A_186] {strides = array<i32>} : memref<96x144xf32, #tpu.memory_space<vmem>>, vector<1x16xf32>,
          %parallel_loop3A_188 = vector.shape_cast %parallel_loop3A_187 : vector<1x16xf32> to vector<16xf32>
          %parallel_loop3A_189 = vector.shape_cast %parallel_loop3A_184 : vector<16xf32> to vector<1x16xf32>
          tpu.vector_store %arg13[%parallel_loop3A_185, %parallel_loop3A_186], %parallel_loop3A_189 {strides = array<i32>} : memref<96x144xf32, #tpu.memory_space<vmem>>, vector<1x16xf32>,
          %parallel_loop3A_190 = arith.index_cast %parallel_loop3A_106 : i32 to index
          %parallel_loop3A_191 = arith.constant 96 : index
          %parallel_loop3A_192 = tpu.vector_load %arg13[%parallel_loop3A_190, %parallel_loop3A_191] {strides = array<i32>} : memref<96x144xf32, #tpu.memory_space<vmem>>, vector<1x16xf32>,
          %parallel_loop3A_193 = vector.shape_cast %parallel_loop3A_192 : vector<1x16xf32> to vector<16xf32>
          %parallel_loop3A_194 = arith.mulf %parallel_loop3A_193, %parallel_loop3A_124 : vector<16xf32>
          %parallel_loop3A_195 = arith.index_cast %parallel_loop3A_106 : i32 to index
          %parallel_loop3A_196 = arith.constant 96 : index
          %parallel_loop3A_197 = tpu.vector_load %arg13[%parallel_loop3A_195, %parallel_loop3A_196] {strides = array<i32>} : memref<96x144xf32, #tpu.memory_space<vmem>>, vector<1x16xf32>,
          %parallel_loop3A_198 = vector.shape_cast %parallel_loop3A_197 : vector<1x16xf32> to vector<16xf32>
          %parallel_loop3A_199 = vector.shape_cast %parallel_loop3A_194 : vector<16xf32> to vector<1x16xf32>
          tpu.vector_store %arg13[%parallel_loop3A_195, %parallel_loop3A_196], %parallel_loop3A_199 {strides = array<i32>} : memref<96x144xf32, #tpu.memory_space<vmem>>, vector<1x16xf32>,
          %parallel_loop3A_200 = arith.index_cast %parallel_loop3A_106 : i32 to index
          %parallel_loop3A_201 = arith.constant 112 : index
          %parallel_loop3A_202 = tpu.vector_load %arg13[%parallel_loop3A_200, %parallel_loop3A_201] {strides = array<i32>} : memref<96x144xf32, #tpu.memory_space<vmem>>, vector<1x16xf32>,
          %parallel_loop3A_203 = vector.shape_cast %parallel_loop3A_202 : vector<1x16xf32> to vector<16xf32>
          %parallel_loop3A_204 = arith.mulf %parallel_loop3A_203, %parallel_loop3A_124 : vector<16xf32>
          %parallel_loop3A_205 = arith.index_cast %parallel_loop3A_106 : i32 to index
          %parallel_loop3A_206 = arith.constant 112 : index
          %parallel_loop3A_207 = tpu.vector_load %arg13[%parallel_loop3A_205, %parallel_loop3A_206] {strides = array<i32>} : memref<96x144xf32, #tpu.memory_space<vmem>>, vector<1x16xf32>,
          %parallel_loop3A_208 = vector.shape_cast %parallel_loop3A_207 : vector<1x16xf32> to vector<16xf32>
          %parallel_loop3A_209 = vector.shape_cast %parallel_loop3A_204 : vector<16xf32> to vector<1x16xf32>
          tpu.vector_store %arg13[%parallel_loop3A_205, %parallel_loop3A_206], %parallel_loop3A_209 {strides = array<i32>} : memref<96x144xf32, #tpu.memory_space<vmem>>, vector<1x16xf32>,
        } {sc.loop_unroll_factor = 8 : i64, sc.parallel_access}
        %dma_start3A_88 = arith.constant 0 : i32
        %dma_start3A_89 = tpu.memref_slice %arg11[%add3A_30, %dma_start3A_88] : memref<36x96xi32, #tpu.memory_space<vmem>> -> memref<1x96xi32, #tpu.memory_space<vmem>>
        %dma_start3A_90 = tpu.memref_squeeze %dma_start3A_89 : memref<1x96xi32, #tpu.memory_space<vmem>> -> memref<96xi32, #tpu.memory_space<vmem>>
        %dma_start3A_91 = arith.constant 0 : i32
        %dma_start3A_92 = arith.constant 0 : i32
        %dma_start3A_93 = tpu.memref_slice %arg9[%dma_start3A_91, %dma_start3A_92] : memref<10112x144xf32, #tpu.memory_space<vmem_shared>> -> memref<10112x144xf32, #tpu.memory_space<vmem_shared>>
        tpu.enqueue_indirect_dma source(%arg13 : memref<96x144xf32, #tpu.memory_space<vmem>>) target(%dma_start3A_93 : memref<10112x144xf32, #tpu.memory_space<vmem_shared>>) offsets(%dma_start3A_90 : memref<96xi32, #tpu.memory_space<vmem>>) semaphore(%arg18 : memref<!tpu.dma_semaphore, #tpu.memory_space<semaphore_mem>>) {add = true}
        %dma_wait3A_94 = arith.constant 0 : i32
        %dma_wait3A_95 = tpu.memref_slice %arg11[%mul3A_28, %dma_wait3A_94] : memref<36x96xi32, #tpu.memory_space<vmem>> -> memref<1x96xi32, #tpu.memory_space<vmem>>
        %dma_wait3A_96 = tpu.memref_squeeze %dma_wait3A_95 : memref<1x96xi32, #tpu.memory_space<vmem>> -> memref<96xi32, #tpu.memory_space<vmem>>
        %dma_wait3A_97 = arith.constant 0 : i32
        %dma_wait3A_98 = arith.constant 0 : i32
        %dma_wait3A_99 = tpu.memref_slice %arg9[%dma_wait3A_97, %dma_wait3A_98] : memref<10112x144xf32, #tpu.memory_space<vmem_shared>> -> memref<10112x144xf32, #tpu.memory_space<vmem_shared>>
        tpu.wait_indirect_dma semaphore(%arg17 : memref<!tpu.dma_semaphore, #tpu.memory_space<semaphore_mem>>) src(%arg12 : memref<96x144xf32, #tpu.memory_space<vmem>>) dst(%dma_wait3A_99 : memref<10112x144xf32, #tpu.memory_space<vmem_shared>>)
        %dma_wait3A_100 = arith.constant 0 : i32
        %dma_wait3A_101 = tpu.memref_slice %arg11[%add3A_30, %dma_wait3A_100] : memref<36x96xi32, #tpu.memory_space<vmem>> -> memref<1x96xi32, #tpu.memory_space<vmem>>
        %dma_wait3A_102 = tpu.memref_squeeze %dma_wait3A_101 : memref<1x96xi32, #tpu.memory_space<vmem>> -> memref<96xi32, #tpu.memory_space<vmem>>
        %dma_wait3A_103 = arith.constant 0 : i32
        %dma_wait3A_104 = arith.constant 0 : i32
        %dma_wait3A_105 = tpu.memref_slice %arg9[%dma_wait3A_103, %dma_wait3A_104] : memref<10112x144xf32, #tpu.memory_space<vmem_shared>> -> memref<10112x144xf32, #tpu.memory_space<vmem_shared>>
        tpu.wait_indirect_dma semaphore(%arg18 : memref<!tpu.dma_semaphore, #tpu.memory_space<semaphore_mem>>) src(%arg13 : memref<96x144xf32, #tpu.memory_space<vmem>>) dst(%dma_wait3A_105 : memref<10112x144xf32, #tpu.memory_space<vmem_shared>>)
      }
      %scan3A_25 = arith.constant 18 : i32
    }
    %scan3A_9 = arith.constant 3 : i32
    %barrier3A_10 = arith.constant 0 : index
    tpu.barrier barrier_id(%barrier3A_10)
    %mul3A_11 = arith.constant 632 : i32
    %mul3A_12 = arith.muli %arg1, %mul3A_11 : i32
    %mul3A_13 = arith.constant 632 : i32
    %mul3A_14 = arith.muli %arg1, %mul3A_13 : i32
    "tpu.region"() ({
      %run_scoped3A = tpu.sem_alloc : memref<!tpu.dma_semaphore, #tpu.memory_space<semaphore_mem>>
      %dma_start3A = arith.constant 0 : i32
      %dma_start3A_15 = tpu.memref_slice %arg8[%arg0, %mul3A_14, %dma_start3A] : memref<2x10112x144xf32, #tpu.memory_space<hbm>> -> memref<1x632x144xf32, #tpu.memory_space<hbm>>
      %dma_start3A_16 = tpu.memref_squeeze %dma_start3A_15 : memref<1x632x144xf32, #tpu.memory_space<hbm>> -> memref<632x144xf32, #tpu.memory_space<hbm>>
      %dma_start3A_17 = arith.constant 0 : i32
      %dma_start3A_18 = tpu.memref_slice %arg9[%mul3A_12, %dma_start3A_17] : memref<10112x144xf32, #tpu.memory_space<vmem_shared>> -> memref<632x144xf32, #tpu.memory_space<vmem_shared>>
      tpu.enqueue_dma source(%dma_start3A_18 : memref<632x144xf32, #tpu.memory_space<vmem_shared>>) target(%dma_start3A_16 : memref<632x144xf32, #tpu.memory_space<hbm>>) target_semaphore(%run_scoped3A : memref<!tpu.dma_semaphore, #tpu.memory_space<semaphore_mem>>)
      %dma_wait3A = arith.constant 0 : i32
      %dma_wait3A_19 = tpu.memref_slice %arg8[%arg0, %mul3A_14, %dma_wait3A] : memref<2x10112x144xf32, #tpu.memory_space<hbm>> -> memref<1x632x144xf32, #tpu.memory_space<hbm>>
      %dma_wait3A_20 = tpu.memref_squeeze %dma_wait3A_19 : memref<1x632x144xf32, #tpu.memory_space<hbm>> -> memref<632x144xf32, #tpu.memory_space<hbm>>
      %dma_wait3A_21 = arith.constant 0 : i32
      %dma_wait3A_22 = tpu.memref_slice %arg9[%mul3A_12, %dma_wait3A_21] : memref<10112x144xf32, #tpu.memory_space<vmem_shared>> -> memref<632x144xf32, #tpu.memory_space<vmem_shared>>
      tpu.wait_dma2 semaphore(%run_scoped3A : memref<!tpu.dma_semaphore, #tpu.memory_space<semaphore_mem>>) src(%dma_wait3A_22 : memref<632x144xf32, #tpu.memory_space<vmem_shared>>) dst(%dma_wait3A_20 : memref<632x144xf32, #tpu.memory_space<hbm>>)
      tpu.yield
    }) : () -> ()
    return
  }
}

#map = affine_map<(d0, d1) -> (0, 0)>
#map1 = affine_map<(d0, d1) -> (0)>
#map2 = affine_map<(d0, d1) -> (0, 0, 0)>
module attributes {stable_mosaic.version = 14 : i64} {
  func.func @_sc_edge_body(%arg0: i32, %arg1: i32, %arg2: memref<10112x144xf32, #tpu.memory_space<hbm>>, %arg3: memref<10112x16xf32, #tpu.memory_space<hbm>>, %arg4: memref<16xf32, #tpu.memory_space<hbm>>, %arg5: memref<32x108x96xi32, #tpu.memory_space<hbm>>, %arg6: memref<32x108x96xi32, #tpu.memory_space<hbm>>, %arg7: memref<632x144xf32, #tpu.memory_space<hbm>>, %arg8: memref<2x10112x144xf32, #tpu.memory_space<hbm>>, %arg9: memref<10112x144xf32, #tpu.memory_space<vmem_shared>>, %arg10: memref<36x96xi32, #tpu.memory_space<vmem>>, %arg11: memref<36x96xi32, #tpu.memory_space<vmem>>, %arg12: memref<96x144xf32, #tpu.memory_space<vmem>>, %arg13: memref<96x144xf32, #tpu.memory_space<vmem>>, %arg14: memref<96x16xf32, #tpu.memory_space<vmem>>, %arg15: memref<96x16xf32, #tpu.memory_space<vmem>>, %arg16: memref<16xf32, #tpu.memory_space<vmem>>, %arg17: memref<!tpu.dma_semaphore, #tpu.memory_space<semaphore_mem>>, %arg18: memref<!tpu.dma_semaphore, #tpu.memory_space<semaphore_mem>>, %arg19: memref<!tpu.dma_semaphore, #tpu.memory_space<semaphore_mem>>, %arg20: memref<!tpu.dma_semaphore, #tpu.memory_space<semaphore_mem>>) attributes {dimension_semantics = [#tpu.dimension_semantics<core_parallel>, #tpu.dimension_semantics<subcore_parallel>], iteration_bounds = array<i64: 2, 16>, scalar_prefetch = 0 : i64, scratch_operands = 12 : i64, tpu.core_type = #tpu.core_type<sc_vector_subcore>, window_params = [{transform_indices = #map}, {transform_indices = #map}, {transform_indices = #map1}, {transform_indices = #map2}, {transform_indices = #map2}, {transform_indices = #map}, {transform_indices = #map2}]} {
    %mul3A = arith.constant 16 : i32
    %mul3A_0 = arith.muli %arg0, %mul3A : i32
    %add3A = arith.addi %mul3A_0, %arg1 : i32
    %mul3A_1 = arith.constant 632 : i32
    %mul3A_2 = arith.muli %arg1, %mul3A_1 : i32
    "tpu.region"() ({
      %run_scoped3A = tpu.sem_alloc : memref<!tpu.dma_semaphore, #tpu.memory_space<semaphore_mem>>
      %dma_start3A = arith.constant 0 : i32
      %dma_start3A_15 = tpu.memref_slice %arg9[%mul3A_2, %dma_start3A] : memref<10112x144xf32, #tpu.memory_space<vmem_shared>> -> memref<632x144xf32, #tpu.memory_space<vmem_shared>>
      tpu.enqueue_dma source(%arg7 : memref<632x144xf32, #tpu.memory_space<hbm>>) target(%dma_start3A_15 : memref<632x144xf32, #tpu.memory_space<vmem_shared>>) target_semaphore(%run_scoped3A : memref<!tpu.dma_semaphore, #tpu.memory_space<semaphore_mem>>)
      %dma_wait3A = arith.constant 0 : i32
      %dma_wait3A_16 = tpu.memref_slice %arg9[%mul3A_2, %dma_wait3A] : memref<10112x144xf32, #tpu.memory_space<vmem_shared>> -> memref<632x144xf32, #tpu.memory_space<vmem_shared>>
      tpu.wait_dma2 semaphore(%run_scoped3A : memref<!tpu.dma_semaphore, #tpu.memory_space<semaphore_mem>>) src(%arg7 : memref<632x144xf32, #tpu.memory_space<hbm>>) dst(%dma_wait3A_16 : memref<632x144xf32, #tpu.memory_space<vmem_shared>>)
      tpu.yield
    }) : () -> ()
    "tpu.region"() ({
      %run_scoped3A = tpu.sem_alloc : memref<!tpu.dma_semaphore, #tpu.memory_space<semaphore_mem>>
      tpu.enqueue_dma source(%arg4 : memref<16xf32, #tpu.memory_space<hbm>>) target(%arg16 : memref<16xf32, #tpu.memory_space<vmem>>) target_semaphore(%run_scoped3A : memref<!tpu.dma_semaphore, #tpu.memory_space<semaphore_mem>>)
      tpu.wait_dma2 semaphore(%run_scoped3A : memref<!tpu.dma_semaphore, #tpu.memory_space<semaphore_mem>>) src(%arg4 : memref<16xf32, #tpu.memory_space<hbm>>) dst(%arg16 : memref<16xf32, #tpu.memory_space<vmem>>)
      tpu.yield
    }) : () -> ()
    %barrier3A = arith.constant 0 : index
    tpu.barrier barrier_id(%barrier3A)
    %get3A = arith.constant 0 : index
    %get3A_3 = tpu.vector_load %arg16[%get3A] {strides = array<i32>} : memref<16xf32, #tpu.memory_space<vmem>>, vector<16xf32>,
    %get3A_4 = vector.shape_cast %get3A_3 : vector<16xf32> to vector<16xf32>
    %scan3A = arith.constant 0 : i32
    %scan3A_5 = arith.constant 0 : i32
    %scan3A_6 = arith.constant 3 : i32
    %scan3A_7 = arith.addi %scan3A_5, %scan3A_6 : i32
    %scan3A_8 = arith.constant 1 : i32
    scf.for %scan3A_15 = %scan3A_5 to %scan3A_7 step %scan3A_8  : i32 {
      %mul3A_16 = arith.constant 36 : i32
      %mul3A_17 = arith.muli %scan3A_15, %mul3A_16 : i32
      "tpu.region"() ({
        %run_scoped3A = tpu.sem_alloc : memref<!tpu.dma_semaphore, #tpu.memory_space<semaphore_mem>>
        %dma_start3A = arith.constant 0 : i32
        %dma_start3A_26 = tpu.memref_slice %arg5[%add3A, %mul3A_17, %dma_start3A] : memref<32x108x96xi32, #tpu.memory_space<hbm>> -> memref<1x36x96xi32, #tpu.memory_space<hbm>>
        %dma_start3A_27 = tpu.memref_squeeze %dma_start3A_26 : memref<1x36x96xi32, #tpu.memory_space<hbm>> -> memref<36x96xi32, #tpu.memory_space<hbm>>
        %dma_start3A_28 = arith.constant 0 : i32
        %dma_start3A_29 = tpu.memref_slice %arg5[%add3A, %mul3A_17, %dma_start3A_28] : memref<32x108x96xi32, #tpu.memory_space<hbm>> -> memref<1x36x96xi32, #tpu.memory_space<hbm>>
        %dma_start3A_30 = tpu.memref_squeeze %dma_start3A_29 : memref<1x36x96xi32, #tpu.memory_space<hbm>> -> memref<36x96xi32, #tpu.memory_space<hbm>>
        tpu.enqueue_dma source(%dma_start3A_30 : memref<36x96xi32, #tpu.memory_space<hbm>>) target(%arg10 : memref<36x96xi32, #tpu.memory_space<vmem>>) target_semaphore(%run_scoped3A : memref<!tpu.dma_semaphore, #tpu.memory_space<semaphore_mem>>)
        %dma_wait3A = arith.constant 0 : i32
        %dma_wait3A_31 = tpu.memref_slice %arg5[%add3A, %mul3A_17, %dma_wait3A] : memref<32x108x96xi32, #tpu.memory_space<hbm>> -> memref<1x36x96xi32, #tpu.memory_space<hbm>>
        %dma_wait3A_32 = tpu.memref_squeeze %dma_wait3A_31 : memref<1x36x96xi32, #tpu.memory_space<hbm>> -> memref<36x96xi32, #tpu.memory_space<hbm>>
        %dma_wait3A_33 = arith.constant 0 : i32
        %dma_wait3A_34 = tpu.memref_slice %arg5[%add3A, %mul3A_17, %dma_wait3A_33] : memref<32x108x96xi32, #tpu.memory_space<hbm>> -> memref<1x36x96xi32, #tpu.memory_space<hbm>>
        %dma_wait3A_35 = tpu.memref_squeeze %dma_wait3A_34 : memref<1x36x96xi32, #tpu.memory_space<hbm>> -> memref<36x96xi32, #tpu.memory_space<hbm>>
        tpu.wait_dma2 semaphore(%run_scoped3A : memref<!tpu.dma_semaphore, #tpu.memory_space<semaphore_mem>>) src(%dma_wait3A_35 : memref<36x96xi32, #tpu.memory_space<hbm>>) dst(%arg10 : memref<36x96xi32, #tpu.memory_space<vmem>>)
        tpu.yield
      }) : () -> ()
      %mul3A_18 = arith.constant 36 : i32
      %mul3A_19 = arith.muli %scan3A_15, %mul3A_18 : i32
      "tpu.region"() ({
        %run_scoped3A = tpu.sem_alloc : memref<!tpu.dma_semaphore, #tpu.memory_space<semaphore_mem>>
        %dma_start3A = arith.constant 0 : i32
        %dma_start3A_26 = tpu.memref_slice %arg6[%add3A, %mul3A_19, %dma_start3A] : memref<32x108x96xi32, #tpu.memory_space<hbm>> -> memref<1x36x96xi32, #tpu.memory_space<hbm>>
        %dma_start3A_27 = tpu.memref_squeeze %dma_start3A_26 : memref<1x36x96xi32, #tpu.memory_space<hbm>> -> memref<36x96xi32, #tpu.memory_space<hbm>>
        %dma_start3A_28 = arith.constant 0 : i32
        %dma_start3A_29 = tpu.memref_slice %arg6[%add3A, %mul3A_19, %dma_start3A_28] : memref<32x108x96xi32, #tpu.memory_space<hbm>> -> memref<1x36x96xi32, #tpu.memory_space<hbm>>
        %dma_start3A_30 = tpu.memref_squeeze %dma_start3A_29 : memref<1x36x96xi32, #tpu.memory_space<hbm>> -> memref<36x96xi32, #tpu.memory_space<hbm>>
        tpu.enqueue_dma source(%dma_start3A_30 : memref<36x96xi32, #tpu.memory_space<hbm>>) target(%arg11 : memref<36x96xi32, #tpu.memory_space<vmem>>) target_semaphore(%run_scoped3A : memref<!tpu.dma_semaphore, #tpu.memory_space<semaphore_mem>>)
        %dma_wait3A = arith.constant 0 : i32
        %dma_wait3A_31 = tpu.memref_slice %arg6[%add3A, %mul3A_19, %dma_wait3A] : memref<32x108x96xi32, #tpu.memory_space<hbm>> -> memref<1x36x96xi32, #tpu.memory_space<hbm>>
        %dma_wait3A_32 = tpu.memref_squeeze %dma_wait3A_31 : memref<1x36x96xi32, #tpu.memory_space<hbm>> -> memref<36x96xi32, #tpu.memory_space<hbm>>
        %dma_wait3A_33 = arith.constant 0 : i32
        %dma_wait3A_34 = tpu.memref_slice %arg6[%add3A, %mul3A_19, %dma_wait3A_33] : memref<32x108x96xi32, #tpu.memory_space<hbm>> -> memref<1x36x96xi32, #tpu.memory_space<hbm>>
        %dma_wait3A_35 = tpu.memref_squeeze %dma_wait3A_34 : memref<1x36x96xi32, #tpu.memory_space<hbm>> -> memref<36x96xi32, #tpu.memory_space<hbm>>
        tpu.wait_dma2 semaphore(%run_scoped3A : memref<!tpu.dma_semaphore, #tpu.memory_space<semaphore_mem>>) src(%dma_wait3A_35 : memref<36x96xi32, #tpu.memory_space<hbm>>) dst(%arg11 : memref<36x96xi32, #tpu.memory_space<vmem>>)
        tpu.yield
      }) : () -> ()
      %scan3A_20 = arith.constant 0 : i32
      %scan3A_21 = arith.constant 0 : i32
      %scan3A_22 = arith.constant 18 : i32
      %scan3A_23 = arith.addi %scan3A_21, %scan3A_22 : i32
      %scan3A_24 = arith.constant 1 : i32
      scf.for %scan3A_26 = %scan3A_21 to %scan3A_23 step %scan3A_24  : i32 {
        %mul3A_27 = arith.constant 2 : i32
        %mul3A_28 = arith.muli %mul3A_27, %scan3A_26 : i32
        %add3A_29 = arith.constant 1 : i32
        %add3A_30 = arith.addi %mul3A_28, %add3A_29 : i32
        %dma_start3A = arith.constant 0 : i32
        %dma_start3A_31 = tpu.memref_slice %arg10[%mul3A_28, %dma_start3A] : memref<36x96xi32, #tpu.memory_space<vmem>> -> memref<1x96xi32, #tpu.memory_space<vmem>>
        %dma_start3A_32 = tpu.memref_squeeze %dma_start3A_31 : memref<1x96xi32, #tpu.memory_space<vmem>> -> memref<96xi32, #tpu.memory_space<vmem>>
        %dma_start3A_33 = arith.constant 0 : i32
        %dma_start3A_34 = arith.constant 0 : i32
        %dma_start3A_35 = tpu.memref_slice %arg2[%dma_start3A_33, %dma_start3A_34] : memref<10112x144xf32, #tpu.memory_space<hbm>> -> memref<10112x144xf32, #tpu.memory_space<hbm>>
        tpu.enqueue_indirect_dma source(%dma_start3A_35 : memref<10112x144xf32, #tpu.memory_space<hbm>>) target(%arg12 : memref<96x144xf32, #tpu.memory_space<vmem>>) offsets(%dma_start3A_32 : memref<96xi32, #tpu.memory_space<vmem>>) semaphore(%arg17 : memref<!tpu.dma_semaphore, #tpu.memory_space<semaphore_mem>>)
        %dma_start3A_36 = arith.constant 0 : i32
        %dma_start3A_37 = tpu.memref_slice %arg11[%mul3A_28, %dma_start3A_36] : memref<36x96xi32, #tpu.memory_space<vmem>> -> memref<1x96xi32, #tpu.memory_space<vmem>>
        %dma_start3A_38 = tpu.memref_squeeze %dma_start3A_37 : memref<1x96xi32, #tpu.memory_space<vmem>> -> memref<96xi32, #tpu.memory_space<vmem>>
        %dma_start3A_39 = arith.constant 0 : i32
        %dma_start3A_40 = arith.constant 0 : i32
        %dma_start3A_41 = tpu.memref_slice %arg3[%dma_start3A_39, %dma_start3A_40] : memref<10112x16xf32, #tpu.memory_space<hbm>> -> memref<10112x16xf32, #tpu.memory_space<hbm>>
        tpu.enqueue_indirect_dma source(%dma_start3A_41 : memref<10112x16xf32, #tpu.memory_space<hbm>>) target(%arg14 : memref<96x16xf32, #tpu.memory_space<vmem>>) offsets(%dma_start3A_38 : memref<96xi32, #tpu.memory_space<vmem>>) semaphore(%arg19 : memref<!tpu.dma_semaphore, #tpu.memory_space<semaphore_mem>>)
        %dma_start3A_42 = arith.constant 0 : i32
        %dma_start3A_43 = tpu.memref_slice %arg10[%add3A_30, %dma_start3A_42] : memref<36x96xi32, #tpu.memory_space<vmem>> -> memref<1x96xi32, #tpu.memory_space<vmem>>
        %dma_start3A_44 = tpu.memref_squeeze %dma_start3A_43 : memref<1x96xi32, #tpu.memory_space<vmem>> -> memref<96xi32, #tpu.memory_space<vmem>>
        %dma_start3A_45 = arith.constant 0 : i32
        %dma_start3A_46 = arith.constant 0 : i32
        %dma_start3A_47 = tpu.memref_slice %arg2[%dma_start3A_45, %dma_start3A_46] : memref<10112x144xf32, #tpu.memory_space<hbm>> -> memref<10112x144xf32, #tpu.memory_space<hbm>>
        tpu.enqueue_indirect_dma source(%dma_start3A_47 : memref<10112x144xf32, #tpu.memory_space<hbm>>) target(%arg13 : memref<96x144xf32, #tpu.memory_space<vmem>>) offsets(%dma_start3A_44 : memref<96xi32, #tpu.memory_space<vmem>>) semaphore(%arg18 : memref<!tpu.dma_semaphore, #tpu.memory_space<semaphore_mem>>)
        %dma_start3A_48 = arith.constant 0 : i32
        %dma_start3A_49 = tpu.memref_slice %arg11[%add3A_30, %dma_start3A_48] : memref<36x96xi32, #tpu.memory_space<vmem>> -> memref<1x96xi32, #tpu.memory_space<vmem>>
        %dma_start3A_50 = tpu.memref_squeeze %dma_start3A_49 : memref<1x96xi32, #tpu.memory_space<vmem>> -> memref<96xi32, #tpu.memory_space<vmem>>
        %dma_start3A_51 = arith.constant 0 : i32
        %dma_start3A_52 = arith.constant 0 : i32
        %dma_start3A_53 = tpu.memref_slice %arg3[%dma_start3A_51, %dma_start3A_52] : memref<10112x16xf32, #tpu.memory_space<hbm>> -> memref<10112x16xf32, #tpu.memory_space<hbm>>
        tpu.enqueue_indirect_dma source(%dma_start3A_53 : memref<10112x16xf32, #tpu.memory_space<hbm>>) target(%arg15 : memref<96x16xf32, #tpu.memory_space<vmem>>) offsets(%dma_start3A_50 : memref<96xi32, #tpu.memory_space<vmem>>) semaphore(%arg20 : memref<!tpu.dma_semaphore, #tpu.memory_space<semaphore_mem>>)
        %dma_wait3A = arith.constant 0 : i32
        %dma_wait3A_54 = tpu.memref_slice %arg10[%mul3A_28, %dma_wait3A] : memref<36x96xi32, #tpu.memory_space<vmem>> -> memref<1x96xi32, #tpu.memory_space<vmem>>
        %dma_wait3A_55 = tpu.memref_squeeze %dma_wait3A_54 : memref<1x96xi32, #tpu.memory_space<vmem>> -> memref<96xi32, #tpu.memory_space<vmem>>
        %dma_wait3A_56 = arith.constant 0 : i32
        %dma_wait3A_57 = arith.constant 0 : i32
        %dma_wait3A_58 = tpu.memref_slice %arg2[%dma_wait3A_56, %dma_wait3A_57] : memref<10112x144xf32, #tpu.memory_space<hbm>> -> memref<10112x144xf32, #tpu.memory_space<hbm>>
        tpu.wait_indirect_dma semaphore(%arg17 : memref<!tpu.dma_semaphore, #tpu.memory_space<semaphore_mem>>) src(%dma_wait3A_58 : memref<10112x144xf32, #tpu.memory_space<hbm>>) dst(%arg12 : memref<96x144xf32, #tpu.memory_space<vmem>>)
        %dma_wait3A_59 = arith.constant 0 : i32
        %dma_wait3A_60 = tpu.memref_slice %arg11[%mul3A_28, %dma_wait3A_59] : memref<36x96xi32, #tpu.memory_space<vmem>> -> memref<1x96xi32, #tpu.memory_space<vmem>>
        %dma_wait3A_61 = tpu.memref_squeeze %dma_wait3A_60 : memref<1x96xi32, #tpu.memory_space<vmem>> -> memref<96xi32, #tpu.memory_space<vmem>>
        %dma_wait3A_62 = arith.constant 0 : i32
        %dma_wait3A_63 = arith.constant 0 : i32
        %dma_wait3A_64 = tpu.memref_slice %arg3[%dma_wait3A_62, %dma_wait3A_63] : memref<10112x16xf32, #tpu.memory_space<hbm>> -> memref<10112x16xf32, #tpu.memory_space<hbm>>
        tpu.wait_indirect_dma semaphore(%arg19 : memref<!tpu.dma_semaphore, #tpu.memory_space<semaphore_mem>>) src(%dma_wait3A_64 : memref<10112x16xf32, #tpu.memory_space<hbm>>) dst(%arg14 : memref<96x16xf32, #tpu.memory_space<vmem>>)
        %parallel_loop3A = arith.constant 0 : i32
        %parallel_loop3A_65 = arith.constant 96 : i32
        %parallel_loop3A_66 = arith.constant 1 : i32
        scf.for %parallel_loop3A_106 = %parallel_loop3A to %parallel_loop3A_65 step %parallel_loop3A_66  : i32 {
          %parallel_loop3A_107 = arith.index_cast %parallel_loop3A_106 : i32 to index
          %parallel_loop3A_108 = arith.constant 128 : index
          %parallel_loop3A_109 = tpu.vector_load %arg12[%parallel_loop3A_107, %parallel_loop3A_108] {strides = array<i32>} : memref<96x144xf32, #tpu.memory_space<vmem>>, vector<1x16xf32>,
          %parallel_loop3A_110 = vector.shape_cast %parallel_loop3A_109 : vector<1x16xf32> to vector<16xf32>
          %parallel_loop3A_111 = arith.index_cast %parallel_loop3A_106 : i32 to index
          %parallel_loop3A_112 = arith.constant 0 : index
          %parallel_loop3A_113 = tpu.vector_load %arg14[%parallel_loop3A_111, %parallel_loop3A_112] {strides = array<i32>} : memref<96x16xf32, #tpu.memory_space<vmem>>, vector<1x16xf32>,
          %parallel_loop3A_114 = vector.shape_cast %parallel_loop3A_113 : vector<1x16xf32> to vector<16xf32>
          %parallel_loop3A_115 = arith.addf %parallel_loop3A_110, %parallel_loop3A_114 : vector<16xf32>
          %parallel_loop3A_116 = arith.constant 0.000000e+00 : f32
          %parallel_loop3A_117 = vector.broadcast %parallel_loop3A_116 : f32 to vector<16xf32>
          %parallel_loop3A_118 = arith.cmpf ogt, %parallel_loop3A_115, %parallel_loop3A_117 : vector<16xf32>
          %parallel_loop3A_119 = arith.constant 2.000000e-01 : f32
          %parallel_loop3A_120 = vector.broadcast %parallel_loop3A_119 : f32 to vector<16xf32>
          %parallel_loop3A_121 = arith.mulf %parallel_loop3A_115, %parallel_loop3A_120 : vector<16xf32>
          %parallel_loop3A_122 = arith.select %parallel_loop3A_118, %parallel_loop3A_115, %parallel_loop3A_121 : vector<16xi1>, vector<16xf32>
          %parallel_loop3A_123 = arith.subf %parallel_loop3A_122, %get3A_4 : vector<16xf32>
          %parallel_loop3A_124 = math.exp %parallel_loop3A_123 : vector<16xf32>
          %parallel_loop3A_125 = arith.index_cast %parallel_loop3A_106 : i32 to index
          %parallel_loop3A_126 = arith.constant 128 : index
          %parallel_loop3A_127 = tpu.vector_load %arg12[%parallel_loop3A_125, %parallel_loop3A_126] {strides = array<i32>} : memref<96x144xf32, #tpu.memory_space<vmem>>, vector<1x16xf32>,
          %parallel_loop3A_128 = vector.shape_cast %parallel_loop3A_127 : vector<1x16xf32> to vector<16xf32>
          %parallel_loop3A_129 = vector.shape_cast %parallel_loop3A_124 : vector<16xf32> to vector<1x16xf32>
          tpu.vector_store %arg12[%parallel_loop3A_125, %parallel_loop3A_126], %parallel_loop3A_129 {strides = array<i32>} : memref<96x144xf32, #tpu.memory_space<vmem>>, vector<1x16xf32>,
          %parallel_loop3A_130 = arith.index_cast %parallel_loop3A_106 : i32 to index
          %parallel_loop3A_131 = arith.constant 0 : index
          %parallel_loop3A_132 = tpu.vector_load %arg12[%parallel_loop3A_130, %parallel_loop3A_131] {strides = array<i32>} : memref<96x144xf32, #tpu.memory_space<vmem>>, vector<1x16xf32>,
          %parallel_loop3A_133 = vector.shape_cast %parallel_loop3A_132 : vector<1x16xf32> to vector<16xf32>
          %parallel_loop3A_134 = arith.mulf %parallel_loop3A_133, %parallel_loop3A_124 : vector<16xf32>
          %parallel_loop3A_135 = arith.index_cast %parallel_loop3A_106 : i32 to index
          %parallel_loop3A_136 = arith.constant 0 : index
          %parallel_loop3A_137 = tpu.vector_load %arg12[%parallel_loop3A_135, %parallel_loop3A_136] {strides = array<i32>} : memref<96x144xf32, #tpu.memory_space<vmem>>, vector<1x16xf32>,
          %parallel_loop3A_138 = vector.shape_cast %parallel_loop3A_137 : vector<1x16xf32> to vector<16xf32>
          %parallel_loop3A_139 = vector.shape_cast %parallel_loop3A_134 : vector<16xf32> to vector<1x16xf32>
          tpu.vector_store %arg12[%parallel_loop3A_135, %parallel_loop3A_136], %parallel_loop3A_139 {strides = array<i32>} : memref<96x144xf32, #tpu.memory_space<vmem>>, vector<1x16xf32>,
          %parallel_loop3A_140 = arith.index_cast %parallel_loop3A_106 : i32 to index
          %parallel_loop3A_141 = arith.constant 16 : index
          %parallel_loop3A_142 = tpu.vector_load %arg12[%parallel_loop3A_140, %parallel_loop3A_141] {strides = array<i32>} : memref<96x144xf32, #tpu.memory_space<vmem>>, vector<1x16xf32>,
          %parallel_loop3A_143 = vector.shape_cast %parallel_loop3A_142 : vector<1x16xf32> to vector<16xf32>
          %parallel_loop3A_144 = arith.mulf %parallel_loop3A_143, %parallel_loop3A_124 : vector<16xf32>
          %parallel_loop3A_145 = arith.index_cast %parallel_loop3A_106 : i32 to index
          %parallel_loop3A_146 = arith.constant 16 : index
          %parallel_loop3A_147 = tpu.vector_load %arg12[%parallel_loop3A_145, %parallel_loop3A_146] {strides = array<i32>} : memref<96x144xf32, #tpu.memory_space<vmem>>, vector<1x16xf32>,
          %parallel_loop3A_148 = vector.shape_cast %parallel_loop3A_147 : vector<1x16xf32> to vector<16xf32>
          %parallel_loop3A_149 = vector.shape_cast %parallel_loop3A_144 : vector<16xf32> to vector<1x16xf32>
          tpu.vector_store %arg12[%parallel_loop3A_145, %parallel_loop3A_146], %parallel_loop3A_149 {strides = array<i32>} : memref<96x144xf32, #tpu.memory_space<vmem>>, vector<1x16xf32>,
          %parallel_loop3A_150 = arith.index_cast %parallel_loop3A_106 : i32 to index
          %parallel_loop3A_151 = arith.constant 32 : index
          %parallel_loop3A_152 = tpu.vector_load %arg12[%parallel_loop3A_150, %parallel_loop3A_151] {strides = array<i32>} : memref<96x144xf32, #tpu.memory_space<vmem>>, vector<1x16xf32>,
          %parallel_loop3A_153 = vector.shape_cast %parallel_loop3A_152 : vector<1x16xf32> to vector<16xf32>
          %parallel_loop3A_154 = arith.mulf %parallel_loop3A_153, %parallel_loop3A_124 : vector<16xf32>
          %parallel_loop3A_155 = arith.index_cast %parallel_loop3A_106 : i32 to index
          %parallel_loop3A_156 = arith.constant 32 : index
          %parallel_loop3A_157 = tpu.vector_load %arg12[%parallel_loop3A_155, %parallel_loop3A_156] {strides = array<i32>} : memref<96x144xf32, #tpu.memory_space<vmem>>, vector<1x16xf32>,
          %parallel_loop3A_158 = vector.shape_cast %parallel_loop3A_157 : vector<1x16xf32> to vector<16xf32>
          %parallel_loop3A_159 = vector.shape_cast %parallel_loop3A_154 : vector<16xf32> to vector<1x16xf32>
          tpu.vector_store %arg12[%parallel_loop3A_155, %parallel_loop3A_156], %parallel_loop3A_159 {strides = array<i32>} : memref<96x144xf32, #tpu.memory_space<vmem>>, vector<1x16xf32>,
          %parallel_loop3A_160 = arith.index_cast %parallel_loop3A_106 : i32 to index
          %parallel_loop3A_161 = arith.constant 48 : index
          %parallel_loop3A_162 = tpu.vector_load %arg12[%parallel_loop3A_160, %parallel_loop3A_161] {strides = array<i32>} : memref<96x144xf32, #tpu.memory_space<vmem>>, vector<1x16xf32>,
          %parallel_loop3A_163 = vector.shape_cast %parallel_loop3A_162 : vector<1x16xf32> to vector<16xf32>
          %parallel_loop3A_164 = arith.mulf %parallel_loop3A_163, %parallel_loop3A_124 : vector<16xf32>
          %parallel_loop3A_165 = arith.index_cast %parallel_loop3A_106 : i32 to index
          %parallel_loop3A_166 = arith.constant 48 : index
          %parallel_loop3A_167 = tpu.vector_load %arg12[%parallel_loop3A_165, %parallel_loop3A_166] {strides = array<i32>} : memref<96x144xf32, #tpu.memory_space<vmem>>, vector<1x16xf32>,
          %parallel_loop3A_168 = vector.shape_cast %parallel_loop3A_167 : vector<1x16xf32> to vector<16xf32>
          %parallel_loop3A_169 = vector.shape_cast %parallel_loop3A_164 : vector<16xf32> to vector<1x16xf32>
          tpu.vector_store %arg12[%parallel_loop3A_165, %parallel_loop3A_166], %parallel_loop3A_169 {strides = array<i32>} : memref<96x144xf32, #tpu.memory_space<vmem>>, vector<1x16xf32>,
          %parallel_loop3A_170 = arith.index_cast %parallel_loop3A_106 : i32 to index
          %parallel_loop3A_171 = arith.constant 64 : index
          %parallel_loop3A_172 = tpu.vector_load %arg12[%parallel_loop3A_170, %parallel_loop3A_171] {strides = array<i32>} : memref<96x144xf32, #tpu.memory_space<vmem>>, vector<1x16xf32>,
          %parallel_loop3A_173 = vector.shape_cast %parallel_loop3A_172 : vector<1x16xf32> to vector<16xf32>
          %parallel_loop3A_174 = arith.mulf %parallel_loop3A_173, %parallel_loop3A_124 : vector<16xf32>
          %parallel_loop3A_175 = arith.index_cast %parallel_loop3A_106 : i32 to index
          %parallel_loop3A_176 = arith.constant 64 : index
          %parallel_loop3A_177 = tpu.vector_load %arg12[%parallel_loop3A_175, %parallel_loop3A_176] {strides = array<i32>} : memref<96x144xf32, #tpu.memory_space<vmem>>, vector<1x16xf32>,
          %parallel_loop3A_178 = vector.shape_cast %parallel_loop3A_177 : vector<1x16xf32> to vector<16xf32>
          %parallel_loop3A_179 = vector.shape_cast %parallel_loop3A_174 : vector<16xf32> to vector<1x16xf32>
          tpu.vector_store %arg12[%parallel_loop3A_175, %parallel_loop3A_176], %parallel_loop3A_179 {strides = array<i32>} : memref<96x144xf32, #tpu.memory_space<vmem>>, vector<1x16xf32>,
          %parallel_loop3A_180 = arith.index_cast %parallel_loop3A_106 : i32 to index
          %parallel_loop3A_181 = arith.constant 80 : index
          %parallel_loop3A_182 = tpu.vector_load %arg12[%parallel_loop3A_180, %parallel_loop3A_181] {strides = array<i32>} : memref<96x144xf32, #tpu.memory_space<vmem>>, vector<1x16xf32>,
          %parallel_loop3A_183 = vector.shape_cast %parallel_loop3A_182 : vector<1x16xf32> to vector<16xf32>
          %parallel_loop3A_184 = arith.mulf %parallel_loop3A_183, %parallel_loop3A_124 : vector<16xf32>
          %parallel_loop3A_185 = arith.index_cast %parallel_loop3A_106 : i32 to index
          %parallel_loop3A_186 = arith.constant 80 : index
          %parallel_loop3A_187 = tpu.vector_load %arg12[%parallel_loop3A_185, %parallel_loop3A_186] {strides = array<i32>} : memref<96x144xf32, #tpu.memory_space<vmem>>, vector<1x16xf32>,
          %parallel_loop3A_188 = vector.shape_cast %parallel_loop3A_187 : vector<1x16xf32> to vector<16xf32>
          %parallel_loop3A_189 = vector.shape_cast %parallel_loop3A_184 : vector<16xf32> to vector<1x16xf32>
          tpu.vector_store %arg12[%parallel_loop3A_185, %parallel_loop3A_186], %parallel_loop3A_189 {strides = array<i32>} : memref<96x144xf32, #tpu.memory_space<vmem>>, vector<1x16xf32>,
          %parallel_loop3A_190 = arith.index_cast %parallel_loop3A_106 : i32 to index
          %parallel_loop3A_191 = arith.constant 96 : index
          %parallel_loop3A_192 = tpu.vector_load %arg12[%parallel_loop3A_190, %parallel_loop3A_191] {strides = array<i32>} : memref<96x144xf32, #tpu.memory_space<vmem>>, vector<1x16xf32>,
          %parallel_loop3A_193 = vector.shape_cast %parallel_loop3A_192 : vector<1x16xf32> to vector<16xf32>
          %parallel_loop3A_194 = arith.mulf %parallel_loop3A_193, %parallel_loop3A_124 : vector<16xf32>
          %parallel_loop3A_195 = arith.index_cast %parallel_loop3A_106 : i32 to index
          %parallel_loop3A_196 = arith.constant 96 : index
          %parallel_loop3A_197 = tpu.vector_load %arg12[%parallel_loop3A_195, %parallel_loop3A_196] {strides = array<i32>} : memref<96x144xf32, #tpu.memory_space<vmem>>, vector<1x16xf32>,
          %parallel_loop3A_198 = vector.shape_cast %parallel_loop3A_197 : vector<1x16xf32> to vector<16xf32>
          %parallel_loop3A_199 = vector.shape_cast %parallel_loop3A_194 : vector<16xf32> to vector<1x16xf32>
          tpu.vector_store %arg12[%parallel_loop3A_195, %parallel_loop3A_196], %parallel_loop3A_199 {strides = array<i32>} : memref<96x144xf32, #tpu.memory_space<vmem>>, vector<1x16xf32>,
          %parallel_loop3A_200 = arith.index_cast %parallel_loop3A_106 : i32 to index
          %parallel_loop3A_201 = arith.constant 112 : index
          %parallel_loop3A_202 = tpu.vector_load %arg12[%parallel_loop3A_200, %parallel_loop3A_201] {strides = array<i32>} : memref<96x144xf32, #tpu.memory_space<vmem>>, vector<1x16xf32>,
          %parallel_loop3A_203 = vector.shape_cast %parallel_loop3A_202 : vector<1x16xf32> to vector<16xf32>
          %parallel_loop3A_204 = arith.mulf %parallel_loop3A_203, %parallel_loop3A_124 : vector<16xf32>
          %parallel_loop3A_205 = arith.index_cast %parallel_loop3A_106 : i32 to index
          %parallel_loop3A_206 = arith.constant 112 : index
          %parallel_loop3A_207 = tpu.vector_load %arg12[%parallel_loop3A_205, %parallel_loop3A_206] {strides = array<i32>} : memref<96x144xf32, #tpu.memory_space<vmem>>, vector<1x16xf32>,
          %parallel_loop3A_208 = vector.shape_cast %parallel_loop3A_207 : vector<1x16xf32> to vector<16xf32>
          %parallel_loop3A_209 = vector.shape_cast %parallel_loop3A_204 : vector<16xf32> to vector<1x16xf32>
          tpu.vector_store %arg12[%parallel_loop3A_205, %parallel_loop3A_206], %parallel_loop3A_209 {strides = array<i32>} : memref<96x144xf32, #tpu.memory_space<vmem>>, vector<1x16xf32>,
        } {sc.loop_unroll_factor = 8 : i64, sc.parallel_access}
        %dma_start3A_67 = arith.constant 0 : i32
        %dma_start3A_68 = tpu.memref_slice %arg11[%mul3A_28, %dma_start3A_67] : memref<36x96xi32, #tpu.memory_space<vmem>> -> memref<1x96xi32, #tpu.memory_space<vmem>>
        %dma_start3A_69 = tpu.memref_squeeze %dma_start3A_68 : memref<1x96xi32, #tpu.memory_space<vmem>> -> memref<96xi32, #tpu.memory_space<vmem>>
        %dma_start3A_70 = arith.constant 0 : i32
        %dma_start3A_71 = arith.constant 0 : i32
        %dma_start3A_72 = tpu.memref_slice %arg9[%dma_start3A_70, %dma_start3A_71] : memref<10112x144xf32, #tpu.memory_space<vmem_shared>> -> memref<10112x144xf32, #tpu.memory_space<vmem_shared>>
        tpu.enqueue_indirect_dma source(%arg12 : memref<96x144xf32, #tpu.memory_space<vmem>>) target(%dma_start3A_72 : memref<10112x144xf32, #tpu.memory_space<vmem_shared>>) offsets(%dma_start3A_69 : memref<96xi32, #tpu.memory_space<vmem>>) semaphore(%arg17 : memref<!tpu.dma_semaphore, #tpu.memory_space<semaphore_mem>>) {add = true}
        %dma_wait3A_73 = arith.constant 0 : i32
        %dma_wait3A_74 = tpu.memref_slice %arg10[%add3A_30, %dma_wait3A_73] : memref<36x96xi32, #tpu.memory_space<vmem>> -> memref<1x96xi32, #tpu.memory_space<vmem>>
        %dma_wait3A_75 = tpu.memref_squeeze %dma_wait3A_74 : memref<1x96xi32, #tpu.memory_space<vmem>> -> memref<96xi32, #tpu.memory_space<vmem>>
        %dma_wait3A_76 = arith.constant 0 : i32
        %dma_wait3A_77 = arith.constant 0 : i32
        %dma_wait3A_78 = tpu.memref_slice %arg2[%dma_wait3A_76, %dma_wait3A_77] : memref<10112x144xf32, #tpu.memory_space<hbm>> -> memref<10112x144xf32, #tpu.memory_space<hbm>>
        tpu.wait_indirect_dma semaphore(%arg18 : memref<!tpu.dma_semaphore, #tpu.memory_space<semaphore_mem>>) src(%dma_wait3A_78 : memref<10112x144xf32, #tpu.memory_space<hbm>>) dst(%arg13 : memref<96x144xf32, #tpu.memory_space<vmem>>)
        %dma_wait3A_79 = arith.constant 0 : i32
        %dma_wait3A_80 = tpu.memref_slice %arg11[%add3A_30, %dma_wait3A_79] : memref<36x96xi32, #tpu.memory_space<vmem>> -> memref<1x96xi32, #tpu.memory_space<vmem>>
        %dma_wait3A_81 = tpu.memref_squeeze %dma_wait3A_80 : memref<1x96xi32, #tpu.memory_space<vmem>> -> memref<96xi32, #tpu.memory_space<vmem>>
        %dma_wait3A_82 = arith.constant 0 : i32
        %dma_wait3A_83 = arith.constant 0 : i32
        %dma_wait3A_84 = tpu.memref_slice %arg3[%dma_wait3A_82, %dma_wait3A_83] : memref<10112x16xf32, #tpu.memory_space<hbm>> -> memref<10112x16xf32, #tpu.memory_space<hbm>>
        tpu.wait_indirect_dma semaphore(%arg20 : memref<!tpu.dma_semaphore, #tpu.memory_space<semaphore_mem>>) src(%dma_wait3A_84 : memref<10112x16xf32, #tpu.memory_space<hbm>>) dst(%arg15 : memref<96x16xf32, #tpu.memory_space<vmem>>)
        %parallel_loop3A_85 = arith.constant 0 : i32
        %parallel_loop3A_86 = arith.constant 96 : i32
        %parallel_loop3A_87 = arith.constant 1 : i32
        scf.for %parallel_loop3A_106 = %parallel_loop3A_85 to %parallel_loop3A_86 step %parallel_loop3A_87  : i32 {
          %parallel_loop3A_107 = arith.index_cast %parallel_loop3A_106 : i32 to index
          %parallel_loop3A_108 = arith.constant 128 : index
          %parallel_loop3A_109 = tpu.vector_load %arg13[%parallel_loop3A_107, %parallel_loop3A_108] {strides = array<i32>} : memref<96x144xf32, #tpu.memory_space<vmem>>, vector<1x16xf32>,
          %parallel_loop3A_110 = vector.shape_cast %parallel_loop3A_109 : vector<1x16xf32> to vector<16xf32>
          %parallel_loop3A_111 = arith.index_cast %parallel_loop3A_106 : i32 to index
          %parallel_loop3A_112 = arith.constant 0 : index
          %parallel_loop3A_113 = tpu.vector_load %arg15[%parallel_loop3A_111, %parallel_loop3A_112] {strides = array<i32>} : memref<96x16xf32, #tpu.memory_space<vmem>>, vector<1x16xf32>,
          %parallel_loop3A_114 = vector.shape_cast %parallel_loop3A_113 : vector<1x16xf32> to vector<16xf32>
          %parallel_loop3A_115 = arith.addf %parallel_loop3A_110, %parallel_loop3A_114 : vector<16xf32>
          %parallel_loop3A_116 = arith.constant 0.000000e+00 : f32
          %parallel_loop3A_117 = vector.broadcast %parallel_loop3A_116 : f32 to vector<16xf32>
          %parallel_loop3A_118 = arith.cmpf ogt, %parallel_loop3A_115, %parallel_loop3A_117 : vector<16xf32>
          %parallel_loop3A_119 = arith.constant 2.000000e-01 : f32
          %parallel_loop3A_120 = vector.broadcast %parallel_loop3A_119 : f32 to vector<16xf32>
          %parallel_loop3A_121 = arith.mulf %parallel_loop3A_115, %parallel_loop3A_120 : vector<16xf32>
          %parallel_loop3A_122 = arith.select %parallel_loop3A_118, %parallel_loop3A_115, %parallel_loop3A_121 : vector<16xi1>, vector<16xf32>
          %parallel_loop3A_123 = arith.subf %parallel_loop3A_122, %get3A_4 : vector<16xf32>
          %parallel_loop3A_124 = math.exp %parallel_loop3A_123 : vector<16xf32>
          %parallel_loop3A_125 = arith.index_cast %parallel_loop3A_106 : i32 to index
          %parallel_loop3A_126 = arith.constant 128 : index
          %parallel_loop3A_127 = tpu.vector_load %arg13[%parallel_loop3A_125, %parallel_loop3A_126] {strides = array<i32>} : memref<96x144xf32, #tpu.memory_space<vmem>>, vector<1x16xf32>,
          %parallel_loop3A_128 = vector.shape_cast %parallel_loop3A_127 : vector<1x16xf32> to vector<16xf32>
          %parallel_loop3A_129 = vector.shape_cast %parallel_loop3A_124 : vector<16xf32> to vector<1x16xf32>
          tpu.vector_store %arg13[%parallel_loop3A_125, %parallel_loop3A_126], %parallel_loop3A_129 {strides = array<i32>} : memref<96x144xf32, #tpu.memory_space<vmem>>, vector<1x16xf32>,
          %parallel_loop3A_130 = arith.index_cast %parallel_loop3A_106 : i32 to index
          %parallel_loop3A_131 = arith.constant 0 : index
          %parallel_loop3A_132 = tpu.vector_load %arg13[%parallel_loop3A_130, %parallel_loop3A_131] {strides = array<i32>} : memref<96x144xf32, #tpu.memory_space<vmem>>, vector<1x16xf32>,
          %parallel_loop3A_133 = vector.shape_cast %parallel_loop3A_132 : vector<1x16xf32> to vector<16xf32>
          %parallel_loop3A_134 = arith.mulf %parallel_loop3A_133, %parallel_loop3A_124 : vector<16xf32>
          %parallel_loop3A_135 = arith.index_cast %parallel_loop3A_106 : i32 to index
          %parallel_loop3A_136 = arith.constant 0 : index
          %parallel_loop3A_137 = tpu.vector_load %arg13[%parallel_loop3A_135, %parallel_loop3A_136] {strides = array<i32>} : memref<96x144xf32, #tpu.memory_space<vmem>>, vector<1x16xf32>,
          %parallel_loop3A_138 = vector.shape_cast %parallel_loop3A_137 : vector<1x16xf32> to vector<16xf32>
          %parallel_loop3A_139 = vector.shape_cast %parallel_loop3A_134 : vector<16xf32> to vector<1x16xf32>
          tpu.vector_store %arg13[%parallel_loop3A_135, %parallel_loop3A_136], %parallel_loop3A_139 {strides = array<i32>} : memref<96x144xf32, #tpu.memory_space<vmem>>, vector<1x16xf32>,
          %parallel_loop3A_140 = arith.index_cast %parallel_loop3A_106 : i32 to index
          %parallel_loop3A_141 = arith.constant 16 : index
          %parallel_loop3A_142 = tpu.vector_load %arg13[%parallel_loop3A_140, %parallel_loop3A_141] {strides = array<i32>} : memref<96x144xf32, #tpu.memory_space<vmem>>, vector<1x16xf32>,
          %parallel_loop3A_143 = vector.shape_cast %parallel_loop3A_142 : vector<1x16xf32> to vector<16xf32>
          %parallel_loop3A_144 = arith.mulf %parallel_loop3A_143, %parallel_loop3A_124 : vector<16xf32>
          %parallel_loop3A_145 = arith.index_cast %parallel_loop3A_106 : i32 to index
          %parallel_loop3A_146 = arith.constant 16 : index
          %parallel_loop3A_147 = tpu.vector_load %arg13[%parallel_loop3A_145, %parallel_loop3A_146] {strides = array<i32>} : memref<96x144xf32, #tpu.memory_space<vmem>>, vector<1x16xf32>,
          %parallel_loop3A_148 = vector.shape_cast %parallel_loop3A_147 : vector<1x16xf32> to vector<16xf32>
          %parallel_loop3A_149 = vector.shape_cast %parallel_loop3A_144 : vector<16xf32> to vector<1x16xf32>
          tpu.vector_store %arg13[%parallel_loop3A_145, %parallel_loop3A_146], %parallel_loop3A_149 {strides = array<i32>} : memref<96x144xf32, #tpu.memory_space<vmem>>, vector<1x16xf32>,
          %parallel_loop3A_150 = arith.index_cast %parallel_loop3A_106 : i32 to index
          %parallel_loop3A_151 = arith.constant 32 : index
          %parallel_loop3A_152 = tpu.vector_load %arg13[%parallel_loop3A_150, %parallel_loop3A_151] {strides = array<i32>} : memref<96x144xf32, #tpu.memory_space<vmem>>, vector<1x16xf32>,
          %parallel_loop3A_153 = vector.shape_cast %parallel_loop3A_152 : vector<1x16xf32> to vector<16xf32>
          %parallel_loop3A_154 = arith.mulf %parallel_loop3A_153, %parallel_loop3A_124 : vector<16xf32>
          %parallel_loop3A_155 = arith.index_cast %parallel_loop3A_106 : i32 to index
          %parallel_loop3A_156 = arith.constant 32 : index
          %parallel_loop3A_157 = tpu.vector_load %arg13[%parallel_loop3A_155, %parallel_loop3A_156] {strides = array<i32>} : memref<96x144xf32, #tpu.memory_space<vmem>>, vector<1x16xf32>,
          %parallel_loop3A_158 = vector.shape_cast %parallel_loop3A_157 : vector<1x16xf32> to vector<16xf32>
          %parallel_loop3A_159 = vector.shape_cast %parallel_loop3A_154 : vector<16xf32> to vector<1x16xf32>
          tpu.vector_store %arg13[%parallel_loop3A_155, %parallel_loop3A_156], %parallel_loop3A_159 {strides = array<i32>} : memref<96x144xf32, #tpu.memory_space<vmem>>, vector<1x16xf32>,
          %parallel_loop3A_160 = arith.index_cast %parallel_loop3A_106 : i32 to index
          %parallel_loop3A_161 = arith.constant 48 : index
          %parallel_loop3A_162 = tpu.vector_load %arg13[%parallel_loop3A_160, %parallel_loop3A_161] {strides = array<i32>} : memref<96x144xf32, #tpu.memory_space<vmem>>, vector<1x16xf32>,
          %parallel_loop3A_163 = vector.shape_cast %parallel_loop3A_162 : vector<1x16xf32> to vector<16xf32>
          %parallel_loop3A_164 = arith.mulf %parallel_loop3A_163, %parallel_loop3A_124 : vector<16xf32>
          %parallel_loop3A_165 = arith.index_cast %parallel_loop3A_106 : i32 to index
          %parallel_loop3A_166 = arith.constant 48 : index
          %parallel_loop3A_167 = tpu.vector_load %arg13[%parallel_loop3A_165, %parallel_loop3A_166] {strides = array<i32>} : memref<96x144xf32, #tpu.memory_space<vmem>>, vector<1x16xf32>,
          %parallel_loop3A_168 = vector.shape_cast %parallel_loop3A_167 : vector<1x16xf32> to vector<16xf32>
          %parallel_loop3A_169 = vector.shape_cast %parallel_loop3A_164 : vector<16xf32> to vector<1x16xf32>
          tpu.vector_store %arg13[%parallel_loop3A_165, %parallel_loop3A_166], %parallel_loop3A_169 {strides = array<i32>} : memref<96x144xf32, #tpu.memory_space<vmem>>, vector<1x16xf32>,
          %parallel_loop3A_170 = arith.index_cast %parallel_loop3A_106 : i32 to index
          %parallel_loop3A_171 = arith.constant 64 : index
          %parallel_loop3A_172 = tpu.vector_load %arg13[%parallel_loop3A_170, %parallel_loop3A_171] {strides = array<i32>} : memref<96x144xf32, #tpu.memory_space<vmem>>, vector<1x16xf32>,
          %parallel_loop3A_173 = vector.shape_cast %parallel_loop3A_172 : vector<1x16xf32> to vector<16xf32>
          %parallel_loop3A_174 = arith.mulf %parallel_loop3A_173, %parallel_loop3A_124 : vector<16xf32>
          %parallel_loop3A_175 = arith.index_cast %parallel_loop3A_106 : i32 to index
          %parallel_loop3A_176 = arith.constant 64 : index
          %parallel_loop3A_177 = tpu.vector_load %arg13[%parallel_loop3A_175, %parallel_loop3A_176] {strides = array<i32>} : memref<96x144xf32, #tpu.memory_space<vmem>>, vector<1x16xf32>,
          %parallel_loop3A_178 = vector.shape_cast %parallel_loop3A_177 : vector<1x16xf32> to vector<16xf32>
          %parallel_loop3A_179 = vector.shape_cast %parallel_loop3A_174 : vector<16xf32> to vector<1x16xf32>
          tpu.vector_store %arg13[%parallel_loop3A_175, %parallel_loop3A_176], %parallel_loop3A_179 {strides = array<i32>} : memref<96x144xf32, #tpu.memory_space<vmem>>, vector<1x16xf32>,
          %parallel_loop3A_180 = arith.index_cast %parallel_loop3A_106 : i32 to index
          %parallel_loop3A_181 = arith.constant 80 : index
          %parallel_loop3A_182 = tpu.vector_load %arg13[%parallel_loop3A_180, %parallel_loop3A_181] {strides = array<i32>} : memref<96x144xf32, #tpu.memory_space<vmem>>, vector<1x16xf32>,
          %parallel_loop3A_183 = vector.shape_cast %parallel_loop3A_182 : vector<1x16xf32> to vector<16xf32>
          %parallel_loop3A_184 = arith.mulf %parallel_loop3A_183, %parallel_loop3A_124 : vector<16xf32>
          %parallel_loop3A_185 = arith.index_cast %parallel_loop3A_106 : i32 to index
          %parallel_loop3A_186 = arith.constant 80 : index
          %parallel_loop3A_187 = tpu.vector_load %arg13[%parallel_loop3A_185, %parallel_loop3A_186] {strides = array<i32>} : memref<96x144xf32, #tpu.memory_space<vmem>>, vector<1x16xf32>,
          %parallel_loop3A_188 = vector.shape_cast %parallel_loop3A_187 : vector<1x16xf32> to vector<16xf32>
          %parallel_loop3A_189 = vector.shape_cast %parallel_loop3A_184 : vector<16xf32> to vector<1x16xf32>
          tpu.vector_store %arg13[%parallel_loop3A_185, %parallel_loop3A_186], %parallel_loop3A_189 {strides = array<i32>} : memref<96x144xf32, #tpu.memory_space<vmem>>, vector<1x16xf32>,
          %parallel_loop3A_190 = arith.index_cast %parallel_loop3A_106 : i32 to index
          %parallel_loop3A_191 = arith.constant 96 : index
          %parallel_loop3A_192 = tpu.vector_load %arg13[%parallel_loop3A_190, %parallel_loop3A_191] {strides = array<i32>} : memref<96x144xf32, #tpu.memory_space<vmem>>, vector<1x16xf32>,
          %parallel_loop3A_193 = vector.shape_cast %parallel_loop3A_192 : vector<1x16xf32> to vector<16xf32>
          %parallel_loop3A_194 = arith.mulf %parallel_loop3A_193, %parallel_loop3A_124 : vector<16xf32>
          %parallel_loop3A_195 = arith.index_cast %parallel_loop3A_106 : i32 to index
          %parallel_loop3A_196 = arith.constant 96 : index
          %parallel_loop3A_197 = tpu.vector_load %arg13[%parallel_loop3A_195, %parallel_loop3A_196] {strides = array<i32>} : memref<96x144xf32, #tpu.memory_space<vmem>>, vector<1x16xf32>,
          %parallel_loop3A_198 = vector.shape_cast %parallel_loop3A_197 : vector<1x16xf32> to vector<16xf32>
          %parallel_loop3A_199 = vector.shape_cast %parallel_loop3A_194 : vector<16xf32> to vector<1x16xf32>
          tpu.vector_store %arg13[%parallel_loop3A_195, %parallel_loop3A_196], %parallel_loop3A_199 {strides = array<i32>} : memref<96x144xf32, #tpu.memory_space<vmem>>, vector<1x16xf32>,
          %parallel_loop3A_200 = arith.index_cast %parallel_loop3A_106 : i32 to index
          %parallel_loop3A_201 = arith.constant 112 : index
          %parallel_loop3A_202 = tpu.vector_load %arg13[%parallel_loop3A_200, %parallel_loop3A_201] {strides = array<i32>} : memref<96x144xf32, #tpu.memory_space<vmem>>, vector<1x16xf32>,
          %parallel_loop3A_203 = vector.shape_cast %parallel_loop3A_202 : vector<1x16xf32> to vector<16xf32>
          %parallel_loop3A_204 = arith.mulf %parallel_loop3A_203, %parallel_loop3A_124 : vector<16xf32>
          %parallel_loop3A_205 = arith.index_cast %parallel_loop3A_106 : i32 to index
          %parallel_loop3A_206 = arith.constant 112 : index
          %parallel_loop3A_207 = tpu.vector_load %arg13[%parallel_loop3A_205, %parallel_loop3A_206] {strides = array<i32>} : memref<96x144xf32, #tpu.memory_space<vmem>>, vector<1x16xf32>,
          %parallel_loop3A_208 = vector.shape_cast %parallel_loop3A_207 : vector<1x16xf32> to vector<16xf32>
          %parallel_loop3A_209 = vector.shape_cast %parallel_loop3A_204 : vector<16xf32> to vector<1x16xf32>
          tpu.vector_store %arg13[%parallel_loop3A_205, %parallel_loop3A_206], %parallel_loop3A_209 {strides = array<i32>} : memref<96x144xf32, #tpu.memory_space<vmem>>, vector<1x16xf32>,
        } {sc.loop_unroll_factor = 8 : i64, sc.parallel_access}
        %dma_start3A_88 = arith.constant 0 : i32
        %dma_start3A_89 = tpu.memref_slice %arg11[%add3A_30, %dma_start3A_88] : memref<36x96xi32, #tpu.memory_space<vmem>> -> memref<1x96xi32, #tpu.memory_space<vmem>>
        %dma_start3A_90 = tpu.memref_squeeze %dma_start3A_89 : memref<1x96xi32, #tpu.memory_space<vmem>> -> memref<96xi32, #tpu.memory_space<vmem>>
        %dma_start3A_91 = arith.constant 0 : i32
        %dma_start3A_92 = arith.constant 0 : i32
        %dma_start3A_93 = tpu.memref_slice %arg9[%dma_start3A_91, %dma_start3A_92] : memref<10112x144xf32, #tpu.memory_space<vmem_shared>> -> memref<10112x144xf32, #tpu.memory_space<vmem_shared>>
        tpu.enqueue_indirect_dma source(%arg13 : memref<96x144xf32, #tpu.memory_space<vmem>>) target(%dma_start3A_93 : memref<10112x144xf32, #tpu.memory_space<vmem_shared>>) offsets(%dma_start3A_90 : memref<96xi32, #tpu.memory_space<vmem>>) semaphore(%arg18 : memref<!tpu.dma_semaphore, #tpu.memory_space<semaphore_mem>>) {add = true}
        %dma_wait3A_94 = arith.constant 0 : i32
        %dma_wait3A_95 = tpu.memref_slice %arg11[%mul3A_28, %dma_wait3A_94] : memref<36x96xi32, #tpu.memory_space<vmem>> -> memref<1x96xi32, #tpu.memory_space<vmem>>
        %dma_wait3A_96 = tpu.memref_squeeze %dma_wait3A_95 : memref<1x96xi32, #tpu.memory_space<vmem>> -> memref<96xi32, #tpu.memory_space<vmem>>
        %dma_wait3A_97 = arith.constant 0 : i32
        %dma_wait3A_98 = arith.constant 0 : i32
        %dma_wait3A_99 = tpu.memref_slice %arg9[%dma_wait3A_97, %dma_wait3A_98] : memref<10112x144xf32, #tpu.memory_space<vmem_shared>> -> memref<10112x144xf32, #tpu.memory_space<vmem_shared>>
        tpu.wait_indirect_dma semaphore(%arg17 : memref<!tpu.dma_semaphore, #tpu.memory_space<semaphore_mem>>) src(%arg12 : memref<96x144xf32, #tpu.memory_space<vmem>>) dst(%dma_wait3A_99 : memref<10112x144xf32, #tpu.memory_space<vmem_shared>>)
        %dma_wait3A_100 = arith.constant 0 : i32
        %dma_wait3A_101 = tpu.memref_slice %arg11[%add3A_30, %dma_wait3A_100] : memref<36x96xi32, #tpu.memory_space<vmem>> -> memref<1x96xi32, #tpu.memory_space<vmem>>
        %dma_wait3A_102 = tpu.memref_squeeze %dma_wait3A_101 : memref<1x96xi32, #tpu.memory_space<vmem>> -> memref<96xi32, #tpu.memory_space<vmem>>
        %dma_wait3A_103 = arith.constant 0 : i32
        %dma_wait3A_104 = arith.constant 0 : i32
        %dma_wait3A_105 = tpu.memref_slice %arg9[%dma_wait3A_103, %dma_wait3A_104] : memref<10112x144xf32, #tpu.memory_space<vmem_shared>> -> memref<10112x144xf32, #tpu.memory_space<vmem_shared>>
        tpu.wait_indirect_dma semaphore(%arg18 : memref<!tpu.dma_semaphore, #tpu.memory_space<semaphore_mem>>) src(%arg13 : memref<96x144xf32, #tpu.memory_space<vmem>>) dst(%dma_wait3A_105 : memref<10112x144xf32, #tpu.memory_space<vmem_shared>>)
      }
      %scan3A_25 = arith.constant 18 : i32
    }
    %scan3A_9 = arith.constant 3 : i32
    %barrier3A_10 = arith.constant 0 : index
    tpu.barrier barrier_id(%barrier3A_10)
    %mul3A_11 = arith.constant 632 : i32
    %mul3A_12 = arith.muli %arg1, %mul3A_11 : i32
    %mul3A_13 = arith.constant 632 : i32
    %mul3A_14 = arith.muli %arg1, %mul3A_13 : i32
    "tpu.region"() ({
      %run_scoped3A = tpu.sem_alloc : memref<!tpu.dma_semaphore, #tpu.memory_space<semaphore_mem>>
      %dma_start3A = arith.constant 0 : i32
      %dma_start3A_15 = tpu.memref_slice %arg8[%arg0, %mul3A_14, %dma_start3A] : memref<2x10112x144xf32, #tpu.memory_space<hbm>> -> memref<1x632x144xf32, #tpu.memory_space<hbm>>
      %dma_start3A_16 = tpu.memref_squeeze %dma_start3A_15 : memref<1x632x144xf32, #tpu.memory_space<hbm>> -> memref<632x144xf32, #tpu.memory_space<hbm>>
      %dma_start3A_17 = arith.constant 0 : i32
      %dma_start3A_18 = tpu.memref_slice %arg9[%mul3A_12, %dma_start3A_17] : memref<10112x144xf32, #tpu.memory_space<vmem_shared>> -> memref<632x144xf32, #tpu.memory_space<vmem_shared>>
      tpu.enqueue_dma source(%dma_start3A_18 : memref<632x144xf32, #tpu.memory_space<vmem_shared>>) target(%dma_start3A_16 : memref<632x144xf32, #tpu.memory_space<hbm>>) target_semaphore(%run_scoped3A : memref<!tpu.dma_semaphore, #tpu.memory_space<semaphore_mem>>)
      %dma_wait3A = arith.constant 0 : i32
      %dma_wait3A_19 = tpu.memref_slice %arg8[%arg0, %mul3A_14, %dma_wait3A] : memref<2x10112x144xf32, #tpu.memory_space<hbm>> -> memref<1x632x144xf32, #tpu.memory_space<hbm>>
      %dma_wait3A_20 = tpu.memref_squeeze %dma_wait3A_19 : memref<1x632x144xf32, #tpu.memory_space<hbm>> -> memref<632x144xf32, #tpu.memory_space<hbm>>
      %dma_wait3A_21 = arith.constant 0 : i32
      %dma_wait3A_22 = tpu.memref_slice %arg9[%mul3A_12, %dma_wait3A_21] : memref<10112x144xf32, #tpu.memory_space<vmem_shared>> -> memref<632x144xf32, #tpu.memory_space<vmem_shared>>
      tpu.wait_dma2 semaphore(%run_scoped3A : memref<!tpu.dma_semaphore, #tpu.memory_space<semaphore_mem>>) src(%dma_wait3A_22 : memref<632x144xf32, #tpu.memory_space<vmem_shared>>) dst(%dma_wait3A_20 : memref<632x144xf32, #tpu.memory_space<hbm>>)
      tpu.yield
    }) : () -> ()
    return
  }
}

#map = affine_map<(d0, d1) -> (0, 0)>
#map1 = affine_map<(d0, d1) -> (0)>
#map2 = affine_map<(d0, d1) -> (0, 0, 0)>
module attributes {stable_mosaic.version = 14 : i64} {
  func.func @_sc_edge_body(%arg0: i32, %arg1: i32, %arg2: memref<10112x144xf32, #tpu.memory_space<hbm>>, %arg3: memref<10112x16xf32, #tpu.memory_space<hbm>>, %arg4: memref<16xf32, #tpu.memory_space<hbm>>, %arg5: memref<32x108x96xi32, #tpu.memory_space<hbm>>, %arg6: memref<32x108x96xi32, #tpu.memory_space<hbm>>, %arg7: memref<632x144xf32, #tpu.memory_space<hbm>>, %arg8: memref<2x10112x144xf32, #tpu.memory_space<hbm>>, %arg9: memref<10112x144xf32, #tpu.memory_space<vmem_shared>>, %arg10: memref<36x96xi32, #tpu.memory_space<vmem>>, %arg11: memref<36x96xi32, #tpu.memory_space<vmem>>, %arg12: memref<96x144xf32, #tpu.memory_space<vmem>>, %arg13: memref<96x144xf32, #tpu.memory_space<vmem>>, %arg14: memref<96x16xf32, #tpu.memory_space<vmem>>, %arg15: memref<96x16xf32, #tpu.memory_space<vmem>>, %arg16: memref<16xf32, #tpu.memory_space<vmem>>, %arg17: memref<!tpu.dma_semaphore, #tpu.memory_space<semaphore_mem>>, %arg18: memref<!tpu.dma_semaphore, #tpu.memory_space<semaphore_mem>>, %arg19: memref<!tpu.dma_semaphore, #tpu.memory_space<semaphore_mem>>, %arg20: memref<!tpu.dma_semaphore, #tpu.memory_space<semaphore_mem>>) attributes {dimension_semantics = [#tpu.dimension_semantics<core_parallel>, #tpu.dimension_semantics<subcore_parallel>], iteration_bounds = array<i64: 2, 16>, scalar_prefetch = 0 : i64, scratch_operands = 12 : i64, tpu.core_type = #tpu.core_type<sc_vector_subcore>, window_params = [{transform_indices = #map}, {transform_indices = #map}, {transform_indices = #map1}, {transform_indices = #map2}, {transform_indices = #map2}, {transform_indices = #map}, {transform_indices = #map2}]} {
    %mul3A = arith.constant 16 : i32
    %mul3A_0 = arith.muli %arg0, %mul3A : i32
    %add3A = arith.addi %mul3A_0, %arg1 : i32
    %mul3A_1 = arith.constant 632 : i32
    %mul3A_2 = arith.muli %arg1, %mul3A_1 : i32
    "tpu.region"() ({
      %run_scoped3A = tpu.sem_alloc : memref<!tpu.dma_semaphore, #tpu.memory_space<semaphore_mem>>
      %dma_start3A = arith.constant 0 : i32
      %dma_start3A_15 = tpu.memref_slice %arg9[%mul3A_2, %dma_start3A] : memref<10112x144xf32, #tpu.memory_space<vmem_shared>> -> memref<632x144xf32, #tpu.memory_space<vmem_shared>>
      tpu.enqueue_dma source(%arg7 : memref<632x144xf32, #tpu.memory_space<hbm>>) target(%dma_start3A_15 : memref<632x144xf32, #tpu.memory_space<vmem_shared>>) target_semaphore(%run_scoped3A : memref<!tpu.dma_semaphore, #tpu.memory_space<semaphore_mem>>)
      %dma_wait3A = arith.constant 0 : i32
      %dma_wait3A_16 = tpu.memref_slice %arg9[%mul3A_2, %dma_wait3A] : memref<10112x144xf32, #tpu.memory_space<vmem_shared>> -> memref<632x144xf32, #tpu.memory_space<vmem_shared>>
      tpu.wait_dma2 semaphore(%run_scoped3A : memref<!tpu.dma_semaphore, #tpu.memory_space<semaphore_mem>>) src(%arg7 : memref<632x144xf32, #tpu.memory_space<hbm>>) dst(%dma_wait3A_16 : memref<632x144xf32, #tpu.memory_space<vmem_shared>>)
      tpu.yield
    }) : () -> ()
    "tpu.region"() ({
      %run_scoped3A = tpu.sem_alloc : memref<!tpu.dma_semaphore, #tpu.memory_space<semaphore_mem>>
      tpu.enqueue_dma source(%arg4 : memref<16xf32, #tpu.memory_space<hbm>>) target(%arg16 : memref<16xf32, #tpu.memory_space<vmem>>) target_semaphore(%run_scoped3A : memref<!tpu.dma_semaphore, #tpu.memory_space<semaphore_mem>>)
      tpu.wait_dma2 semaphore(%run_scoped3A : memref<!tpu.dma_semaphore, #tpu.memory_space<semaphore_mem>>) src(%arg4 : memref<16xf32, #tpu.memory_space<hbm>>) dst(%arg16 : memref<16xf32, #tpu.memory_space<vmem>>)
      tpu.yield
    }) : () -> ()
    %barrier3A = arith.constant 0 : index
    tpu.barrier barrier_id(%barrier3A)
    %get3A = arith.constant 0 : index
    %get3A_3 = tpu.vector_load %arg16[%get3A] {strides = array<i32>} : memref<16xf32, #tpu.memory_space<vmem>>, vector<16xf32>,
    %get3A_4 = vector.shape_cast %get3A_3 : vector<16xf32> to vector<16xf32>
    %scan3A = arith.constant 0 : i32
    %scan3A_5 = arith.constant 0 : i32
    %scan3A_6 = arith.constant 3 : i32
    %scan3A_7 = arith.addi %scan3A_5, %scan3A_6 : i32
    %scan3A_8 = arith.constant 1 : i32
    scf.for %scan3A_15 = %scan3A_5 to %scan3A_7 step %scan3A_8  : i32 {
      %mul3A_16 = arith.constant 36 : i32
      %mul3A_17 = arith.muli %scan3A_15, %mul3A_16 : i32
      "tpu.region"() ({
        %run_scoped3A = tpu.sem_alloc : memref<!tpu.dma_semaphore, #tpu.memory_space<semaphore_mem>>
        %dma_start3A = arith.constant 0 : i32
        %dma_start3A_26 = tpu.memref_slice %arg5[%add3A, %mul3A_17, %dma_start3A] : memref<32x108x96xi32, #tpu.memory_space<hbm>> -> memref<1x36x96xi32, #tpu.memory_space<hbm>>
        %dma_start3A_27 = tpu.memref_squeeze %dma_start3A_26 : memref<1x36x96xi32, #tpu.memory_space<hbm>> -> memref<36x96xi32, #tpu.memory_space<hbm>>
        %dma_start3A_28 = arith.constant 0 : i32
        %dma_start3A_29 = tpu.memref_slice %arg5[%add3A, %mul3A_17, %dma_start3A_28] : memref<32x108x96xi32, #tpu.memory_space<hbm>> -> memref<1x36x96xi32, #tpu.memory_space<hbm>>
        %dma_start3A_30 = tpu.memref_squeeze %dma_start3A_29 : memref<1x36x96xi32, #tpu.memory_space<hbm>> -> memref<36x96xi32, #tpu.memory_space<hbm>>
        tpu.enqueue_dma source(%dma_start3A_30 : memref<36x96xi32, #tpu.memory_space<hbm>>) target(%arg10 : memref<36x96xi32, #tpu.memory_space<vmem>>) target_semaphore(%run_scoped3A : memref<!tpu.dma_semaphore, #tpu.memory_space<semaphore_mem>>)
        %dma_wait3A = arith.constant 0 : i32
        %dma_wait3A_31 = tpu.memref_slice %arg5[%add3A, %mul3A_17, %dma_wait3A] : memref<32x108x96xi32, #tpu.memory_space<hbm>> -> memref<1x36x96xi32, #tpu.memory_space<hbm>>
        %dma_wait3A_32 = tpu.memref_squeeze %dma_wait3A_31 : memref<1x36x96xi32, #tpu.memory_space<hbm>> -> memref<36x96xi32, #tpu.memory_space<hbm>>
        %dma_wait3A_33 = arith.constant 0 : i32
        %dma_wait3A_34 = tpu.memref_slice %arg5[%add3A, %mul3A_17, %dma_wait3A_33] : memref<32x108x96xi32, #tpu.memory_space<hbm>> -> memref<1x36x96xi32, #tpu.memory_space<hbm>>
        %dma_wait3A_35 = tpu.memref_squeeze %dma_wait3A_34 : memref<1x36x96xi32, #tpu.memory_space<hbm>> -> memref<36x96xi32, #tpu.memory_space<hbm>>
        tpu.wait_dma2 semaphore(%run_scoped3A : memref<!tpu.dma_semaphore, #tpu.memory_space<semaphore_mem>>) src(%dma_wait3A_35 : memref<36x96xi32, #tpu.memory_space<hbm>>) dst(%arg10 : memref<36x96xi32, #tpu.memory_space<vmem>>)
        tpu.yield
      }) : () -> ()
      %mul3A_18 = arith.constant 36 : i32
      %mul3A_19 = arith.muli %scan3A_15, %mul3A_18 : i32
      "tpu.region"() ({
        %run_scoped3A = tpu.sem_alloc : memref<!tpu.dma_semaphore, #tpu.memory_space<semaphore_mem>>
        %dma_start3A = arith.constant 0 : i32
        %dma_start3A_26 = tpu.memref_slice %arg6[%add3A, %mul3A_19, %dma_start3A] : memref<32x108x96xi32, #tpu.memory_space<hbm>> -> memref<1x36x96xi32, #tpu.memory_space<hbm>>
        %dma_start3A_27 = tpu.memref_squeeze %dma_start3A_26 : memref<1x36x96xi32, #tpu.memory_space<hbm>> -> memref<36x96xi32, #tpu.memory_space<hbm>>
        %dma_start3A_28 = arith.constant 0 : i32
        %dma_start3A_29 = tpu.memref_slice %arg6[%add3A, %mul3A_19, %dma_start3A_28] : memref<32x108x96xi32, #tpu.memory_space<hbm>> -> memref<1x36x96xi32, #tpu.memory_space<hbm>>
        %dma_start3A_30 = tpu.memref_squeeze %dma_start3A_29 : memref<1x36x96xi32, #tpu.memory_space<hbm>> -> memref<36x96xi32, #tpu.memory_space<hbm>>
        tpu.enqueue_dma source(%dma_start3A_30 : memref<36x96xi32, #tpu.memory_space<hbm>>) target(%arg11 : memref<36x96xi32, #tpu.memory_space<vmem>>) target_semaphore(%run_scoped3A : memref<!tpu.dma_semaphore, #tpu.memory_space<semaphore_mem>>)
        %dma_wait3A = arith.constant 0 : i32
        %dma_wait3A_31 = tpu.memref_slice %arg6[%add3A, %mul3A_19, %dma_wait3A] : memref<32x108x96xi32, #tpu.memory_space<hbm>> -> memref<1x36x96xi32, #tpu.memory_space<hbm>>
        %dma_wait3A_32 = tpu.memref_squeeze %dma_wait3A_31 : memref<1x36x96xi32, #tpu.memory_space<hbm>> -> memref<36x96xi32, #tpu.memory_space<hbm>>
        %dma_wait3A_33 = arith.constant 0 : i32
        %dma_wait3A_34 = tpu.memref_slice %arg6[%add3A, %mul3A_19, %dma_wait3A_33] : memref<32x108x96xi32, #tpu.memory_space<hbm>> -> memref<1x36x96xi32, #tpu.memory_space<hbm>>
        %dma_wait3A_35 = tpu.memref_squeeze %dma_wait3A_34 : memref<1x36x96xi32, #tpu.memory_space<hbm>> -> memref<36x96xi32, #tpu.memory_space<hbm>>
        tpu.wait_dma2 semaphore(%run_scoped3A : memref<!tpu.dma_semaphore, #tpu.memory_space<semaphore_mem>>) src(%dma_wait3A_35 : memref<36x96xi32, #tpu.memory_space<hbm>>) dst(%arg11 : memref<36x96xi32, #tpu.memory_space<vmem>>)
        tpu.yield
      }) : () -> ()
      %scan3A_20 = arith.constant 0 : i32
      %scan3A_21 = arith.constant 0 : i32
      %scan3A_22 = arith.constant 18 : i32
      %scan3A_23 = arith.addi %scan3A_21, %scan3A_22 : i32
      %scan3A_24 = arith.constant 1 : i32
      scf.for %scan3A_26 = %scan3A_21 to %scan3A_23 step %scan3A_24  : i32 {
        %mul3A_27 = arith.constant 2 : i32
        %mul3A_28 = arith.muli %mul3A_27, %scan3A_26 : i32
        %add3A_29 = arith.constant 1 : i32
        %add3A_30 = arith.addi %mul3A_28, %add3A_29 : i32
        %dma_start3A = arith.constant 0 : i32
        %dma_start3A_31 = tpu.memref_slice %arg10[%mul3A_28, %dma_start3A] : memref<36x96xi32, #tpu.memory_space<vmem>> -> memref<1x96xi32, #tpu.memory_space<vmem>>
        %dma_start3A_32 = tpu.memref_squeeze %dma_start3A_31 : memref<1x96xi32, #tpu.memory_space<vmem>> -> memref<96xi32, #tpu.memory_space<vmem>>
        %dma_start3A_33 = arith.constant 0 : i32
        %dma_start3A_34 = arith.constant 0 : i32
        %dma_start3A_35 = tpu.memref_slice %arg2[%dma_start3A_33, %dma_start3A_34] : memref<10112x144xf32, #tpu.memory_space<hbm>> -> memref<10112x144xf32, #tpu.memory_space<hbm>>
        tpu.enqueue_indirect_dma source(%dma_start3A_35 : memref<10112x144xf32, #tpu.memory_space<hbm>>) target(%arg12 : memref<96x144xf32, #tpu.memory_space<vmem>>) offsets(%dma_start3A_32 : memref<96xi32, #tpu.memory_space<vmem>>) semaphore(%arg17 : memref<!tpu.dma_semaphore, #tpu.memory_space<semaphore_mem>>)
        %dma_start3A_36 = arith.constant 0 : i32
        %dma_start3A_37 = tpu.memref_slice %arg11[%mul3A_28, %dma_start3A_36] : memref<36x96xi32, #tpu.memory_space<vmem>> -> memref<1x96xi32, #tpu.memory_space<vmem>>
        %dma_start3A_38 = tpu.memref_squeeze %dma_start3A_37 : memref<1x96xi32, #tpu.memory_space<vmem>> -> memref<96xi32, #tpu.memory_space<vmem>>
        %dma_start3A_39 = arith.constant 0 : i32
        %dma_start3A_40 = arith.constant 0 : i32
        %dma_start3A_41 = tpu.memref_slice %arg3[%dma_start3A_39, %dma_start3A_40] : memref<10112x16xf32, #tpu.memory_space<hbm>> -> memref<10112x16xf32, #tpu.memory_space<hbm>>
        tpu.enqueue_indirect_dma source(%dma_start3A_41 : memref<10112x16xf32, #tpu.memory_space<hbm>>) target(%arg14 : memref<96x16xf32, #tpu.memory_space<vmem>>) offsets(%dma_start3A_38 : memref<96xi32, #tpu.memory_space<vmem>>) semaphore(%arg19 : memref<!tpu.dma_semaphore, #tpu.memory_space<semaphore_mem>>)
        %dma_start3A_42 = arith.constant 0 : i32
        %dma_start3A_43 = tpu.memref_slice %arg10[%add3A_30, %dma_start3A_42] : memref<36x96xi32, #tpu.memory_space<vmem>> -> memref<1x96xi32, #tpu.memory_space<vmem>>
        %dma_start3A_44 = tpu.memref_squeeze %dma_start3A_43 : memref<1x96xi32, #tpu.memory_space<vmem>> -> memref<96xi32, #tpu.memory_space<vmem>>
        %dma_start3A_45 = arith.constant 0 : i32
        %dma_start3A_46 = arith.constant 0 : i32
        %dma_start3A_47 = tpu.memref_slice %arg2[%dma_start3A_45, %dma_start3A_46] : memref<10112x144xf32, #tpu.memory_space<hbm>> -> memref<10112x144xf32, #tpu.memory_space<hbm>>
        tpu.enqueue_indirect_dma source(%dma_start3A_47 : memref<10112x144xf32, #tpu.memory_space<hbm>>) target(%arg13 : memref<96x144xf32, #tpu.memory_space<vmem>>) offsets(%dma_start3A_44 : memref<96xi32, #tpu.memory_space<vmem>>) semaphore(%arg18 : memref<!tpu.dma_semaphore, #tpu.memory_space<semaphore_mem>>)
        %dma_start3A_48 = arith.constant 0 : i32
        %dma_start3A_49 = tpu.memref_slice %arg11[%add3A_30, %dma_start3A_48] : memref<36x96xi32, #tpu.memory_space<vmem>> -> memref<1x96xi32, #tpu.memory_space<vmem>>
        %dma_start3A_50 = tpu.memref_squeeze %dma_start3A_49 : memref<1x96xi32, #tpu.memory_space<vmem>> -> memref<96xi32, #tpu.memory_space<vmem>>
        %dma_start3A_51 = arith.constant 0 : i32
        %dma_start3A_52 = arith.constant 0 : i32
        %dma_start3A_53 = tpu.memref_slice %arg3[%dma_start3A_51, %dma_start3A_52] : memref<10112x16xf32, #tpu.memory_space<hbm>> -> memref<10112x16xf32, #tpu.memory_space<hbm>>
        tpu.enqueue_indirect_dma source(%dma_start3A_53 : memref<10112x16xf32, #tpu.memory_space<hbm>>) target(%arg15 : memref<96x16xf32, #tpu.memory_space<vmem>>) offsets(%dma_start3A_50 : memref<96xi32, #tpu.memory_space<vmem>>) semaphore(%arg20 : memref<!tpu.dma_semaphore, #tpu.memory_space<semaphore_mem>>)
        %dma_wait3A = arith.constant 0 : i32
        %dma_wait3A_54 = tpu.memref_slice %arg10[%mul3A_28, %dma_wait3A] : memref<36x96xi32, #tpu.memory_space<vmem>> -> memref<1x96xi32, #tpu.memory_space<vmem>>
        %dma_wait3A_55 = tpu.memref_squeeze %dma_wait3A_54 : memref<1x96xi32, #tpu.memory_space<vmem>> -> memref<96xi32, #tpu.memory_space<vmem>>
        %dma_wait3A_56 = arith.constant 0 : i32
        %dma_wait3A_57 = arith.constant 0 : i32
        %dma_wait3A_58 = tpu.memref_slice %arg2[%dma_wait3A_56, %dma_wait3A_57] : memref<10112x144xf32, #tpu.memory_space<hbm>> -> memref<10112x144xf32, #tpu.memory_space<hbm>>
        tpu.wait_indirect_dma semaphore(%arg17 : memref<!tpu.dma_semaphore, #tpu.memory_space<semaphore_mem>>) src(%dma_wait3A_58 : memref<10112x144xf32, #tpu.memory_space<hbm>>) dst(%arg12 : memref<96x144xf32, #tpu.memory_space<vmem>>)
        %dma_wait3A_59 = arith.constant 0 : i32
        %dma_wait3A_60 = tpu.memref_slice %arg11[%mul3A_28, %dma_wait3A_59] : memref<36x96xi32, #tpu.memory_space<vmem>> -> memref<1x96xi32, #tpu.memory_space<vmem>>
        %dma_wait3A_61 = tpu.memref_squeeze %dma_wait3A_60 : memref<1x96xi32, #tpu.memory_space<vmem>> -> memref<96xi32, #tpu.memory_space<vmem>>
        %dma_wait3A_62 = arith.constant 0 : i32
        %dma_wait3A_63 = arith.constant 0 : i32
        %dma_wait3A_64 = tpu.memref_slice %arg3[%dma_wait3A_62, %dma_wait3A_63] : memref<10112x16xf32, #tpu.memory_space<hbm>> -> memref<10112x16xf32, #tpu.memory_space<hbm>>
        tpu.wait_indirect_dma semaphore(%arg19 : memref<!tpu.dma_semaphore, #tpu.memory_space<semaphore_mem>>) src(%dma_wait3A_64 : memref<10112x16xf32, #tpu.memory_space<hbm>>) dst(%arg14 : memref<96x16xf32, #tpu.memory_space<vmem>>)
        %parallel_loop3A = arith.constant 0 : i32
        %parallel_loop3A_65 = arith.constant 96 : i32
        %parallel_loop3A_66 = arith.constant 1 : i32
        scf.for %parallel_loop3A_106 = %parallel_loop3A to %parallel_loop3A_65 step %parallel_loop3A_66  : i32 {
          %parallel_loop3A_107 = arith.index_cast %parallel_loop3A_106 : i32 to index
          %parallel_loop3A_108 = arith.constant 128 : index
          %parallel_loop3A_109 = tpu.vector_load %arg12[%parallel_loop3A_107, %parallel_loop3A_108] {strides = array<i32>} : memref<96x144xf32, #tpu.memory_space<vmem>>, vector<1x16xf32>,
          %parallel_loop3A_110 = vector.shape_cast %parallel_loop3A_109 : vector<1x16xf32> to vector<16xf32>
          %parallel_loop3A_111 = arith.index_cast %parallel_loop3A_106 : i32 to index
          %parallel_loop3A_112 = arith.constant 0 : index
          %parallel_loop3A_113 = tpu.vector_load %arg14[%parallel_loop3A_111, %parallel_loop3A_112] {strides = array<i32>} : memref<96x16xf32, #tpu.memory_space<vmem>>, vector<1x16xf32>,
          %parallel_loop3A_114 = vector.shape_cast %parallel_loop3A_113 : vector<1x16xf32> to vector<16xf32>
          %parallel_loop3A_115 = arith.addf %parallel_loop3A_110, %parallel_loop3A_114 : vector<16xf32>
          %parallel_loop3A_116 = arith.constant 0.000000e+00 : f32
          %parallel_loop3A_117 = vector.broadcast %parallel_loop3A_116 : f32 to vector<16xf32>
          %parallel_loop3A_118 = arith.cmpf ogt, %parallel_loop3A_115, %parallel_loop3A_117 : vector<16xf32>
          %parallel_loop3A_119 = arith.constant 2.000000e-01 : f32
          %parallel_loop3A_120 = vector.broadcast %parallel_loop3A_119 : f32 to vector<16xf32>
          %parallel_loop3A_121 = arith.mulf %parallel_loop3A_115, %parallel_loop3A_120 : vector<16xf32>
          %parallel_loop3A_122 = arith.select %parallel_loop3A_118, %parallel_loop3A_115, %parallel_loop3A_121 : vector<16xi1>, vector<16xf32>
          %parallel_loop3A_123 = arith.subf %parallel_loop3A_122, %get3A_4 : vector<16xf32>
          %parallel_loop3A_124 = math.exp %parallel_loop3A_123 : vector<16xf32>
          %parallel_loop3A_125 = arith.index_cast %parallel_loop3A_106 : i32 to index
          %parallel_loop3A_126 = arith.constant 128 : index
          %parallel_loop3A_127 = tpu.vector_load %arg12[%parallel_loop3A_125, %parallel_loop3A_126] {strides = array<i32>} : memref<96x144xf32, #tpu.memory_space<vmem>>, vector<1x16xf32>,
          %parallel_loop3A_128 = vector.shape_cast %parallel_loop3A_127 : vector<1x16xf32> to vector<16xf32>
          %parallel_loop3A_129 = vector.shape_cast %parallel_loop3A_124 : vector<16xf32> to vector<1x16xf32>
          tpu.vector_store %arg12[%parallel_loop3A_125, %parallel_loop3A_126], %parallel_loop3A_129 {strides = array<i32>} : memref<96x144xf32, #tpu.memory_space<vmem>>, vector<1x16xf32>,
          %parallel_loop3A_130 = arith.index_cast %parallel_loop3A_106 : i32 to index
          %parallel_loop3A_131 = arith.constant 0 : index
          %parallel_loop3A_132 = tpu.vector_load %arg12[%parallel_loop3A_130, %parallel_loop3A_131] {strides = array<i32>} : memref<96x144xf32, #tpu.memory_space<vmem>>, vector<1x16xf32>,
          %parallel_loop3A_133 = vector.shape_cast %parallel_loop3A_132 : vector<1x16xf32> to vector<16xf32>
          %parallel_loop3A_134 = arith.mulf %parallel_loop3A_133, %parallel_loop3A_124 : vector<16xf32>
          %parallel_loop3A_135 = arith.index_cast %parallel_loop3A_106 : i32 to index
          %parallel_loop3A_136 = arith.constant 0 : index
          %parallel_loop3A_137 = tpu.vector_load %arg12[%parallel_loop3A_135, %parallel_loop3A_136] {strides = array<i32>} : memref<96x144xf32, #tpu.memory_space<vmem>>, vector<1x16xf32>,
          %parallel_loop3A_138 = vector.shape_cast %parallel_loop3A_137 : vector<1x16xf32> to vector<16xf32>
          %parallel_loop3A_139 = vector.shape_cast %parallel_loop3A_134 : vector<16xf32> to vector<1x16xf32>
          tpu.vector_store %arg12[%parallel_loop3A_135, %parallel_loop3A_136], %parallel_loop3A_139 {strides = array<i32>} : memref<96x144xf32, #tpu.memory_space<vmem>>, vector<1x16xf32>,
          %parallel_loop3A_140 = arith.index_cast %parallel_loop3A_106 : i32 to index
          %parallel_loop3A_141 = arith.constant 16 : index
          %parallel_loop3A_142 = tpu.vector_load %arg12[%parallel_loop3A_140, %parallel_loop3A_141] {strides = array<i32>} : memref<96x144xf32, #tpu.memory_space<vmem>>, vector<1x16xf32>,
          %parallel_loop3A_143 = vector.shape_cast %parallel_loop3A_142 : vector<1x16xf32> to vector<16xf32>
          %parallel_loop3A_144 = arith.mulf %parallel_loop3A_143, %parallel_loop3A_124 : vector<16xf32>
          %parallel_loop3A_145 = arith.index_cast %parallel_loop3A_106 : i32 to index
          %parallel_loop3A_146 = arith.constant 16 : index
          %parallel_loop3A_147 = tpu.vector_load %arg12[%parallel_loop3A_145, %parallel_loop3A_146] {strides = array<i32>} : memref<96x144xf32, #tpu.memory_space<vmem>>, vector<1x16xf32>,
          %parallel_loop3A_148 = vector.shape_cast %parallel_loop3A_147 : vector<1x16xf32> to vector<16xf32>
          %parallel_loop3A_149 = vector.shape_cast %parallel_loop3A_144 : vector<16xf32> to vector<1x16xf32>
          tpu.vector_store %arg12[%parallel_loop3A_145, %parallel_loop3A_146], %parallel_loop3A_149 {strides = array<i32>} : memref<96x144xf32, #tpu.memory_space<vmem>>, vector<1x16xf32>,
          %parallel_loop3A_150 = arith.index_cast %parallel_loop3A_106 : i32 to index
          %parallel_loop3A_151 = arith.constant 32 : index
          %parallel_loop3A_152 = tpu.vector_load %arg12[%parallel_loop3A_150, %parallel_loop3A_151] {strides = array<i32>} : memref<96x144xf32, #tpu.memory_space<vmem>>, vector<1x16xf32>,
          %parallel_loop3A_153 = vector.shape_cast %parallel_loop3A_152 : vector<1x16xf32> to vector<16xf32>
          %parallel_loop3A_154 = arith.mulf %parallel_loop3A_153, %parallel_loop3A_124 : vector<16xf32>
          %parallel_loop3A_155 = arith.index_cast %parallel_loop3A_106 : i32 to index
          %parallel_loop3A_156 = arith.constant 32 : index
          %parallel_loop3A_157 = tpu.vector_load %arg12[%parallel_loop3A_155, %parallel_loop3A_156] {strides = array<i32>} : memref<96x144xf32, #tpu.memory_space<vmem>>, vector<1x16xf32>,
          %parallel_loop3A_158 = vector.shape_cast %parallel_loop3A_157 : vector<1x16xf32> to vector<16xf32>
          %parallel_loop3A_159 = vector.shape_cast %parallel_loop3A_154 : vector<16xf32> to vector<1x16xf32>
          tpu.vector_store %arg12[%parallel_loop3A_155, %parallel_loop3A_156], %parallel_loop3A_159 {strides = array<i32>} : memref<96x144xf32, #tpu.memory_space<vmem>>, vector<1x16xf32>,
          %parallel_loop3A_160 = arith.index_cast %parallel_loop3A_106 : i32 to index
          %parallel_loop3A_161 = arith.constant 48 : index
          %parallel_loop3A_162 = tpu.vector_load %arg12[%parallel_loop3A_160, %parallel_loop3A_161] {strides = array<i32>} : memref<96x144xf32, #tpu.memory_space<vmem>>, vector<1x16xf32>,
          %parallel_loop3A_163 = vector.shape_cast %parallel_loop3A_162 : vector<1x16xf32> to vector<16xf32>
          %parallel_loop3A_164 = arith.mulf %parallel_loop3A_163, %parallel_loop3A_124 : vector<16xf32>
          %parallel_loop3A_165 = arith.index_cast %parallel_loop3A_106 : i32 to index
          %parallel_loop3A_166 = arith.constant 48 : index
          %parallel_loop3A_167 = tpu.vector_load %arg12[%parallel_loop3A_165, %parallel_loop3A_166] {strides = array<i32>} : memref<96x144xf32, #tpu.memory_space<vmem>>, vector<1x16xf32>,
          %parallel_loop3A_168 = vector.shape_cast %parallel_loop3A_167 : vector<1x16xf32> to vector<16xf32>
          %parallel_loop3A_169 = vector.shape_cast %parallel_loop3A_164 : vector<16xf32> to vector<1x16xf32>
          tpu.vector_store %arg12[%parallel_loop3A_165, %parallel_loop3A_166], %parallel_loop3A_169 {strides = array<i32>} : memref<96x144xf32, #tpu.memory_space<vmem>>, vector<1x16xf32>,
          %parallel_loop3A_170 = arith.index_cast %parallel_loop3A_106 : i32 to index
          %parallel_loop3A_171 = arith.constant 64 : index
          %parallel_loop3A_172 = tpu.vector_load %arg12[%parallel_loop3A_170, %parallel_loop3A_171] {strides = array<i32>} : memref<96x144xf32, #tpu.memory_space<vmem>>, vector<1x16xf32>,
          %parallel_loop3A_173 = vector.shape_cast %parallel_loop3A_172 : vector<1x16xf32> to vector<16xf32>
          %parallel_loop3A_174 = arith.mulf %parallel_loop3A_173, %parallel_loop3A_124 : vector<16xf32>
          %parallel_loop3A_175 = arith.index_cast %parallel_loop3A_106 : i32 to index
          %parallel_loop3A_176 = arith.constant 64 : index
          %parallel_loop3A_177 = tpu.vector_load %arg12[%parallel_loop3A_175, %parallel_loop3A_176] {strides = array<i32>} : memref<96x144xf32, #tpu.memory_space<vmem>>, vector<1x16xf32>,
          %parallel_loop3A_178 = vector.shape_cast %parallel_loop3A_177 : vector<1x16xf32> to vector<16xf32>
          %parallel_loop3A_179 = vector.shape_cast %parallel_loop3A_174 : vector<16xf32> to vector<1x16xf32>
          tpu.vector_store %arg12[%parallel_loop3A_175, %parallel_loop3A_176], %parallel_loop3A_179 {strides = array<i32>} : memref<96x144xf32, #tpu.memory_space<vmem>>, vector<1x16xf32>,
          %parallel_loop3A_180 = arith.index_cast %parallel_loop3A_106 : i32 to index
          %parallel_loop3A_181 = arith.constant 80 : index
          %parallel_loop3A_182 = tpu.vector_load %arg12[%parallel_loop3A_180, %parallel_loop3A_181] {strides = array<i32>} : memref<96x144xf32, #tpu.memory_space<vmem>>, vector<1x16xf32>,
          %parallel_loop3A_183 = vector.shape_cast %parallel_loop3A_182 : vector<1x16xf32> to vector<16xf32>
          %parallel_loop3A_184 = arith.mulf %parallel_loop3A_183, %parallel_loop3A_124 : vector<16xf32>
          %parallel_loop3A_185 = arith.index_cast %parallel_loop3A_106 : i32 to index
          %parallel_loop3A_186 = arith.constant 80 : index
          %parallel_loop3A_187 = tpu.vector_load %arg12[%parallel_loop3A_185, %parallel_loop3A_186] {strides = array<i32>} : memref<96x144xf32, #tpu.memory_space<vmem>>, vector<1x16xf32>,
          %parallel_loop3A_188 = vector.shape_cast %parallel_loop3A_187 : vector<1x16xf32> to vector<16xf32>
          %parallel_loop3A_189 = vector.shape_cast %parallel_loop3A_184 : vector<16xf32> to vector<1x16xf32>
          tpu.vector_store %arg12[%parallel_loop3A_185, %parallel_loop3A_186], %parallel_loop3A_189 {strides = array<i32>} : memref<96x144xf32, #tpu.memory_space<vmem>>, vector<1x16xf32>,
          %parallel_loop3A_190 = arith.index_cast %parallel_loop3A_106 : i32 to index
          %parallel_loop3A_191 = arith.constant 96 : index
          %parallel_loop3A_192 = tpu.vector_load %arg12[%parallel_loop3A_190, %parallel_loop3A_191] {strides = array<i32>} : memref<96x144xf32, #tpu.memory_space<vmem>>, vector<1x16xf32>,
          %parallel_loop3A_193 = vector.shape_cast %parallel_loop3A_192 : vector<1x16xf32> to vector<16xf32>
          %parallel_loop3A_194 = arith.mulf %parallel_loop3A_193, %parallel_loop3A_124 : vector<16xf32>
          %parallel_loop3A_195 = arith.index_cast %parallel_loop3A_106 : i32 to index
          %parallel_loop3A_196 = arith.constant 96 : index
          %parallel_loop3A_197 = tpu.vector_load %arg12[%parallel_loop3A_195, %parallel_loop3A_196] {strides = array<i32>} : memref<96x144xf32, #tpu.memory_space<vmem>>, vector<1x16xf32>,
          %parallel_loop3A_198 = vector.shape_cast %parallel_loop3A_197 : vector<1x16xf32> to vector<16xf32>
          %parallel_loop3A_199 = vector.shape_cast %parallel_loop3A_194 : vector<16xf32> to vector<1x16xf32>
          tpu.vector_store %arg12[%parallel_loop3A_195, %parallel_loop3A_196], %parallel_loop3A_199 {strides = array<i32>} : memref<96x144xf32, #tpu.memory_space<vmem>>, vector<1x16xf32>,
          %parallel_loop3A_200 = arith.index_cast %parallel_loop3A_106 : i32 to index
          %parallel_loop3A_201 = arith.constant 112 : index
          %parallel_loop3A_202 = tpu.vector_load %arg12[%parallel_loop3A_200, %parallel_loop3A_201] {strides = array<i32>} : memref<96x144xf32, #tpu.memory_space<vmem>>, vector<1x16xf32>,
          %parallel_loop3A_203 = vector.shape_cast %parallel_loop3A_202 : vector<1x16xf32> to vector<16xf32>
          %parallel_loop3A_204 = arith.mulf %parallel_loop3A_203, %parallel_loop3A_124 : vector<16xf32>
          %parallel_loop3A_205 = arith.index_cast %parallel_loop3A_106 : i32 to index
          %parallel_loop3A_206 = arith.constant 112 : index
          %parallel_loop3A_207 = tpu.vector_load %arg12[%parallel_loop3A_205, %parallel_loop3A_206] {strides = array<i32>} : memref<96x144xf32, #tpu.memory_space<vmem>>, vector<1x16xf32>,
          %parallel_loop3A_208 = vector.shape_cast %parallel_loop3A_207 : vector<1x16xf32> to vector<16xf32>
          %parallel_loop3A_209 = vector.shape_cast %parallel_loop3A_204 : vector<16xf32> to vector<1x16xf32>
          tpu.vector_store %arg12[%parallel_loop3A_205, %parallel_loop3A_206], %parallel_loop3A_209 {strides = array<i32>} : memref<96x144xf32, #tpu.memory_space<vmem>>, vector<1x16xf32>,
        } {sc.loop_unroll_factor = 8 : i64, sc.parallel_access}
        %dma_start3A_67 = arith.constant 0 : i32
        %dma_start3A_68 = tpu.memref_slice %arg11[%mul3A_28, %dma_start3A_67] : memref<36x96xi32, #tpu.memory_space<vmem>> -> memref<1x96xi32, #tpu.memory_space<vmem>>
        %dma_start3A_69 = tpu.memref_squeeze %dma_start3A_68 : memref<1x96xi32, #tpu.memory_space<vmem>> -> memref<96xi32, #tpu.memory_space<vmem>>
        %dma_start3A_70 = arith.constant 0 : i32
        %dma_start3A_71 = arith.constant 0 : i32
        %dma_start3A_72 = tpu.memref_slice %arg9[%dma_start3A_70, %dma_start3A_71] : memref<10112x144xf32, #tpu.memory_space<vmem_shared>> -> memref<10112x144xf32, #tpu.memory_space<vmem_shared>>
        tpu.enqueue_indirect_dma source(%arg12 : memref<96x144xf32, #tpu.memory_space<vmem>>) target(%dma_start3A_72 : memref<10112x144xf32, #tpu.memory_space<vmem_shared>>) offsets(%dma_start3A_69 : memref<96xi32, #tpu.memory_space<vmem>>) semaphore(%arg17 : memref<!tpu.dma_semaphore, #tpu.memory_space<semaphore_mem>>) {add = true}
        %dma_wait3A_73 = arith.constant 0 : i32
        %dma_wait3A_74 = tpu.memref_slice %arg10[%add3A_30, %dma_wait3A_73] : memref<36x96xi32, #tpu.memory_space<vmem>> -> memref<1x96xi32, #tpu.memory_space<vmem>>
        %dma_wait3A_75 = tpu.memref_squeeze %dma_wait3A_74 : memref<1x96xi32, #tpu.memory_space<vmem>> -> memref<96xi32, #tpu.memory_space<vmem>>
        %dma_wait3A_76 = arith.constant 0 : i32
        %dma_wait3A_77 = arith.constant 0 : i32
        %dma_wait3A_78 = tpu.memref_slice %arg2[%dma_wait3A_76, %dma_wait3A_77] : memref<10112x144xf32, #tpu.memory_space<hbm>> -> memref<10112x144xf32, #tpu.memory_space<hbm>>
        tpu.wait_indirect_dma semaphore(%arg18 : memref<!tpu.dma_semaphore, #tpu.memory_space<semaphore_mem>>) src(%dma_wait3A_78 : memref<10112x144xf32, #tpu.memory_space<hbm>>) dst(%arg13 : memref<96x144xf32, #tpu.memory_space<vmem>>)
        %dma_wait3A_79 = arith.constant 0 : i32
        %dma_wait3A_80 = tpu.memref_slice %arg11[%add3A_30, %dma_wait3A_79] : memref<36x96xi32, #tpu.memory_space<vmem>> -> memref<1x96xi32, #tpu.memory_space<vmem>>
        %dma_wait3A_81 = tpu.memref_squeeze %dma_wait3A_80 : memref<1x96xi32, #tpu.memory_space<vmem>> -> memref<96xi32, #tpu.memory_space<vmem>>
        %dma_wait3A_82 = arith.constant 0 : i32
        %dma_wait3A_83 = arith.constant 0 : i32
        %dma_wait3A_84 = tpu.memref_slice %arg3[%dma_wait3A_82, %dma_wait3A_83] : memref<10112x16xf32, #tpu.memory_space<hbm>> -> memref<10112x16xf32, #tpu.memory_space<hbm>>
        tpu.wait_indirect_dma semaphore(%arg20 : memref<!tpu.dma_semaphore, #tpu.memory_space<semaphore_mem>>) src(%dma_wait3A_84 : memref<10112x16xf32, #tpu.memory_space<hbm>>) dst(%arg15 : memref<96x16xf32, #tpu.memory_space<vmem>>)
        %parallel_loop3A_85 = arith.constant 0 : i32
        %parallel_loop3A_86 = arith.constant 96 : i32
        %parallel_loop3A_87 = arith.constant 1 : i32
        scf.for %parallel_loop3A_106 = %parallel_loop3A_85 to %parallel_loop3A_86 step %parallel_loop3A_87  : i32 {
          %parallel_loop3A_107 = arith.index_cast %parallel_loop3A_106 : i32 to index
          %parallel_loop3A_108 = arith.constant 128 : index
          %parallel_loop3A_109 = tpu.vector_load %arg13[%parallel_loop3A_107, %parallel_loop3A_108] {strides = array<i32>} : memref<96x144xf32, #tpu.memory_space<vmem>>, vector<1x16xf32>,
          %parallel_loop3A_110 = vector.shape_cast %parallel_loop3A_109 : vector<1x16xf32> to vector<16xf32>
          %parallel_loop3A_111 = arith.index_cast %parallel_loop3A_106 : i32 to index
          %parallel_loop3A_112 = arith.constant 0 : index
          %parallel_loop3A_113 = tpu.vector_load %arg15[%parallel_loop3A_111, %parallel_loop3A_112] {strides = array<i32>} : memref<96x16xf32, #tpu.memory_space<vmem>>, vector<1x16xf32>,
          %parallel_loop3A_114 = vector.shape_cast %parallel_loop3A_113 : vector<1x16xf32> to vector<16xf32>
          %parallel_loop3A_115 = arith.addf %parallel_loop3A_110, %parallel_loop3A_114 : vector<16xf32>
          %parallel_loop3A_116 = arith.constant 0.000000e+00 : f32
          %parallel_loop3A_117 = vector.broadcast %parallel_loop3A_116 : f32 to vector<16xf32>
          %parallel_loop3A_118 = arith.cmpf ogt, %parallel_loop3A_115, %parallel_loop3A_117 : vector<16xf32>
          %parallel_loop3A_119 = arith.constant 2.000000e-01 : f32
          %parallel_loop3A_120 = vector.broadcast %parallel_loop3A_119 : f32 to vector<16xf32>
          %parallel_loop3A_121 = arith.mulf %parallel_loop3A_115, %parallel_loop3A_120 : vector<16xf32>
          %parallel_loop3A_122 = arith.select %parallel_loop3A_118, %parallel_loop3A_115, %parallel_loop3A_121 : vector<16xi1>, vector<16xf32>
          %parallel_loop3A_123 = arith.subf %parallel_loop3A_122, %get3A_4 : vector<16xf32>
          %parallel_loop3A_124 = math.exp %parallel_loop3A_123 : vector<16xf32>
          %parallel_loop3A_125 = arith.index_cast %parallel_loop3A_106 : i32 to index
          %parallel_loop3A_126 = arith.constant 128 : index
          %parallel_loop3A_127 = tpu.vector_load %arg13[%parallel_loop3A_125, %parallel_loop3A_126] {strides = array<i32>} : memref<96x144xf32, #tpu.memory_space<vmem>>, vector<1x16xf32>,
          %parallel_loop3A_128 = vector.shape_cast %parallel_loop3A_127 : vector<1x16xf32> to vector<16xf32>
          %parallel_loop3A_129 = vector.shape_cast %parallel_loop3A_124 : vector<16xf32> to vector<1x16xf32>
          tpu.vector_store %arg13[%parallel_loop3A_125, %parallel_loop3A_126], %parallel_loop3A_129 {strides = array<i32>} : memref<96x144xf32, #tpu.memory_space<vmem>>, vector<1x16xf32>,
          %parallel_loop3A_130 = arith.index_cast %parallel_loop3A_106 : i32 to index
          %parallel_loop3A_131 = arith.constant 0 : index
          %parallel_loop3A_132 = tpu.vector_load %arg13[%parallel_loop3A_130, %parallel_loop3A_131] {strides = array<i32>} : memref<96x144xf32, #tpu.memory_space<vmem>>, vector<1x16xf32>,
          %parallel_loop3A_133 = vector.shape_cast %parallel_loop3A_132 : vector<1x16xf32> to vector<16xf32>
          %parallel_loop3A_134 = arith.mulf %parallel_loop3A_133, %parallel_loop3A_124 : vector<16xf32>
          %parallel_loop3A_135 = arith.index_cast %parallel_loop3A_106 : i32 to index
          %parallel_loop3A_136 = arith.constant 0 : index
          %parallel_loop3A_137 = tpu.vector_load %arg13[%parallel_loop3A_135, %parallel_loop3A_136] {strides = array<i32>} : memref<96x144xf32, #tpu.memory_space<vmem>>, vector<1x16xf32>,
          %parallel_loop3A_138 = vector.shape_cast %parallel_loop3A_137 : vector<1x16xf32> to vector<16xf32>
          %parallel_loop3A_139 = vector.shape_cast %parallel_loop3A_134 : vector<16xf32> to vector<1x16xf32>
          tpu.vector_store %arg13[%parallel_loop3A_135, %parallel_loop3A_136], %parallel_loop3A_139 {strides = array<i32>} : memref<96x144xf32, #tpu.memory_space<vmem>>, vector<1x16xf32>,
          %parallel_loop3A_140 = arith.index_cast %parallel_loop3A_106 : i32 to index
          %parallel_loop3A_141 = arith.constant 16 : index
          %parallel_loop3A_142 = tpu.vector_load %arg13[%parallel_loop3A_140, %parallel_loop3A_141] {strides = array<i32>} : memref<96x144xf32, #tpu.memory_space<vmem>>, vector<1x16xf32>,
          %parallel_loop3A_143 = vector.shape_cast %parallel_loop3A_142 : vector<1x16xf32> to vector<16xf32>
          %parallel_loop3A_144 = arith.mulf %parallel_loop3A_143, %parallel_loop3A_124 : vector<16xf32>
          %parallel_loop3A_145 = arith.index_cast %parallel_loop3A_106 : i32 to index
          %parallel_loop3A_146 = arith.constant 16 : index
          %parallel_loop3A_147 = tpu.vector_load %arg13[%parallel_loop3A_145, %parallel_loop3A_146] {strides = array<i32>} : memref<96x144xf32, #tpu.memory_space<vmem>>, vector<1x16xf32>,
          %parallel_loop3A_148 = vector.shape_cast %parallel_loop3A_147 : vector<1x16xf32> to vector<16xf32>
          %parallel_loop3A_149 = vector.shape_cast %parallel_loop3A_144 : vector<16xf32> to vector<1x16xf32>
          tpu.vector_store %arg13[%parallel_loop3A_145, %parallel_loop3A_146], %parallel_loop3A_149 {strides = array<i32>} : memref<96x144xf32, #tpu.memory_space<vmem>>, vector<1x16xf32>,
          %parallel_loop3A_150 = arith.index_cast %parallel_loop3A_106 : i32 to index
          %parallel_loop3A_151 = arith.constant 32 : index
          %parallel_loop3A_152 = tpu.vector_load %arg13[%parallel_loop3A_150, %parallel_loop3A_151] {strides = array<i32>} : memref<96x144xf32, #tpu.memory_space<vmem>>, vector<1x16xf32>,
          %parallel_loop3A_153 = vector.shape_cast %parallel_loop3A_152 : vector<1x16xf32> to vector<16xf32>
          %parallel_loop3A_154 = arith.mulf %parallel_loop3A_153, %parallel_loop3A_124 : vector<16xf32>
          %parallel_loop3A_155 = arith.index_cast %parallel_loop3A_106 : i32 to index
          %parallel_loop3A_156 = arith.constant 32 : index
          %parallel_loop3A_157 = tpu.vector_load %arg13[%parallel_loop3A_155, %parallel_loop3A_156] {strides = array<i32>} : memref<96x144xf32, #tpu.memory_space<vmem>>, vector<1x16xf32>,
          %parallel_loop3A_158 = vector.shape_cast %parallel_loop3A_157 : vector<1x16xf32> to vector<16xf32>
          %parallel_loop3A_159 = vector.shape_cast %parallel_loop3A_154 : vector<16xf32> to vector<1x16xf32>
          tpu.vector_store %arg13[%parallel_loop3A_155, %parallel_loop3A_156], %parallel_loop3A_159 {strides = array<i32>} : memref<96x144xf32, #tpu.memory_space<vmem>>, vector<1x16xf32>,
          %parallel_loop3A_160 = arith.index_cast %parallel_loop3A_106 : i32 to index
          %parallel_loop3A_161 = arith.constant 48 : index
          %parallel_loop3A_162 = tpu.vector_load %arg13[%parallel_loop3A_160, %parallel_loop3A_161] {strides = array<i32>} : memref<96x144xf32, #tpu.memory_space<vmem>>, vector<1x16xf32>,
          %parallel_loop3A_163 = vector.shape_cast %parallel_loop3A_162 : vector<1x16xf32> to vector<16xf32>
          %parallel_loop3A_164 = arith.mulf %parallel_loop3A_163, %parallel_loop3A_124 : vector<16xf32>
          %parallel_loop3A_165 = arith.index_cast %parallel_loop3A_106 : i32 to index
          %parallel_loop3A_166 = arith.constant 48 : index
          %parallel_loop3A_167 = tpu.vector_load %arg13[%parallel_loop3A_165, %parallel_loop3A_166] {strides = array<i32>} : memref<96x144xf32, #tpu.memory_space<vmem>>, vector<1x16xf32>,
          %parallel_loop3A_168 = vector.shape_cast %parallel_loop3A_167 : vector<1x16xf32> to vector<16xf32>
          %parallel_loop3A_169 = vector.shape_cast %parallel_loop3A_164 : vector<16xf32> to vector<1x16xf32>
          tpu.vector_store %arg13[%parallel_loop3A_165, %parallel_loop3A_166], %parallel_loop3A_169 {strides = array<i32>} : memref<96x144xf32, #tpu.memory_space<vmem>>, vector<1x16xf32>,
          %parallel_loop3A_170 = arith.index_cast %parallel_loop3A_106 : i32 to index
          %parallel_loop3A_171 = arith.constant 64 : index
          %parallel_loop3A_172 = tpu.vector_load %arg13[%parallel_loop3A_170, %parallel_loop3A_171] {strides = array<i32>} : memref<96x144xf32, #tpu.memory_space<vmem>>, vector<1x16xf32>,
          %parallel_loop3A_173 = vector.shape_cast %parallel_loop3A_172 : vector<1x16xf32> to vector<16xf32>
          %parallel_loop3A_174 = arith.mulf %parallel_loop3A_173, %parallel_loop3A_124 : vector<16xf32>
          %parallel_loop3A_175 = arith.index_cast %parallel_loop3A_106 : i32 to index
          %parallel_loop3A_176 = arith.constant 64 : index
          %parallel_loop3A_177 = tpu.vector_load %arg13[%parallel_loop3A_175, %parallel_loop3A_176] {strides = array<i32>} : memref<96x144xf32, #tpu.memory_space<vmem>>, vector<1x16xf32>,
          %parallel_loop3A_178 = vector.shape_cast %parallel_loop3A_177 : vector<1x16xf32> to vector<16xf32>
          %parallel_loop3A_179 = vector.shape_cast %parallel_loop3A_174 : vector<16xf32> to vector<1x16xf32>
          tpu.vector_store %arg13[%parallel_loop3A_175, %parallel_loop3A_176], %parallel_loop3A_179 {strides = array<i32>} : memref<96x144xf32, #tpu.memory_space<vmem>>, vector<1x16xf32>,
          %parallel_loop3A_180 = arith.index_cast %parallel_loop3A_106 : i32 to index
          %parallel_loop3A_181 = arith.constant 80 : index
          %parallel_loop3A_182 = tpu.vector_load %arg13[%parallel_loop3A_180, %parallel_loop3A_181] {strides = array<i32>} : memref<96x144xf32, #tpu.memory_space<vmem>>, vector<1x16xf32>,
          %parallel_loop3A_183 = vector.shape_cast %parallel_loop3A_182 : vector<1x16xf32> to vector<16xf32>
          %parallel_loop3A_184 = arith.mulf %parallel_loop3A_183, %parallel_loop3A_124 : vector<16xf32>
          %parallel_loop3A_185 = arith.index_cast %parallel_loop3A_106 : i32 to index
          %parallel_loop3A_186 = arith.constant 80 : index
          %parallel_loop3A_187 = tpu.vector_load %arg13[%parallel_loop3A_185, %parallel_loop3A_186] {strides = array<i32>} : memref<96x144xf32, #tpu.memory_space<vmem>>, vector<1x16xf32>,
          %parallel_loop3A_188 = vector.shape_cast %parallel_loop3A_187 : vector<1x16xf32> to vector<16xf32>
          %parallel_loop3A_189 = vector.shape_cast %parallel_loop3A_184 : vector<16xf32> to vector<1x16xf32>
          tpu.vector_store %arg13[%parallel_loop3A_185, %parallel_loop3A_186], %parallel_loop3A_189 {strides = array<i32>} : memref<96x144xf32, #tpu.memory_space<vmem>>, vector<1x16xf32>,
          %parallel_loop3A_190 = arith.index_cast %parallel_loop3A_106 : i32 to index
          %parallel_loop3A_191 = arith.constant 96 : index
          %parallel_loop3A_192 = tpu.vector_load %arg13[%parallel_loop3A_190, %parallel_loop3A_191] {strides = array<i32>} : memref<96x144xf32, #tpu.memory_space<vmem>>, vector<1x16xf32>,
          %parallel_loop3A_193 = vector.shape_cast %parallel_loop3A_192 : vector<1x16xf32> to vector<16xf32>
          %parallel_loop3A_194 = arith.mulf %parallel_loop3A_193, %parallel_loop3A_124 : vector<16xf32>
          %parallel_loop3A_195 = arith.index_cast %parallel_loop3A_106 : i32 to index
          %parallel_loop3A_196 = arith.constant 96 : index
          %parallel_loop3A_197 = tpu.vector_load %arg13[%parallel_loop3A_195, %parallel_loop3A_196] {strides = array<i32>} : memref<96x144xf32, #tpu.memory_space<vmem>>, vector<1x16xf32>,
          %parallel_loop3A_198 = vector.shape_cast %parallel_loop3A_197 : vector<1x16xf32> to vector<16xf32>
          %parallel_loop3A_199 = vector.shape_cast %parallel_loop3A_194 : vector<16xf32> to vector<1x16xf32>
          tpu.vector_store %arg13[%parallel_loop3A_195, %parallel_loop3A_196], %parallel_loop3A_199 {strides = array<i32>} : memref<96x144xf32, #tpu.memory_space<vmem>>, vector<1x16xf32>,
          %parallel_loop3A_200 = arith.index_cast %parallel_loop3A_106 : i32 to index
          %parallel_loop3A_201 = arith.constant 112 : index
          %parallel_loop3A_202 = tpu.vector_load %arg13[%parallel_loop3A_200, %parallel_loop3A_201] {strides = array<i32>} : memref<96x144xf32, #tpu.memory_space<vmem>>, vector<1x16xf32>,
          %parallel_loop3A_203 = vector.shape_cast %parallel_loop3A_202 : vector<1x16xf32> to vector<16xf32>
          %parallel_loop3A_204 = arith.mulf %parallel_loop3A_203, %parallel_loop3A_124 : vector<16xf32>
          %parallel_loop3A_205 = arith.index_cast %parallel_loop3A_106 : i32 to index
          %parallel_loop3A_206 = arith.constant 112 : index
          %parallel_loop3A_207 = tpu.vector_load %arg13[%parallel_loop3A_205, %parallel_loop3A_206] {strides = array<i32>} : memref<96x144xf32, #tpu.memory_space<vmem>>, vector<1x16xf32>,
          %parallel_loop3A_208 = vector.shape_cast %parallel_loop3A_207 : vector<1x16xf32> to vector<16xf32>
          %parallel_loop3A_209 = vector.shape_cast %parallel_loop3A_204 : vector<16xf32> to vector<1x16xf32>
          tpu.vector_store %arg13[%parallel_loop3A_205, %parallel_loop3A_206], %parallel_loop3A_209 {strides = array<i32>} : memref<96x144xf32, #tpu.memory_space<vmem>>, vector<1x16xf32>,
        } {sc.loop_unroll_factor = 8 : i64, sc.parallel_access}
        %dma_start3A_88 = arith.constant 0 : i32
        %dma_start3A_89 = tpu.memref_slice %arg11[%add3A_30, %dma_start3A_88] : memref<36x96xi32, #tpu.memory_space<vmem>> -> memref<1x96xi32, #tpu.memory_space<vmem>>
        %dma_start3A_90 = tpu.memref_squeeze %dma_start3A_89 : memref<1x96xi32, #tpu.memory_space<vmem>> -> memref<96xi32, #tpu.memory_space<vmem>>
        %dma_start3A_91 = arith.constant 0 : i32
        %dma_start3A_92 = arith.constant 0 : i32
        %dma_start3A_93 = tpu.memref_slice %arg9[%dma_start3A_91, %dma_start3A_92] : memref<10112x144xf32, #tpu.memory_space<vmem_shared>> -> memref<10112x144xf32, #tpu.memory_space<vmem_shared>>
        tpu.enqueue_indirect_dma source(%arg13 : memref<96x144xf32, #tpu.memory_space<vmem>>) target(%dma_start3A_93 : memref<10112x144xf32, #tpu.memory_space<vmem_shared>>) offsets(%dma_start3A_90 : memref<96xi32, #tpu.memory_space<vmem>>) semaphore(%arg18 : memref<!tpu.dma_semaphore, #tpu.memory_space<semaphore_mem>>) {add = true}
        %dma_wait3A_94 = arith.constant 0 : i32
        %dma_wait3A_95 = tpu.memref_slice %arg11[%mul3A_28, %dma_wait3A_94] : memref<36x96xi32, #tpu.memory_space<vmem>> -> memref<1x96xi32, #tpu.memory_space<vmem>>
        %dma_wait3A_96 = tpu.memref_squeeze %dma_wait3A_95 : memref<1x96xi32, #tpu.memory_space<vmem>> -> memref<96xi32, #tpu.memory_space<vmem>>
        %dma_wait3A_97 = arith.constant 0 : i32
        %dma_wait3A_98 = arith.constant 0 : i32
        %dma_wait3A_99 = tpu.memref_slice %arg9[%dma_wait3A_97, %dma_wait3A_98] : memref<10112x144xf32, #tpu.memory_space<vmem_shared>> -> memref<10112x144xf32, #tpu.memory_space<vmem_shared>>
        tpu.wait_indirect_dma semaphore(%arg17 : memref<!tpu.dma_semaphore, #tpu.memory_space<semaphore_mem>>) src(%arg12 : memref<96x144xf32, #tpu.memory_space<vmem>>) dst(%dma_wait3A_99 : memref<10112x144xf32, #tpu.memory_space<vmem_shared>>)
        %dma_wait3A_100 = arith.constant 0 : i32
        %dma_wait3A_101 = tpu.memref_slice %arg11[%add3A_30, %dma_wait3A_100] : memref<36x96xi32, #tpu.memory_space<vmem>> -> memref<1x96xi32, #tpu.memory_space<vmem>>
        %dma_wait3A_102 = tpu.memref_squeeze %dma_wait3A_101 : memref<1x96xi32, #tpu.memory_space<vmem>> -> memref<96xi32, #tpu.memory_space<vmem>>
        %dma_wait3A_103 = arith.constant 0 : i32
        %dma_wait3A_104 = arith.constant 0 : i32
        %dma_wait3A_105 = tpu.memref_slice %arg9[%dma_wait3A_103, %dma_wait3A_104] : memref<10112x144xf32, #tpu.memory_space<vmem_shared>> -> memref<10112x144xf32, #tpu.memory_space<vmem_shared>>
        tpu.wait_indirect_dma semaphore(%arg18 : memref<!tpu.dma_semaphore, #tpu.memory_space<semaphore_mem>>) src(%arg13 : memref<96x144xf32, #tpu.memory_space<vmem>>) dst(%dma_wait3A_105 : memref<10112x144xf32, #tpu.memory_space<vmem_shared>>)
      }
      %scan3A_25 = arith.constant 18 : i32
    }
    %scan3A_9 = arith.constant 3 : i32
    %barrier3A_10 = arith.constant 0 : index
    tpu.barrier barrier_id(%barrier3A_10)
    %mul3A_11 = arith.constant 632 : i32
    %mul3A_12 = arith.muli %arg1, %mul3A_11 : i32
    %mul3A_13 = arith.constant 632 : i32
    %mul3A_14 = arith.muli %arg1, %mul3A_13 : i32
    "tpu.region"() ({
      %run_scoped3A = tpu.sem_alloc : memref<!tpu.dma_semaphore, #tpu.memory_space<semaphore_mem>>
      %dma_start3A = arith.constant 0 : i32
      %dma_start3A_15 = tpu.memref_slice %arg8[%arg0, %mul3A_14, %dma_start3A] : memref<2x10112x144xf32, #tpu.memory_space<hbm>> -> memref<1x632x144xf32, #tpu.memory_space<hbm>>
      %dma_start3A_16 = tpu.memref_squeeze %dma_start3A_15 : memref<1x632x144xf32, #tpu.memory_space<hbm>> -> memref<632x144xf32, #tpu.memory_space<hbm>>
      %dma_start3A_17 = arith.constant 0 : i32
      %dma_start3A_18 = tpu.memref_slice %arg9[%mul3A_12, %dma_start3A_17] : memref<10112x144xf32, #tpu.memory_space<vmem_shared>> -> memref<632x144xf32, #tpu.memory_space<vmem_shared>>
      tpu.enqueue_dma source(%dma_start3A_18 : memref<632x144xf32, #tpu.memory_space<vmem_shared>>) target(%dma_start3A_16 : memref<632x144xf32, #tpu.memory_space<hbm>>) target_semaphore(%run_scoped3A : memref<!tpu.dma_semaphore, #tpu.memory_space<semaphore_mem>>)
      %dma_wait3A = arith.constant 0 : i32
      %dma_wait3A_19 = tpu.memref_slice %arg8[%arg0, %mul3A_14, %dma_wait3A] : memref<2x10112x144xf32, #tpu.memory_space<hbm>> -> memref<1x632x144xf32, #tpu.memory_space<hbm>>
      %dma_wait3A_20 = tpu.memref_squeeze %dma_wait3A_19 : memref<1x632x144xf32, #tpu.memory_space<hbm>> -> memref<632x144xf32, #tpu.memory_space<hbm>>
      %dma_wait3A_21 = arith.constant 0 : i32
      %dma_wait3A_22 = tpu.memref_slice %arg9[%mul3A_12, %dma_wait3A_21] : memref<10112x144xf32, #tpu.memory_space<vmem_shared>> -> memref<632x144xf32, #tpu.memory_space<vmem_shared>>
      tpu.wait_dma2 semaphore(%run_scoped3A : memref<!tpu.dma_semaphore, #tpu.memory_space<semaphore_mem>>) src(%dma_wait3A_22 : memref<632x144xf32, #tpu.memory_space<vmem_shared>>) dst(%dma_wait3A_20 : memref<632x144xf32, #tpu.memory_space<hbm>>)
      tpu.yield
    }) : () -> ()
    return
  }
}

module attributes {stable_mosaic.version = 14 : i64} {
  func.func @_mm_body(%arg0: i32, %arg1: memref<632x128xf32, #tpu.memory_space<vmem>>, %arg2: memref<128x144xf32, #tpu.memory_space<vmem>>, %arg3: memref<128x16xf32, #tpu.memory_space<vmem>>, %arg4: memref<128x16xf32, #tpu.memory_space<vmem>>, %arg5: memref<632x144xf32, #tpu.memory_space<vmem>>, %arg6: memref<632x16xf32, #tpu.memory_space<vmem>>, %arg7: memref<1x16xf32, #tpu.memory_space<vmem>>, %arg8: memref<1x16xf32, #tpu.memory_space<vmem>>) attributes {dimension_semantics = [#tpu.dimension_semantics<arbitrary>], iteration_bounds = array<i64: 16>, scalar_prefetch = 0 : i64, scratch_operands = 0 : i64, tpu.core_type = #tpu.core_type<tc>, window_params = [{transform_indices = @transform_0, window_bounds = array<i64: 632, 128>}, {pipeline_mode = #tpu.pipeline_mode<synchronous>, transform_indices = @transform_1, window_bounds = array<i64: 128, 144>}, {pipeline_mode = #tpu.pipeline_mode<synchronous>, transform_indices = @transform_2, window_bounds = array<i64: 128, 16>}, {pipeline_mode = #tpu.pipeline_mode<synchronous>, transform_indices = @transform_3, window_bounds = array<i64: 128, 16>}, {transform_indices = @transform_4, window_bounds = array<i64: 632, 144>}, {transform_indices = @transform_5, window_bounds = array<i64: 632, 16>}, {pipeline_mode = #tpu.pipeline_mode<synchronous>, transform_indices = @transform_6, window_bounds = array<i64: 1, 16>}, {pipeline_mode = #tpu.pipeline_mode<synchronous>, transform_indices = @transform_7, window_bounds = array<i64: 1, 16>}]} {
    %get3A = arith.constant 0 : index
    %get3A_0 = arith.constant 0 : index
    %get3A_1 = vector.load %arg1[%get3A, %get3A_0] : memref<632x128xf32, #tpu.memory_space<vmem>>, vector<632x128xf32>
    %get3A_2 = arith.constant 0 : index
    %get3A_3 = arith.constant 0 : index
    %get3A_4 = vector.load %arg2[%get3A_2, %get3A_3] : memref<128x144xf32, #tpu.memory_space<vmem>>, vector<128x144xf32>
    %dot_general3A = arith.constant dense<0.000000e+00> : vector<632x144xf32>
    %dot_general3A_5 = tpu.matmul %get3A_1, %get3A_4, %dot_general3A {dimension_numbers = #tpu.dot_dimension_numbers<[1], [0], [0], [1], [0, 0, 1, 1], [], []>, transpose_lhs_hint = false} : vector<632x128xf32>, vector<128x144xf32>, vector<632x144xf32> -> vector<632x144xf32>
    %swap3A = arith.constant 0 : index
    %swap3A_6 = arith.constant 0 : index
    %swap3A_7 = vector.load %arg5[%swap3A, %swap3A_6] : memref<632x144xf32, #tpu.memory_space<vmem>>, vector<632x144xf32>
    tpu.vector_store %arg5[%swap3A, %swap3A_6], %dot_general3A_5 {strides = array<i32>} : memref<632x144xf32, #tpu.memory_space<vmem>>, vector<632x144xf32>,
    %get3A_8 = arith.constant 0 : index
    %get3A_9 = arith.constant 0 : index
    %get3A_10 = vector.load %arg3[%get3A_8, %get3A_9] : memref<128x16xf32, #tpu.memory_space<vmem>>, vector<128x16xf32>
    %dot_general3A_11 = arith.constant dense<0.000000e+00> : vector<632x16xf32>
    %dot_general3A_12 = tpu.matmul %get3A_1, %get3A_10, %dot_general3A_11 {dimension_numbers = #tpu.dot_dimension_numbers<[1], [0], [0], [1], [0, 0, 1, 1], [], []>, transpose_lhs_hint = false} : vector<632x128xf32>, vector<128x16xf32>, vector<632x16xf32> -> vector<632x16xf32>
    %get3A_13 = arith.constant 0 : index
    %get3A_14 = arith.constant 0 : index
    %get3A_15 = vector.load %arg4[%get3A_13, %get3A_14] : memref<128x16xf32, #tpu.memory_space<vmem>>, vector<128x16xf32>
    %dot_general3A_16 = arith.constant dense<0.000000e+00> : vector<632x16xf32>
    %dot_general3A_17 = tpu.matmul %get3A_1, %get3A_15, %dot_general3A_16 {dimension_numbers = #tpu.dot_dimension_numbers<[1], [0], [0], [1], [0, 0, 1, 1], [], []>, transpose_lhs_hint = false} : vector<632x128xf32>, vector<128x16xf32>, vector<632x16xf32> -> vector<632x16xf32>
    %swap3A_18 = arith.constant 0 : index
    %swap3A_19 = arith.constant 0 : index
    %swap3A_20 = vector.load %arg6[%swap3A_18, %swap3A_19] : memref<632x16xf32, #tpu.memory_space<vmem>>, vector<632x16xf32>
    tpu.vector_store %arg6[%swap3A_18, %swap3A_19], %dot_general3A_12 {strides = array<i32>} : memref<632x16xf32, #tpu.memory_space<vmem>>, vector<632x16xf32>,
    %reduce_max3A = arith.constant dense<0xFF800000> : vector<16xf32>
    %reduce_max3A_21 = vector.multi_reduction <maximumf>, %dot_general3A_17, %reduce_max3A [0] : vector<632x16xf32> to vector<16xf32>
    %broadcast_in_dim3A = vector.shape_cast %reduce_max3A_21 : vector<16xf32> to vector<1x16xf32>
    %reduce_max3A_22 = arith.constant dense<0xFF800000> : vector<16xf32>
    %reduce_max3A_23 = vector.multi_reduction <maximumf>, %dot_general3A_12, %reduce_max3A_22 [0] : vector<632x16xf32> to vector<16xf32>
    %broadcast_in_dim3A_24 = vector.shape_cast %reduce_max3A_23 : vector<16xf32> to vector<1x16xf32>
    %eq3A = arith.constant 0 : i32
    %eq3A_25 = arith.cmpi eq, %arg0, %eq3A : i32
    %convert_element_type3A = arith.extui %eq3A_25 : i1 to i32
    %cond3A = arith.constant 0 : i32
    %cond3A_26 = arith.cmpi ne, %convert_element_type3A, %cond3A : i32
    scf.if %cond3A_26 {
      %swap3A_31 = arith.constant 0 : index
      %swap3A_32 = arith.constant 0 : index
      %swap3A_33 = vector.load %arg7[%swap3A_31, %swap3A_32] : memref<1x16xf32, #tpu.memory_space<vmem>>, vector<1x16xf32>
      tpu.vector_store %arg7[%swap3A_31, %swap3A_32], %broadcast_in_dim3A {strides = array<i32>} : memref<1x16xf32, #tpu.memory_space<vmem>>, vector<1x16xf32>,
      %swap3A_34 = arith.constant 0 : index
      %swap3A_35 = arith.constant 0 : index
      %swap3A_36 = vector.load %arg8[%swap3A_34, %swap3A_35] : memref<1x16xf32, #tpu.memory_space<vmem>>, vector<1x16xf32>
      tpu.vector_store %arg8[%swap3A_34, %swap3A_35], %broadcast_in_dim3A_24 {strides = array<i32>} : memref<1x16xf32, #tpu.memory_space<vmem>>, vector<1x16xf32>,
    } else {
    }
    %gt3A = arith.constant 0 : i32
    %gt3A_27 = arith.cmpi sgt, %arg0, %gt3A : i32
    %convert_element_type3A_28 = arith.extui %gt3A_27 : i1 to i32
    %cond3A_29 = arith.constant 0 : i32
    %cond3A_30 = arith.cmpi ne, %convert_element_type3A_28, %cond3A_29 : i32
    scf.if %cond3A_30 {
      %get3A_31 = arith.constant 0 : index
      %get3A_32 = arith.constant 0 : index
      %get3A_33 = vector.load %arg7[%get3A_31, %get3A_32] : memref<1x16xf32, #tpu.memory_space<vmem>>, vector<1x16xf32>
      %max3A = arith.maximumf %get3A_33, %broadcast_in_dim3A : vector<1x16xf32>
      %swap3A_34 = arith.constant 0 : index
      %swap3A_35 = arith.constant 0 : index
      %swap3A_36 = vector.load %arg7[%swap3A_34, %swap3A_35] : memref<1x16xf32, #tpu.memory_space<vmem>>, vector<1x16xf32>
      tpu.vector_store %arg7[%swap3A_34, %swap3A_35], %max3A {strides = array<i32>} : memref<1x16xf32, #tpu.memory_space<vmem>>, vector<1x16xf32>,
      %get3A_37 = arith.constant 0 : index
      %get3A_38 = arith.constant 0 : index
      %get3A_39 = vector.load %arg8[%get3A_37, %get3A_38] : memref<1x16xf32, #tpu.memory_space<vmem>>, vector<1x16xf32>
      %max3A_40 = arith.maximumf %get3A_39, %broadcast_in_dim3A_24 : vector<1x16xf32>
      %swap3A_41 = arith.constant 0 : index
      %swap3A_42 = arith.constant 0 : index
      %swap3A_43 = vector.load %arg8[%swap3A_41, %swap3A_42] : memref<1x16xf32, #tpu.memory_space<vmem>>, vector<1x16xf32>
      tpu.vector_store %arg8[%swap3A_41, %swap3A_42], %max3A_40 {strides = array<i32>} : memref<1x16xf32, #tpu.memory_space<vmem>>, vector<1x16xf32>,
    } else {
    }
    return
  }
  func.func @transform_0(%arg0: i32) -> (i32, i32) {
    %c0_i32 = arith.constant 0 : i32
    %c0_i32_0 = arith.constant 0 : i32
    return %arg0, %c0_i32 : i32, i32
  }
  func.func @transform_1(%arg0: i32) -> (i32, i32) {
    %c0_i32 = arith.constant 0 : i32
    %c0_i32_0 = arith.constant 0 : i32
    %c0_i32_1 = arith.constant 0 : i32
    return %c0_i32, %c0_i32_0 : i32, i32
  }
  func.func @transform_2(%arg0: i32) -> (i32, i32) {
    %c0_i32 = arith.constant 0 : i32
    %c0_i32_0 = arith.constant 0 : i32
    %c0_i32_1 = arith.constant 0 : i32
    return %c0_i32, %c0_i32_0 : i32, i32
  }
  func.func @transform_3(%arg0: i32) -> (i32, i32) {
    %c0_i32 = arith.constant 0 : i32
    %c0_i32_0 = arith.constant 0 : i32
    %c0_i32_1 = arith.constant 0 : i32
    return %c0_i32, %c0_i32_0 : i32, i32
  }
  func.func @transform_4(%arg0: i32) -> (i32, i32) {
    %c0_i32 = arith.constant 0 : i32
    %c0_i32_0 = arith.constant 0 : i32
    return %arg0, %c0_i32 : i32, i32
  }
  func.func @transform_5(%arg0: i32) -> (i32, i32) {
    %c0_i32 = arith.constant 0 : i32
    %c0_i32_0 = arith.constant 0 : i32
    return %arg0, %c0_i32 : i32, i32
  }
  func.func @transform_6(%arg0: i32) -> (i32, i32) {
    %c0_i32 = arith.constant 0 : i32
    %c0_i32_0 = arith.constant 0 : i32
    %c0_i32_1 = arith.constant 0 : i32
    return %c0_i32, %c0_i32_0 : i32, i32
  }
  func.func @transform_7(%arg0: i32) -> (i32, i32) {
    %c0_i32 = arith.constant 0 : i32
    %c0_i32_0 = arith.constant 0 : i32
    %c0_i32_1 = arith.constant 0 : i32
    return %c0_i32, %c0_i32_0 : i32, i32
  }
}

module attributes {stable_mosaic.version = 14 : i64} {
  func.func @body(%arg0: i32, %arg1: memref<2x632x144xf32, #tpu.memory_space<vmem>>, %arg2: memref<1x128xf32, #tpu.memory_space<vmem>>, %arg3: memref<632x128xf32, #tpu.memory_space<vmem>>, %arg4: memref<1x128xf32, #tpu.memory_space<vmem>>, %arg5: memref<1x128xf32, #tpu.memory_space<vmem>>) attributes {dimension_semantics = [#tpu.dimension_semantics<arbitrary>], iteration_bounds = array<i64: 16>, scalar_prefetch = 0 : i64, scratch_operands = 0 : i64, tpu.core_type = #tpu.core_type<tc>, window_params = [{transform_indices = @transform_0, window_bounds = array<i64: 2, 632, 144>}, {pipeline_mode = #tpu.pipeline_mode<synchronous>, transform_indices = @transform_1, window_bounds = array<i64: 1, 128>}, {transform_indices = @transform_2, window_bounds = array<i64: 632, 128>}, {pipeline_mode = #tpu.pipeline_mode<synchronous>, transform_indices = @transform_3, window_bounds = array<i64: 1, 128>}, {pipeline_mode = #tpu.pipeline_mode<synchronous>, transform_indices = @transform_4, window_bounds = array<i64: 1, 128>}]} {
    %get3A = arith.constant 0 : index
    %get3A_0 = arith.constant 0 : index
    %get3A_1 = arith.constant 0 : index
    %get3A_2 = vector.load %arg1[%get3A, %get3A_0, %get3A_1] : memref<2x632x144xf32, #tpu.memory_space<vmem>>, vector<1x632x144xf32>
    %get3A_3 = vector.shape_cast %get3A_2 : vector<1x632x144xf32> to vector<632x144xf32>
    %get3A_4 = arith.constant 1 : index
    %get3A_5 = arith.constant 0 : index
    %get3A_6 = arith.constant 0 : index
    %get3A_7 = vector.load %arg1[%get3A_4, %get3A_5, %get3A_6] : memref<2x632x144xf32, #tpu.memory_space<vmem>>, vector<1x632x144xf32>
    %get3A_8 = vector.shape_cast %get3A_7 : vector<1x632x144xf32> to vector<632x144xf32>
    %add3A = arith.addf %get3A_3, %get3A_8 : vector<632x144xf32>
    %iota3A = tpu.iota {dimensions = array<i32: 0>} : vector<128x128xi32>
    %iota3A_9 = tpu.iota {dimensions = array<i32: 1>} : vector<128x128xi32>
    %jit3A = arith.constant 8 : i32
    %eq3A = arith.constant 0 : i32
    %eq3A_10 = arith.cmpi eq, %jit3A, %eq3A : i32
    %jit3A_11 = arith.constant 1 : i32
    %select_n3A = arith.select %eq3A_10, %jit3A_11, %jit3A : i32
    %rem3A = vector.broadcast %select_n3A : i32 to vector<128x128xi32>
    %rem3A_12 = arith.remsi %iota3A_9, %rem3A : vector<128x128xi32>
    %ne3A = arith.constant 0 : i32
    %ne3A_13 = vector.broadcast %ne3A : i32 to vector<128x128xi32>
    %ne3A_14 = arith.cmpi ne, %rem3A_12, %ne3A_13 : vector<128x128xi32>
    %lt3A = arith.constant 0 : i32
    %lt3A_15 = vector.broadcast %lt3A : i32 to vector<128x128xi32>
    %lt3A_16 = arith.cmpi slt, %rem3A_12, %lt3A_15 : vector<128x128xi32>
    %lt3A_17 = arith.constant 0 : i32
    %lt3A_18 = arith.cmpi slt, %select_n3A, %lt3A_17 : i32
    %ne3A_19 = vector.broadcast %lt3A_18 : i1 to vector<128x128xi1>
    %ne3A_20 = vector.broadcast %ne3A_19 : vector<128x128xi1> to vector<128x128xi1>
    %ne3A_21 = arith.xori %lt3A_16, %ne3A_20 : vector<128x128xi1>
    %and3A = arith.andi %ne3A_21, %ne3A_14 : vector<128x128xi1>
    %add3A_22 = vector.broadcast %select_n3A : i32 to vector<128x128xi32>
    %add3A_23 = arith.addi %rem3A_12, %add3A_22 : vector<128x128xi32>
    %select_n3A_24 = arith.select %and3A, %add3A_23, %rem3A_12 : vector<128x128xi1>, vector<128x128xi32>
    %mul3A = arith.constant 16 : i32
    %mul3A_25 = vector.broadcast %mul3A : i32 to vector<128x128xi32>
    %mul3A_26 = arith.muli %select_n3A_24, %mul3A_25 : vector<128x128xi32>
    %jit3A_27 = arith.constant 8 : i32
    %div3A = vector.broadcast %jit3A_27 : i32 to vector<128x128xi32>
    %div3A_28 = arith.divsi %iota3A_9, %div3A : vector<128x128xi32>
    %sign3A = arith.constant 0 : i32
    %sign3A_29 = vector.broadcast %sign3A : i32 to vector<128x128xi32>
    %sign3A_30 = arith.cmpi sgt, %iota3A_9, %sign3A_29 : vector<128x128xi32>
    %sign3A_31 = arith.extui %sign3A_30 : vector<128x128xi1> to vector<128x128xi32>
    %sign3A_32 = arith.constant 0 : i32
    %sign3A_33 = vector.broadcast %sign3A_32 : i32 to vector<128x128xi32>
    %sign3A_34 = arith.cmpi slt, %iota3A_9, %sign3A_33 : vector<128x128xi32>
    %sign3A_35 = arith.extui %sign3A_34 : vector<128x128xi1> to vector<128x128xi32>
    %sign3A_36 = arith.subi %sign3A_31, %sign3A_35 : vector<128x128xi32>
    %sign3A_37 = arith.constant 0 : i32
    %sign3A_38 = arith.cmpi sgt, %jit3A_27, %sign3A_37 : i32
    %sign3A_39 = arith.extui %sign3A_38 : i1 to i32
    %sign3A_40 = arith.constant 0 : i32
    %sign3A_41 = arith.cmpi slt, %jit3A_27, %sign3A_40 : i32
    %sign3A_42 = arith.extui %sign3A_41 : i1 to i32
    %sign3A_43 = arith.subi %sign3A_39, %sign3A_42 : i32
    %ne3A_44 = vector.broadcast %sign3A_43 : i32 to vector<128x128xi32>
    %ne3A_45 = arith.cmpi ne, %sign3A_36, %ne3A_44 : vector<128x128xi32>
    %rem3A_46 = vector.broadcast %jit3A_27 : i32 to vector<128x128xi32>
    %rem3A_47 = arith.remsi %iota3A_9, %rem3A_46 : vector<128x128xi32>
    %ne3A_48 = arith.constant 0 : i32
    %ne3A_49 = vector.broadcast %ne3A_48 : i32 to vector<128x128xi32>
    %ne3A_50 = arith.cmpi ne, %rem3A_47, %ne3A_49 : vector<128x128xi32>
    %and3A_51 = arith.andi %ne3A_45, %ne3A_50 : vector<128x128xi1>
    %sub3A = arith.constant 1 : i32
    %sub3A_52 = vector.broadcast %sub3A : i32 to vector<128x128xi32>
    %sub3A_53 = arith.subi %div3A_28, %sub3A_52 : vector<128x128xi32>
    %select_n3A_54 = arith.select %and3A_51, %sub3A_53, %div3A_28 : vector<128x128xi1>, vector<128x128xi32>
    %add3A_55 = arith.addi %mul3A_26, %select_n3A_54 : vector<128x128xi32>
    %eq3A_56 = arith.cmpi eq, %iota3A, %add3A_55 : vector<128x128xi32>
    %convert_element_type3A = arith.extui %eq3A_56 : vector<128x128xi1> to vector<128x128xi32>
    %convert_element_type3A_57 = arith.sitofp %convert_element_type3A : vector<128x128xi32> to vector<128x128xf32>
    %slice3A = vector.extract_strided_slice %add3A {offsets = [0, 0], sizes = [632, 128], strides = [1, 1]} : vector<632x144xf32> to vector<632x128xf32>
    %dot_general3A = arith.constant dense<0.000000e+00> : vector<632x128xf32>
    %dot_general3A_58 = tpu.matmul %slice3A, %convert_element_type3A_57, %dot_general3A {dimension_numbers = #tpu.dot_dimension_numbers<[1], [0], [0], [1], [0, 0, 1, 1], [], []>, transpose_lhs_hint = false} : vector<632x128xf32>, vector<128x128xf32>, vector<632x128xf32> -> vector<632x128xf32>
    %slice3A_59 = vector.extract_strided_slice %add3A {offsets = [0, 128], sizes = [632, 16], strides = [1, 1]} : vector<632x144xf32> to vector<632x16xf32>
    %iota3A_60 = tpu.iota {dimensions = array<i32: 0>} : vector<16x128xi32>
    %iota3A_61 = tpu.iota {dimensions = array<i32: 1>} : vector<16x128xi32>
    %jit3A_62 = arith.constant 8 : i32
    %div3A_63 = vector.broadcast %jit3A_62 : i32 to vector<16x128xi32>
    %div3A_64 = arith.divsi %iota3A_61, %div3A_63 : vector<16x128xi32>
    %sign3A_65 = arith.constant 0 : i32
    %sign3A_66 = vector.broadcast %sign3A_65 : i32 to vector<16x128xi32>
    %sign3A_67 = arith.cmpi sgt, %iota3A_61, %sign3A_66 : vector<16x128xi32>
    %sign3A_68 = arith.extui %sign3A_67 : vector<16x128xi1> to vector<16x128xi32>
    %sign3A_69 = arith.constant 0 : i32
    %sign3A_70 = vector.broadcast %sign3A_69 : i32 to vector<16x128xi32>
    %sign3A_71 = arith.cmpi slt, %iota3A_61, %sign3A_70 : vector<16x128xi32>
    %sign3A_72 = arith.extui %sign3A_71 : vector<16x128xi1> to vector<16x128xi32>
    %sign3A_73 = arith.subi %sign3A_68, %sign3A_72 : vector<16x128xi32>
    %sign3A_74 = arith.constant 0 : i32
    %sign3A_75 = arith.cmpi sgt, %jit3A_62, %sign3A_74 : i32
    %sign3A_76 = arith.extui %sign3A_75 : i1 to i32
    %sign3A_77 = arith.constant 0 : i32
    %sign3A_78 = arith.cmpi slt, %jit3A_62, %sign3A_77 : i32
    %sign3A_79 = arith.extui %sign3A_78 : i1 to i32
    %sign3A_80 = arith.subi %sign3A_76, %sign3A_79 : i32
    %ne3A_81 = vector.broadcast %sign3A_80 : i32 to vector<16x128xi32>
    %ne3A_82 = arith.cmpi ne, %sign3A_73, %ne3A_81 : vector<16x128xi32>
    %rem3A_83 = vector.broadcast %jit3A_62 : i32 to vector<16x128xi32>
    %rem3A_84 = arith.remsi %iota3A_61, %rem3A_83 : vector<16x128xi32>
    %ne3A_85 = arith.constant 0 : i32
    %ne3A_86 = vector.broadcast %ne3A_85 : i32 to vector<16x128xi32>
    %ne3A_87 = arith.cmpi ne, %rem3A_84, %ne3A_86 : vector<16x128xi32>
    %and3A_88 = arith.andi %ne3A_82, %ne3A_87 : vector<16x128xi1>
    %sub3A_89 = arith.constant 1 : i32
    %sub3A_90 = vector.broadcast %sub3A_89 : i32 to vector<16x128xi32>
    %sub3A_91 = arith.subi %div3A_64, %sub3A_90 : vector<16x128xi32>
    %select_n3A_92 = arith.select %and3A_88, %sub3A_91, %div3A_64 : vector<16x128xi1>, vector<16x128xi32>
    %eq3A_93 = arith.cmpi eq, %iota3A_60, %select_n3A_92 : vector<16x128xi32>
    %convert_element_type3A_94 = arith.extui %eq3A_93 : vector<16x128xi1> to vector<16x128xi32>
    %convert_element_type3A_95 = arith.sitofp %convert_element_type3A_94 : vector<16x128xi32> to vector<16x128xf32>
    %dot_general3A_96 = arith.constant dense<0.000000e+00> : vector<632x128xf32>
    %dot_general3A_97 = tpu.matmul %slice3A_59, %convert_element_type3A_95, %dot_general3A_96 {dimension_numbers = #tpu.dot_dimension_numbers<[1], [0], [0], [1], [0, 0, 1, 1], [], []>, transpose_lhs_hint = false} : vector<632x16xf32>, vector<16x128xf32>, vector<632x128xf32> -> vector<632x128xf32>
    %div3A_98 = arith.divf %dot_general3A_58, %dot_general3A_97 : vector<632x128xf32>
    %get3A_99 = arith.constant 0 : index
    %get3A_100 = arith.constant 0 : index
    %get3A_101 = vector.load %arg2[%get3A_99, %get3A_100] : memref<1x128xf32, #tpu.memory_space<vmem>>, vector<1x128xf32>
    %add3A_102 = vector.broadcast %get3A_101 : vector<1x128xf32> to vector<632x128xf32>
    %add3A_103 = arith.addf %div3A_98, %add3A_102 : vector<632x128xf32>
    %mul3A_104 = arith.constant 632 : i32
    %mul3A_105 = arith.muli %arg0, %mul3A_104 : i32
    %iota3A_106 = tpu.iota {dimensions = array<i32: 0>} : vector<632x128xi32>
    %add3A_107 = vector.broadcast %mul3A_105 : i32 to vector<632x128xi32>
    %add3A_108 = arith.addi %add3A_107, %iota3A_106 : vector<632x128xi32>
    %lt3A_109 = arith.constant 10000 : i32
    %lt3A_110 = vector.broadcast %lt3A_109 : i32 to vector<632x128xi32>
    %lt3A_111 = arith.cmpi slt, %add3A_108, %lt3A_110 : vector<632x128xi32>
    %jit3A_112 = arith.constant 0.000000e+00 : f32
    %broadcast_in_dim3A = vector.broadcast %jit3A_112 : f32 to vector<632x128xf32>
    %select_n3A_113 = arith.select %lt3A_111, %add3A_103, %broadcast_in_dim3A : vector<632x128xi1>, vector<632x128xf32>
    %swap3A = arith.constant 0 : index
    %swap3A_114 = arith.constant 0 : index
    %swap3A_115 = vector.load %arg3[%swap3A, %swap3A_114] : memref<632x128xf32, #tpu.memory_space<vmem>>, vector<632x128xf32>
    tpu.vector_store %arg3[%swap3A, %swap3A_114], %select_n3A_113 {strides = array<i32>} : memref<632x128xf32, #tpu.memory_space<vmem>>, vector<632x128xf32>,
    %reduce_sum3A = arith.constant dense<0.000000e+00> : vector<128xf32>
    %reduce_sum3A_116 = vector.multi_reduction <add>, %select_n3A_113, %reduce_sum3A [0] : vector<632x128xf32> to vector<128xf32>
    %broadcast_in_dim3A_117 = vector.shape_cast %reduce_sum3A_116 : vector<128xf32> to vector<1x128xf32>
    %mul3A_118 = arith.mulf %select_n3A_113, %select_n3A_113 : vector<632x128xf32>
    %reduce_sum3A_119 = arith.constant dense<0.000000e+00> : vector<128xf32>
    %reduce_sum3A_120 = vector.multi_reduction <add>, %mul3A_118, %reduce_sum3A_119 [0] : vector<632x128xf32> to vector<128xf32>
    %broadcast_in_dim3A_121 = vector.shape_cast %reduce_sum3A_120 : vector<128xf32> to vector<1x128xf32>
    %eq3A_122 = arith.constant 0 : i32
    %eq3A_123 = arith.cmpi eq, %arg0, %eq3A_122 : i32
    %convert_element_type3A_124 = arith.extui %eq3A_123 : i1 to i32
    %cond3A = arith.constant 0 : i32
    %cond3A_125 = arith.cmpi ne, %convert_element_type3A_124, %cond3A : i32
    scf.if %cond3A_125 {
      %swap3A_130 = arith.constant 0 : index
      %swap3A_131 = arith.constant 0 : index
      %swap3A_132 = vector.load %arg4[%swap3A_130, %swap3A_131] : memref<1x128xf32, #tpu.memory_space<vmem>>, vector<1x128xf32>
      tpu.vector_store %arg4[%swap3A_130, %swap3A_131], %broadcast_in_dim3A_117 {strides = array<i32>} : memref<1x128xf32, #tpu.memory_space<vmem>>, vector<1x128xf32>,
      %swap3A_133 = arith.constant 0 : index
      %swap3A_134 = arith.constant 0 : index
      %swap3A_135 = vector.load %arg5[%swap3A_133, %swap3A_134] : memref<1x128xf32, #tpu.memory_space<vmem>>, vector<1x128xf32>
      tpu.vector_store %arg5[%swap3A_133, %swap3A_134], %broadcast_in_dim3A_121 {strides = array<i32>} : memref<1x128xf32, #tpu.memory_space<vmem>>, vector<1x128xf32>,
    } else {
    }
    %gt3A = arith.constant 0 : i32
    %gt3A_126 = arith.cmpi sgt, %arg0, %gt3A : i32
    %convert_element_type3A_127 = arith.extui %gt3A_126 : i1 to i32
    %cond3A_128 = arith.constant 0 : i32
    %cond3A_129 = arith.cmpi ne, %convert_element_type3A_127, %cond3A_128 : i32
    scf.if %cond3A_129 {
      %get3A_130 = arith.constant 0 : index
      %get3A_131 = arith.constant 0 : index
      %get3A_132 = vector.load %arg4[%get3A_130, %get3A_131] : memref<1x128xf32, #tpu.memory_space<vmem>>, vector<1x128xf32>
      %add3A_133 = arith.addf %get3A_132, %broadcast_in_dim3A_117 : vector<1x128xf32>
      %swap3A_134 = arith.constant 0 : index
      %swap3A_135 = arith.constant 0 : index
      %swap3A_136 = vector.load %arg4[%swap3A_134, %swap3A_135] : memref<1x128xf32, #tpu.memory_space<vmem>>, vector<1x128xf32>
      tpu.vector_store %arg4[%swap3A_134, %swap3A_135], %add3A_133 {strides = array<i32>} : memref<1x128xf32, #tpu.memory_space<vmem>>, vector<1x128xf32>,
      %get3A_137 = arith.constant 0 : index
      %get3A_138 = arith.constant 0 : index
      %get3A_139 = vector.load %arg5[%get3A_137, %get3A_138] : memref<1x128xf32, #tpu.memory_space<vmem>>, vector<1x128xf32>
      %add3A_140 = arith.addf %get3A_139, %broadcast_in_dim3A_121 : vector<1x128xf32>
      %swap3A_141 = arith.constant 0 : index
      %swap3A_142 = arith.constant 0 : index
      %swap3A_143 = vector.load %arg5[%swap3A_141, %swap3A_142] : memref<1x128xf32, #tpu.memory_space<vmem>>, vector<1x128xf32>
      tpu.vector_store %arg5[%swap3A_141, %swap3A_142], %add3A_140 {strides = array<i32>} : memref<1x128xf32, #tpu.memory_space<vmem>>, vector<1x128xf32>,
    } else {
    }
    return
  }
  func.func @transform_0(%arg0: i32) -> (i32, i32, i32) {
    %c0_i32 = arith.constant 0 : i32
    %c0_i32_0 = arith.constant 0 : i32
    %c0_i32_1 = arith.constant 0 : i32
    return %c0_i32, %arg0, %c0_i32_0 : i32, i32, i32
  }
  func.func @transform_1(%arg0: i32) -> (i32, i32) {
    %c0_i32 = arith.constant 0 : i32
    %c0_i32_0 = arith.constant 0 : i32
    %c0_i32_1 = arith.constant 0 : i32
    return %c0_i32, %c0_i32_0 : i32, i32
  }
  func.func @transform_2(%arg0: i32) -> (i32, i32) {
    %c0_i32 = arith.constant 0 : i32
    %c0_i32_0 = arith.constant 0 : i32
    return %arg0, %c0_i32 : i32, i32
  }
  func.func @transform_3(%arg0: i32) -> (i32, i32) {
    %c0_i32 = arith.constant 0 : i32
    %c0_i32_0 = arith.constant 0 : i32
    %c0_i32_1 = arith.constant 0 : i32
    return %c0_i32, %c0_i32_0 : i32, i32
  }
  func.func @transform_4(%arg0: i32) -> (i32, i32) {
    %c0_i32 = arith.constant 0 : i32
    %c0_i32_0 = arith.constant 0 : i32
    %c0_i32_1 = arith.constant 0 : i32
    return %c0_i32, %c0_i32_0 : i32, i32
  }
}

module attributes {stable_mosaic.version = 14 : i64} {
  func.func @_bn_body(%arg0: i32, %arg1: memref<632x128xf32, #tpu.memory_space<vmem>>, %arg2: memref<1x128xf32, #tpu.memory_space<vmem>>, %arg3: memref<1x128xf32, #tpu.memory_space<vmem>>, %arg4: memref<1x128xf32, #tpu.memory_space<vmem>>, %arg5: memref<1x128xf32, #tpu.memory_space<vmem>>, %arg6: memref<632x128xf32, #tpu.memory_space<vmem>>, %arg7: memref<632x128xf32, #tpu.memory_space<vmem>>) attributes {dimension_semantics = [#tpu.dimension_semantics<arbitrary>], iteration_bounds = array<i64: 16>, scalar_prefetch = 0 : i64, scratch_operands = 0 : i64, tpu.core_type = #tpu.core_type<tc>, window_params = [{transform_indices = @transform_0, window_bounds = array<i64: 632, 128>}, {pipeline_mode = #tpu.pipeline_mode<synchronous>, transform_indices = @transform_1, window_bounds = array<i64: 1, 128>}, {pipeline_mode = #tpu.pipeline_mode<synchronous>, transform_indices = @transform_2, window_bounds = array<i64: 1, 128>}, {pipeline_mode = #tpu.pipeline_mode<synchronous>, transform_indices = @transform_3, window_bounds = array<i64: 1, 128>}, {pipeline_mode = #tpu.pipeline_mode<synchronous>, transform_indices = @transform_4, window_bounds = array<i64: 1, 128>}, {transform_indices = @transform_5, window_bounds = array<i64: 632, 128>}, {transform_indices = @transform_6, window_bounds = array<i64: 632, 128>}]} {
    %get3A = arith.constant 0 : index
    %get3A_0 = arith.constant 0 : index
    %get3A_1 = vector.load %arg2[%get3A, %get3A_0] : memref<1x128xf32, #tpu.memory_space<vmem>>, vector<1x128xf32>
    %mul3A = arith.constant 9.99999974E-5 : f32
    %mul3A_2 = vector.broadcast %mul3A : f32 to vector<1x128xf32>
    %mul3A_3 = arith.mulf %get3A_1, %mul3A_2 : vector<1x128xf32>
    %get3A_4 = arith.constant 0 : index
    %get3A_5 = arith.constant 0 : index
    %get3A_6 = vector.load %arg3[%get3A_4, %get3A_5] : memref<1x128xf32, #tpu.memory_space<vmem>>, vector<1x128xf32>
    %mul3A_7 = arith.constant 9.99999974E-5 : f32
    %mul3A_8 = vector.broadcast %mul3A_7 : f32 to vector<1x128xf32>
    %mul3A_9 = arith.mulf %get3A_6, %mul3A_8 : vector<1x128xf32>
    %mul3A_10 = arith.mulf %mul3A_3, %mul3A_3 : vector<1x128xf32>
    %sub3A = arith.subf %mul3A_9, %mul3A_10 : vector<1x128xf32>
    %get3A_11 = arith.constant 0 : index
    %get3A_12 = arith.constant 0 : index
    %get3A_13 = vector.load %arg4[%get3A_11, %get3A_12] : memref<1x128xf32, #tpu.memory_space<vmem>>, vector<1x128xf32>
    %add3A = arith.constant 9.99999974E-6 : f32
    %add3A_14 = vector.broadcast %add3A : f32 to vector<1x128xf32>
    %add3A_15 = arith.addf %sub3A, %add3A_14 : vector<1x128xf32>
    %rsqrt3A = math.rsqrt %add3A_15 : vector<1x128xf32>
    %mul3A_16 = arith.mulf %get3A_13, %rsqrt3A : vector<1x128xf32>
    %get3A_17 = arith.constant 0 : index
    %get3A_18 = arith.constant 0 : index
    %get3A_19 = vector.load %arg1[%get3A_17, %get3A_18] : memref<632x128xf32, #tpu.memory_space<vmem>>, vector<632x128xf32>
    %sub3A_20 = vector.broadcast %mul3A_3 : vector<1x128xf32> to vector<632x128xf32>
    %sub3A_21 = arith.subf %get3A_19, %sub3A_20 : vector<632x128xf32>
    %mul3A_22 = vector.broadcast %mul3A_16 : vector<1x128xf32> to vector<632x128xf32>
    %mul3A_23 = arith.mulf %sub3A_21, %mul3A_22 : vector<632x128xf32>
    %get3A_24 = arith.constant 0 : index
    %get3A_25 = arith.constant 0 : index
    %get3A_26 = vector.load %arg5[%get3A_24, %get3A_25] : memref<1x128xf32, #tpu.memory_space<vmem>>, vector<1x128xf32>
    %add3A_27 = vector.broadcast %get3A_26 : vector<1x128xf32> to vector<632x128xf32>
    %add3A_28 = arith.addf %mul3A_23, %add3A_27 : vector<632x128xf32>
    %max3A = arith.constant 0.000000e+00 : f32
    %max3A_29 = vector.broadcast %max3A : f32 to vector<632x128xf32>
    %max3A_30 = arith.maximumf %add3A_28, %max3A_29 : vector<632x128xf32>
    %get3A_31 = arith.constant 0 : index
    %get3A_32 = arith.constant 0 : index
    %get3A_33 = vector.load %arg6[%get3A_31, %get3A_32] : memref<632x128xf32, #tpu.memory_space<vmem>>, vector<632x128xf32>
    %add3A_34 = arith.addf %max3A_30, %get3A_33 : vector<632x128xf32>
    %mul3A_35 = arith.constant 632 : i32
    %mul3A_36 = arith.muli %arg0, %mul3A_35 : i32
    %iota3A = tpu.iota {dimensions = array<i32: 0>} : vector<632x128xi32>
    %add3A_37 = vector.broadcast %mul3A_36 : i32 to vector<632x128xi32>
    %add3A_38 = arith.addi %add3A_37, %iota3A : vector<632x128xi32>
    %lt3A = arith.constant 10000 : i32
    %lt3A_39 = vector.broadcast %lt3A : i32 to vector<632x128xi32>
    %lt3A_40 = arith.cmpi slt, %add3A_38, %lt3A_39 : vector<632x128xi32>
    %jit3A = arith.constant 0.000000e+00 : f32
    %broadcast_in_dim3A = vector.broadcast %jit3A : f32 to vector<632x128xf32>
    %select_n3A = arith.select %lt3A_40, %add3A_34, %broadcast_in_dim3A : vector<632x128xi1>, vector<632x128xf32>
    %swap3A = arith.constant 0 : index
    %swap3A_41 = arith.constant 0 : index
    %swap3A_42 = vector.load %arg7[%swap3A, %swap3A_41] : memref<632x128xf32, #tpu.memory_space<vmem>>, vector<632x128xf32>
    tpu.vector_store %arg7[%swap3A, %swap3A_41], %select_n3A {strides = array<i32>} : memref<632x128xf32, #tpu.memory_space<vmem>>, vector<632x128xf32>,
    return
  }
  func.func @transform_0(%arg0: i32) -> (i32, i32) {
    %c0_i32 = arith.constant 0 : i32
    %c0_i32_0 = arith.constant 0 : i32
    return %arg0, %c0_i32 : i32, i32
  }
  func.func @transform_1(%arg0: i32) -> (i32, i32) {
    %c0_i32 = arith.constant 0 : i32
    %c0_i32_0 = arith.constant 0 : i32
    %c0_i32_1 = arith.constant 0 : i32
    return %c0_i32, %c0_i32_0 : i32, i32
  }
  func.func @transform_2(%arg0: i32) -> (i32, i32) {
    %c0_i32 = arith.constant 0 : i32
    %c0_i32_0 = arith.constant 0 : i32
    %c0_i32_1 = arith.constant 0 : i32
    return %c0_i32, %c0_i32_0 : i32, i32
  }
  func.func @transform_3(%arg0: i32) -> (i32, i32) {
    %c0_i32 = arith.constant 0 : i32
    %c0_i32_0 = arith.constant 0 : i32
    %c0_i32_1 = arith.constant 0 : i32
    return %c0_i32, %c0_i32_0 : i32, i32
  }
  func.func @transform_4(%arg0: i32) -> (i32, i32) {
    %c0_i32 = arith.constant 0 : i32
    %c0_i32_0 = arith.constant 0 : i32
    %c0_i32_1 = arith.constant 0 : i32
    return %c0_i32, %c0_i32_0 : i32, i32
  }
  func.func @transform_5(%arg0: i32) -> (i32, i32) {
    %c0_i32 = arith.constant 0 : i32
    %c0_i32_0 = arith.constant 0 : i32
    return %arg0, %c0_i32 : i32, i32
  }
  func.func @transform_6(%arg0: i32) -> (i32, i32) {
    %c0_i32 = arith.constant 0 : i32
    %c0_i32_0 = arith.constant 0 : i32
    return %arg0, %c0_i32 : i32, i32
  }
}

module attributes {stable_mosaic.version = 14 : i64} {
  func.func @body(%arg0: i32, %arg1: memref<2x632x144xf32, #tpu.memory_space<vmem>>, %arg2: memref<1x128xf32, #tpu.memory_space<vmem>>, %arg3: memref<632x128xf32, #tpu.memory_space<vmem>>, %arg4: memref<1x128xf32, #tpu.memory_space<vmem>>, %arg5: memref<1x128xf32, #tpu.memory_space<vmem>>) attributes {dimension_semantics = [#tpu.dimension_semantics<arbitrary>], iteration_bounds = array<i64: 16>, scalar_prefetch = 0 : i64, scratch_operands = 0 : i64, tpu.core_type = #tpu.core_type<tc>, window_params = [{transform_indices = @transform_0, window_bounds = array<i64: 2, 632, 144>}, {pipeline_mode = #tpu.pipeline_mode<synchronous>, transform_indices = @transform_1, window_bounds = array<i64: 1, 128>}, {transform_indices = @transform_2, window_bounds = array<i64: 632, 128>}, {pipeline_mode = #tpu.pipeline_mode<synchronous>, transform_indices = @transform_3, window_bounds = array<i64: 1, 128>}, {pipeline_mode = #tpu.pipeline_mode<synchronous>, transform_indices = @transform_4, window_bounds = array<i64: 1, 128>}]} {
    %get3A = arith.constant 0 : index
    %get3A_0 = arith.constant 0 : index
    %get3A_1 = arith.constant 0 : index
    %get3A_2 = vector.load %arg1[%get3A, %get3A_0, %get3A_1] : memref<2x632x144xf32, #tpu.memory_space<vmem>>, vector<1x632x144xf32>
    %get3A_3 = vector.shape_cast %get3A_2 : vector<1x632x144xf32> to vector<632x144xf32>
    %get3A_4 = arith.constant 1 : index
    %get3A_5 = arith.constant 0 : index
    %get3A_6 = arith.constant 0 : index
    %get3A_7 = vector.load %arg1[%get3A_4, %get3A_5, %get3A_6] : memref<2x632x144xf32, #tpu.memory_space<vmem>>, vector<1x632x144xf32>
    %get3A_8 = vector.shape_cast %get3A_7 : vector<1x632x144xf32> to vector<632x144xf32>
    %add3A = arith.addf %get3A_3, %get3A_8 : vector<632x144xf32>
    %slice3A = vector.extract_strided_slice %add3A {offsets = [0, 0], sizes = [632, 128], strides = [1, 1]} : vector<632x144xf32> to vector<632x128xf32>
    %slice3A_9 = vector.extract_strided_slice %add3A {offsets = [0, 128], sizes = [632, 1], strides = [1, 1]} : vector<632x144xf32> to vector<632x1xf32>
    %broadcast_in_dim3A = vector.shape_cast %slice3A_9 : vector<632x1xf32> to vector<632x1xf32>
    %broadcast_in_dim3A_10 = vector.broadcast %broadcast_in_dim3A : vector<632x1xf32> to vector<632x128xf32>
    %div3A = arith.divf %slice3A, %broadcast_in_dim3A_10 : vector<632x128xf32>
    %get3A_11 = arith.constant 0 : index
    %get3A_12 = arith.constant 0 : index
    %get3A_13 = vector.load %arg2[%get3A_11, %get3A_12] : memref<1x128xf32, #tpu.memory_space<vmem>>, vector<1x128xf32>
    %add3A_14 = vector.broadcast %get3A_13 : vector<1x128xf32> to vector<632x128xf32>
    %add3A_15 = arith.addf %div3A, %add3A_14 : vector<632x128xf32>
    %mul3A = arith.constant 632 : i32
    %mul3A_16 = arith.muli %arg0, %mul3A : i32
    %iota3A = tpu.iota {dimensions = array<i32: 0>} : vector<632x128xi32>
    %add3A_17 = vector.broadcast %mul3A_16 : i32 to vector<632x128xi32>
    %add3A_18 = arith.addi %add3A_17, %iota3A : vector<632x128xi32>
    %lt3A = arith.constant 10000 : i32
    %lt3A_19 = vector.broadcast %lt3A : i32 to vector<632x128xi32>
    %lt3A_20 = arith.cmpi slt, %add3A_18, %lt3A_19 : vector<632x128xi32>
    %jit3A = arith.constant 0.000000e+00 : f32
    %broadcast_in_dim3A_21 = vector.broadcast %jit3A : f32 to vector<632x128xf32>
    %select_n3A = arith.select %lt3A_20, %add3A_15, %broadcast_in_dim3A_21 : vector<632x128xi1>, vector<632x128xf32>
    %swap3A = arith.constant 0 : index
    %swap3A_22 = arith.constant 0 : index
    %swap3A_23 = vector.load %arg3[%swap3A, %swap3A_22] : memref<632x128xf32, #tpu.memory_space<vmem>>, vector<632x128xf32>
    tpu.vector_store %arg3[%swap3A, %swap3A_22], %select_n3A {strides = array<i32>} : memref<632x128xf32, #tpu.memory_space<vmem>>, vector<632x128xf32>,
    %reduce_sum3A = arith.constant dense<0.000000e+00> : vector<128xf32>
    %reduce_sum3A_24 = vector.multi_reduction <add>, %select_n3A, %reduce_sum3A [0] : vector<632x128xf32> to vector<128xf32>
    %broadcast_in_dim3A_25 = vector.shape_cast %reduce_sum3A_24 : vector<128xf32> to vector<1x128xf32>
    %mul3A_26 = arith.mulf %select_n3A, %select_n3A : vector<632x128xf32>
    %reduce_sum3A_27 = arith.constant dense<0.000000e+00> : vector<128xf32>
    %reduce_sum3A_28 = vector.multi_reduction <add>, %mul3A_26, %reduce_sum3A_27 [0] : vector<632x128xf32> to vector<128xf32>
    %broadcast_in_dim3A_29 = vector.shape_cast %reduce_sum3A_28 : vector<128xf32> to vector<1x128xf32>
    %eq3A = arith.constant 0 : i32
    %eq3A_30 = arith.cmpi eq, %arg0, %eq3A : i32
    %convert_element_type3A = arith.extui %eq3A_30 : i1 to i32
    %cond3A = arith.constant 0 : i32
    %cond3A_31 = arith.cmpi ne, %convert_element_type3A, %cond3A : i32
    scf.if %cond3A_31 {
      %swap3A_36 = arith.constant 0 : index
      %swap3A_37 = arith.constant 0 : index
      %swap3A_38 = vector.load %arg4[%swap3A_36, %swap3A_37] : memref<1x128xf32, #tpu.memory_space<vmem>>, vector<1x128xf32>
      tpu.vector_store %arg4[%swap3A_36, %swap3A_37], %broadcast_in_dim3A_25 {strides = array<i32>} : memref<1x128xf32, #tpu.memory_space<vmem>>, vector<1x128xf32>,
      %swap3A_39 = arith.constant 0 : index
      %swap3A_40 = arith.constant 0 : index
      %swap3A_41 = vector.load %arg5[%swap3A_39, %swap3A_40] : memref<1x128xf32, #tpu.memory_space<vmem>>, vector<1x128xf32>
      tpu.vector_store %arg5[%swap3A_39, %swap3A_40], %broadcast_in_dim3A_29 {strides = array<i32>} : memref<1x128xf32, #tpu.memory_space<vmem>>, vector<1x128xf32>,
    } else {
    }
    %gt3A = arith.constant 0 : i32
    %gt3A_32 = arith.cmpi sgt, %arg0, %gt3A : i32
    %convert_element_type3A_33 = arith.extui %gt3A_32 : i1 to i32
    %cond3A_34 = arith.constant 0 : i32
    %cond3A_35 = arith.cmpi ne, %convert_element_type3A_33, %cond3A_34 : i32
    scf.if %cond3A_35 {
      %get3A_36 = arith.constant 0 : index
      %get3A_37 = arith.constant 0 : index
      %get3A_38 = vector.load %arg4[%get3A_36, %get3A_37] : memref<1x128xf32, #tpu.memory_space<vmem>>, vector<1x128xf32>
      %add3A_39 = arith.addf %get3A_38, %broadcast_in_dim3A_25 : vector<1x128xf32>
      %swap3A_40 = arith.constant 0 : index
      %swap3A_41 = arith.constant 0 : index
      %swap3A_42 = vector.load %arg4[%swap3A_40, %swap3A_41] : memref<1x128xf32, #tpu.memory_space<vmem>>, vector<1x128xf32>
      tpu.vector_store %arg4[%swap3A_40, %swap3A_41], %add3A_39 {strides = array<i32>} : memref<1x128xf32, #tpu.memory_space<vmem>>, vector<1x128xf32>,
      %get3A_43 = arith.constant 0 : index
      %get3A_44 = arith.constant 0 : index
      %get3A_45 = vector.load %arg5[%get3A_43, %get3A_44] : memref<1x128xf32, #tpu.memory_space<vmem>>, vector<1x128xf32>
      %add3A_46 = arith.addf %get3A_45, %broadcast_in_dim3A_29 : vector<1x128xf32>
      %swap3A_47 = arith.constant 0 : index
      %swap3A_48 = arith.constant 0 : index
      %swap3A_49 = vector.load %arg5[%swap3A_47, %swap3A_48] : memref<1x128xf32, #tpu.memory_space<vmem>>, vector<1x128xf32>
      tpu.vector_store %arg5[%swap3A_47, %swap3A_48], %add3A_46 {strides = array<i32>} : memref<1x128xf32, #tpu.memory_space<vmem>>, vector<1x128xf32>,
    } else {
    }
    return
  }
  func.func @transform_0(%arg0: i32) -> (i32, i32, i32) {
    %c0_i32 = arith.constant 0 : i32
    %c0_i32_0 = arith.constant 0 : i32
    %c0_i32_1 = arith.constant 0 : i32
    return %c0_i32, %arg0, %c0_i32_0 : i32, i32, i32
  }
  func.func @transform_1(%arg0: i32) -> (i32, i32) {
    %c0_i32 = arith.constant 0 : i32
    %c0_i32_0 = arith.constant 0 : i32
    %c0_i32_1 = arith.constant 0 : i32
    return %c0_i32, %c0_i32_0 : i32, i32
  }
  func.func @transform_2(%arg0: i32) -> (i32, i32) {
    %c0_i32 = arith.constant 0 : i32
    %c0_i32_0 = arith.constant 0 : i32
    return %arg0, %c0_i32 : i32, i32
  }
  func.func @transform_3(%arg0: i32) -> (i32, i32) {
    %c0_i32 = arith.constant 0 : i32
    %c0_i32_0 = arith.constant 0 : i32
    %c0_i32_1 = arith.constant 0 : i32
    return %c0_i32, %c0_i32_0 : i32, i32
  }
  func.func @transform_4(%arg0: i32) -> (i32, i32) {
    %c0_i32 = arith.constant 0 : i32
    %c0_i32_0 = arith.constant 0 : i32
    %c0_i32_1 = arith.constant 0 : i32
    return %c0_i32, %c0_i32_0 : i32, i32
  }
}

module attributes {stable_mosaic.version = 14 : i64} {
  func.func @_pool_body(%arg0: i32, %arg1: memref<632x128xf32, #tpu.memory_space<vmem>>, %arg2: memref<632x16xf32, #tpu.memory_space<vmem>>, %arg3: memref<16x128xf32, #tpu.memory_space<vmem>>, %arg4: memref<16x128xf32, #tpu.memory_space<vmem>>) attributes {dimension_semantics = [#tpu.dimension_semantics<arbitrary>], iteration_bounds = array<i64: 16>, scalar_prefetch = 0 : i64, scratch_operands = 0 : i64, tpu.core_type = #tpu.core_type<tc>, window_params = [{transform_indices = @transform_0, window_bounds = array<i64: 632, 128>}, {transform_indices = @transform_1, window_bounds = array<i64: 632, 16>}, {pipeline_mode = #tpu.pipeline_mode<synchronous>, transform_indices = @transform_2, window_bounds = array<i64: 16, 128>}, {pipeline_mode = #tpu.pipeline_mode<synchronous>, transform_indices = @transform_3, window_bounds = array<i64: 16, 128>}]} {
    %get3A = arith.constant 0 : index
    %get3A_0 = arith.constant 0 : index
    %get3A_1 = vector.load %arg2[%get3A, %get3A_0] : memref<632x16xf32, #tpu.memory_space<vmem>>, vector<632x16xf32>
    %get3A_2 = arith.constant 0 : index
    %get3A_3 = arith.constant 0 : index
    %get3A_4 = vector.load %arg1[%get3A_2, %get3A_3] : memref<632x128xf32, #tpu.memory_space<vmem>>, vector<632x128xf32>
    %dot_general3A = arith.constant dense<0.000000e+00> : vector<16x128xf32>
    %dot_general3A_5 = tpu.matmul %get3A_1, %get3A_4, %dot_general3A {dimension_numbers = #tpu.dot_dimension_numbers<[0], [0], [1], [1], [0, 1, 1, 1], [], []>, transpose_lhs_hint = false} : vector<632x16xf32>, vector<632x128xf32>, vector<16x128xf32> -> vector<16x128xf32>
    %broadcast_in_dim3A = arith.constant 1.000000e+00 : f32
    %broadcast_in_dim3A_6 = vector.broadcast %broadcast_in_dim3A : f32 to vector<632x128xf32>
    %dot_general3A_7 = arith.constant dense<0.000000e+00> : vector<16x128xf32>
    %dot_general3A_8 = tpu.matmul %get3A_1, %broadcast_in_dim3A_6, %dot_general3A_7 {dimension_numbers = #tpu.dot_dimension_numbers<[0], [0], [1], [1], [0, 1, 1, 1], [], []>, transpose_lhs_hint = false} : vector<632x16xf32>, vector<632x128xf32>, vector<16x128xf32> -> vector<16x128xf32>
    %eq3A = arith.constant 0 : i32
    %eq3A_9 = arith.cmpi eq, %arg0, %eq3A : i32
    %convert_element_type3A = arith.extui %eq3A_9 : i1 to i32
    %cond3A = arith.constant 0 : i32
    %cond3A_10 = arith.cmpi ne, %convert_element_type3A, %cond3A : i32
    scf.if %cond3A_10 {
      %swap3A = arith.constant 0 : index
      %swap3A_20 = arith.constant 0 : index
      %swap3A_21 = vector.load %arg3[%swap3A, %swap3A_20] : memref<16x128xf32, #tpu.memory_space<vmem>>, vector<16x128xf32>
      tpu.vector_store %arg3[%swap3A, %swap3A_20], %dot_general3A_5 {strides = array<i32>} : memref<16x128xf32, #tpu.memory_space<vmem>>, vector<16x128xf32>,
      %swap3A_22 = arith.constant 0 : index
      %swap3A_23 = arith.constant 0 : index
      %swap3A_24 = vector.load %arg4[%swap3A_22, %swap3A_23] : memref<16x128xf32, #tpu.memory_space<vmem>>, vector<16x128xf32>
      tpu.vector_store %arg4[%swap3A_22, %swap3A_23], %dot_general3A_8 {strides = array<i32>} : memref<16x128xf32, #tpu.memory_space<vmem>>, vector<16x128xf32>,
    } else {
    }
    %gt3A = arith.constant 0 : i32
    %gt3A_11 = arith.cmpi sgt, %arg0, %gt3A : i32
    %convert_element_type3A_12 = arith.extui %gt3A_11 : i1 to i32
    %cond3A_13 = arith.constant 0 : i32
    %cond3A_14 = arith.cmpi ne, %convert_element_type3A_12, %cond3A_13 : i32
    scf.if %cond3A_14 {
      %get3A_20 = arith.constant 0 : index
      %get3A_21 = arith.constant 0 : index
      %get3A_22 = vector.load %arg3[%get3A_20, %get3A_21] : memref<16x128xf32, #tpu.memory_space<vmem>>, vector<16x128xf32>
      %add3A = arith.addf %get3A_22, %dot_general3A_5 : vector<16x128xf32>
      %swap3A = arith.constant 0 : index
      %swap3A_23 = arith.constant 0 : index
      %swap3A_24 = vector.load %arg3[%swap3A, %swap3A_23] : memref<16x128xf32, #tpu.memory_space<vmem>>, vector<16x128xf32>
      tpu.vector_store %arg3[%swap3A, %swap3A_23], %add3A {strides = array<i32>} : memref<16x128xf32, #tpu.memory_space<vmem>>, vector<16x128xf32>,
      %get3A_25 = arith.constant 0 : index
      %get3A_26 = arith.constant 0 : index
      %get3A_27 = vector.load %arg4[%get3A_25, %get3A_26] : memref<16x128xf32, #tpu.memory_space<vmem>>, vector<16x128xf32>
      %add3A_28 = arith.addf %get3A_27, %dot_general3A_8 : vector<16x128xf32>
      %swap3A_29 = arith.constant 0 : index
      %swap3A_30 = arith.constant 0 : index
      %swap3A_31 = vector.load %arg4[%swap3A_29, %swap3A_30] : memref<16x128xf32, #tpu.memory_space<vmem>>, vector<16x128xf32>
      tpu.vector_store %arg4[%swap3A_29, %swap3A_30], %add3A_28 {strides = array<i32>} : memref<16x128xf32, #tpu.memory_space<vmem>>, vector<16x128xf32>,
    } else {
    }
    %eq3A_15 = arith.constant 15 : i32
    %eq3A_16 = arith.cmpi eq, %arg0, %eq3A_15 : i32
    %convert_element_type3A_17 = arith.extui %eq3A_16 : i1 to i32
    %cond3A_18 = arith.constant 0 : i32
    %cond3A_19 = arith.cmpi ne, %convert_element_type3A_17, %cond3A_18 : i32
    scf.if %cond3A_19 {
      %get3A_20 = arith.constant 0 : index
      %get3A_21 = arith.constant 0 : index
      %get3A_22 = vector.load %arg3[%get3A_20, %get3A_21] : memref<16x128xf32, #tpu.memory_space<vmem>>, vector<16x128xf32>
      %get3A_23 = arith.constant 0 : index
      %get3A_24 = arith.constant 0 : index
      %get3A_25 = vector.load %arg4[%get3A_23, %get3A_24] : memref<16x128xf32, #tpu.memory_space<vmem>>, vector<16x128xf32>
      %max3A = arith.constant 1.000000e+00 : f32
      %max3A_26 = vector.broadcast %max3A : f32 to vector<16x128xf32>
      %max3A_27 = arith.maximumf %get3A_25, %max3A_26 : vector<16x128xf32>
      %div3A = arith.divf %get3A_22, %max3A_27 : vector<16x128xf32>
      %swap3A = arith.constant 0 : index
      %swap3A_28 = arith.constant 0 : index
      %swap3A_29 = vector.load %arg3[%swap3A, %swap3A_28] : memref<16x128xf32, #tpu.memory_space<vmem>>, vector<16x128xf32>
      tpu.vector_store %arg3[%swap3A, %swap3A_28], %div3A {strides = array<i32>} : memref<16x128xf32, #tpu.memory_space<vmem>>, vector<16x128xf32>,
    } else {
    }
    return
  }
  func.func @transform_0(%arg0: i32) -> (i32, i32) {
    %c0_i32 = arith.constant 0 : i32
    %c0_i32_0 = arith.constant 0 : i32
    return %arg0, %c0_i32 : i32, i32
  }
  func.func @transform_1(%arg0: i32) -> (i32, i32) {
    %c0_i32 = arith.constant 0 : i32
    %c0_i32_0 = arith.constant 0 : i32
    return %arg0, %c0_i32 : i32, i32
  }
  func.func @transform_2(%arg0: i32) -> (i32, i32) {
    %c0_i32 = arith.constant 0 : i32
    %c0_i32_0 = arith.constant 0 : i32
    %c0_i32_1 = arith.constant 0 : i32
    return %c0_i32, %c0_i32_0 : i32, i32
  }
  func.func @transform_3(%arg0: i32) -> (i32, i32) {
    %c0_i32 = arith.constant 0 : i32
    %c0_i32_0 = arith.constant 0 : i32
    %c0_i32_1 = arith.constant 0 : i32
    return %c0_i32, %c0_i32_0 : i32, i32
  }
}

</mosaic_0001>

<sc_bundles>
// kernel: kernel.19.cloned.1.call-start
scs
__scs_entry_jumppad:
0x0: {  	(pc) =	sbr.rel $0x88, $3  }
0x1: {  	(tag) =	ssettag $0x0;
	lr =	simm.s32 $0x1  }
0x2: {  	[smem:$0x3F86] =	sst lr;
	_ =	strace $0xD0000000  }
0x3: {  	_ = 	snop  }
0x4: {  	_ = 	snop  }
0x5: {  	_ = 	snop  }
0x6: {  	_ = 	snop  }
0x7: {  	_ = 	snop  }
__scs_overlays_trampoline_lowered:
0x8: {  	[smem:$0x3F95] =	sst s0  }
0x9: {  	[smem:$0x3F96] =	sst s1  }
0xa: {  	[smem:$0x3F97] =	sst s2  }
0xb: {  	[smem:$0x3F98] =	sst s3  }
0xc: {  	[smem:$0x3F99] =	sst s4  }
0xd: {  	[smem:$0x3F9A] =	sst s5  }
0xe: {  	[smem:$0x3F9B] =	sst s6  }
0xf: {  	[smem:$0x3F9C] =	sst s7  }
0x10: {  	[smem:$0x3F9D] =	sst s8  }
0x11: {  	[smem:$0x3F9E] =	sst s9;
	s0 =	simm.s32 @!p0 $0x0  }
0x12: {  	s1 =	sld [smem:$0x3F84];
	s0 =	simm.s32 @p0 $0x1  }
0x13: {  	[smem:$0x3F9F] =	sst s0;
	s0 =	simm.s32 @!p1 $0x0  }
0x14: {  	s2 =	sld [smem:$0x3F83];
	s0 =	simm.s32 @p1 $0x1  }
0x15: {  	[smem:$0x3FA0] =	sst s0;
	s0 =	simm.s32 @!p2 $0x0  }
0x16: {  	s3 =	sld [smem:$0x3FDB];
	s0 =	simm.s32 @p2 $0x1  }
0x17: {  	s4 =	simm.s32 $0x1BF5;
	[smem:$0x3FA2] =	sst s0  }
0x18: {  	s0 =	sld [smem:$0x3F85];
	_ =	swait.ge [sflag:s4], $0x0  }
0x19: {  	s7 =	sld [smem:$0x3F86]  }
0x1a: {  	s8 =	sadd.s32 $0xFFFFE003, lr  }
0x1b: {  	s9 =	sadd.s32 $0xFFFFFEF7, lr;
	s5 =	simm.s32 $0xFFFFFFFF;
	p2 =	slt.u32 s8, $0xFFFFF086  }
0x1c: {  	p1 =	slt.u32 s9, $0xF7A;
	s5 =	simm.s32 @!p2 $0x0  }
0x1d: {  	s5 =	simm.s32 @p1 $0x1;
	p0 =	seq.s32 s7, s2  }
0x1e: {  	s7 =	smul.u32 @!p0 $0xF7A, s2;
	p2 =	seq.s32 @!p0 s5, $0x0  }
0x1f: {  	s9 =	smul.u32 $0xF7A, s1;
	s8 =	simm.s32 @!p0 $0x1BF5;
	p2 =	por !p2, p0  }
0x20: {  	[sflag:s8] =	ssyncset.s32 @!p0 $0xFFFFF086;
	s6 =	sadd.s32 @!p0 s3, s7;
	s7 =	simm.s32 @!p0 $0x108  }
0x21: {  	s3 =	sadd.s32 s3, s9;
	s6 =	sadd.s32 @!p0 $0x88, s6;
	s7 =	simm.s32 @p2 $0x1082  }
0x22: {  	[simem:s7], [sflag:s8] =	dma.local @!p0 [hbm:s6], $0xF7A  }
0x23: {  	s9 =	sor.u32 $0xD0000000, s2;
	s6 =	simm.s32 $0x108;
	_ =	swait.ge @!p0 [sflag:s8], $0x0  }
0x24: {  	s3 =	sadd.s32 $0x88, s3;
	s6 =	simm.s32 @!p1 $0x1082;
	[sflag:s4] =	ssyncset.s32 $0xFFFFF086  }
0x25: {  	[simem:s6], [sflag:s4] =	dma.local [hbm:s3], $0xF7A  }
0x26: {  	[smem:$0x3F86] =	sst s1;
	(tag) =	ssettag s2;
	_ =	strace s9  }
0x27: {  	s1 =	sld [smem:$0x3F96]  }
0x28: {  	s2 =	sld [smem:$0x3F97]  }
0x29: {  	s4 =	sld [smem:$0x3F99]  }
0x2a: {  	p0 =	seq.s32 s5, $0x0;
	s5 =	sld [smem:$0x3F9A]  }
0x2b: {  	s6 =	sld [smem:$0x3F9B]  }
0x2c: {  	s7 =	sld [smem:$0x3F9C]  }
0x2d: {  	s3 =	simm.s32 $0x108;
	s8 =	sld [smem:$0x3F9D]  }
0x2e: {  	s3 =	simm.s32 @!p0 $0x1082;
	s9 =	sld [smem:$0x3F9E]  }
0x2f: {  	lr =	sadd.s32 s0, s3;
	s0 =	sld [smem:$0x3F95]  }
0x30: {  	s3 =	sld [smem:$0x3F98]  }
0x31: {  	[smem:$0x3FA1] =	sst s10  }
0x32: {  	s10 =	sld [smem:$0x3F9F];
	_ =	sdelay $0x3  }
0x33: {  	p0 =	seq.s32 s10, $0x1;
	s10 =	sld [smem:$0x3FA1];
	_ =	sdelay $0x3  }
0x34: {  	[smem:$0x3FA1] =	sst s10  }
0x35: {  	s10 =	sld [smem:$0x3FA0];
	_ =	sdelay $0x3  }
0x36: {  	p1 =	seq.s32 s10, $0x1;
	s10 =	sld [smem:$0x3FA1];
	_ =	sdelay $0x3  }
0x37: {  	[smem:$0x3FA1] =	sst s10  }
0x38: {  	s10 =	sld [smem:$0x3FA2]  }
0x39: {  	_ = 	snop;
	(pc) =	sbr.ind lr, $3  }
0x3a: {  	_ = 	snop  }
0x3b: {  	_ = 	snop  }
0x3c: {  	p2 =	seq.s32 s10, $0x1;
	s10 =	sld [smem:$0x3FA1]  }
0x3d: {  	_ =	shalt  }
0x3e: {  	_ =	shalt  }
0x3f: {  	_ =	shalt  }
0x40: {  	_ =	shalt  }
0x41: {  	_ =	shalt  }
0x42: {  	_ =	shalt  }
0x43: {  	_ =	shalt  }
0x44: {  	_ =	shalt  }
0x45: {  	_ =	shalt  }
0x46: {  	_ =	shalt  }
0x47: {  	_ =	shalt  }
0x48: {  	_ =	shalt  }
0x49: {  	_ =	shalt  }
0x4a: {  	_ =	shalt  }
0x4b: {  	_ =	shalt  }
0x4c: {  	_ =	shalt  }
0x4d: {  	_ =	shalt  }
0x4e: {  	_ =	shalt  }
0x4f: {  	_ =	shalt  }
0x50: {  	_ =	shalt  }
0x51: {  	_ =	shalt  }
0x52: {  	_ =	shalt  }
0x53: {  	_ =	shalt  }
0x54: {  	_ =	shalt  }
0x55: {  	_ =	shalt  }
0x56: {  	_ =	shalt  }
0x57: {  	_ =	shalt  }
0x58: {  	_ =	shalt  }
0x59: {  	_ =	shalt  }
0x5a: {  	_ =	shalt  }
0x5b: {  	_ =	shalt  }
0x5c: {  	_ =	shalt  }
0x5d: {  	_ =	shalt  }
0x5e: {  	_ =	shalt  }
0x5f: {  	_ =	shalt  }
0x60: {  	_ =	shalt  }
0x61: {  	_ =	shalt  }
0x62: {  	_ =	shalt  }
0x63: {  	_ =	shalt  }
0x64: {  	_ =	shalt  }
0x65: {  	_ =	shalt  }
0x66: {  	_ =	shalt  }
0x67: {  	_ =	shalt  }
0x68: {  	_ =	shalt  }
0x69: {  	_ =	shalt  }
0x6a: {  	_ =	shalt  }
0x6b: {  	_ =	shalt  }
0x6c: {  	_ =	shalt  }
0x6d: {  	_ =	shalt  }
0x6e: {  	_ =	shalt  }
0x6f: {  	_ =	shalt  }
0x70: {  	_ =	shalt  }
0x71: {  	_ =	shalt  }
0x72: {  	_ =	shalt  }
0x73: {  	_ =	shalt  }
0x74: {  	_ =	shalt  }
0x75: {  	_ =	shalt  }
0x76: {  	_ =	shalt  }
0x77: {  	_ =	shalt  }
0x78: {  	_ =	shalt  }
0x79: {  	_ =	shalt  }
0x7a: {  	_ =	shalt  }
0x7b: {  	_ =	shalt  }
0x7c: {  	_ =	shalt  }
0x7d: {  	_ =	shalt  }
0x7e: {  	_ =	shalt  }
0x7f: {  	_ =	shalt  }
0x80: {  	_ =	shalt  }
0x81: {  	_ =	shalt  }
0x82: {  	_ =	shalt  }
0x83: {  	_ =	shalt  }
0x84: {  	_ =	shalt  }
0x85: {  	_ =	shalt  }
0x86: {  	_ =	shalt  }
0x87: {  	_ =	shalt  }
.Lfunc_end0:
.L_simem_size_0:
called_computation_lowered:
.L_overlay_start_0:
0x88: {  	s2 =	sld [smem:$0x3FD9]  }
0x89: {  	s3 =	sld [smem:$0x3FFE];
	_ =	sdelay $0x1  }
0x8a: {  	s1 =	srdreg.scid  }
0x8b: {  	s0 =	sand.u32 $0x1, s1  }
0x8c: {  	s17 =	sshll.u32 s0, $0xA;
	s2 =	sadd.s32 s3, s2  }
0x8d: {  	s2 =	sadd.s32 s2, s17  }
0x8e: {  	[smem:$0x3FAD] =	sst s2  }
0x8f: {  	_ = 	snop  }
0x90: {  	s2 =	sld [smem:$0x3FD0];
	(tm) =	ssettm $0x1  }
0x91: {  	s18 =	sld [smem:$0x3FFB];
	_ =	sdelay $0x3  }
0x92: {  	_ =	strace s18  }
0x93: {  	s3 =	sld [smem:$0x3FFC];
	_ =	sdelay $0x3  }
0x94: {  	_ =	strace s3  }
0x95: {  	s3 =	sld [smem:$0x3FFD];
	_ =	sdelay $0x3  }
0x96: {  	_ =	strace s3  }
0x97: {  	_ =	strace $0x8FFFFFFF  }
0x98: {  	s19 =	sld [smem:$0x3FDB];
	_ =	sdelay $0x1  }
0x99: {  	s4 =	simm.s32 $_scs_section_size  }
0x9a: {  	s5 =	simm.s32 $_size__tile_overlayer_lowered;
	s6 =	simm.s32 $_tile_overlayer_lowered  }
0x9b: {  	s22 =	simm.s32 $0x1BFF;
	s21 =	sshll.u32 s6, $0x1;
	s3 =	sadd.s32 s4, s19  }
0x9c: {  	s7 =	simm.s32 $0x0;
	s20 =	sshll.u32 s5, $0x1;
	s5 =	sadd.s32 s21, s3  }
0x9d: {  	[timem:s7], [sflag:s22] =	dma.local [hbm:s5], s20  }
0x9e: {  	_ =	swait.ge [sflag:s22], s20  }
0x9f: {  	s4 =	ssub.s32 $0x0, s20;
	[sflag:s22] =	ssyncset.done $0x0  }
0xa0: {  	[sflag:s22] =	ssyncadd.s32 s4;
	_ =	sdelay $0x1  }
0xa1: {  	s23 =	simm.s32 $0x1B8B  }
0xa2: {  	_ =	swait.ge [sflag:s23], $0x1  }
0xa3: {  	[sflag:s23] =	ssyncset.done $0x0  }
0xa4: {  	s25 =	simm.s32 $0x1B8E;
	s24 =	sld [smem:$0x3FFE];
	[sflag:s23] =	ssyncadd.s32 $0xFFFFFFFF  }
0xa5: {  	s26 =	simm.s32 $execute0_lowered;
	[smem:$0x3FD2] =	sst s25  }
0xa6: {  	s5 =	sshll.u32 s26, $0x1;
	_ =	strace $0x80000046;
	[dreg:$0x1] =	wrdreg $0xFFFFFFFF  }
0xa7: {  	s28 =	simm.s32 $_size_execute0_lowered;
	s3 =	sadd.s32 s3, s5;
	[dreg:$0x0] =	wrdreg $0x0  }
0xa8: {  	s5 =	sshll.u32 s28, $0x1;
	[dreg:$0x2] =	wrdreg s3  }
0xa9: {  	[dreg:$0x3] =	wrdreg s5  }
0xaa: {  	[dreg:$0x4] =	wrdreg $0xC0  }
0xab: {  	_ =	task [dreg:s7], $0x5FFFF  }
0xac: {  	[dreg:$0x1] =	wrdreg $0xFFFFFFFF  }
0xad: {  	[dreg:$0x0] =	wrdreg $0x60  }
0xae: {  	[dreg:$0x2] =	wrdreg s24  }
0xaf: {  	[dreg:$0x3] =	wrdreg s2  }
0xb0: {  	[dreg:$0x4] =	wrdreg $0x0  }
0xb1: {  	[dreg:$0x5] =	wrdreg $0x9  }
0xb2: {  	_ =	task.clear_ibuf [dreg:s7], $0x6FFFF;
	_ =	strace $0x90000046  }
0xb3: {  	s29 =	simm.s32 $0x9;
	_ =	strace $0x80000048  }
0xb4: {  	_ =	swait.ge [sflag:s29], $0x1  }
0xb5: {  	[sflag:s29] =	ssyncadd.s32 $0xFFFFFFFF  }
0xb6: {  	_ =	strace $0x90000048  }
0xb7: {  	_ =	sfence  }
0xb8: {  	s30 =	sld [smem:$0x0];
	_ =	sdelay $0x2  }
0xb9: {  	s31 =	sshll.u32 s1, $0xD;
	s1 =	sshrl.u32 s1, $0x2  }
0xba: {  	s3 =	sand.u32 $0x4000, s31;
	s1 =	sadd.s32 s1, s30  }
0xbb: {  	s0 =	sor.u32 s3, s0;
	s1 =	sshll.u32 s1, $0x11  }
0xbc: {  	s0 =	sor.u32 s1, s0  }
0xbd: {  	s0 =	sadd.s32 $0x8F2B, s0  }
0xbe: {  	[sflag:s0] =	ssyncadd.remote.s32 $0x1  }
0xbf: {  	_ =	sfence.sel $0xFFFF  }
0xc0: {  	[dreg:$0x0] =	wrdreg $0xFFFFFFFF;
	(pc) =	sbr.abs _section_cstart, $3  }
0xc1: {  	[dreg:$0x1] =	wrdreg $0xFFFFFFFF  }
0xc2: {  	_ =	task.clear_ibuf [dreg:s7], $0x2FFFF;
	_ =	strace $0x9FFFFFFF  }
0xc3: {  	(tm) =	ssettm $0x7FFFFFFF  }
tec
execute0_lowered:
.L_overlay_start_1:
0x0: {  	(tag) =	ssettag $0x1  }
0x1: {  	s0 =	rddreg [dreg:$0x0]  }
0x2: {  	s3 =	rddreg [dreg:$0x2]  }
0x3: {  	s1 =	srdreg.scid;
	s10 =	stileid.u32;
	s4 =	simm.s32 $0x0  }
0x4: {  	s15 =	simm.s32 $0x5;
	s17 =	simm.s32 $0x16380;
	s18 =	simm.s32 $0x17100  }
0x5: {  	s19 =	simm.s32 $0x60;
	s20 =	simm.s32 $0x17E80;
	s21 =	simm.s32 $0x1EA80  }
0x6: {  	s22 =	simm.s32 $0x1B480;
	s23 =	simm.s32 $0x1F080;
	s24 =	simm.s32 $0x1  }
0x7: {  	s25 =	simm.s32 $0x3;
	s28 =	simm.s32 $0x4;
	s29 =	simm.s32 $0x0  }
0x8: {  	s1 =	sand.u32 $0x1, s1;
	s2 =	smul.u32 $0x16380, s10;
	[smem:$0x7FF] =	sst s4  }
0x9: {  	s5 =	sadd.s32 $0x4A00, s0;
	s6 =	sadd.s32 $0x31200, s0;
	s7 =	sadd.s32 $0x40400, s0  }
0xa: {  	s8 =	sadd.s32 $0x36200, s0;
	s11 =	sadd.s32 $0x4A600, s0;
	s31 =	sshll.u32 s10, $0x6  }
0xb: {  	s26 =	smul.u32 $0x163800, s1;
	_ =	strace $0x80000047;
	s9 =	ssub.s32 $0x2, s1  }
0xc: {  	[dreg:$0x4] =	wrdreg s11;
	s1 =	sshll.u32 s1, $0x4;
	s30 =	sshrl.u32 s9, $0x1  }
0xd: {  	s1 =	sor.u32 s10, s1;
	s10 =	sor.u32 $0x1C05, s31;
	s4 =	sadd.s32 s2, s26  }
0xe: {  	s2 =	sadd.s32 s2, s3;
	s11 =	smul.u32 $0x2880, s1;
	s4 =	sshrl.u32 s4, $0x3  }
0xf: {  	s26 =	simm.s32 $0x2;
	s0 =	sadd.s32 s4, s0;
	s4 =	ssub.s32 s9, s30  }
0x10: {  	s14 =	sshrl.u32 s2, $0x3;
	s12 =	sadd.s32 $0x4D400, s0;
	s13 =	smax.u32 s4, $0x1  }
.LBB2_1:
0x11: {  	s0 =	rddreg [dreg:$0x4]  }
0x12: {  	[spmem:s14], [sflag:s10] =	dma.local [hbm:s0], $0x2C70  }
0x13: {  	_ =	swait.ge [sflag:s15], $0x2C70  }
0x14: {  	[sflag:s15] =	ssyncset.done $0x0  }
0x15: {  	[sflag:s15] =	ssyncadd.s32 $0xFFFFD390  }
0x16: {  	s1 =	simm.s32 $0x0;
	s2 =	simm.s32 $0x1F680;
	s31 =	rddreg [dreg:$0x1]  }
0x17: {  	[tilespmem:s2], [sflag:$0x5] =	stream.linear.gather [hbm4b:s31+s1], $0x10, $0x38;
	[tilespmem:$0x1F690] =	vst v63  }
0x18: {  	_ =	swait.ge [sflag:s15], $0x10  }
0x19: {  	[sflag:s15] =	ssyncset.done $0x0  }
0x1a: {  	[sflag:s15] =	ssyncadd.s32 $0xFFFFFFF0  }
0x1b: {  	[bflag:$0x0] =	sbarrier.arrive $0xFFFF  }
0x1c: {  	s30 =	simm.s32 $0x0;
	v0 =	vld [tilespmem:$0x1F680]  }
.LBB2_2:
0x1d: {  	s0 =	smul.u32 $0xD80, s30;
	_ =	sdelay $0x1  }
0x1e: {  	s0 =	sadd.s32 s11, s0  }
0x1f: {  	s0 =	sshrl.u32 s0, $0x3  }
0x20: {  	s31 =	simm.s32 $0x0;
	s1 =	sadd.s32 s7, s0  }
0x21: {  	[tilespmem:s17], [sflag:$0x5] =	stream.linear.gather [hbm4b:s1+s31], $0xD80, $0x38;
	[tilespmem:$0x1F690] =	vst v63  }
0x22: {  	_ =	swait.ge [sflag:s15], $0xD80  }
0x23: {  	[sflag:s15] =	ssyncset.done $0x0  }
0x24: {  	s0 =	sadd.s32 s8, s0;
	[sflag:s15] =	ssyncadd.s32 $0xFFFFF280  }
0x25: {  	[tilespmem:s18], [sflag:$0x5] =	stream.linear.gather [hbm4b:s0+s31], $0xD80, $0x38;
	[tilespmem:$0x1F690] =	vst v63  }
0x26: {  	_ =	swait.ge [sflag:s15], $0xD80  }
0x27: {  	[sflag:s15] =	ssyncset.done $0x0  }
0x28: {  	[sflag:s15] =	ssyncadd.s32 $0xFFFFF280  }
.LBB2_3:
0x29: {  	s0 =	smul.u32 $0xC0, s31;
	_ =	sdelay $0x1  }
0x2a: {  	s1 =	sadd.s32 $0x16380, s0  }
0x2b: {  	[tilespmem:s20], [sflag:$0x1] =	stream.indirect.gather [hbm4b:s5+s19], $0x90, s1, s19, $0xb8;
	[tilespmem:$0x1F690] =	vst v63  }
0x2c: {  	s1 =	sadd.s32 $0x17100, s0  }
0x2d: {  	[tilespmem:s21], [sflag:$0x3] =	stream.indirect.gather [hbm4b:s6+s19], $0x10, s1, s19, $0xb8;
	[tilespmem:$0x1F690] =	vst v63  }
0x2e: {  	s2 =	sadd.s32 $0x163E0, s0  }
0x2f: {  	[tilespmem:s22], [sflag:$0x2] =	stream.indirect.gather [hbm4b:s5+s19], $0x90, s2, s19, $0xb8;
	[tilespmem:$0x1F690] =	vst v63  }
0x30: {  	s0 =	sadd.s32 $0x17160, s0  }
0x31: {  	[tilespmem:s23], [sflag:$0x4] =	stream.indirect.gather [hbm4b:s6+s19], $0x10, s0, s19, $0xb8;
	[tilespmem:$0x1F690] =	vst v63  }
0x32: {  	_ =	swait.ge [sflag:s24], $0x3600  }
0x33: {  	[sflag:s24] =	ssyncset.done $0x0  }
0x34: {  	[sflag:s24] =	ssyncadd.s32 $0xFFFFCA00  }
0x35: {  	_ =	swait.ge [sflag:s25], $0x600  }
0x36: {  	[sflag:s25] =	ssyncset.done $0x0  }
0x37: {  	s2 =	simm.s32 $0x180C0;
	[sflag:s25] =	ssyncadd.s32 $0xFFFFFA00  }
0x38: {  	s16 =	simm.s32 $0x1EAC0;
	v1 =	vld [tilespmem:s2+$0x230]  }
0x39: {  	v2 =	vld [tilespmem:s16+$0x30]  }
0x3a: {  	v3 =	vld [tilespmem:s16+$0xFFFFFFC0]  }
0x3b: {  	v4 =	vld [tilespmem:s2+$0xFFFFFED0]  }
0x3c: {  	v5 =	vld [tilespmem:s16+$0xFFFFFFD0]  }
0x3d: {  	v6 =	vld [tilespmem:s2+$0xFFFFFF60]  }
0x3e: {  	v7 =	vld [tilespmem:s16+$0xFFFFFFE0]  }
0x3f: {  	v8 =	vld [tilespmem:s2+$0xFFFFFFF0]  }
0x40: {  	v9 =	vld [tilespmem:s16+$0xFFFFFFF0]  }
0x41: {  	v10 =	vld [tilespmem:s2+$0x80]  }
0x42: {  	v11 =	vld [tilespmem:s16+$0x0]  }
0x43: {  	v12 =	vld [tilespmem:s2+$0x110]  }
0x44: {  	v13 =	vld [tilespmem:s16+$0x10]  }
0x45: {  	v14 =	vld [tilespmem:s2+$0x1A0]  }
0x46: {  	v15 =	vld [tilespmem:s16+$0x20]  }
0x47: {  	v17 =	vld [tilespmem:s2+$0xFFFFFDC0];
	v1 =	vadd.f32 v2, v1  }
0x48: {  	v18 =	vld [tilespmem:s2+$0xFFFFFDF0]  }
0x49: {  	v2 =	vld [tilespmem:s2+$0xFFFFFE40];
	v16 =	vmul.f32 $2.000000030e-01, v1  }
0x4a: {  	v20 =	vld [tilespmem:s2+$0xFFFFFE10];
	v4 =	vadd.f32 v5, v4;
	vm0 =	vgt.f32 v1, $0.0e+00  }
0x4b: {  	v21 =	vld [tilespmem:s2+$0xFFFFFE50];
	v6 =	vadd.f32 v7, v6;
	v1 =	vsel vm0, v1, v16  }
0x4c: {  	v22 =	vld [tilespmem:s2+$0xFFFFFE60];
	v16 =	vmul.f32 $2.000000030e-01, v4;
	v1 =	vsub.f32 v1, v0  }
0x4d: {  	v23 =	vld [tilespmem:s2+$0xFFFFFE80];
	vm9 =	vgt.f32 v4, $0.0e+00;
	v19 =	vmul.f32 $2.000000030e-01, v6;
	vm10 =	vgt.f32 v6, $0.0e+00  }
0x4e: {  	v24 =	vld [tilespmem:s2+$0xFFFFFE90];
	v2 =	vadd.f32 v3, v2;
	v4 =	vsel vm9, v4, v16;
	v1 =	vmul.f32 $1.442695020e+00, v1  }
0x4f: {  	v25 =	vld [tilespmem:s2+$0xFFFFFEA0];
	v6 =	vsel vm10, v6, v19;
	v4 =	vsub.f32 v4, v0  }
0x50: {  	v26 =	vld [tilespmem:s2+$0xFFFFFEB0];
	v19 =	vmul.f32 $2.000000030e-01, v2;
	(erf) = vpow2.f32 v1;
	v1 =	vsub.f32 v6, v0  }
0x51: {  	v27 =	vld [tilespmem:s2+$0xFFFFFEE0];
	vm11 =	vgt.f32 v2, $0.0e+00;
	v4 =	vmul.f32 $1.442695020e+00, v4  }
0x52: {  	v28 =	vld [tilespmem:s2+$0xFFFFFF00];
	v2 =	vsel vm11, v2, v19;
	v1 =	vmul.f32 $1.442695020e+00, v1  }
0x53: {  	v29 =	vld [tilespmem:s2+$0xFFFFFF10];
	v2 =	vsub.f32 v2, v0;
	(erf) = vpow2.f32 v4  }
0x54: {  	v31 =	vld [tilespmem:s2+$0xFFFFFF20];
	(erf) = vpow2.f32 v1  }
0x55: {  	v3 =	vld [tilespmem:s2+$0x220];
	v2 =	vmul.f32 $1.442695020e+00, v2  }
0x56: {  	v33 =	vld [tilespmem:s2+$0xFFFFFEC0]  }
0x57: {  	v34 =	vld [tilespmem:s2+$0xFFFFFF30]  }
0x58: {  	v61 =	vld [tilespmem:s2+$0x160];
	(erf) = vpow2.f32 v2  }
0x59: {  	v63 =	vld [tilespmem:s2+$0x170];
	v2 =	vpop (erf)  }
0x5a: {  	v4 =	vld [tilespmem:s2+$0xFFFFFE70];
	v1 =	vmul.f32 v3, v2  }
0x5b: {  	v36 =	vld [tilespmem:s2+$0x180];
	[tilespmem:s2+$0x230] =	vst v2  }
0x5c: {  	v5 =	vld [tilespmem:s2+$0xFFFFFDD0];
	v30 =	vpop (erf);
	[tilespmem:s2+$0x220] =	vst v1  }
0x5d: {  	v7 =	vld [tilespmem:s2+$0xFFFFFDE0];
	v21 =	vmul.f32 v30, v21;
	[tilespmem:s2+$0xFFFFFED0] =	vst v30;
	v32 =	vpop (erf)  }
0x5e: {  	v12 =	vadd.f32 v13, v12;
	v13 =	vld [tilespmem:s2+$0x30];
	v22 =	vmul.f32 v30, v22;
	[tilespmem:s2+$0xFFFFFF60] =	vst v32  }
0x5f: {  	v16 =	vld [tilespmem:s2+$0xFFFFFE00];
	v4 =	vmul.f32 v30, v4;
	[tilespmem:s2+$0xFFFFFE50] =	vst v21  }
0x60: {  	v10 =	vadd.f32 v11, v10;
	v6 =	vld [tilespmem:s2+$0xFFFFFE20];
	v11 =	vmul.f32 v23, v30;
	[tilespmem:s2+$0xFFFFFE60] =	vst v22  }
0x61: {  	v14 =	vadd.f32 v15, v14;
	v19 =	vld [tilespmem:s2+$0xFFFFFE30];
	v1 =	vpop (erf);
	[tilespmem:s2+$0xFFFFFE70] =	vst v4;
	v15 =	vmul.f32 v32, v28  }
0x62: {  	v8 =	vadd.f32 v9, v8;
	v3 =	vld [tilespmem:s2+$0xFFFFFEF0];
	[tilespmem:s2+$0xFFFFFE80] =	vst v11;
	v17 =	vmul.f32 v1, v17  }
0x63: {  	v23 =	vld [tilespmem:s2+$0x0];
	v5 =	vmul.f32 v1, v5;
	v7 =	vmul.f32 v1, v7;
	[tilespmem:s2+$0xFFFFFF00] =	vst v15  }
0x64: {  	v21 =	vld [tilespmem:s2+$0xFFFFFF40];
	v9 =	vmul.f32 v18, v1;
	v18 =	vmul.f32 $2.000000030e-01, v8;
	[tilespmem:s2+$0xFFFFFDC0] =	vst v17  }
0x65: {  	vm12 =	vgt.f32 v8, $0.0e+00;
	v22 =	vld [tilespmem:s2+$0xFFFFFF50];
	[tilespmem:s2+$0xFFFFFDD0] =	vst v5  }
0x66: {  	v11 =	vld [tilespmem:s2+$0x10];
	v16 =	vmul.f32 v16, v1;
	[tilespmem:s2+$0xFFFFFDE0] =	vst v7;
	v8 =	vsel vm12, v8, v18  }
0x67: {  	v28 =	vld [tilespmem:s2+$0xB0];
	v20 =	vmul.f32 v20, v1;
	[tilespmem:s2+$0xFFFFFDF0] =	vst v9;
	v8 =	vsub.f32 v8, v0  }
0x68: {  	v4 =	vmul.f32 $2.000000030e-01, v10;
	v6 =	vmul.f32 v6, v1;
	v17 =	vld [tilespmem:s2+$0xFFFFFF70];
	[tilespmem:s2+$0xFFFFFE00] =	vst v16  }
0x69: {  	vm13 =	vgt.f32 v10, $0.0e+00;
	v3 =	vmul.f32 v32, v3;
	v5 =	vld [tilespmem:s2+$0xFFFFFF80];
	[tilespmem:s2+$0xFFFFFE10] =	vst v20;
	v8 =	vmul.f32 $1.442695020e+00, v8  }
0x6a: {  	v4 =	vsel vm13, v10, v4;
	v10 =	vmul.f32 v33, v30;
	v15 =	vmul.f32 v34, v32;
	v7 =	vld [tilespmem:s2+$0xFFFFFF90];
	[tilespmem:s2+$0xFFFFFE20] =	vst v6  }
0x6b: {  	v9 =	vld [tilespmem:s2+$0xFFFFFFA0];
	v18 =	vmul.f32 v19, v1;
	v4 =	vsub.f32 v4, v0;
	[tilespmem:s2+$0xFFFFFEF0] =	vst v3;
	(erf) = vpow2.f32 v8  }
0x6c: {  	v16 =	vld [tilespmem:s2+$0xFFFFFFB0];
	v20 =	vmul.f32 v24, v30;
	v24 =	vmul.f32 v25, v30;
	[tilespmem:s2+$0xFFFFFEC0] =	vst v10  }
0x6d: {  	v19 =	vld [tilespmem:s2+$0xFFFFFFC0];
	v25 =	vmul.f32 $2.000000030e-01, v12;
	[tilespmem:s2+$0xFFFFFF30] =	vst v15;
	v4 =	vmul.f32 $1.442695020e+00, v4  }
0x6e: {  	vm14 =	vgt.f32 v12, $0.0e+00;
	v6 =	vld [tilespmem:s2+$0xFFFFFFD0];
	[tilespmem:s2+$0xFFFFFEA0] =	vst v24;
	v24 =	vmul.f32 v32, v27  }
0x6f: {  	v10 =	vld [tilespmem:s2+$0x50];
	[tilespmem:s2+$0xFFFFFE30] =	vst v18;
	v12 =	vsel vm14, v12, v25;
	v25 =	vmul.f32 $2.000000030e-01, v14;
	(erf) = vpow2.f32 v4  }
0x70: {  	vm15 =	vgt.f32 v14, $0.0e+00;
	v15 =	vld [tilespmem:s2+$0xC0];
	[tilespmem:s2+$0xFFFFFE90] =	vst v20;
	v3 =	vsub.f32 v12, v0;
	v4 =	vmul.f32 v31, v32  }
0x71: {  	v18 =	vld [tilespmem:s2+$0xFFFFFFE0];
	v21 =	vmul.f32 v21, v32;
	[tilespmem:s2+$0xFFFFFEE0] =	vst v24;
	v14 =	vsel vm15, v14, v25  }
0x72: {  	v20 =	vld [tilespmem:s2+$0x20];
	v8 =	vmul.f32 v26, v30;
	[tilespmem:s2+$0xFFFFFF20] =	vst v4;
	v4 =	vsub.f32 v14, v0  }
0x73: {  	v27 =	vld [tilespmem:s2+$0x70];
	[tilespmem:s2+$0xFFFFFF40] =	vst v21;
	v26 =	vmul.f32 v29, v32;
	v25 =	vmul.f32 $1.442695020e+00, v3  }
0x74: {  	v12 =	vld [tilespmem:s2+$0x90];
	[tilespmem:s2+$0xFFFFFEB0] =	vst v8;
	v14 =	vmul.f32 v22, v32;
	v4 =	vmul.f32 $1.442695020e+00, v4;
	v3 =	vpop (erf)  }
0x75: {  	v24 =	vld [tilespmem:s2+$0x60];
	[tilespmem:s2+$0xFFFFFF10] =	vst v26;
	(erf) = vpow2.f32 v25;
	v17 =	vmul.f32 v3, v17  }
0x76: {  	v8 =	vld [tilespmem:s2+$0x40];
	[tilespmem:s2+$0xFFFFFF50] =	vst v14;
	v5 =	vmul.f32 v3, v5  }
0x77: {  	v21 =	vld [tilespmem:s2+$0xD0];
	v7 =	vmul.f32 v3, v7;
	[tilespmem:s2+$0xFFFFFF70] =	vst v17  }
0x78: {  	v29 =	vld [tilespmem:s2+$0x150];
	(erf) = vpow2.f32 v4;
	v9 =	vmul.f32 v9, v3;
	v4 =	vpop (erf);
	[tilespmem:s2+$0xFFFFFF80] =	vst v5  }
0x79: {  	v26 =	vld [tilespmem:s2+$0xA0];
	v6 =	vmul.f32 v6, v3;
	v11 =	vmul.f32 v4, v11;
	[tilespmem:s2+$0xFFFFFF90] =	vst v7  }
0x7a: {  	v22 =	vld [tilespmem:s2+$0x100];
	v20 =	vmul.f32 v4, v20;
	v5 =	vmul.f32 v16, v3;
	[tilespmem:s2+$0xFFFFFFA0] =	vst v9  }
0x7b: {  	v14 =	vld [tilespmem:s2+$0xE0];
	v25 =	vmul.f32 v13, v4;
	v30 =	vmul.f32 v8, v4;
	[tilespmem:s2+$0xFFFFFFD0] =	vst v6  }
0x7c: {  	v31 =	vmul.f32 v10, v4;
	v62 =	vmul.f32 v24, v4;
	v17 =	vld [tilespmem:s2+$0xF0];
	[tilespmem:s2+$0x10] =	vst v11  }
0x7d: {  	v16 =	vmul.f32 v19, v3;
	v19 =	vld [tilespmem:s2+$0x120];
	v7 =	vmul.f32 v18, v3;
	[tilespmem:s2+$0x20] =	vst v20  }
0x7e: {  	v27 =	vmul.f32 v27, v4;
	v18 =	vld [tilespmem:s2+$0x130];
	v9 =	vmul.f32 v4, v23;
	[tilespmem:s2+$0xFFFFFFB0] =	vst v5;
	v5 =	vpop (erf)  }
0x7f: {  	v23 =	vld [tilespmem:s2+$0x140];
	[tilespmem:s2+$0xFFFFFFE0] =	vst v7;
	v35 =	vmul.f32 v5, v12;
	v8 =	vmul.f32 v5, v26  }
0x80: {  	v37 =	vld [tilespmem:s2+$0x1C0];
	[tilespmem:s2+$0x0] =	vst v9;
	v9 =	vmul.f32 v5, v28;
	v7 =	vmul.f32 v15, v5  }
0x81: {  	[tilespmem:s2+$0x30] =	vst v25;
	v28 =	vld [tilespmem:s2+$0x190];
	v10 =	vmul.f32 v21, v5;
	v11 =	vmul.f32 v14, v5  }
0x82: {  	[tilespmem:s2+$0x40] =	vst v30;
	v14 =	vld [tilespmem:s2+$0x1B0];
	v12 =	vmul.f32 v17, v5;
	v13 =	vmul.f32 v22, v5;
	v6 =	vpop (erf)  }
0x83: {  	v24 =	vld [tilespmem:s2+$0x1D0];
	[tilespmem:s2+$0xFFFFFFC0] =	vst v16;
	v15 =	vmul.f32 v6, v19;
	v16 =	vmul.f32 v6, v18  }
0x84: {  	[tilespmem:s2+$0x50] =	vst v31;
	v25 =	vld [tilespmem:s2+$0x1E0];
	v19 =	vmul.f32 v6, v23;
	v20 =	vmul.f32 v29, v6  }
0x85: {  	[tilespmem:s2+$0x60] =	vst v62;
	v26 =	vld [tilespmem:s2+$0x1F0];
	v21 =	vmul.f32 v61, v6;
	v22 =	vmul.f32 v63, v6  }
0x86: {  	[tilespmem:s2+$0x70] =	vst v27;
	v27 =	vld [tilespmem:s2+$0x200];
	v23 =	vmul.f32 v36, v6;
	v17 =	vmul.f32 v28, v6  }
0x87: {  	s4 =	simm.s32 $0x0;
	s9 =	simm.s32 $0x18540;
	[tilespmem:s2+$0x90] =	vst v35;
	v18 =	vmul.f32 v2, v14;
	v14 =	vmul.f32 v2, v37;
	v28 =	vld [tilespmem:s2+$0x210]  }
.LBB2_4:
0x88: {  	v29 =	vld [tilespmem:s9+$0x230];
	[tilespmem:s2+$0xA0] =	vst v8;
	v8 =	vmul.f32 v2, v24;
	s16 =	sadd.s32 $0x80, s16  }
0x89: {  	s4 =	sadd.s32 $0x8, s4;
	v24 =	vld [tilespmem:s16+$0x30];
	[tilespmem:s2+$0xB0] =	vst v9;
	v9 =	vmul.f32 v25, v2  }
0x8a: {  	p0 =	slt.u32 s4, $0x58;
	v25 =	vld [tilespmem:s16+$0xFFFFFFC0];
	[tilespmem:s2+$0xC0] =	vst v7;
	v7 =	vmul.f32 v26, v2  }
0x8b: {  	v26 =	vld [tilespmem:s9+$0xFFFFFED0];
	[tilespmem:s2+$0xD0] =	vst v10;
	v10 =	vmul.f32 v27, v2  }
0x8c: {  	v27 =	vld [tilespmem:s16+$0xFFFFFFD0];
	[tilespmem:s2+$0xE0] =	vst v11;
	v2 =	vmul.f32 v28, v2  }
0x8d: {  	v11 =	vld [tilespmem:s9+$0xFFFFFF60];
	[tilespmem:s2+$0xF0] =	vst v12  }
0x8e: {  	v12 =	vld [tilespmem:s16+$0xFFFFFFE0];
	v24 =	vadd.f32 v24, v29;
	[tilespmem:s2+$0x100] =	vst v13  }
0x8f: {  	v13 =	vld [tilespmem:s9+$0xFFFFFFF0];
	[tilespmem:s2+$0x120] =	vst v15  }
0x90: {  	v15 =	vld [tilespmem:s16+$0xFFFFFFF0];
	v28 =	vmul.f32 $2.000000030e-01, v24;
	[tilespmem:s2+$0x130] =	vst v16  }
0x91: {  	vm0 =	vgt.f32 v24, $0.0e+00;
	v16 =	vadd.f32 v27, v26;
	v26 =	vld [tilespmem:s9+$0x80];
	[tilespmem:s2+$0x140] =	vst v19  }
0x92: {  	v19 =	vld [tilespmem:s16+$0x0];
	v24 =	vsel vm0, v24, v28;
	[tilespmem:s2+$0x150] =	vst v20  }
0x93: {  	v20 =	vmul.f32 $2.000000030e-01, v16;
	v11 =	vadd.f32 v12, v11;
	v12 =	vld [tilespmem:s9+$0x110];
	v24 =	vsub.f32 v24, v0;
	[tilespmem:s2+$0x160] =	vst v21  }
0x94: {  	vm0 =	vgt.f32 v16, $0.0e+00;
	v21 =	vld [tilespmem:s16+$0x10];
	[tilespmem:s2+$0x170] =	vst v22  }
0x95: {  	v22 =	vmul.f32 $2.000000030e-01, v11;
	v13 =	vadd.f32 v15, v13;
	v15 =	vld [tilespmem:s9+$0x1A0];
	v24 =	vmul.f32 $1.442695020e+00, v24;
	[tilespmem:s2+$0x180] =	vst v23  }
0x96: {  	v16 =	vsel vm0, v16, v20;
	vm0 =	vgt.f32 v11, $0.0e+00;
	v20 =	vld [tilespmem:s16+$0x20];
	[tilespmem:s2+$0x190] =	vst v17  }
0x97: {  	v17 =	vld [tilespmem:s9+$0xFFFFFE40];
	v23 =	vmul.f32 $2.000000030e-01, v13;
	v19 =	vadd.f32 v19, v26;
	(erf) = vpow2.f32 v24;
	[tilespmem:s2+$0x1B0] =	vst v18  }
0x98: {  	v16 =	vsub.f32 v16, v0;
	v11 =	vsel vm0, v11, v22;
	vm0 =	vgt.f32 v13, $0.0e+00;
	v18 =	vld [tilespmem:s9+$0xFFFFFDC0];
	[tilespmem:s2+$0x1C0] =	vst v14  }
0x99: {  	v14 =	vld [tilespmem:s9+$0xFFFFFDD0];
	vm1 =	vgt.f32 v19, $0.0e+00;
	v22 =	vmul.f32 $2.000000030e-01, v19;
	v12 =	vadd.f32 v21, v12;
	[tilespmem:s2+$0x1D0] =	vst v8  }
0x9a: {  	v16 =	vmul.f32 $1.442695020e+00, v16;
	v11 =	vsub.f32 v11, v0;
	v13 =	vsel vm0, v13, v23;
	v8 =	vld [tilespmem:s9+$0xFFFFFDE0];
	[tilespmem:s2+$0x1E0] =	vst v9  }
0x9b: {  	v9 =	vld [tilespmem:s9+$0xFFFFFDF0];
	vm0 =	vgt.f32 v12, $0.0e+00;
	v21 =	vmul.f32 $2.000000030e-01, v12;
	v15 =	vadd.f32 v20, v15;
	[tilespmem:s2+$0x1F0] =	vst v7  }
0x9c: {  	v13 =	vsub.f32 v13, v0;
	v7 =	vadd.f32 v25, v17;
	v17 =	vsel vm1, v19, v22;
	v19 =	vld [tilespmem:s9+$0x220];
	[tilespmem:s2+$0x200] =	vst v10  }
0x9d: {  	v10 =	vld [tilespmem:s9+$0xFFFFFE00];
	v12 =	vsel vm0, v12, v21;
	vm0 =	vgt.f32 v15, $0.0e+00;
	v20 =	vmul.f32 $2.000000030e-01, v15;
	[tilespmem:s2+$0x210] =	vst v2  }
0x9e: {  	v17 =	vsub.f32 v17, v0;
	vm1 =	vgt.f32 v7, $0.0e+00;
	v23 =	vmul.f32 $2.000000030e-01, v7;
	v21 =	vld [tilespmem:s9+$0xFFFFFE10];
	[tilespmem:s2+$0xFFFFFE40] =	vst v1  }
0x9f: {  	v1 =	vmul.f32 $1.442695020e+00, v11;
	v11 =	vsub.f32 v12, v0;
	v22 =	vld [tilespmem:s9+$0xFFFFFE20];
	v12 =	vsel vm0, v15, v20;
	[tilespmem:s2+$0xFFFFFFF0] =	vst v3  }
0xa0: {  	v13 =	vmul.f32 $1.442695020e+00, v13;
	v3 =	vsel vm1, v7, v23;
	v7 =	vld [tilespmem:s9+$0xFFFFFE30];
	v12 =	vsub.f32 v12, v0;
	v2 =	vpop (erf);
	[tilespmem:s2+$0x80] =	vst v4  }
0xa1: {  	v15 =	vmul.f32 $1.442695020e+00, v17;
	v3 =	vsub.f32 v3, v0;
	v4 =	vld [tilespmem:s9+$0xFFFFFE50];
	v17 =	vmul.f32 v19, v2;
	[tilespmem:s2+$0x110] =	vst v5  }
0xa2: {  	v11 =	vmul.f32 $1.442695020e+00, v11;
	v5 =	vld [tilespmem:s9+$0xFFFFFE60];
	v12 =	vmul.f32 $1.442695020e+00, v12;
	[tilespmem:s2+$0x1A0] =	vst v6;
	s2 =	smov.u32 s9  }
0xa3: {  	v3 =	vmul.f32 $1.442695020e+00, v3;
	v6 =	vld [tilespmem:s9+$0xFFFFFE70];
	[tilespmem:s9+$0x220] =	vst v17;
	(erf) = vpow2.f32 v16  }
0xa4: {  	v16 =	vld [tilespmem:s9+$0xFFFFFE80];
	[tilespmem:s9+$0x230] =	vst v2;
	(erf) = vpow2.f32 v1  }
0xa5: {  	v17 =	vld [tilespmem:s9+$0xFFFFFE90];
	(erf) = vpow2.f32 v3  }
0xa6: {  	v19 =	vld [tilespmem:s9+$0xFFFFFEA0];
	(erf) = vpow2.f32 v13  }
0xa7: {  	v13 =	vld [tilespmem:s9+$0xFFFFFEB0];
	(erf) = vpow2.f32 v15  }
0xa8: {  	v15 =	vld [tilespmem:s9+$0xFFFFFEC0];
	(erf) = vpow2.f32 v11  }
0xa9: {  	v11 =	vld [tilespmem:s9+$0xFFFFFEE0];
	(erf) = vpow2.f32 v12  }
0xaa: {  	v12 =	vld [tilespmem:s9+$0xFFFFFEF0]  }
0xab: {  	v20 =	vld [tilespmem:s9+$0xFFFFFF00]  }
0xac: {  	v23 =	vld [tilespmem:s9+$0xFFFFFF10];
	v24 =	vpop (erf)  }
0xad: {  	[tilespmem:s9+$0xFFFFFED0] =	vst v24;
	v29 =	vmul.f32 v24, v4;
	v30 =	vmul.f32 v24, v5;
	v25 =	vld [tilespmem:s9+$0xFFFFFF20];
	v26 =	vpop (erf)  }
0xae: {  	v27 =	vmul.f32 v24, v6;
	v16 =	vmul.f32 v16, v24;
	[tilespmem:s9+$0xFFFFFF60] =	vst v26;
	v28 =	vld [tilespmem:s9+$0xFFFFFF30];
	v1 =	vpop (erf)  }
0xaf: {  	v31 =	vmul.f32 v1, v18;
	v32 =	vmul.f32 v1, v14;
	[tilespmem:s9+$0xFFFFFE50] =	vst v29;
	v14 =	vld [tilespmem:s9+$0xFFFFFF40];
	v3 =	vpop (erf)  }
0xb0: {  	v8 =	vmul.f32 v1, v8;
	v9 =	vmul.f32 v9, v1;
	[tilespmem:s9+$0xFFFFFE60] =	vst v30;
	v18 =	vld [tilespmem:s9+$0xFFFFFF50];
	v4 =	vpop (erf)  }
0xb1: {  	v10 =	vmul.f32 v10, v1;
	v21 =	vmul.f32 v21, v1;
	[tilespmem:s9+$0xFFFFFDC0] =	vst v31;
	v29 =	vld [tilespmem:s9+$0xFFFFFF70];
	v5 =	vpop (erf)  }
0xb2: {  	v22 =	vmul.f32 v22, v1;
	v7 =	vmul.f32 v7, v1;
	[tilespmem:s9+$0xFFFFFDD0] =	vst v32;
	v30 =	vld [tilespmem:s9+$0xFFFFFF80];
	v6 =	vpop (erf)  }
0xb3: {  	[tilespmem:s9+$0xFFFFFDE0] =	vst v8;
	v8 =	vmul.f32 v17, v24;
	v17 =	vmul.f32 v19, v24;
	v19 =	vld [tilespmem:s9+$0xFFFFFF90]  }
0xb4: {  	[tilespmem:s9+$0xFFFFFDF0] =	vst v9;
	v9 =	vmul.f32 v13, v24;
	v13 =	vmul.f32 v15, v24;
	v15 =	vld [tilespmem:s9+$0xFFFFFFA0]  }
0xb5: {  	[tilespmem:s9+$0xFFFFFE00] =	vst v10;
	v10 =	vmul.f32 v26, v11;
	v11 =	vmul.f32 v26, v12;
	v12 =	vld [tilespmem:s9+$0xFFFFFFB0]  }
0xb6: {  	v20 =	vmul.f32 v26, v20;
	[tilespmem:s9+$0xFFFFFE10] =	vst v21;
	v21 =	vmul.f32 v23, v26;
	v23 =	vld [tilespmem:s9+$0xFFFFFFC0]  }
0xb7: {  	v24 =	vmul.f32 v28, v26;
	[tilespmem:s9+$0xFFFFFE20] =	vst v22;
	v22 =	vmul.f32 v25, v26;
	v25 =	vld [tilespmem:s9+$0xFFFFFFD0]  }
0xb8: {  	[tilespmem:s9+$0xFFFFFE30] =	vst v7;
	v7 =	vmul.f32 v14, v26;
	v14 =	vmul.f32 v18, v26;
	v18 =	vld [tilespmem:s9+$0xFFFFFFE0]  }
0xb9: {  	v26 =	vmul.f32 v3, v29;
	[tilespmem:s9+$0xFFFFFE70] =	vst v27;
	v27 =	vmul.f32 v3, v30;
	v28 =	vld [tilespmem:s9+$0x0]  }
0xba: {  	v15 =	vmul.f32 v15, v3;
	[tilespmem:s9+$0xFFFFFE80] =	vst v16;
	v16 =	vmul.f32 v3, v19;
	v19 =	vld [tilespmem:s9+$0x10]  }
0xbb: {  	v12 =	vmul.f32 v12, v3;
	[tilespmem:s9+$0xFFFFFE90] =	vst v8;
	v23 =	vmul.f32 v23, v3;
	v8 =	vld [tilespmem:s9+$0x20]  }
0xbc: {  	[tilespmem:s9+$0xFFFFFEA0] =	vst v17;
	v17 =	vmul.f32 v25, v3;
	v25 =	vld [tilespmem:s9+$0x30]  }
0xbd: {  	[tilespmem:s9+$0xFFFFFEB0] =	vst v9;
	v18 =	vmul.f32 v18, v3;
	v9 =	vld [tilespmem:s9+$0x40]  }
0xbe: {  	[tilespmem:s9+$0xFFFFFEC0] =	vst v13;
	v28 =	vmul.f32 v4, v28;
	v13 =	vld [tilespmem:s9+$0x50]  }
0xbf: {  	[tilespmem:s9+$0xFFFFFEE0] =	vst v10;
	v19 =	vmul.f32 v4, v19;
	v10 =	vld [tilespmem:s9+$0x60]  }
0xc0: {  	[tilespmem:s9+$0xFFFFFEF0] =	vst v11;
	v29 =	vmul.f32 v4, v8;
	v8 =	vld [tilespmem:s9+$0x70]  }
0xc1: {  	[tilespmem:s9+$0xFFFFFF00] =	vst v20;
	v25 =	vmul.f32 v25, v4;
	v11 =	vld [tilespmem:s9+$0x90]  }
0xc2: {  	[tilespmem:s9+$0xFFFFFF10] =	vst v21;
	v30 =	vmul.f32 v9, v4;
	v9 =	vld [tilespmem:s9+$0xA0]  }
0xc3: {  	[tilespmem:s9+$0xFFFFFF20] =	vst v22;
	v31 =	vmul.f32 v13, v4;
	v13 =	vld [tilespmem:s9+$0xB0]  }
0xc4: {  	[tilespmem:s9+$0xFFFFFF30] =	vst v24;
	v32 =	vmul.f32 v10, v4;
	v10 =	vld [tilespmem:s9+$0xC0]  }
0xc5: {  	[tilespmem:s9+$0xFFFFFF40] =	vst v7;
	v33 =	vmul.f32 v8, v4;
	v20 =	vld [tilespmem:s9+$0xD0]  }
0xc6: {  	[tilespmem:s9+$0xFFFFFF50] =	vst v14;
	v14 =	vmul.f32 v5, v11;
	v11 =	vld [tilespmem:s9+$0xE0]  }
0xc7: {  	[tilespmem:s9+$0xFFFFFF70] =	vst v26;
	v8 =	vmul.f32 v5, v9;
	v21 =	vld [tilespmem:s9+$0xF0]  }
0xc8: {  	[tilespmem:s9+$0xFFFFFF80] =	vst v27;
	v9 =	vmul.f32 v5, v13;
	v13 =	vld [tilespmem:s9+$0x100]  }
0xc9: {  	[tilespmem:s9+$0xFFFFFF90] =	vst v16;
	v7 =	vmul.f32 v10, v5;
	v16 =	vld [tilespmem:s9+$0x120]  }
0xca: {  	[tilespmem:s9+$0xFFFFFFA0] =	vst v15;
	v10 =	vmul.f32 v20, v5;
	v20 =	vld [tilespmem:s9+$0x130]  }
0xcb: {  	[tilespmem:s9+$0xFFFFFFB0] =	vst v12;
	v11 =	vmul.f32 v11, v5;
	v22 =	vld [tilespmem:s9+$0x140]  }
0xcc: {  	[tilespmem:s9+$0xFFFFFFC0] =	vst v23;
	v12 =	vmul.f32 v21, v5;
	v21 =	vld [tilespmem:s9+$0x150]  }
0xcd: {  	[tilespmem:s9+$0xFFFFFFD0] =	vst v17;
	v13 =	vmul.f32 v13, v5;
	v17 =	vld [tilespmem:s9+$0x160]  }
0xce: {  	[tilespmem:s9+$0xFFFFFFE0] =	vst v18;
	v15 =	vmul.f32 v6, v16;
	v18 =	vld [tilespmem:s9+$0x170]  }
0xcf: {  	[tilespmem:s9+$0x0] =	vst v28;
	v16 =	vmul.f32 v6, v20;
	v23 =	vld [tilespmem:s9+$0x180]  }
0xd0: {  	[tilespmem:s9+$0x10] =	vst v19;
	v19 =	vmul.f32 v6, v22;
	v26 =	vld [tilespmem:s9+$0x190]  }
0xd1: {  	[tilespmem:s9+$0x20] =	vst v29;
	v20 =	vmul.f32 v21, v6;
	v27 =	vld [tilespmem:s9+$0x1B0]  }
0xd2: {  	[tilespmem:s9+$0x30] =	vst v25;
	v21 =	vmul.f32 v17, v6;
	v28 =	vld [tilespmem:s9+$0x1C0]  }
.Ltmp0:
0xd3: {  	[tilespmem:s9+$0x40] =	vst v30;
	v22 =	vmul.f32 v18, v6;
	v24 =	vld [tilespmem:s9+$0x1D0];
	(pc) =	sbr.rel @p0 .LBB2_4-.Ltmp0, $4  }
0xd4: {  	[tilespmem:s9+$0x50] =	vst v31;
	v23 =	vmul.f32 v23, v6;
	v25 =	vld [tilespmem:s9+$0x1E0]  }
0xd5: {  	[tilespmem:s9+$0x60] =	vst v32;
	v17 =	vmul.f32 v26, v6;
	v26 =	vld [tilespmem:s9+$0x1F0]  }
0xd6: {  	[tilespmem:s9+$0x70] =	vst v33;
	v18 =	vmul.f32 v2, v27;
	v27 =	vld [tilespmem:s9+$0x200]  }
0xd7: {  	s9 =	sadd.s32 $0x480, s9;
	[tilespmem:s2+$0x90] =	vst v14;
	v14 =	vmul.f32 v2, v28;
	v28 =	vld [tilespmem:s2+$0x210]  }
0xd8: {  	[tilespmem:s2+$0xA0] =	vst v8  }
0xd9: {  	[tilespmem:s2+$0xB0] =	vst v9  }
0xda: {  	[tilespmem:s2+$0xC0] =	vst v7  }
0xdb: {  	[tilespmem:s2+$0xD0] =	vst v10  }
0xdc: {  	[tilespmem:s2+$0xE0] =	vst v11  }
0xdd: {  	[tilespmem:s2+$0xF0] =	vst v12  }
0xde: {  	[tilespmem:s2+$0x100] =	vst v13  }
0xdf: {  	[tilespmem:s2+$0x120] =	vst v15  }
0xe0: {  	[tilespmem:s2+$0x130] =	vst v16  }
0xe1: {  	[tilespmem:s2+$0x140] =	vst v19  }
0xe2: {  	[tilespmem:s2+$0x150] =	vst v20  }
0xe3: {  	[tilespmem:s2+$0x160] =	vst v21  }
0xe4: {  	[tilespmem:s2+$0x170] =	vst v22  }
0xe5: {  	[tilespmem:s2+$0x180] =	vst v23  }
0xe6: {  	[tilespmem:s2+$0x190] =	vst v17  }
0xe7: {  	[tilespmem:s2+$0x1B0] =	vst v18  }
0xe8: {  	[tilespmem:s2+$0xFFFFFE40] =	vst v1  }
0xe9: {  	[tilespmem:s2+$0xFFFFFFF0] =	vst v3  }
0xea: {  	[tilespmem:s2+$0x80] =	vst v4  }
0xeb: {  	[tilespmem:s2+$0x110] =	vst v5  }
0xec: {  	v7 =	vmul.f32 v2, v24;
	[tilespmem:s2+$0x1A0] =	vst v6  }
0xed: {  	v8 =	vmul.f32 v25, v2;
	[tilespmem:s2+$0x1C0] =	vst v14  }
0xee: {  	v9 =	vmul.f32 v26, v2;
	[tilespmem:s2+$0x1D0] =	vst v7  }
0xef: {  	v7 =	vmul.f32 v27, v2;
	[tilespmem:s2+$0x1E0] =	vst v8  }
0xf0: {  	v2 =	vmul.f32 v28, v2;
	[tilespmem:s2+$0x1F0] =	vst v9  }
0xf1: {  	[tilespmem:s2+$0x200] =	vst v7  }
0xf2: {  	[tilespmem:s2+$0x210] =	vst v2  }
0xf3: {  	[spmem:s3] =	stream.indirect.scatter.add.f32 [tilespmem:s20], [sflag:$0x1], $0x90, s1, s19, $0xb8;
	[tilespmem:$0x1F690] =	vst v63  }
0xf4: {  	_ =	swait.ge [sflag:s26], $0x3600  }
0xf5: {  	[sflag:s26] =	ssyncset.done $0x0  }
0xf6: {  	[sflag:s26] =	ssyncadd.s32 $0xFFFFCA00  }
0xf7: {  	_ =	swait.ge [sflag:s28], $0x600  }
0xf8: {  	[sflag:s28] =	ssyncset.done $0x0  }
0xf9: {  	s1 =	simm.s32 $0x1B6C0;
	[sflag:s28] =	ssyncadd.s32 $0xFFFFFA00  }
0xfa: {  	s2 =	simm.s32 $0x1F0C0;
	v1 =	vld [tilespmem:s1+$0x230]  }
0xfb: {  	v2 =	vld [tilespmem:s2+$0x30]  }
0xfc: {  	v3 =	vld [tilespmem:s2+$0xFFFFFFC0]  }
0xfd: {  	v4 =	vld [tilespmem:s1+$0xFFFFFED0]  }
0xfe: {  	v5 =	vld [tilespmem:s2+$0xFFFFFFD0]  }
0xff: {  	v6 =	vld [tilespmem:s1+$0xFFFFFF60]  }
0x100: {  	v7 =	vld [tilespmem:s2+$0xFFFFFFE0]  }
0x101: {  	v8 =	vld [tilespmem:s1+$0xFFFFFFF0]  }
0x102: {  	v9 =	vld [tilespmem:s2+$0xFFFFFFF0]  }
0x103: {  	v10 =	vld [tilespmem:s1+$0x80]  }
0x104: {  	v11 =	vld [tilespmem:s2+$0x0]  }
0x105: {  	v12 =	vld [tilespmem:s1+$0x110]  }
0x106: {  	v13 =	vld [tilespmem:s2+$0x10]  }
0x107: {  	v14 =	vld [tilespmem:s1+$0x1A0]  }
0x108: {  	v15 =	vld [tilespmem:s2+$0x20]  }
0x109: {  	v17 =	vld [tilespmem:s1+$0xFFFFFDC0];
	v1 =	vadd.f32 v2, v1  }
0x10a: {  	v18 =	vld [tilespmem:s1+$0xFFFFFDF0]  }
0x10b: {  	v2 =	vld [tilespmem:s1+$0xFFFFFE40];
	v16 =	vmul.f32 $2.000000030e-01, v1  }
0x10c: {  	v20 =	vld [tilespmem:s1+$0xFFFFFE10];
	v4 =	vadd.f32 v5, v4;
	vm0 =	vgt.f32 v1, $0.0e+00  }
0x10d: {  	v21 =	vld [tilespmem:s1+$0xFFFFFE50];
	v6 =	vadd.f32 v7, v6;
	v1 =	vsel vm0, v1, v16  }
0x10e: {  	v22 =	vld [tilespmem:s1+$0xFFFFFE60];
	v16 =	vmul.f32 $2.000000030e-01, v4;
	v1 =	vsub.f32 v1, v0  }
0x10f: {  	v23 =	vld [tilespmem:s1+$0xFFFFFE80];
	vm9 =	vgt.f32 v4, $0.0e+00;
	v19 =	vmul.f32 $2.000000030e-01, v6;
	vm10 =	vgt.f32 v6, $0.0e+00  }
0x110: {  	v24 =	vld [tilespmem:s1+$0xFFFFFE90];
	v2 =	vadd.f32 v3, v2;
	v4 =	vsel vm9, v4, v16;
	v1 =	vmul.f32 $1.442695020e+00, v1  }
0x111: {  	v25 =	vld [tilespmem:s1+$0xFFFFFEA0];
	v6 =	vsel vm10, v6, v19;
	v4 =	vsub.f32 v4, v0  }
0x112: {  	v26 =	vld [tilespmem:s1+$0xFFFFFEB0];
	v19 =	vmul.f32 $2.000000030e-01, v2;
	(erf) = vpow2.f32 v1;
	v1 =	vsub.f32 v6, v0  }
0x113: {  	v27 =	vld [tilespmem:s1+$0xFFFFFEE0];
	vm11 =	vgt.f32 v2, $0.0e+00;
	v4 =	vmul.f32 $1.442695020e+00, v4  }
0x114: {  	v28 =	vld [tilespmem:s1+$0xFFFFFF00];
	v2 =	vsel vm11, v2, v19;
	v1 =	vmul.f32 $1.442695020e+00, v1  }
0x115: {  	v29 =	vld [tilespmem:s1+$0xFFFFFF10];
	v2 =	vsub.f32 v2, v0;
	(erf) = vpow2.f32 v4  }
0x116: {  	v31 =	vld [tilespmem:s1+$0xFFFFFF20];
	(erf) = vpow2.f32 v1  }
0x117: {  	v3 =	vld [tilespmem:s1+$0x220];
	v2 =	vmul.f32 $1.442695020e+00, v2  }
0x118: {  	v33 =	vld [tilespmem:s1+$0xFFFFFEC0]  }
0x119: {  	v34 =	vld [tilespmem:s1+$0xFFFFFF30]  }
0x11a: {  	v61 =	vld [tilespmem:s1+$0x160];
	(erf) = vpow2.f32 v2  }
0x11b: {  	v63 =	vld [tilespmem:s1+$0x170];
	v2 =	vpop (erf)  }
0x11c: {  	v4 =	vld [tilespmem:s1+$0xFFFFFE70];
	v1 =	vmul.f32 v3, v2  }
0x11d: {  	v36 =	vld [tilespmem:s1+$0x180];
	[tilespmem:s1+$0x230] =	vst v2  }
0x11e: {  	v5 =	vld [tilespmem:s1+$0xFFFFFDD0];
	v30 =	vpop (erf);
	[tilespmem:s1+$0x220] =	vst v1  }
0x11f: {  	v7 =	vld [tilespmem:s1+$0xFFFFFDE0];
	v21 =	vmul.f32 v30, v21;
	[tilespmem:s1+$0xFFFFFED0] =	vst v30;
	v32 =	vpop (erf)  }
0x120: {  	v12 =	vadd.f32 v13, v12;
	v13 =	vld [tilespmem:s1+$0x30];
	v22 =	vmul.f32 v30, v22;
	[tilespmem:s1+$0xFFFFFF60] =	vst v32  }
0x121: {  	v16 =	vld [tilespmem:s1+$0xFFFFFE00];
	v4 =	vmul.f32 v30, v4;
	[tilespmem:s1+$0xFFFFFE50] =	vst v21  }
0x122: {  	v10 =	vadd.f32 v11, v10;
	v6 =	vld [tilespmem:s1+$0xFFFFFE20];
	v11 =	vmul.f32 v23, v30;
	[tilespmem:s1+$0xFFFFFE60] =	vst v22  }
0x123: {  	v14 =	vadd.f32 v15, v14;
	v19 =	vld [tilespmem:s1+$0xFFFFFE30];
	v1 =	vpop (erf);
	[tilespmem:s1+$0xFFFFFE70] =	vst v4;
	v15 =	vmul.f32 v32, v28  }
0x124: {  	v8 =	vadd.f32 v9, v8;
	v3 =	vld [tilespmem:s1+$0xFFFFFEF0];
	[tilespmem:s1+$0xFFFFFE80] =	vst v11;
	v17 =	vmul.f32 v1, v17  }
0x125: {  	v23 =	vld [tilespmem:s1+$0x0];
	v5 =	vmul.f32 v1, v5;
	v7 =	vmul.f32 v1, v7;
	[tilespmem:s1+$0xFFFFFF00] =	vst v15  }
0x126: {  	v21 =	vld [tilespmem:s1+$0xFFFFFF40];
	v9 =	vmul.f32 v18, v1;
	v18 =	vmul.f32 $2.000000030e-01, v8;
	[tilespmem:s1+$0xFFFFFDC0] =	vst v17  }
0x127: {  	vm12 =	vgt.f32 v8, $0.0e+00;
	v22 =	vld [tilespmem:s1+$0xFFFFFF50];
	[tilespmem:s1+$0xFFFFFDD0] =	vst v5  }
0x128: {  	v11 =	vld [tilespmem:s1+$0x10];
	v16 =	vmul.f32 v16, v1;
	[tilespmem:s1+$0xFFFFFDE0] =	vst v7;
	v8 =	vsel vm12, v8, v18  }
0x129: {  	v28 =	vld [tilespmem:s1+$0xB0];
	v20 =	vmul.f32 v20, v1;
	[tilespmem:s1+$0xFFFFFDF0] =	vst v9;
	v8 =	vsub.f32 v8, v0  }
0x12a: {  	v4 =	vmul.f32 $2.000000030e-01, v10;
	v6 =	vmul.f32 v6, v1;
	v17 =	vld [tilespmem:s1+$0xFFFFFF70];
	[tilespmem:s1+$0xFFFFFE00] =	vst v16  }
0x12b: {  	vm13 =	vgt.f32 v10, $0.0e+00;
	v3 =	vmul.f32 v32, v3;
	v5 =	vld [tilespmem:s1+$0xFFFFFF80];
	[tilespmem:s1+$0xFFFFFE10] =	vst v20;
	v8 =	vmul.f32 $1.442695020e+00, v8  }
0x12c: {  	v4 =	vsel vm13, v10, v4;
	v10 =	vmul.f32 v33, v30;
	v15 =	vmul.f32 v34, v32;
	v7 =	vld [tilespmem:s1+$0xFFFFFF90];
	[tilespmem:s1+$0xFFFFFE20] =	vst v6  }
0x12d: {  	v9 =	vld [tilespmem:s1+$0xFFFFFFA0];
	v18 =	vmul.f32 v19, v1;
	v4 =	vsub.f32 v4, v0;
	[tilespmem:s1+$0xFFFFFEF0] =	vst v3;
	(erf) = vpow2.f32 v8  }
0x12e: {  	v16 =	vld [tilespmem:s1+$0xFFFFFFB0];
	v20 =	vmul.f32 v24, v30;
	v24 =	vmul.f32 v25, v30;
	[tilespmem:s1+$0xFFFFFEC0] =	vst v10  }
0x12f: {  	v19 =	vld [tilespmem:s1+$0xFFFFFFC0];
	v25 =	vmul.f32 $2.000000030e-01, v12;
	[tilespmem:s1+$0xFFFFFF30] =	vst v15;
	v4 =	vmul.f32 $1.442695020e+00, v4  }
0x130: {  	vm14 =	vgt.f32 v12, $0.0e+00;
	v6 =	vld [tilespmem:s1+$0xFFFFFFD0];
	[tilespmem:s1+$0xFFFFFEA0] =	vst v24;
	v24 =	vmul.f32 v32, v27  }
0x131: {  	v10 =	vld [tilespmem:s1+$0x50];
	[tilespmem:s1+$0xFFFFFE30] =	vst v18;
	v12 =	vsel vm14, v12, v25;
	v25 =	vmul.f32 $2.000000030e-01, v14;
	(erf) = vpow2.f32 v4  }
0x132: {  	vm15 =	vgt.f32 v14, $0.0e+00;
	v15 =	vld [tilespmem:s1+$0xC0];
	[tilespmem:s1+$0xFFFFFE90] =	vst v20;
	v3 =	vsub.f32 v12, v0;
	v4 =	vmul.f32 v31, v32  }
0x133: {  	v18 =	vld [tilespmem:s1+$0xFFFFFFE0];
	v21 =	vmul.f32 v21, v32;
	[tilespmem:s1+$0xFFFFFEE0] =	vst v24;
	v14 =	vsel vm15, v14, v25  }
0x134: {  	v20 =	vld [tilespmem:s1+$0x20];
	v8 =	vmul.f32 v26, v30;
	[tilespmem:s1+$0xFFFFFF20] =	vst v4;
	v4 =	vsub.f32 v14, v0  }
0x135: {  	v27 =	vld [tilespmem:s1+$0x70];
	[tilespmem:s1+$0xFFFFFF40] =	vst v21;
	v26 =	vmul.f32 v29, v32;
	v25 =	vmul.f32 $1.442695020e+00, v3  }
0x136: {  	v12 =	vld [tilespmem:s1+$0x90];
	[tilespmem:s1+$0xFFFFFEB0] =	vst v8;
	v14 =	vmul.f32 v22, v32;
	v4 =	vmul.f32 $1.442695020e+00, v4;
	v3 =	vpop (erf)  }
0x137: {  	v24 =	vld [tilespmem:s1+$0x60];
	[tilespmem:s1+$0xFFFFFF10] =	vst v26;
	(erf) = vpow2.f32 v25;
	v17 =	vmul.f32 v3, v17  }
0x138: {  	v8 =	vld [tilespmem:s1+$0x40];
	[tilespmem:s1+$0xFFFFFF50] =	vst v14;
	v5 =	vmul.f32 v3, v5  }
0x139: {  	v21 =	vld [tilespmem:s1+$0xD0];
	v7 =	vmul.f32 v3, v7;
	[tilespmem:s1+$0xFFFFFF70] =	vst v17  }
0x13a: {  	v29 =	vld [tilespmem:s1+$0x150];
	(erf) = vpow2.f32 v4;
	v9 =	vmul.f32 v9, v3;
	v4 =	vpop (erf);
	[tilespmem:s1+$0xFFFFFF80] =	vst v5  }
0x13b: {  	v26 =	vld [tilespmem:s1+$0xA0];
	v6 =	vmul.f32 v6, v3;
	v11 =	vmul.f32 v4, v11;
	[tilespmem:s1+$0xFFFFFF90] =	vst v7  }
0x13c: {  	v22 =	vld [tilespmem:s1+$0x100];
	v20 =	vmul.f32 v4, v20;
	v5 =	vmul.f32 v16, v3;
	[tilespmem:s1+$0xFFFFFFA0] =	vst v9  }
0x13d: {  	v14 =	vld [tilespmem:s1+$0xE0];
	v25 =	vmul.f32 v13, v4;
	v30 =	vmul.f32 v8, v4;
	[tilespmem:s1+$0xFFFFFFD0] =	vst v6  }
0x13e: {  	v31 =	vmul.f32 v10, v4;
	v62 =	vmul.f32 v24, v4;
	v17 =	vld [tilespmem:s1+$0xF0];
	[tilespmem:s1+$0x10] =	vst v11  }
0x13f: {  	v16 =	vmul.f32 v19, v3;
	v19 =	vld [tilespmem:s1+$0x120];
	v7 =	vmul.f32 v18, v3;
	[tilespmem:s1+$0x20] =	vst v20  }
0x140: {  	v27 =	vmul.f32 v27, v4;
	v18 =	vld [tilespmem:s1+$0x130];
	v9 =	vmul.f32 v4, v23;
	[tilespmem:s1+$0xFFFFFFB0] =	vst v5;
	v5 =	vpop (erf)  }
0x141: {  	v23 =	vld [tilespmem:s1+$0x140];
	[tilespmem:s1+$0xFFFFFFE0] =	vst v7;
	v35 =	vmul.f32 v5, v12;
	v8 =	vmul.f32 v5, v26  }
0x142: {  	v37 =	vld [tilespmem:s1+$0x1C0];
	[tilespmem:s1+$0x0] =	vst v9;
	v9 =	vmul.f32 v5, v28;
	v7 =	vmul.f32 v15, v5  }
0x143: {  	[tilespmem:s1+$0x30] =	vst v25;
	v28 =	vld [tilespmem:s1+$0x190];
	v10 =	vmul.f32 v21, v5;
	v11 =	vmul.f32 v14, v5  }
0x144: {  	[tilespmem:s1+$0x40] =	vst v30;
	v14 =	vld [tilespmem:s1+$0x1B0];
	v12 =	vmul.f32 v17, v5;
	v13 =	vmul.f32 v22, v5;
	v6 =	vpop (erf)  }
0x145: {  	v24 =	vld [tilespmem:s1+$0x1D0];
	[tilespmem:s1+$0xFFFFFFC0] =	vst v16;
	v15 =	vmul.f32 v6, v19;
	v16 =	vmul.f32 v6, v18  }
0x146: {  	[tilespmem:s1+$0x50] =	vst v31;
	v25 =	vld [tilespmem:s1+$0x1E0];
	v19 =	vmul.f32 v6, v23;
	v20 =	vmul.f32 v29, v6  }
0x147: {  	[tilespmem:s1+$0x60] =	vst v62;
	v26 =	vld [tilespmem:s1+$0x1F0];
	v21 =	vmul.f32 v61, v6;
	v22 =	vmul.f32 v63, v6  }
0x148: {  	[tilespmem:s1+$0x70] =	vst v27;
	v27 =	vld [tilespmem:s1+$0x200];
	v23 =	vmul.f32 v36, v6;
	v17 =	vmul.f32 v28, v6  }
0x149: {  	s4 =	simm.s32 $0x0;
	s9 =	simm.s32 $0x1BB40;
	[tilespmem:s1+$0x90] =	vst v35;
	v18 =	vmul.f32 v2, v14;
	v14 =	vmul.f32 v2, v37;
	v28 =	vld [tilespmem:s1+$0x210]  }
.LBB2_6:
0x14a: {  	v29 =	vld [tilespmem:s9+$0x230];
	[tilespmem:s1+$0xA0] =	vst v8;
	v8 =	vmul.f32 v2, v24;
	s2 =	sadd.s32 $0x80, s2  }
0x14b: {  	s4 =	sadd.s32 $0x8, s4;
	v24 =	vld [tilespmem:s2+$0x30];
	[tilespmem:s1+$0xB0] =	vst v9;
	v9 =	vmul.f32 v25, v2  }
0x14c: {  	p0 =	slt.u32 s4, $0x58;
	v25 =	vld [tilespmem:s2+$0xFFFFFFC0];
	[tilespmem:s1+$0xC0] =	vst v7;
	v7 =	vmul.f32 v26, v2  }
0x14d: {  	v26 =	vld [tilespmem:s9+$0xFFFFFED0];
	[tilespmem:s1+$0xD0] =	vst v10;
	v10 =	vmul.f32 v27, v2  }
0x14e: {  	v27 =	vld [tilespmem:s2+$0xFFFFFFD0];
	[tilespmem:s1+$0xE0] =	vst v11;
	v2 =	vmul.f32 v28, v2  }
0x14f: {  	v11 =	vld [tilespmem:s9+$0xFFFFFF60];
	[tilespmem:s1+$0xF0] =	vst v12  }
0x150: {  	v12 =	vld [tilespmem:s2+$0xFFFFFFE0];
	v24 =	vadd.f32 v24, v29;
	[tilespmem:s1+$0x100] =	vst v13  }
0x151: {  	v13 =	vld [tilespmem:s9+$0xFFFFFFF0];
	[tilespmem:s1+$0x120] =	vst v15  }
0x152: {  	v15 =	vld [tilespmem:s2+$0xFFFFFFF0];
	v28 =	vmul.f32 $2.000000030e-01, v24;
	[tilespmem:s1+$0x130] =	vst v16  }
0x153: {  	vm0 =	vgt.f32 v24, $0.0e+00;
	v16 =	vadd.f32 v27, v26;
	v26 =	vld [tilespmem:s9+$0x80];
	[tilespmem:s1+$0x140] =	vst v19  }
0x154: {  	v19 =	vld [tilespmem:s2+$0x0];
	v24 =	vsel vm0, v24, v28;
	[tilespmem:s1+$0x150] =	vst v20  }
0x155: {  	v20 =	vmul.f32 $2.000000030e-01, v16;
	v11 =	vadd.f32 v12, v11;
	v12 =	vld [tilespmem:s9+$0x110];
	v24 =	vsub.f32 v24, v0;
	[tilespmem:s1+$0x160] =	vst v21  }
0x156: {  	vm0 =	vgt.f32 v16, $0.0e+00;
	v21 =	vld [tilespmem:s2+$0x10];
	[tilespmem:s1+$0x170] =	vst v22  }
0x157: {  	v22 =	vmul.f32 $2.000000030e-01, v11;
	v13 =	vadd.f32 v15, v13;
	v15 =	vld [tilespmem:s9+$0x1A0];
	v24 =	vmul.f32 $1.442695020e+00, v24;
	[tilespmem:s1+$0x180] =	vst v23  }
0x158: {  	v16 =	vsel vm0, v16, v20;
	vm0 =	vgt.f32 v11, $0.0e+00;
	v20 =	vld [tilespmem:s2+$0x20];
	[tilespmem:s1+$0x190] =	vst v17  }
0x159: {  	v17 =	vld [tilespmem:s9+$0xFFFFFE40];
	v23 =	vmul.f32 $2.000000030e-01, v13;
	v19 =	vadd.f32 v19, v26;
	(erf) = vpow2.f32 v24;
	[tilespmem:s1+$0x1B0] =	vst v18  }
0x15a: {  	v16 =	vsub.f32 v16, v0;
	v11 =	vsel vm0, v11, v22;
	vm0 =	vgt.f32 v13, $0.0e+00;
	v18 =	vld [tilespmem:s9+$0xFFFFFDC0];
	[tilespmem:s1+$0x1C0] =	vst v14  }
0x15b: {  	v14 =	vld [tilespmem:s9+$0xFFFFFDD0];
	vm1 =	vgt.f32 v19, $0.0e+00;
	v22 =	vmul.f32 $2.000000030e-01, v19;
	v12 =	vadd.f32 v21, v12;
	[tilespmem:s1+$0x1D0] =	vst v8  }
0x15c: {  	v16 =	vmul.f32 $1.442695020e+00, v16;
	v11 =	vsub.f32 v11, v0;
	v13 =	vsel vm0, v13, v23;
	v8 =	vld [tilespmem:s9+$0xFFFFFDE0];
	[tilespmem:s1+$0x1E0] =	vst v9  }
0x15d: {  	v9 =	vld [tilespmem:s9+$0xFFFFFDF0];
	vm0 =	vgt.f32 v12, $0.0e+00;
	v21 =	vmul.f32 $2.000000030e-01, v12;
	v15 =	vadd.f32 v20, v15;
	[tilespmem:s1+$0x1F0] =	vst v7  }
0x15e: {  	v13 =	vsub.f32 v13, v0;
	v7 =	vadd.f32 v25, v17;
	v17 =	vsel vm1, v19, v22;
	v19 =	vld [tilespmem:s9+$0x220];
	[tilespmem:s1+$0x200] =	vst v10  }
0x15f: {  	v10 =	vld [tilespmem:s9+$0xFFFFFE00];
	v12 =	vsel vm0, v12, v21;
	vm0 =	vgt.f32 v15, $0.0e+00;
	v20 =	vmul.f32 $2.000000030e-01, v15;
	[tilespmem:s1+$0x210] =	vst v2  }
0x160: {  	v17 =	vsub.f32 v17, v0;
	vm1 =	vgt.f32 v7, $0.0e+00;
	v23 =	vmul.f32 $2.000000030e-01, v7;
	v21 =	vld [tilespmem:s9+$0xFFFFFE10];
	[tilespmem:s1+$0xFFFFFE40] =	vst v1  }
0x161: {  	v1 =	vmul.f32 $1.442695020e+00, v11;
	v11 =	vsub.f32 v12, v0;
	v22 =	vld [tilespmem:s9+$0xFFFFFE20];
	v12 =	vsel vm0, v15, v20;
	[tilespmem:s1+$0xFFFFFFF0] =	vst v3  }
0x162: {  	v13 =	vmul.f32 $1.442695020e+00, v13;
	v3 =	vsel vm1, v7, v23;
	v7 =	vld [tilespmem:s9+$0xFFFFFE30];
	v12 =	vsub.f32 v12, v0;
	v2 =	vpop (erf);
	[tilespmem:s1+$0x80] =	vst v4  }
0x163: {  	v15 =	vmul.f32 $1.442695020e+00, v17;
	v3 =	vsub.f32 v3, v0;
	v4 =	vld [tilespmem:s9+$0xFFFFFE50];
	v17 =	vmul.f32 v19, v2;
	[tilespmem:s1+$0x110] =	vst v5  }
0x164: {  	v11 =	vmul.f32 $1.442695020e+00, v11;
	v5 =	vld [tilespmem:s9+$0xFFFFFE60];
	v12 =	vmul.f32 $1.442695020e+00, v12;
	[tilespmem:s1+$0x1A0] =	vst v6;
	s1 =	smov.u32 s9  }
0x165: {  	v3 =	vmul.f32 $1.442695020e+00, v3;
	v6 =	vld [tilespmem:s9+$0xFFFFFE70];
	[tilespmem:s9+$0x220] =	vst v17;
	(erf) = vpow2.f32 v16  }
0x166: {  	v16 =	vld [tilespmem:s9+$0xFFFFFE80];
	[tilespmem:s9+$0x230] =	vst v2;
	(erf) = vpow2.f32 v1  }
0x167: {  	v17 =	vld [tilespmem:s9+$0xFFFFFE90];
	(erf) = vpow2.f32 v3  }
0x168: {  	v19 =	vld [tilespmem:s9+$0xFFFFFEA0];
	(erf) = vpow2.f32 v13  }
0x169: {  	v13 =	vld [tilespmem:s9+$0xFFFFFEB0];
	(erf) = vpow2.f32 v15  }
0x16a: {  	v15 =	vld [tilespmem:s9+$0xFFFFFEC0];
	(erf) = vpow2.f32 v11  }
0x16b: {  	v11 =	vld [tilespmem:s9+$0xFFFFFEE0];
	(erf) = vpow2.f32 v12  }
0x16c: {  	v12 =	vld [tilespmem:s9+$0xFFFFFEF0]  }
0x16d: {  	v20 =	vld [tilespmem:s9+$0xFFFFFF00]  }
0x16e: {  	v23 =	vld [tilespmem:s9+$0xFFFFFF10];
	v24 =	vpop (erf)  }
0x16f: {  	[tilespmem:s9+$0xFFFFFED0] =	vst v24;
	v29 =	vmul.f32 v24, v4;
	v30 =	vmul.f32 v24, v5;
	v25 =	vld [tilespmem:s9+$0xFFFFFF20];
	v26 =	vpop (erf)  }
0x170: {  	v27 =	vmul.f32 v24, v6;
	v16 =	vmul.f32 v16, v24;
	[tilespmem:s9+$0xFFFFFF60] =	vst v26;
	v28 =	vld [tilespmem:s9+$0xFFFFFF30];
	v1 =	vpop (erf)  }
0x171: {  	v31 =	vmul.f32 v1, v18;
	v32 =	vmul.f32 v1, v14;
	[tilespmem:s9+$0xFFFFFE50] =	vst v29;
	v14 =	vld [tilespmem:s9+$0xFFFFFF40];
	v3 =	vpop (erf)  }
0x172: {  	v8 =	vmul.f32 v1, v8;
	v9 =	vmul.f32 v9, v1;
	[tilespmem:s9+$0xFFFFFE60] =	vst v30;
	v18 =	vld [tilespmem:s9+$0xFFFFFF50];
	v4 =	vpop (erf)  }
0x173: {  	v10 =	vmul.f32 v10, v1;
	v21 =	vmul.f32 v21, v1;
	[tilespmem:s9+$0xFFFFFDC0] =	vst v31;
	v29 =	vld [tilespmem:s9+$0xFFFFFF70];
	v5 =	vpop (erf)  }
0x174: {  	v22 =	vmul.f32 v22, v1;
	v7 =	vmul.f32 v7, v1;
	[tilespmem:s9+$0xFFFFFDD0] =	vst v32;
	v30 =	vld [tilespmem:s9+$0xFFFFFF80];
	v6 =	vpop (erf)  }
0x175: {  	[tilespmem:s9+$0xFFFFFDE0] =	vst v8;
	v8 =	vmul.f32 v17, v24;
	v17 =	vmul.f32 v19, v24;
	v19 =	vld [tilespmem:s9+$0xFFFFFF90]  }
0x176: {  	[tilespmem:s9+$0xFFFFFDF0] =	vst v9;
	v9 =	vmul.f32 v13, v24;
	v13 =	vmul.f32 v15, v24;
	v15 =	vld [tilespmem:s9+$0xFFFFFFA0]  }
0x177: {  	[tilespmem:s9+$0xFFFFFE00] =	vst v10;
	v10 =	vmul.f32 v26, v11;
	v11 =	vmul.f32 v26, v12;
	v12 =	vld [tilespmem:s9+$0xFFFFFFB0]  }
0x178: {  	v20 =	vmul.f32 v26, v20;
	[tilespmem:s9+$0xFFFFFE10] =	vst v21;
	v21 =	vmul.f32 v23, v26;
	v23 =	vld [tilespmem:s9+$0xFFFFFFC0]  }
0x179: {  	v24 =	vmul.f32 v28, v26;
	[tilespmem:s9+$0xFFFFFE20] =	vst v22;
	v22 =	vmul.f32 v25, v26;
	v25 =	vld [tilespmem:s9+$0xFFFFFFD0]  }
0x17a: {  	[tilespmem:s9+$0xFFFFFE30] =	vst v7;
	v7 =	vmul.f32 v14, v26;
	v14 =	vmul.f32 v18, v26;
	v18 =	vld [tilespmem:s9+$0xFFFFFFE0]  }
0x17b: {  	v26 =	vmul.f32 v3, v29;
	[tilespmem:s9+$0xFFFFFE70] =	vst v27;
	v27 =	vmul.f32 v3, v30;
	v28 =	vld [tilespmem:s9+$0x0]  }
0x17c: {  	v15 =	vmul.f32 v15, v3;
	[tilespmem:s9+$0xFFFFFE80] =	vst v16;
	v16 =	vmul.f32 v3, v19;
	v19 =	vld [tilespmem:s9+$0x10]  }
0x17d: {  	v12 =	vmul.f32 v12, v3;
	[tilespmem:s9+$0xFFFFFE90] =	vst v8;
	v23 =	vmul.f32 v23, v3;
	v8 =	vld [tilespmem:s9+$0x20]  }
0x17e: {  	[tilespmem:s9+$0xFFFFFEA0] =	vst v17;
	v17 =	vmul.f32 v25, v3;
	v25 =	vld [tilespmem:s9+$0x30]  }
0x17f: {  	[tilespmem:s9+$0xFFFFFEB0] =	vst v9;
	v18 =	vmul.f32 v18, v3;
	v9 =	vld [tilespmem:s9+$0x40]  }
0x180: {  	[tilespmem:s9+$0xFFFFFEC0] =	vst v13;
	v28 =	vmul.f32 v4, v28;
	v13 =	vld [tilespmem:s9+$0x50]  }
0x181: {  	[tilespmem:s9+$0xFFFFFEE0] =	vst v10;
	v19 =	vmul.f32 v4, v19;
	v10 =	vld [tilespmem:s9+$0x60]  }
0x182: {  	[tilespmem:s9+$0xFFFFFEF0] =	vst v11;
	v29 =	vmul.f32 v4, v8;
	v8 =	vld [tilespmem:s9+$0x70]  }
0x183: {  	[tilespmem:s9+$0xFFFFFF00] =	vst v20;
	v25 =	vmul.f32 v25, v4;
	v11 =	vld [tilespmem:s9+$0x90]  }
0x184: {  	[tilespmem:s9+$0xFFFFFF10] =	vst v21;
	v30 =	vmul.f32 v9, v4;
	v9 =	vld [tilespmem:s9+$0xA0]  }
0x185: {  	[tilespmem:s9+$0xFFFFFF20] =	vst v22;
	v31 =	vmul.f32 v13, v4;
	v13 =	vld [tilespmem:s9+$0xB0]  }
0x186: {  	[tilespmem:s9+$0xFFFFFF30] =	vst v24;
	v32 =	vmul.f32 v10, v4;
	v10 =	vld [tilespmem:s9+$0xC0]  }
0x187: {  	[tilespmem:s9+$0xFFFFFF40] =	vst v7;
	v33 =	vmul.f32 v8, v4;
	v20 =	vld [tilespmem:s9+$0xD0]  }
0x188: {  	[tilespmem:s9+$0xFFFFFF50] =	vst v14;
	v14 =	vmul.f32 v5, v11;
	v11 =	vld [tilespmem:s9+$0xE0]  }
0x189: {  	[tilespmem:s9+$0xFFFFFF70] =	vst v26;
	v8 =	vmul.f32 v5, v9;
	v21 =	vld [tilespmem:s9+$0xF0]  }
0x18a: {  	[tilespmem:s9+$0xFFFFFF80] =	vst v27;
	v9 =	vmul.f32 v5, v13;
	v13 =	vld [tilespmem:s9+$0x100]  }
0x18b: {  	[tilespmem:s9+$0xFFFFFF90] =	vst v16;
	v7 =	vmul.f32 v10, v5;
	v16 =	vld [tilespmem:s9+$0x120]  }
0x18c: {  	[tilespmem:s9+$0xFFFFFFA0] =	vst v15;
	v10 =	vmul.f32 v20, v5;
	v20 =	vld [tilespmem:s9+$0x130]  }
0x18d: {  	[tilespmem:s9+$0xFFFFFFB0] =	vst v12;
	v11 =	vmul.f32 v11, v5;
	v22 =	vld [tilespmem:s9+$0x140]  }
0x18e: {  	[tilespmem:s9+$0xFFFFFFC0] =	vst v23;
	v12 =	vmul.f32 v21, v5;
	v21 =	vld [tilespmem:s9+$0x150]  }
0x18f: {  	[tilespmem:s9+$0xFFFFFFD0] =	vst v17;
	v13 =	vmul.f32 v13, v5;
	v17 =	vld [tilespmem:s9+$0x160]  }
0x190: {  	[tilespmem:s9+$0xFFFFFFE0] =	vst v18;
	v15 =	vmul.f32 v6, v16;
	v18 =	vld [tilespmem:s9+$0x170]  }
0x191: {  	[tilespmem:s9+$0x0] =	vst v28;
	v16 =	vmul.f32 v6, v20;
	v23 =	vld [tilespmem:s9+$0x180]  }
0x192: {  	[tilespmem:s9+$0x10] =	vst v19;
	v19 =	vmul.f32 v6, v22;
	v26 =	vld [tilespmem:s9+$0x190]  }
0x193: {  	[tilespmem:s9+$0x20] =	vst v29;
	v20 =	vmul.f32 v21, v6;
	v27 =	vld [tilespmem:s9+$0x1B0]  }
0x194: {  	[tilespmem:s9+$0x30] =	vst v25;
	v21 =	vmul.f32 v17, v6;
	v28 =	vld [tilespmem:s9+$0x1C0]  }
.Ltmp1:
0x195: {  	[tilespmem:s9+$0x40] =	vst v30;
	v22 =	vmul.f32 v18, v6;
	v24 =	vld [tilespmem:s9+$0x1D0];
	(pc) =	sbr.rel @p0 .LBB2_6-.Ltmp1, $4  }
0x196: {  	[tilespmem:s9+$0x50] =	vst v31;
	v23 =	vmul.f32 v23, v6;
	v25 =	vld [tilespmem:s9+$0x1E0]  }
0x197: {  	[tilespmem:s9+$0x60] =	vst v32;
	v17 =	vmul.f32 v26, v6;
	v26 =	vld [tilespmem:s9+$0x1F0]  }
0x198: {  	[tilespmem:s9+$0x70] =	vst v33;
	v18 =	vmul.f32 v2, v27;
	v27 =	vld [tilespmem:s9+$0x200]  }
0x199: {  	s9 =	sadd.s32 $0x480, s9;
	[tilespmem:s1+$0x90] =	vst v14;
	v14 =	vmul.f32 v2, v28;
	v28 =	vld [tilespmem:s1+$0x210]  }
0x19a: {  	[tilespmem:s1+$0xA0] =	vst v8  }
0x19b: {  	[tilespmem:s1+$0xB0] =	vst v9  }
0x19c: {  	[tilespmem:s1+$0xC0] =	vst v7  }
0x19d: {  	[tilespmem:s1+$0xD0] =	vst v10  }
0x19e: {  	[tilespmem:s1+$0xE0] =	vst v11  }
0x19f: {  	[tilespmem:s1+$0xF0] =	vst v12  }
0x1a0: {  	[tilespmem:s1+$0x100] =	vst v13  }
0x1a1: {  	[tilespmem:s1+$0x120] =	vst v15  }
0x1a2: {  	[tilespmem:s1+$0x130] =	vst v16  }
0x1a3: {  	[tilespmem:s1+$0x140] =	vst v19  }
0x1a4: {  	[tilespmem:s1+$0x150] =	vst v20  }
0x1a5: {  	[tilespmem:s1+$0x160] =	vst v21  }
0x1a6: {  	[tilespmem:s1+$0x170] =	vst v22  }
0x1a7: {  	[tilespmem:s1+$0x180] =	vst v23  }
0x1a8: {  	[tilespmem:s1+$0x190] =	vst v17  }
0x1a9: {  	[tilespmem:s1+$0x1B0] =	vst v18  }
0x1aa: {  	[tilespmem:s1+$0xFFFFFE40] =	vst v1  }
0x1ab: {  	[tilespmem:s1+$0xFFFFFFF0] =	vst v3  }
0x1ac: {  	[tilespmem:s1+$0x80] =	vst v4  }
0x1ad: {  	[tilespmem:s1+$0x110] =	vst v5  }
0x1ae: {  	v60 =	vmul.f32 v2, v24;
	[tilespmem:s1+$0x1A0] =	vst v6  }
0x1af: {  	v61 =	vmul.f32 v25, v2;
	[tilespmem:s1+$0x1C0] =	vst v14  }
0x1b0: {  	v62 =	vmul.f32 v26, v2;
	[tilespmem:s1+$0x1D0] =	vst v60  }
0x1b1: {  	v63 =	vmul.f32 v27, v2;
	[tilespmem:s1+$0x1E0] =	vst v61  }
0x1b2: {  	v2 =	vmul.f32 v28, v2;
	[tilespmem:s1+$0x1F0] =	vst v62  }
0x1b3: {  	[tilespmem:s1+$0x200] =	vst v63  }
0x1b4: {  	s31 =	sadd.s32 $0x1, s31;
	[tilespmem:s1+$0x210] =	vst v2  }
0x1b5: {  	[spmem:s3] =	stream.indirect.scatter.add.f32 [tilespmem:s22], [sflag:$0x2], $0x90, s0, s19, $0xb8;
	[tilespmem:$0x1F690] =	vst v63  }
0x1b6: {  	p0 =	sne.s32 s31, $0x12;
	_ =	swait.ge [sflag:s24], $0x3600  }
.Ltmp2:
0x1b7: {  	[sflag:s24] =	ssyncset.done $0x0;
	(pc) =	sbr.rel @p0 .LBB2_3-.Ltmp2, $4  }
0x1b8: {  	[sflag:s24] =	ssyncadd.s32 $0xFFFFCA00  }
0x1b9: {  	_ =	swait.ge [sflag:s26], $0x3600  }
0x1ba: {  	[sflag:s26] =	ssyncset.done $0x0  }
0x1bb: {  	[sflag:s26] =	ssyncadd.s32 $0xFFFFCA00  }
0x1bc: {  	s30 =	sadd.s32 $0x1, s30  }
0x1bd: {  	p0 =	sne.s32 s30, $0x3  }
.Ltmp3:
0x1be: {  	_ = 	snop;
	(pc) =	sbr.rel @p0 .LBB2_2-.Ltmp3, $1  }
0x1bf: {  	_ =	sdelay $0x3  }
0x1c0: {  	s29 =	sadd.s32 $0x1, s29  }
0x1c1: {  	p0 =	sne.s32 s29, s13  }
.Ltmp4:
0x1c2: {  	[bflag:$0x0] =	sbarrier.arrive $0xFFFF;
	(pc) =	sbr.rel @p0 .LBB2_1-.Ltmp4, $4  }
0x1c3: {  	[hbm:s12], [sflag:s10] =	dma.local [spmem:s14], $0x2C70  }
0x1c4: {  	_ =	swait.ge [sflag:s15], $0x2C70  }
0x1c5: {  	[sflag:s15] =	ssyncset.done $0x0  }
0x1c6: {  	[sflag:s15] =	ssyncadd.s32 $0xFFFFD390  }
0x1c7: {  	_ =	sfence.sel $0x180000  }
0x1c8: {  	[bflag:$0x0] =	sbarrier.arrive $0xFFFF  }
0x1c9: {  	_ =	strace $0x90000047  }
0x1ca: {  	s0 =	stileid.u32;
	[bflag:$0x2] =	sbarrier.arrive $0xFFFF  }
0x1cb: {  	p0 =	sne.s32 s0, $0x0;
	s0 =	rddreg [dreg:$0x3]  }
0x1cc: {  	s0 =	sadd.s32 @!p0 $0x100000, s0  }
0x1cd: {  	[sflag:s0] =	ssyncadd.tile.s32 @!p0 $0x1;
	_ =	shalt  }
.Lfunc_end2:
_tile_overlayer_lowered:
.L_overlay_start_2:
0x1ce: {  	(tag) =	ssettag $0x2  }
0x1cf: {  	s0 =	rddreg [dreg:$0x0];
	s2 =	stileid.u32  }
0x1d0: {  	s1 =	rddreg [dreg:$0x1];
	p0 =	sne.s32 s2, $0x0  }
0x1d1: {  	s3 =	rddreg [dreg:$0x2];
	[bflag:$0x3] =	sbarrier.arrive $0xFFFF;
	s2 =	simm.s32 @!p0 $0x1C05  }
0x1d2: {  	[timem:s3], [sflag:s2] =	dma.local @!p0 [hbm:s0], s1  }
0x1d3: {  	s0 =	simm.s32 @!p0 $0x5  }
0x1d4: {  	_ =	swait.ge @!p0 [sflag:s0], s1  }
0x1d5: {  	s1 =	ssub.s32 @!p0 $0x0, s1;
	[sflag:s0] =	ssyncset.done @!p0 $0x0  }
0x1d6: {  	[sflag:s0] =	ssyncadd.s32 @!p0 s1  }
0x1d7: {  	[bflag:$0x3] =	sbarrier.arrive $0xFFFF  }
0x1d8: {  	_ =	shalt  }

// kernel: kernel.22.cloned.1.call-start
scs
__scs_entry_jumppad:
0x0: {  	(pc) =	sbr.rel $0x88, $3  }
0x1: {  	(tag) =	ssettag $0x0;
	lr =	simm.s32 $0x1  }
0x2: {  	[smem:$0x3F86] =	sst lr;
	_ =	strace $0xD0000000  }
0x3: {  	_ = 	snop  }
0x4: {  	_ = 	snop  }
0x5: {  	_ = 	snop  }
0x6: {  	_ = 	snop  }
0x7: {  	_ = 	snop  }
__scs_overlays_trampoline_lowered:
0x8: {  	[smem:$0x3F95] =	sst s0  }
0x9: {  	[smem:$0x3F96] =	sst s1  }
0xa: {  	[smem:$0x3F97] =	sst s2  }
0xb: {  	[smem:$0x3F98] =	sst s3  }
0xc: {  	[smem:$0x3F99] =	sst s4  }
0xd: {  	[smem:$0x3F9A] =	sst s5  }
0xe: {  	[smem:$0x3F9B] =	sst s6  }
0xf: {  	[smem:$0x3F9C] =	sst s7  }
0x10: {  	[smem:$0x3F9D] =	sst s8  }
0x11: {  	[smem:$0x3F9E] =	sst s9;
	s0 =	simm.s32 @!p0 $0x0  }
0x12: {  	s1 =	sld [smem:$0x3F84];
	s0 =	simm.s32 @p0 $0x1  }
0x13: {  	[smem:$0x3F9F] =	sst s0;
	s0 =	simm.s32 @!p1 $0x0  }
0x14: {  	s2 =	sld [smem:$0x3F83];
	s0 =	simm.s32 @p1 $0x1  }
0x15: {  	[smem:$0x3FA0] =	sst s0;
	s0 =	simm.s32 @!p2 $0x0  }
0x16: {  	s3 =	sld [smem:$0x3FDB];
	s0 =	simm.s32 @p2 $0x1  }
0x17: {  	s4 =	simm.s32 $0x1BF5;
	[smem:$0x3FA2] =	sst s0  }
0x18: {  	s0 =	sld [smem:$0x3F85];
	_ =	swait.ge [sflag:s4], $0x0  }
0x19: {  	s7 =	sld [smem:$0x3F86]  }
0x1a: {  	s8 =	sadd.s32 $0xFFFFE003, lr  }
0x1b: {  	s9 =	sadd.s32 $0xFFFFFEF7, lr;
	s5 =	simm.s32 $0xFFFFFFFF;
	p2 =	slt.u32 s8, $0xFFFFF086  }
0x1c: {  	p1 =	slt.u32 s9, $0xF7A;
	s5 =	simm.s32 @!p2 $0x0  }
0x1d: {  	s5 =	simm.s32 @p1 $0x1;
	p0 =	seq.s32 s7, s2  }
0x1e: {  	s7 =	smul.u32 @!p0 $0xF7A, s2;
	p2 =	seq.s32 @!p0 s5, $0x0  }
0x1f: {  	s9 =	smul.u32 $0xF7A, s1;
	s8 =	simm.s32 @!p0 $0x1BF5;
	p2 =	por !p2, p0  }
0x20: {  	[sflag:s8] =	ssyncset.s32 @!p0 $0xFFFFF086;
	s6 =	sadd.s32 @!p0 s3, s7;
	s7 =	simm.s32 @!p0 $0x108  }
0x21: {  	s3 =	sadd.s32 s3, s9;
	s6 =	sadd.s32 @!p0 $0x88, s6;
	s7 =	simm.s32 @p2 $0x1082  }
0x22: {  	[simem:s7], [sflag:s8] =	dma.local @!p0 [hbm:s6], $0xF7A  }
0x23: {  	s9 =	sor.u32 $0xD0000000, s2;
	s6 =	simm.s32 $0x108;
	_ =	swait.ge @!p0 [sflag:s8], $0x0  }
0x24: {  	s3 =	sadd.s32 $0x88, s3;
	s6 =	simm.s32 @!p1 $0x1082;
	[sflag:s4] =	ssyncset.s32 $0xFFFFF086  }
0x25: {  	[simem:s6], [sflag:s4] =	dma.local [hbm:s3], $0xF7A  }
0x26: {  	[smem:$0x3F86] =	sst s1;
	(tag) =	ssettag s2;
	_ =	strace s9  }
0x27: {  	s1 =	sld [smem:$0x3F96]  }
0x28: {  	s2 =	sld [smem:$0x3F97]  }
0x29: {  	s4 =	sld [smem:$0x3F99]  }
0x2a: {  	p0 =	seq.s32 s5, $0x0;
	s5 =	sld [smem:$0x3F9A]  }
0x2b: {  	s6 =	sld [smem:$0x3F9B]  }
0x2c: {  	s7 =	sld [smem:$0x3F9C]  }
0x2d: {  	s3 =	simm.s32 $0x108;
	s8 =	sld [smem:$0x3F9D]  }
0x2e: {  	s3 =	simm.s32 @!p0 $0x1082;
	s9 =	sld [smem:$0x3F9E]  }
0x2f: {  	lr =	sadd.s32 s0, s3;
	s0 =	sld [smem:$0x3F95]  }
0x30: {  	s3 =	sld [smem:$0x3F98]  }
0x31: {  	[smem:$0x3FA1] =	sst s10  }
0x32: {  	s10 =	sld [smem:$0x3F9F];
	_ =	sdelay $0x3  }
0x33: {  	p0 =	seq.s32 s10, $0x1;
	s10 =	sld [smem:$0x3FA1];
	_ =	sdelay $0x3  }
0x34: {  	[smem:$0x3FA1] =	sst s10  }
0x35: {  	s10 =	sld [smem:$0x3FA0];
	_ =	sdelay $0x3  }
0x36: {  	p1 =	seq.s32 s10, $0x1;
	s10 =	sld [smem:$0x3FA1];
	_ =	sdelay $0x3  }
0x37: {  	[smem:$0x3FA1] =	sst s10  }
0x38: {  	s10 =	sld [smem:$0x3FA2]  }
0x39: {  	_ = 	snop;
	(pc) =	sbr.ind lr, $3  }
0x3a: {  	_ = 	snop  }
0x3b: {  	_ = 	snop  }
0x3c: {  	p2 =	seq.s32 s10, $0x1;
	s10 =	sld [smem:$0x3FA1]  }
0x3d: {  	_ =	shalt  }
0x3e: {  	_ =	shalt  }
0x3f: {  	_ =	shalt  }
0x40: {  	_ =	shalt  }
0x41: {  	_ =	shalt  }
0x42: {  	_ =	shalt  }
0x43: {  	_ =	shalt  }
0x44: {  	_ =	shalt  }
0x45: {  	_ =	shalt  }
0x46: {  	_ =	shalt  }
0x47: {  	_ =	shalt  }
0x48: {  	_ =	shalt  }
0x49: {  	_ =	shalt  }
0x4a: {  	_ =	shalt  }
0x4b: {  	_ =	shalt  }
0x4c: {  	_ =	shalt  }
0x4d: {  	_ =	shalt  }
0x4e: {  	_ =	shalt  }
0x4f: {  	_ =	shalt  }
0x50: {  	_ =	shalt  }
0x51: {  	_ =	shalt  }
0x52: {  	_ =	shalt  }
0x53: {  	_ =	shalt  }
0x54: {  	_ =	shalt  }
0x55: {  	_ =	shalt  }
0x56: {  	_ =	shalt  }
0x57: {  	_ =	shalt  }
0x58: {  	_ =	shalt  }
0x59: {  	_ =	shalt  }
0x5a: {  	_ =	shalt  }
0x5b: {  	_ =	shalt  }
0x5c: {  	_ =	shalt  }
0x5d: {  	_ =	shalt  }
0x5e: {  	_ =	shalt  }
0x5f: {  	_ =	shalt  }
0x60: {  	_ =	shalt  }
0x61: {  	_ =	shalt  }
0x62: {  	_ =	shalt  }
0x63: {  	_ =	shalt  }
0x64: {  	_ =	shalt  }
0x65: {  	_ =	shalt  }
0x66: {  	_ =	shalt  }
0x67: {  	_ =	shalt  }
0x68: {  	_ =	shalt  }
0x69: {  	_ =	shalt  }
0x6a: {  	_ =	shalt  }
0x6b: {  	_ =	shalt  }
0x6c: {  	_ =	shalt  }
0x6d: {  	_ =	shalt  }
0x6e: {  	_ =	shalt  }
0x6f: {  	_ =	shalt  }
0x70: {  	_ =	shalt  }
0x71: {  	_ =	shalt  }
0x72: {  	_ =	shalt  }
0x73: {  	_ =	shalt  }
0x74: {  	_ =	shalt  }
0x75: {  	_ =	shalt  }
0x76: {  	_ =	shalt  }
0x77: {  	_ =	shalt  }
0x78: {  	_ =	shalt  }
0x79: {  	_ =	shalt  }
0x7a: {  	_ =	shalt  }
0x7b: {  	_ =	shalt  }
0x7c: {  	_ =	shalt  }
0x7d: {  	_ =	shalt  }
0x7e: {  	_ =	shalt  }
0x7f: {  	_ =	shalt  }
0x80: {  	_ =	shalt  }
0x81: {  	_ =	shalt  }
0x82: {  	_ =	shalt  }
0x83: {  	_ =	shalt  }
0x84: {  	_ =	shalt  }
0x85: {  	_ =	shalt  }
0x86: {  	_ =	shalt  }
0x87: {  	_ =	shalt  }
.Lfunc_end0:
.L_simem_size_0:
called_computation.1_lowered:
.L_overlay_start_0:
0x88: {  	s2 =	sld [smem:$0x3FD9]  }
0x89: {  	s3 =	sld [smem:$0x3FFE];
	_ =	sdelay $0x1  }
0x8a: {  	s1 =	srdreg.scid  }
0x8b: {  	s0 =	sand.u32 $0x1, s1  }
0x8c: {  	s17 =	sshll.u32 s0, $0xA;
	s2 =	sadd.s32 s3, s2  }
0x8d: {  	s2 =	sadd.s32 s2, s17  }
0x8e: {  	[smem:$0x3FAD] =	sst s2  }
0x8f: {  	_ = 	snop  }
0x90: {  	s2 =	sld [smem:$0x3FD0];
	(tm) =	ssettm $0x1  }
0x91: {  	s18 =	sld [smem:$0x3FFB];
	_ =	sdelay $0x3  }
0x92: {  	_ =	strace s18  }
0x93: {  	s3 =	sld [smem:$0x3FFC];
	_ =	sdelay $0x3  }
0x94: {  	_ =	strace s3  }
0x95: {  	s3 =	sld [smem:$0x3FFD];
	_ =	sdelay $0x3  }
0x96: {  	_ =	strace s3  }
0x97: {  	_ =	strace $0x8FFFFFFF  }
0x98: {  	s19 =	sld [smem:$0x3FDB];
	_ =	sdelay $0x1  }
0x99: {  	s4 =	simm.s32 $_scs_section_size  }
0x9a: {  	s5 =	simm.s32 $_size__tile_overlayer_lowered;
	s6 =	simm.s32 $_tile_overlayer_lowered  }
0x9b: {  	s22 =	simm.s32 $0x1BFF;
	s21 =	sshll.u32 s6, $0x1;
	s3 =	sadd.s32 s4, s19  }
0x9c: {  	s7 =	simm.s32 $0x0;
	s20 =	sshll.u32 s5, $0x1;
	s5 =	sadd.s32 s21, s3  }
0x9d: {  	[timem:s7], [sflag:s22] =	dma.local [hbm:s5], s20  }
0x9e: {  	_ =	swait.ge [sflag:s22], s20  }
0x9f: {  	s4 =	ssub.s32 $0x0, s20;
	[sflag:s22] =	ssyncset.done $0x0  }
0xa0: {  	[sflag:s22] =	ssyncadd.s32 s4;
	_ =	sdelay $0x1  }
0xa1: {  	s23 =	simm.s32 $0x1B8B  }
0xa2: {  	_ =	swait.ge [sflag:s23], $0x1  }
0xa3: {  	[sflag:s23] =	ssyncset.done $0x0  }
0xa4: {  	s25 =	simm.s32 $0x1B8E;
	s24 =	sld [smem:$0x3FFE];
	[sflag:s23] =	ssyncadd.s32 $0xFFFFFFFF  }
0xa5: {  	s26 =	simm.s32 $execute0_lowered;
	[smem:$0x3FD2] =	sst s25  }
0xa6: {  	s5 =	sshll.u32 s26, $0x1;
	_ =	strace $0x80000049;
	[dreg:$0x1] =	wrdreg $0xFFFFFFFF  }
0xa7: {  	s28 =	simm.s32 $_size_execute0_lowered;
	s3 =	sadd.s32 s3, s5;
	[dreg:$0x0] =	wrdreg $0x0  }
0xa8: {  	s5 =	sshll.u32 s28, $0x1;
	[dreg:$0x2] =	wrdreg s3  }
0xa9: {  	[dreg:$0x3] =	wrdreg s5  }
0xaa: {  	[dreg:$0x4] =	wrdreg $0xC0  }
0xab: {  	_ =	task [dreg:s7], $0x5FFFF  }
0xac: {  	[dreg:$0x1] =	wrdreg $0xFFFFFFFF  }
0xad: {  	[dreg:$0x0] =	wrdreg $0x60  }
0xae: {  	[dreg:$0x2] =	wrdreg s24  }
0xaf: {  	[dreg:$0x3] =	wrdreg s2  }
0xb0: {  	[dreg:$0x4] =	wrdreg $0x0  }
0xb1: {  	[dreg:$0x5] =	wrdreg $0x9  }
0xb2: {  	_ =	task.clear_ibuf [dreg:s7], $0x6FFFF;
	_ =	strace $0x90000049  }
0xb3: {  	s29 =	simm.s32 $0x9;
	_ =	strace $0x8000004B  }
0xb4: {  	_ =	swait.ge [sflag:s29], $0x1  }
0xb5: {  	[sflag:s29] =	ssyncadd.s32 $0xFFFFFFFF  }
0xb6: {  	_ =	strace $0x9000004B  }
0xb7: {  	_ =	sfence  }
0xb8: {  	s30 =	sld [smem:$0x0];
	_ =	sdelay $0x2  }
0xb9: {  	s31 =	sshll.u32 s1, $0xD;
	s1 =	sshrl.u32 s1, $0x2  }
0xba: {  	s3 =	sand.u32 $0x4000, s31;
	s1 =	sadd.s32 s1, s30  }
0xbb: {  	s0 =	sor.u32 s3, s0;
	s1 =	sshll.u32 s1, $0x11  }
0xbc: {  	s0 =	sor.u32 s1, s0  }
0xbd: {  	s0 =	sadd.s32 $0x8F2B, s0  }
0xbe: {  	[sflag:s0] =	ssyncadd.remote.s32 $0x1  }
0xbf: {  	_ =	sfence.sel $0xFFFF  }
0xc0: {  	[dreg:$0x0] =	wrdreg $0xFFFFFFFF;
	(pc) =	sbr.abs _section_cstart, $3  }
0xc1: {  	[dreg:$0x1] =	wrdreg $0xFFFFFFFF  }
0xc2: {  	_ =	task.clear_ibuf [dreg:s7], $0x2FFFF;
	_ =	strace $0x9FFFFFFF  }
0xc3: {  	(tm) =	ssettm $0x7FFFFFFF  }
tec
execute0_lowered:
.L_overlay_start_1:
0x0: {  	(tag) =	ssettag $0x1  }
0x1: {  	s0 =	rddreg [dreg:$0x0]  }
0x2: {  	s3 =	rddreg [dreg:$0x2]  }
0x3: {  	s1 =	srdreg.scid;
	s10 =	stileid.u32;
	s4 =	simm.s32 $0x0  }
0x4: {  	s15 =	simm.s32 $0x5;
	s17 =	simm.s32 $0x16380;
	s18 =	simm.s32 $0x17100  }
0x5: {  	s19 =	simm.s32 $0x60;
	s20 =	simm.s32 $0x17E80;
	s21 =	simm.s32 $0x1EA80  }
0x6: {  	s22 =	simm.s32 $0x1B480;
	s23 =	simm.s32 $0x1F080;
	s24 =	simm.s32 $0x1  }
0x7: {  	s25 =	simm.s32 $0x3;
	s28 =	simm.s32 $0x4;
	s29 =	simm.s32 $0x0  }
0x8: {  	s1 =	sand.u32 $0x1, s1;
	s2 =	smul.u32 $0x16380, s10;
	[smem:$0x7FF] =	sst s4  }
0x9: {  	s5 =	sadd.s32 $0x4A00, s0;
	s6 =	sadd.s32 $0x31200, s0;
	s7 =	sadd.s32 $0x40400, s0  }
0xa: {  	s8 =	sadd.s32 $0x36200, s0;
	s11 =	sadd.s32 $0x4A600, s0;
	s31 =	sshll.u32 s10, $0x6  }
0xb: {  	s26 =	smul.u32 $0x163800, s1;
	_ =	strace $0x8000004A;
	s9 =	ssub.s32 $0x2, s1  }
0xc: {  	[dreg:$0x4] =	wrdreg s11;
	s1 =	sshll.u32 s1, $0x4;
	s30 =	sshrl.u32 s9, $0x1  }
0xd: {  	s1 =	sor.u32 s10, s1;
	s10 =	sor.u32 $0x1C05, s31;
	s4 =	sadd.s32 s2, s26  }
0xe: {  	s2 =	sadd.s32 s2, s3;
	s11 =	smul.u32 $0x2880, s1;
	s4 =	sshrl.u32 s4, $0x3  }
0xf: {  	s26 =	simm.s32 $0x2;
	s0 =	sadd.s32 s4, s0;
	s4 =	ssub.s32 s9, s30  }
0x10: {  	s14 =	sshrl.u32 s2, $0x3;
	s12 =	sadd.s32 $0x4D400, s0;
	s13 =	smax.u32 s4, $0x1  }
.LBB2_1:
0x11: {  	s0 =	rddreg [dreg:$0x4]  }
0x12: {  	[spmem:s14], [sflag:s10] =	dma.local [hbm:s0], $0x2C70  }
0x13: {  	_ =	swait.ge [sflag:s15], $0x2C70  }
0x14: {  	[sflag:s15] =	ssyncset.done $0x0  }
0x15: {  	[sflag:s15] =	ssyncadd.s32 $0xFFFFD390  }
0x16: {  	s1 =	simm.s32 $0x0;
	s2 =	simm.s32 $0x1F680;
	s31 =	rddreg [dreg:$0x1]  }
0x17: {  	[tilespmem:s2], [sflag:$0x5] =	stream.linear.gather [hbm4b:s31+s1], $0x10, $0x38;
	[tilespmem:$0x1F690] =	vst v63  }
0x18: {  	_ =	swait.ge [sflag:s15], $0x10  }
0x19: {  	[sflag:s15] =	ssyncset.done $0x0  }
0x1a: {  	[sflag:s15] =	ssyncadd.s32 $0xFFFFFFF0  }
0x1b: {  	[bflag:$0x0] =	sbarrier.arrive $0xFFFF  }
0x1c: {  	s30 =	simm.s32 $0x0;
	v0 =	vld [tilespmem:$0x1F680]  }
.LBB2_2:
0x1d: {  	s0 =	smul.u32 $0xD80, s30;
	_ =	sdelay $0x1  }
0x1e: {  	s0 =	sadd.s32 s11, s0  }
0x1f: {  	s0 =	sshrl.u32 s0, $0x3  }
0x20: {  	s31 =	simm.s32 $0x0;
	s1 =	sadd.s32 s7, s0  }
0x21: {  	[tilespmem:s17], [sflag:$0x5] =	stream.linear.gather [hbm4b:s1+s31], $0xD80, $0x38;
	[tilespmem:$0x1F690] =	vst v63  }
0x22: {  	_ =	swait.ge [sflag:s15], $0xD80  }
0x23: {  	[sflag:s15] =	ssyncset.done $0x0  }
0x24: {  	s0 =	sadd.s32 s8, s0;
	[sflag:s15] =	ssyncadd.s32 $0xFFFFF280  }
0x25: {  	[tilespmem:s18], [sflag:$0x5] =	stream.linear.gather [hbm4b:s0+s31], $0xD80, $0x38;
	[tilespmem:$0x1F690] =	vst v63  }
0x26: {  	_ =	swait.ge [sflag:s15], $0xD80  }
0x27: {  	[sflag:s15] =	ssyncset.done $0x0  }
0x28: {  	[sflag:s15] =	ssyncadd.s32 $0xFFFFF280  }
.LBB2_3:
0x29: {  	s0 =	smul.u32 $0xC0, s31;
	_ =	sdelay $0x1  }
0x2a: {  	s1 =	sadd.s32 $0x16380, s0  }
0x2b: {  	[tilespmem:s20], [sflag:$0x1] =	stream.indirect.gather [hbm4b:s5+s19], $0x90, s1, s19, $0xb8;
	[tilespmem:$0x1F690] =	vst v63  }
0x2c: {  	s1 =	sadd.s32 $0x17100, s0  }
0x2d: {  	[tilespmem:s21], [sflag:$0x3] =	stream.indirect.gather [hbm4b:s6+s19], $0x10, s1, s19, $0xb8;
	[tilespmem:$0x1F690] =	vst v63  }
0x2e: {  	s2 =	sadd.s32 $0x163E0, s0  }
0x2f: {  	[tilespmem:s22], [sflag:$0x2] =	stream.indirect.gather [hbm4b:s5+s19], $0x90, s2, s19, $0xb8;
	[tilespmem:$0x1F690] =	vst v63  }
0x30: {  	s0 =	sadd.s32 $0x17160, s0  }
0x31: {  	[tilespmem:s23], [sflag:$0x4] =	stream.indirect.gather [hbm4b:s6+s19], $0x10, s0, s19, $0xb8;
	[tilespmem:$0x1F690] =	vst v63  }
0x32: {  	_ =	swait.ge [sflag:s24], $0x3600  }
0x33: {  	[sflag:s24] =	ssyncset.done $0x0  }
0x34: {  	[sflag:s24] =	ssyncadd.s32 $0xFFFFCA00  }
0x35: {  	_ =	swait.ge [sflag:s25], $0x600  }
0x36: {  	[sflag:s25] =	ssyncset.done $0x0  }
0x37: {  	s2 =	simm.s32 $0x180C0;
	[sflag:s25] =	ssyncadd.s32 $0xFFFFFA00  }
0x38: {  	s16 =	simm.s32 $0x1EAC0;
	v1 =	vld [tilespmem:s2+$0x230]  }
0x39: {  	v2 =	vld [tilespmem:s16+$0x30]  }
0x3a: {  	v3 =	vld [tilespmem:s16+$0xFFFFFFC0]  }
0x3b: {  	v4 =	vld [tilespmem:s2+$0xFFFFFED0]  }
0x3c: {  	v5 =	vld [tilespmem:s16+$0xFFFFFFD0]  }
0x3d: {  	v6 =	vld [tilespmem:s2+$0xFFFFFF60]  }
0x3e: {  	v7 =	vld [tilespmem:s16+$0xFFFFFFE0]  }
0x3f: {  	v8 =	vld [tilespmem:s2+$0xFFFFFFF0]  }
0x40: {  	v9 =	vld [tilespmem:s16+$0xFFFFFFF0]  }
0x41: {  	v10 =	vld [tilespmem:s2+$0x80]  }
0x42: {  	v11 =	vld [tilespmem:s16+$0x0]  }
0x43: {  	v12 =	vld [tilespmem:s2+$0x110]  }
0x44: {  	v13 =	vld [tilespmem:s16+$0x10]  }
0x45: {  	v14 =	vld [tilespmem:s2+$0x1A0]  }
0x46: {  	v15 =	vld [tilespmem:s16+$0x20]  }
0x47: {  	v17 =	vld [tilespmem:s2+$0xFFFFFDC0];
	v1 =	vadd.f32 v2, v1  }
0x48: {  	v18 =	vld [tilespmem:s2+$0xFFFFFDF0]  }
0x49: {  	v2 =	vld [tilespmem:s2+$0xFFFFFE40];
	v16 =	vmul.f32 $2.000000030e-01, v1  }
0x4a: {  	v20 =	vld [tilespmem:s2+$0xFFFFFE10];
	v4 =	vadd.f32 v5, v4;
	vm0 =	vgt.f32 v1, $0.0e+00  }
0x4b: {  	v21 =	vld [tilespmem:s2+$0xFFFFFE50];
	v6 =	vadd.f32 v7, v6;
	v1 =	vsel vm0, v1, v16  }
0x4c: {  	v22 =	vld [tilespmem:s2+$0xFFFFFE60];
	v16 =	vmul.f32 $2.000000030e-01, v4;
	v1 =	vsub.f32 v1, v0  }
0x4d: {  	v23 =	vld [tilespmem:s2+$0xFFFFFE80];
	vm9 =	vgt.f32 v4, $0.0e+00;
	v19 =	vmul.f32 $2.000000030e-01, v6;
	vm10 =	vgt.f32 v6, $0.0e+00  }
0x4e: {  	v24 =	vld [tilespmem:s2+$0xFFFFFE90];
	v2 =	vadd.f32 v3, v2;
	v4 =	vsel vm9, v4, v16;
	v1 =	vmul.f32 $1.442695020e+00, v1  }
0x4f: {  	v25 =	vld [tilespmem:s2+$0xFFFFFEA0];
	v6 =	vsel vm10, v6, v19;
	v4 =	vsub.f32 v4, v0  }
0x50: {  	v26 =	vld [tilespmem:s2+$0xFFFFFEB0];
	v19 =	vmul.f32 $2.000000030e-01, v2;
	(erf) = vpow2.f32 v1;
	v1 =	vsub.f32 v6, v0  }
0x51: {  	v27 =	vld [tilespmem:s2+$0xFFFFFEE0];
	vm11 =	vgt.f32 v2, $0.0e+00;
	v4 =	vmul.f32 $1.442695020e+00, v4  }
0x52: {  	v28 =	vld [tilespmem:s2+$0xFFFFFF00];
	v2 =	vsel vm11, v2, v19;
	v1 =	vmul.f32 $1.442695020e+00, v1  }
0x53: {  	v29 =	vld [tilespmem:s2+$0xFFFFFF10];
	v2 =	vsub.f32 v2, v0;
	(erf) = vpow2.f32 v4  }
0x54: {  	v31 =	vld [tilespmem:s2+$0xFFFFFF20];
	(erf) = vpow2.f32 v1  }
0x55: {  	v3 =	vld [tilespmem:s2+$0x220];
	v2 =	vmul.f32 $1.442695020e+00, v2  }
0x56: {  	v33 =	vld [tilespmem:s2+$0xFFFFFEC0]  }
0x57: {  	v34 =	vld [tilespmem:s2+$0xFFFFFF30]  }
0x58: {  	v61 =	vld [tilespmem:s2+$0x160];
	(erf) = vpow2.f32 v2  }
0x59: {  	v63 =	vld [tilespmem:s2+$0x170];
	v2 =	vpop (erf)  }
0x5a: {  	v4 =	vld [tilespmem:s2+$0xFFFFFE70];
	v1 =	vmul.f32 v3, v2  }
0x5b: {  	v36 =	vld [tilespmem:s2+$0x180];
	[tilespmem:s2+$0x230] =	vst v2  }
0x5c: {  	v5 =	vld [tilespmem:s2+$0xFFFFFDD0];
	v30 =	vpop (erf);
	[tilespmem:s2+$0x220] =	vst v1  }
0x5d: {  	v7 =	vld [tilespmem:s2+$0xFFFFFDE0];
	v21 =	vmul.f32 v30, v21;
	[tilespmem:s2+$0xFFFFFED0] =	vst v30;
	v32 =	vpop (erf)  }
0x5e: {  	v12 =	vadd.f32 v13, v12;
	v13 =	vld [tilespmem:s2+$0x30];
	v22 =	vmul.f32 v30, v22;
	[tilespmem:s2+$0xFFFFFF60] =	vst v32  }
0x5f: {  	v16 =	vld [tilespmem:s2+$0xFFFFFE00];
	v4 =	vmul.f32 v30, v4;
	[tilespmem:s2+$0xFFFFFE50] =	vst v21  }
0x60: {  	v10 =	vadd.f32 v11, v10;
	v6 =	vld [tilespmem:s2+$0xFFFFFE20];
	v11 =	vmul.f32 v23, v30;
	[tilespmem:s2+$0xFFFFFE60] =	vst v22  }
0x61: {  	v14 =	vadd.f32 v15, v14;
	v19 =	vld [tilespmem:s2+$0xFFFFFE30];
	v1 =	vpop (erf);
	[tilespmem:s2+$0xFFFFFE70] =	vst v4;
	v15 =	vmul.f32 v32, v28  }
0x62: {  	v8 =	vadd.f32 v9, v8;
	v3 =	vld [tilespmem:s2+$0xFFFFFEF0];
	[tilespmem:s2+$0xFFFFFE80] =	vst v11;
	v17 =	vmul.f32 v1, v17  }
0x63: {  	v23 =	vld [tilespmem:s2+$0x0];
	v5 =	vmul.f32 v1, v5;
	v7 =	vmul.f32 v1, v7;
	[tilespmem:s2+$0xFFFFFF00] =	vst v15  }
0x64: {  	v21 =	vld [tilespmem:s2+$0xFFFFFF40];
	v9 =	vmul.f32 v18, v1;
	v18 =	vmul.f32 $2.000000030e-01, v8;
	[tilespmem:s2+$0xFFFFFDC0] =	vst v17  }
0x65: {  	vm12 =	vgt.f32 v8, $0.0e+00;
	v22 =	vld [tilespmem:s2+$0xFFFFFF50];
	[tilespmem:s2+$0xFFFFFDD0] =	vst v5  }
0x66: {  	v11 =	vld [tilespmem:s2+$0x10];
	v16 =	vmul.f32 v16, v1;
	[tilespmem:s2+$0xFFFFFDE0] =	vst v7;
	v8 =	vsel vm12, v8, v18  }
0x67: {  	v28 =	vld [tilespmem:s2+$0xB0];
	v20 =	vmul.f32 v20, v1;
	[tilespmem:s2+$0xFFFFFDF0] =	vst v9;
	v8 =	vsub.f32 v8, v0  }
0x68: {  	v4 =	vmul.f32 $2.000000030e-01, v10;
	v6 =	vmul.f32 v6, v1;
	v17 =	vld [tilespmem:s2+$0xFFFFFF70];
	[tilespmem:s2+$0xFFFFFE00] =	vst v16  }
0x69: {  	vm13 =	vgt.f32 v10, $0.0e+00;
	v3 =	vmul.f32 v32, v3;
	v5 =	vld [tilespmem:s2+$0xFFFFFF80];
	[tilespmem:s2+$0xFFFFFE10] =	vst v20;
	v8 =	vmul.f32 $1.442695020e+00, v8  }
0x6a: {  	v4 =	vsel vm13, v10, v4;
	v10 =	vmul.f32 v33, v30;
	v15 =	vmul.f32 v34, v32;
	v7 =	vld [tilespmem:s2+$0xFFFFFF90];
	[tilespmem:s2+$0xFFFFFE20] =	vst v6  }
0x6b: {  	v9 =	vld [tilespmem:s2+$0xFFFFFFA0];
	v18 =	vmul.f32 v19, v1;
	v4 =	vsub.f32 v4, v0;
	[tilespmem:s2+$0xFFFFFEF0] =	vst v3;
	(erf) = vpow2.f32 v8  }
0x6c: {  	v16 =	vld [tilespmem:s2+$0xFFFFFFB0];
	v20 =	vmul.f32 v24, v30;
	v24 =	vmul.f32 v25, v30;
	[tilespmem:s2+$0xFFFFFEC0] =	vst v10  }
0x6d: {  	v19 =	vld [tilespmem:s2+$0xFFFFFFC0];
	v25 =	vmul.f32 $2.000000030e-01, v12;
	[tilespmem:s2+$0xFFFFFF30] =	vst v15;
	v4 =	vmul.f32 $1.442695020e+00, v4  }
0x6e: {  	vm14 =	vgt.f32 v12, $0.0e+00;
	v6 =	vld [tilespmem:s2+$0xFFFFFFD0];
	[tilespmem:s2+$0xFFFFFEA0] =	vst v24;
	v24 =	vmul.f32 v32, v27  }
0x6f: {  	v10 =	vld [tilespmem:s2+$0x50];
	[tilespmem:s2+$0xFFFFFE30] =	vst v18;
	v12 =	vsel vm14, v12, v25;
	v25 =	vmul.f32 $2.000000030e-01, v14;
	(erf) = vpow2.f32 v4  }
0x70: {  	vm15 =	vgt.f32 v14, $0.0e+00;
	v15 =	vld [tilespmem:s2+$0xC0];
	[tilespmem:s2+$0xFFFFFE90] =	vst v20;
	v3 =	vsub.f32 v12, v0;
	v4 =	vmul.f32 v31, v32  }
0x71: {  	v18 =	vld [tilespmem:s2+$0xFFFFFFE0];
	v21 =	vmul.f32 v21, v32;
	[tilespmem:s2+$0xFFFFFEE0] =	vst v24;
	v14 =	vsel vm15, v14, v25  }
0x72: {  	v20 =	vld [tilespmem:s2+$0x20];
	v8 =	vmul.f32 v26, v30;
	[tilespmem:s2+$0xFFFFFF20] =	vst v4;
	v4 =	vsub.f32 v14, v0  }
0x73: {  	v27 =	vld [tilespmem:s2+$0x70];
	[tilespmem:s2+$0xFFFFFF40] =	vst v21;
	v26 =	vmul.f32 v29, v32;
	v25 =	vmul.f32 $1.442695020e+00, v3  }
0x74: {  	v12 =	vld [tilespmem:s2+$0x90];
	[tilespmem:s2+$0xFFFFFEB0] =	vst v8;
	v14 =	vmul.f32 v22, v32;
	v4 =	vmul.f32 $1.442695020e+00, v4;
	v3 =	vpop (erf)  }
0x75: {  	v24 =	vld [tilespmem:s2+$0x60];
	[tilespmem:s2+$0xFFFFFF10] =	vst v26;
	(erf) = vpow2.f32 v25;
	v17 =	vmul.f32 v3, v17  }
0x76: {  	v8 =	vld [tilespmem:s2+$0x40];
	[tilespmem:s2+$0xFFFFFF50] =	vst v14;
	v5 =	vmul.f32 v3, v5  }
0x77: {  	v21 =	vld [tilespmem:s2+$0xD0];
	v7 =	vmul.f32 v3, v7;
	[tilespmem:s2+$0xFFFFFF70] =	vst v17  }
0x78: {  	v29 =	vld [tilespmem:s2+$0x150];
	(erf) = vpow2.f32 v4;
	v9 =	vmul.f32 v9, v3;
	v4 =	vpop (erf);
	[tilespmem:s2+$0xFFFFFF80] =	vst v5  }
0x79: {  	v26 =	vld [tilespmem:s2+$0xA0];
	v6 =	vmul.f32 v6, v3;
	v11 =	vmul.f32 v4, v11;
	[tilespmem:s2+$0xFFFFFF90] =	vst v7  }
0x7a: {  	v22 =	vld [tilespmem:s2+$0x100];
	v20 =	vmul.f32 v4, v20;
	v5 =	vmul.f32 v16, v3;
	[tilespmem:s2+$0xFFFFFFA0] =	vst v9  }
0x7b: {  	v14 =	vld [tilespmem:s2+$0xE0];
	v25 =	vmul.f32 v13, v4;
	v30 =	vmul.f32 v8, v4;
	[tilespmem:s2+$0xFFFFFFD0] =	vst v6  }
0x7c: {  	v31 =	vmul.f32 v10, v4;
	v62 =	vmul.f32 v24, v4;
	v17 =	vld [tilespmem:s2+$0xF0];
	[tilespmem:s2+$0x10] =	vst v11  }
0x7d: {  	v16 =	vmul.f32 v19, v3;
	v19 =	vld [tilespmem:s2+$0x120];
	v7 =	vmul.f32 v18, v3;
	[tilespmem:s2+$0x20] =	vst v20  }
0x7e: {  	v27 =	vmul.f32 v27, v4;
	v18 =	vld [tilespmem:s2+$0x130];
	v9 =	vmul.f32 v4, v23;
	[tilespmem:s2+$0xFFFFFFB0] =	vst v5;
	v5 =	vpop (erf)  }
0x7f: {  	v23 =	vld [tilespmem:s2+$0x140];
	[tilespmem:s2+$0xFFFFFFE0] =	vst v7;
	v35 =	vmul.f32 v5, v12;
	v8 =	vmul.f32 v5, v26  }
0x80: {  	v37 =	vld [tilespmem:s2+$0x1C0];
	[tilespmem:s2+$0x0] =	vst v9;
	v9 =	vmul.f32 v5, v28;
	v7 =	vmul.f32 v15, v5  }
0x81: {  	[tilespmem:s2+$0x30] =	vst v25;
	v28 =	vld [tilespmem:s2+$0x190];
	v10 =	vmul.f32 v21, v5;
	v11 =	vmul.f32 v14, v5  }
0x82: {  	[tilespmem:s2+$0x40] =	vst v30;
	v14 =	vld [tilespmem:s2+$0x1B0];
	v12 =	vmul.f32 v17, v5;
	v13 =	vmul.f32 v22, v5;
	v6 =	vpop (erf)  }
0x83: {  	v24 =	vld [tilespmem:s2+$0x1D0];
	[tilespmem:s2+$0xFFFFFFC0] =	vst v16;
	v15 =	vmul.f32 v6, v19;
	v16 =	vmul.f32 v6, v18  }
0x84: {  	[tilespmem:s2+$0x50] =	vst v31;
	v25 =	vld [tilespmem:s2+$0x1E0];
	v19 =	vmul.f32 v6, v23;
	v20 =	vmul.f32 v29, v6  }
0x85: {  	[tilespmem:s2+$0x60] =	vst v62;
	v26 =	vld [tilespmem:s2+$0x1F0];
	v21 =	vmul.f32 v61, v6;
	v22 =	vmul.f32 v63, v6  }
0x86: {  	[tilespmem:s2+$0x70] =	vst v27;
	v27 =	vld [tilespmem:s2+$0x200];
	v23 =	vmul.f32 v36, v6;
	v17 =	vmul.f32 v28, v6  }
0x87: {  	s4 =	simm.s32 $0x0;
	s9 =	simm.s32 $0x18540;
	[tilespmem:s2+$0x90] =	vst v35;
	v18 =	vmul.f32 v2, v14;
	v14 =	vmul.f32 v2, v37;
	v28 =	vld [tilespmem:s2+$0x210]  }
.LBB2_4:
0x88: {  	v29 =	vld [tilespmem:s9+$0x230];
	[tilespmem:s2+$0xA0] =	vst v8;
	v8 =	vmul.f32 v2, v24;
	s16 =	sadd.s32 $0x80, s16  }
0x89: {  	s4 =	sadd.s32 $0x8, s4;
	v24 =	vld [tilespmem:s16+$0x30];
	[tilespmem:s2+$0xB0] =	vst v9;
	v9 =	vmul.f32 v25, v2  }
0x8a: {  	p0 =	slt.u32 s4, $0x58;
	v25 =	vld [tilespmem:s16+$0xFFFFFFC0];
	[tilespmem:s2+$0xC0] =	vst v7;
	v7 =	vmul.f32 v26, v2  }
0x8b: {  	v26 =	vld [tilespmem:s9+$0xFFFFFED0];
	[tilespmem:s2+$0xD0] =	vst v10;
	v10 =	vmul.f32 v27, v2  }
0x8c: {  	v27 =	vld [tilespmem:s16+$0xFFFFFFD0];
	[tilespmem:s2+$0xE0] =	vst v11;
	v2 =	vmul.f32 v28, v2  }
0x8d: {  	v11 =	vld [tilespmem:s9+$0xFFFFFF60];
	[tilespmem:s2+$0xF0] =	vst v12  }
0x8e: {  	v12 =	vld [tilespmem:s16+$0xFFFFFFE0];
	v24 =	vadd.f32 v24, v29;
	[tilespmem:s2+$0x100] =	vst v13  }
0x8f: {  	v13 =	vld [tilespmem:s9+$0xFFFFFFF0];
	[tilespmem:s2+$0x120] =	vst v15  }
0x90: {  	v15 =	vld [tilespmem:s16+$0xFFFFFFF0];
	v28 =	vmul.f32 $2.000000030e-01, v24;
	[tilespmem:s2+$0x130] =	vst v16  }
0x91: {  	vm0 =	vgt.f32 v24, $0.0e+00;
	v16 =	vadd.f32 v27, v26;
	v26 =	vld [tilespmem:s9+$0x80];
	[tilespmem:s2+$0x140] =	vst v19  }
0x92: {  	v19 =	vld [tilespmem:s16+$0x0];
	v24 =	vsel vm0, v24, v28;
	[tilespmem:s2+$0x150] =	vst v20  }
0x93: {  	v20 =	vmul.f32 $2.000000030e-01, v16;
	v11 =	vadd.f32 v12, v11;
	v12 =	vld [tilespmem:s9+$0x110];
	v24 =	vsub.f32 v24, v0;
	[tilespmem:s2+$0x160] =	vst v21  }
0x94: {  	vm0 =	vgt.f32 v16, $0.0e+00;
	v21 =	vld [tilespmem:s16+$0x10];
	[tilespmem:s2+$0x170] =	vst v22  }
0x95: {  	v22 =	vmul.f32 $2.000000030e-01, v11;
	v13 =	vadd.f32 v15, v13;
	v15 =	vld [tilespmem:s9+$0x1A0];
	v24 =	vmul.f32 $1.442695020e+00, v24;
	[tilespmem:s2+$0x180] =	vst v23  }
0x96: {  	v16 =	vsel vm0, v16, v20;
	vm0 =	vgt.f32 v11, $0.0e+00;
	v20 =	vld [tilespmem:s16+$0x20];
	[tilespmem:s2+$0x190] =	vst v17  }
0x97: {  	v17 =	vld [tilespmem:s9+$0xFFFFFE40];
	v23 =	vmul.f32 $2.000000030e-01, v13;
	v19 =	vadd.f32 v19, v26;
	(erf) = vpow2.f32 v24;
	[tilespmem:s2+$0x1B0] =	vst v18  }
0x98: {  	v16 =	vsub.f32 v16, v0;
	v11 =	vsel vm0, v11, v22;
	vm0 =	vgt.f32 v13, $0.0e+00;
	v18 =	vld [tilespmem:s9+$0xFFFFFDC0];
	[tilespmem:s2+$0x1C0] =	vst v14  }
0x99: {  	v14 =	vld [tilespmem:s9+$0xFFFFFDD0];
	vm1 =	vgt.f32 v19, $0.0e+00;
	v22 =	vmul.f32 $2.000000030e-01, v19;
	v12 =	vadd.f32 v21, v12;
	[tilespmem:s2+$0x1D0] =	vst v8  }
0x9a: {  	v16 =	vmul.f32 $1.442695020e+00, v16;
	v11 =	vsub.f32 v11, v0;
	v13 =	vsel vm0, v13, v23;
	v8 =	vld [tilespmem:s9+$0xFFFFFDE0];
	[tilespmem:s2+$0x1E0] =	vst v9  }
0x9b: {  	v9 =	vld [tilespmem:s9+$0xFFFFFDF0];
	vm0 =	vgt.f32 v12, $0.0e+00;
	v21 =	vmul.f32 $2.000000030e-01, v12;
	v15 =	vadd.f32 v20, v15;
	[tilespmem:s2+$0x1F0] =	vst v7  }
0x9c: {  	v13 =	vsub.f32 v13, v0;
	v7 =	vadd.f32 v25, v17;
	v17 =	vsel vm1, v19, v22;
	v19 =	vld [tilespmem:s9+$0x220];
	[tilespmem:s2+$0x200] =	vst v10  }
0x9d: {  	v10 =	vld [tilespmem:s9+$0xFFFFFE00];
	v12 =	vsel vm0, v12, v21;
	vm0 =	vgt.f32 v15, $0.0e+00;
	v20 =	vmul.f32 $2.000000030e-01, v15;
	[tilespmem:s2+$0x210] =	vst v2  }
0x9e: {  	v17 =	vsub.f32 v17, v0;
	vm1 =	vgt.f32 v7, $0.0e+00;
	v23 =	vmul.f32 $2.000000030e-01, v7;
	v21 =	vld [tilespmem:s9+$0xFFFFFE10];
	[tilespmem:s2+$0xFFFFFE40] =	vst v1  }
0x9f: {  	v1 =	vmul.f32 $1.442695020e+00, v11;
	v11 =	vsub.f32 v12, v0;
	v22 =	vld [tilespmem:s9+$0xFFFFFE20];
	v12 =	vsel vm0, v15, v20;
	[tilespmem:s2+$0xFFFFFFF0] =	vst v3  }
0xa0: {  	v13 =	vmul.f32 $1.442695020e+00, v13;
	v3 =	vsel vm1, v7, v23;
	v7 =	vld [tilespmem:s9+$0xFFFFFE30];
	v12 =	vsub.f32 v12, v0;
	v2 =	vpop (erf);
	[tilespmem:s2+$0x80] =	vst v4  }
0xa1: {  	v15 =	vmul.f32 $1.442695020e+00, v17;
	v3 =	vsub.f32 v3, v0;
	v4 =	vld [tilespmem:s9+$0xFFFFFE50];
	v17 =	vmul.f32 v19, v2;
	[tilespmem:s2+$0x110] =	vst v5  }
0xa2: {  	v11 =	vmul.f32 $1.442695020e+00, v11;
	v5 =	vld [tilespmem:s9+$0xFFFFFE60];
	v12 =	vmul.f32 $1.442695020e+00, v12;
	[tilespmem:s2+$0x1A0] =	vst v6;
	s2 =	smov.u32 s9  }
0xa3: {  	v3 =	vmul.f32 $1.442695020e+00, v3;
	v6 =	vld [tilespmem:s9+$0xFFFFFE70];
	[tilespmem:s9+$0x220] =	vst v17;
	(erf) = vpow2.f32 v16  }
0xa4: {  	v16 =	vld [tilespmem:s9+$0xFFFFFE80];
	[tilespmem:s9+$0x230] =	vst v2;
	(erf) = vpow2.f32 v1  }
0xa5: {  	v17 =	vld [tilespmem:s9+$0xFFFFFE90];
	(erf) = vpow2.f32 v3  }
0xa6: {  	v19 =	vld [tilespmem:s9+$0xFFFFFEA0];
	(erf) = vpow2.f32 v13  }
0xa7: {  	v13 =	vld [tilespmem:s9+$0xFFFFFEB0];
	(erf) = vpow2.f32 v15  }
0xa8: {  	v15 =	vld [tilespmem:s9+$0xFFFFFEC0];
	(erf) = vpow2.f32 v11  }
0xa9: {  	v11 =	vld [tilespmem:s9+$0xFFFFFEE0];
	(erf) = vpow2.f32 v12  }
0xaa: {  	v12 =	vld [tilespmem:s9+$0xFFFFFEF0]  }
0xab: {  	v20 =	vld [tilespmem:s9+$0xFFFFFF00]  }
0xac: {  	v23 =	vld [tilespmem:s9+$0xFFFFFF10];
	v24 =	vpop (erf)  }
0xad: {  	[tilespmem:s9+$0xFFFFFED0] =	vst v24;
	v29 =	vmul.f32 v24, v4;
	v30 =	vmul.f32 v24, v5;
	v25 =	vld [tilespmem:s9+$0xFFFFFF20];
	v26 =	vpop (erf)  }
0xae: {  	v27 =	vmul.f32 v24, v6;
	v16 =	vmul.f32 v16, v24;
	[tilespmem:s9+$0xFFFFFF60] =	vst v26;
	v28 =	vld [tilespmem:s9+$0xFFFFFF30];
	v1 =	vpop (erf)  }
0xaf: {  	v31 =	vmul.f32 v1, v18;
	v32 =	vmul.f32 v1, v14;
	[tilespmem:s9+$0xFFFFFE50] =	vst v29;
	v14 =	vld [tilespmem:s9+$0xFFFFFF40];
	v3 =	vpop (erf)  }
0xb0: {  	v8 =	vmul.f32 v1, v8;
	v9 =	vmul.f32 v9, v1;
	[tilespmem:s9+$0xFFFFFE60] =	vst v30;
	v18 =	vld [tilespmem:s9+$0xFFFFFF50];
	v4 =	vpop (erf)  }
0xb1: {  	v10 =	vmul.f32 v10, v1;
	v21 =	vmul.f32 v21, v1;
	[tilespmem:s9+$0xFFFFFDC0] =	vst v31;
	v29 =	vld [tilespmem:s9+$0xFFFFFF70];
	v5 =	vpop (erf)  }
0xb2: {  	v22 =	vmul.f32 v22, v1;
	v7 =	vmul.f32 v7, v1;
	[tilespmem:s9+$0xFFFFFDD0] =	vst v32;
	v30 =	vld [tilespmem:s9+$0xFFFFFF80];
	v6 =	vpop (erf)  }
0xb3: {  	[tilespmem:s9+$0xFFFFFDE0] =	vst v8;
	v8 =	vmul.f32 v17, v24;
	v17 =	vmul.f32 v19, v24;
	v19 =	vld [tilespmem:s9+$0xFFFFFF90]  }
0xb4: {  	[tilespmem:s9+$0xFFFFFDF0] =	vst v9;
	v9 =	vmul.f32 v13, v24;
	v13 =	vmul.f32 v15, v24;
	v15 =	vld [tilespmem:s9+$0xFFFFFFA0]  }
0xb5: {  	[tilespmem:s9+$0xFFFFFE00] =	vst v10;
	v10 =	vmul.f32 v26, v11;
	v11 =	vmul.f32 v26, v12;
	v12 =	vld [tilespmem:s9+$0xFFFFFFB0]  }
0xb6: {  	v20 =	vmul.f32 v26, v20;
	[tilespmem:s9+$0xFFFFFE10] =	vst v21;
	v21 =	vmul.f32 v23, v26;
	v23 =	vld [tilespmem:s9+$0xFFFFFFC0]  }
0xb7: {  	v24 =	vmul.f32 v28, v26;
	[tilespmem:s9+$0xFFFFFE20] =	vst v22;
	v22 =	vmul.f32 v25, v26;
	v25 =	vld [tilespmem:s9+$0xFFFFFFD0]  }
0xb8: {  	[tilespmem:s9+$0xFFFFFE30] =	vst v7;
	v7 =	vmul.f32 v14, v26;
	v14 =	vmul.f32 v18, v26;
	v18 =	vld [tilespmem:s9+$0xFFFFFFE0]  }
0xb9: {  	v26 =	vmul.f32 v3, v29;
	[tilespmem:s9+$0xFFFFFE70] =	vst v27;
	v27 =	vmul.f32 v3, v30;
	v28 =	vld [tilespmem:s9+$0x0]  }
0xba: {  	v15 =	vmul.f32 v15, v3;
	[tilespmem:s9+$0xFFFFFE80] =	vst v16;
	v16 =	vmul.f32 v3, v19;
	v19 =	vld [tilespmem:s9+$0x10]  }
0xbb: {  	v12 =	vmul.f32 v12, v3;
	[tilespmem:s9+$0xFFFFFE90] =	vst v8;
	v23 =	vmul.f32 v23, v3;
	v8 =	vld [tilespmem:s9+$0x20]  }
0xbc: {  	[tilespmem:s9+$0xFFFFFEA0] =	vst v17;
	v17 =	vmul.f32 v25, v3;
	v25 =	vld [tilespmem:s9+$0x30]  }
0xbd: {  	[tilespmem:s9+$0xFFFFFEB0] =	vst v9;
	v18 =	vmul.f32 v18, v3;
	v9 =	vld [tilespmem:s9+$0x40]  }
0xbe: {  	[tilespmem:s9+$0xFFFFFEC0] =	vst v13;
	v28 =	vmul.f32 v4, v28;
	v13 =	vld [tilespmem:s9+$0x50]  }
0xbf: {  	[tilespmem:s9+$0xFFFFFEE0] =	vst v10;
	v19 =	vmul.f32 v4, v19;
	v10 =	vld [tilespmem:s9+$0x60]  }
0xc0: {  	[tilespmem:s9+$0xFFFFFEF0] =	vst v11;
	v29 =	vmul.f32 v4, v8;
	v8 =	vld [tilespmem:s9+$0x70]  }
0xc1: {  	[tilespmem:s9+$0xFFFFFF00] =	vst v20;
	v25 =	vmul.f32 v25, v4;
	v11 =	vld [tilespmem:s9+$0x90]  }
0xc2: {  	[tilespmem:s9+$0xFFFFFF10] =	vst v21;
	v30 =	vmul.f32 v9, v4;
	v9 =	vld [tilespmem:s9+$0xA0]  }
0xc3: {  	[tilespmem:s9+$0xFFFFFF20] =	vst v22;
	v31 =	vmul.f32 v13, v4;
	v13 =	vld [tilespmem:s9+$0xB0]  }
0xc4: {  	[tilespmem:s9+$0xFFFFFF30] =	vst v24;
	v32 =	vmul.f32 v10, v4;
	v10 =	vld [tilespmem:s9+$0xC0]  }
0xc5: {  	[tilespmem:s9+$0xFFFFFF40] =	vst v7;
	v33 =	vmul.f32 v8, v4;
	v20 =	vld [tilespmem:s9+$0xD0]  }
0xc6: {  	[tilespmem:s9+$0xFFFFFF50] =	vst v14;
	v14 =	vmul.f32 v5, v11;
	v11 =	vld [tilespmem:s9+$0xE0]  }
0xc7: {  	[tilespmem:s9+$0xFFFFFF70] =	vst v26;
	v8 =	vmul.f32 v5, v9;
	v21 =	vld [tilespmem:s9+$0xF0]  }
0xc8: {  	[tilespmem:s9+$0xFFFFFF80] =	vst v27;
	v9 =	vmul.f32 v5, v13;
	v13 =	vld [tilespmem:s9+$0x100]  }
0xc9: {  	[tilespmem:s9+$0xFFFFFF90] =	vst v16;
	v7 =	vmul.f32 v10, v5;
	v16 =	vld [tilespmem:s9+$0x120]  }
0xca: {  	[tilespmem:s9+$0xFFFFFFA0] =	vst v15;
	v10 =	vmul.f32 v20, v5;
	v20 =	vld [tilespmem:s9+$0x130]  }
0xcb: {  	[tilespmem:s9+$0xFFFFFFB0] =	vst v12;
	v11 =	vmul.f32 v11, v5;
	v22 =	vld [tilespmem:s9+$0x140]  }
0xcc: {  	[tilespmem:s9+$0xFFFFFFC0] =	vst v23;
	v12 =	vmul.f32 v21, v5;
	v21 =	vld [tilespmem:s9+$0x150]  }
0xcd: {  	[tilespmem:s9+$0xFFFFFFD0] =	vst v17;
	v13 =	vmul.f32 v13, v5;
	v17 =	vld [tilespmem:s9+$0x160]  }
0xce: {  	[tilespmem:s9+$0xFFFFFFE0] =	vst v18;
	v15 =	vmul.f32 v6, v16;
	v18 =	vld [tilespmem:s9+$0x170]  }
0xcf: {  	[tilespmem:s9+$0x0] =	vst v28;
	v16 =	vmul.f32 v6, v20;
	v23 =	vld [tilespmem:s9+$0x180]  }
0xd0: {  	[tilespmem:s9+$0x10] =	vst v19;
	v19 =	vmul.f32 v6, v22;
	v26 =	vld [tilespmem:s9+$0x190]  }
0xd1: {  	[tilespmem:s9+$0x20] =	vst v29;
	v20 =	vmul.f32 v21, v6;
	v27 =	vld [tilespmem:s9+$0x1B0]  }
0xd2: {  	[tilespmem:s9+$0x30] =	vst v25;
	v21 =	vmul.f32 v17, v6;
	v28 =	vld [tilespmem:s9+$0x1C0]  }
.Ltmp0:
0xd3: {  	[tilespmem:s9+$0x40] =	vst v30;
	v22 =	vmul.f32 v18, v6;
	v24 =	vld [tilespmem:s9+$0x1D0];
	(pc) =	sbr.rel @p0 .LBB2_4-.Ltmp0, $4  }
0xd4: {  	[tilespmem:s9+$0x50] =	vst v31;
	v23 =	vmul.f32 v23, v6;
	v25 =	vld [tilespmem:s9+$0x1E0]  }
0xd5: {  	[tilespmem:s9+$0x60] =	vst v32;
	v17 =	vmul.f32 v26, v6;
	v26 =	vld [tilespmem:s9+$0x1F0]  }
0xd6: {  	[tilespmem:s9+$0x70] =	vst v33;
	v18 =	vmul.f32 v2, v27;
	v27 =	vld [tilespmem:s9+$0x200]  }
0xd7: {  	s9 =	sadd.s32 $0x480, s9;
	[tilespmem:s2+$0x90] =	vst v14;
	v14 =	vmul.f32 v2, v28;
	v28 =	vld [tilespmem:s2+$0x210]  }
0xd8: {  	[tilespmem:s2+$0xA0] =	vst v8  }
0xd9: {  	[tilespmem:s2+$0xB0] =	vst v9  }
0xda: {  	[tilespmem:s2+$0xC0] =	vst v7  }
0xdb: {  	[tilespmem:s2+$0xD0] =	vst v10  }
0xdc: {  	[tilespmem:s2+$0xE0] =	vst v11  }
0xdd: {  	[tilespmem:s2+$0xF0] =	vst v12  }
0xde: {  	[tilespmem:s2+$0x100] =	vst v13  }
0xdf: {  	[tilespmem:s2+$0x120] =	vst v15  }
0xe0: {  	[tilespmem:s2+$0x130] =	vst v16  }
0xe1: {  	[tilespmem:s2+$0x140] =	vst v19  }
0xe2: {  	[tilespmem:s2+$0x150] =	vst v20  }
0xe3: {  	[tilespmem:s2+$0x160] =	vst v21  }
0xe4: {  	[tilespmem:s2+$0x170] =	vst v22  }
0xe5: {  	[tilespmem:s2+$0x180] =	vst v23  }
0xe6: {  	[tilespmem:s2+$0x190] =	vst v17  }
0xe7: {  	[tilespmem:s2+$0x1B0] =	vst v18  }
0xe8: {  	[tilespmem:s2+$0xFFFFFE40] =	vst v1  }
0xe9: {  	[tilespmem:s2+$0xFFFFFFF0] =	vst v3  }
0xea: {  	[tilespmem:s2+$0x80] =	vst v4  }
0xeb: {  	[tilespmem:s2+$0x110] =	vst v5  }
0xec: {  	v7 =	vmul.f32 v2, v24;
	[tilespmem:s2+$0x1A0] =	vst v6  }
0xed: {  	v8 =	vmul.f32 v25, v2;
	[tilespmem:s2+$0x1C0] =	vst v14  }
0xee: {  	v9 =	vmul.f32 v26, v2;
	[tilespmem:s2+$0x1D0] =	vst v7  }
0xef: {  	v7 =	vmul.f32 v27, v2;
	[tilespmem:s2+$0x1E0] =	vst v8  }
0xf0: {  	v2 =	vmul.f32 v28, v2;
	[tilespmem:s2+$0x1F0] =	vst v9  }
0xf1: {  	[tilespmem:s2+$0x200] =	vst v7  }
0xf2: {  	[tilespmem:s2+$0x210] =	vst v2  }
0xf3: {  	[spmem:s3] =	stream.indirect.scatter.add.f32 [tilespmem:s20], [sflag:$0x1], $0x90, s1, s19, $0xb8;
	[tilespmem:$0x1F690] =	vst v63  }
0xf4: {  	_ =	swait.ge [sflag:s26], $0x3600  }
0xf5: {  	[sflag:s26] =	ssyncset.done $0x0  }
0xf6: {  	[sflag:s26] =	ssyncadd.s32 $0xFFFFCA00  }
0xf7: {  	_ =	swait.ge [sflag:s28], $0x600  }
0xf8: {  	[sflag:s28] =	ssyncset.done $0x0  }
0xf9: {  	s1 =	simm.s32 $0x1B6C0;
	[sflag:s28] =	ssyncadd.s32 $0xFFFFFA00  }
0xfa: {  	s2 =	simm.s32 $0x1F0C0;
	v1 =	vld [tilespmem:s1+$0x230]  }
0xfb: {  	v2 =	vld [tilespmem:s2+$0x30]  }
0xfc: {  	v3 =	vld [tilespmem:s2+$0xFFFFFFC0]  }
0xfd: {  	v4 =	vld [tilespmem:s1+$0xFFFFFED0]  }
0xfe: {  	v5 =	vld [tilespmem:s2+$0xFFFFFFD0]  }
0xff: {  	v6 =	vld [tilespmem:s1+$0xFFFFFF60]  }
0x100: {  	v7 =	vld [tilespmem:s2+$0xFFFFFFE0]  }
0x101: {  	v8 =	vld [tilespmem:s1+$0xFFFFFFF0]  }
0x102: {  	v9 =	vld [tilespmem:s2+$0xFFFFFFF0]  }
0x103: {  	v10 =	vld [tilespmem:s1+$0x80]  }
0x104: {  	v11 =	vld [tilespmem:s2+$0x0]  }
0x105: {  	v12 =	vld [tilespmem:s1+$0x110]  }
0x106: {  	v13 =	vld [tilespmem:s2+$0x10]  }
0x107: {  	v14 =	vld [tilespmem:s1+$0x1A0]  }
0x108: {  	v15 =	vld [tilespmem:s2+$0x20]  }
0x109: {  	v17 =	vld [tilespmem:s1+$0xFFFFFDC0];
	v1 =	vadd.f32 v2, v1  }
0x10a: {  	v18 =	vld [tilespmem:s1+$0xFFFFFDF0]  }
0x10b: {  	v2 =	vld [tilespmem:s1+$0xFFFFFE40];
	v16 =	vmul.f32 $2.000000030e-01, v1  }
0x10c: {  	v20 =	vld [tilespmem:s1+$0xFFFFFE10];
	v4 =	vadd.f32 v5, v4;
	vm0 =	vgt.f32 v1, $0.0e+00  }
0x10d: {  	v21 =	vld [tilespmem:s1+$0xFFFFFE50];
	v6 =	vadd.f32 v7, v6;
	v1 =	vsel vm0, v1, v16  }
0x10e: {  	v22 =	vld [tilespmem:s1+$0xFFFFFE60];
	v16 =	vmul.f32 $2.000000030e-01, v4;
	v1 =	vsub.f32 v1, v0  }
0x10f: {  	v23 =	vld [tilespmem:s1+$0xFFFFFE80];
	vm9 =	vgt.f32 v4, $0.0e+00;
	v19 =	vmul.f32 $2.000000030e-01, v6;
	vm10 =	vgt.f32 v6, $0.0e+00  }
0x110: {  	v24 =	vld [tilespmem:s1+$0xFFFFFE90];
	v2 =	vadd.f32 v3, v2;
	v4 =	vsel vm9, v4, v16;
	v1 =	vmul.f32 $1.442695020e+00, v1  }
0x111: {  	v25 =	vld [tilespmem:s1+$0xFFFFFEA0];
	v6 =	vsel vm10, v6, v19;
	v4 =	vsub.f32 v4, v0  }
0x112: {  	v26 =	vld [tilespmem:s1+$0xFFFFFEB0];
	v19 =	vmul.f32 $2.000000030e-01, v2;
	(erf) = vpow2.f32 v1;
	v1 =	vsub.f32 v6, v0  }
0x113: {  	v27 =	vld [tilespmem:s1+$0xFFFFFEE0];
	vm11 =	vgt.f32 v2, $0.0e+00;
	v4 =	vmul.f32 $1.442695020e+00, v4  }
0x114: {  	v28 =	vld [tilespmem:s1+$0xFFFFFF00];
	v2 =	vsel vm11, v2, v19;
	v1 =	vmul.f32 $1.442695020e+00, v1  }
0x115: {  	v29 =	vld [tilespmem:s1+$0xFFFFFF10];
	v2 =	vsub.f32 v2, v0;
	(erf) = vpow2.f32 v4  }
0x116: {  	v31 =	vld [tilespmem:s1+$0xFFFFFF20];
	(erf) = vpow2.f32 v1  }
0x117: {  	v3 =	vld [tilespmem:s1+$0x220];
	v2 =	vmul.f32 $1.442695020e+00, v2  }
0x118: {  	v33 =	vld [tilespmem:s1+$0xFFFFFEC0]  }
0x119: {  	v34 =	vld [tilespmem:s1+$0xFFFFFF30]  }
0x11a: {  	v61 =	vld [tilespmem:s1+$0x160];
	(erf) = vpow2.f32 v2  }
0x11b: {  	v63 =	vld [tilespmem:s1+$0x170];
	v2 =	vpop (erf)  }
0x11c: {  	v4 =	vld [tilespmem:s1+$0xFFFFFE70];
	v1 =	vmul.f32 v3, v2  }
0x11d: {  	v36 =	vld [tilespmem:s1+$0x180];
	[tilespmem:s1+$0x230] =	vst v2  }
0x11e: {  	v5 =	vld [tilespmem:s1+$0xFFFFFDD0];
	v30 =	vpop (erf);
	[tilespmem:s1+$0x220] =	vst v1  }
0x11f: {  	v7 =	vld [tilespmem:s1+$0xFFFFFDE0];
	v21 =	vmul.f32 v30, v21;
	[tilespmem:s1+$0xFFFFFED0] =	vst v30;
	v32 =	vpop (erf)  }
0x120: {  	v12 =	vadd.f32 v13, v12;
	v13 =	vld [tilespmem:s1+$0x30];
	v22 =	vmul.f32 v30, v22;
	[tilespmem:s1+$0xFFFFFF60] =	vst v32  }
0x121: {  	v16 =	vld [tilespmem:s1+$0xFFFFFE00];
	v4 =	vmul.f32 v30, v4;
	[tilespmem:s1+$0xFFFFFE50] =	vst v21  }
0x122: {  	v10 =	vadd.f32 v11, v10;
	v6 =	vld [tilespmem:s1+$0xFFFFFE20];
	v11 =	vmul.f32 v23, v30;
	[tilespmem:s1+$0xFFFFFE60] =	vst v22  }
0x123: {  	v14 =	vadd.f32 v15, v14;
	v19 =	vld [tilespmem:s1+$0xFFFFFE30];
	v1 =	vpop (erf);
	[tilespmem:s1+$0xFFFFFE70] =	vst v4;
	v15 =	vmul.f32 v32, v28  }
0x124: {  	v8 =	vadd.f32 v9, v8;
	v3 =	vld [tilespmem:s1+$0xFFFFFEF0];
	[tilespmem:s1+$0xFFFFFE80] =	vst v11;
	v17 =	vmul.f32 v1, v17  }
0x125: {  	v23 =	vld [tilespmem:s1+$0x0];
	v5 =	vmul.f32 v1, v5;
	v7 =	vmul.f32 v1, v7;
	[tilespmem:s1+$0xFFFFFF00] =	vst v15  }
0x126: {  	v21 =	vld [tilespmem:s1+$0xFFFFFF40];
	v9 =	vmul.f32 v18, v1;
	v18 =	vmul.f32 $2.000000030e-01, v8;
	[tilespmem:s1+$0xFFFFFDC0] =	vst v17  }
0x127: {  	vm12 =	vgt.f32 v8, $0.0e+00;
	v22 =	vld [tilespmem:s1+$0xFFFFFF50];
	[tilespmem:s1+$0xFFFFFDD0] =	vst v5  }
0x128: {  	v11 =	vld [tilespmem:s1+$0x10];
	v16 =	vmul.f32 v16, v1;
	[tilespmem:s1+$0xFFFFFDE0] =	vst v7;
	v8 =	vsel vm12, v8, v18  }
0x129: {  	v28 =	vld [tilespmem:s1+$0xB0];
	v20 =	vmul.f32 v20, v1;
	[tilespmem:s1+$0xFFFFFDF0] =	vst v9;
	v8 =	vsub.f32 v8, v0  }
0x12a: {  	v4 =	vmul.f32 $2.000000030e-01, v10;
	v6 =	vmul.f32 v6, v1;
	v17 =	vld [tilespmem:s1+$0xFFFFFF70];
	[tilespmem:s1+$0xFFFFFE00] =	vst v16  }
0x12b: {  	vm13 =	vgt.f32 v10, $0.0e+00;
	v3 =	vmul.f32 v32, v3;
	v5 =	vld [tilespmem:s1+$0xFFFFFF80];
	[tilespmem:s1+$0xFFFFFE10] =	vst v20;
	v8 =	vmul.f32 $1.442695020e+00, v8  }
0x12c: {  	v4 =	vsel vm13, v10, v4;
	v10 =	vmul.f32 v33, v30;
	v15 =	vmul.f32 v34, v32;
	v7 =	vld [tilespmem:s1+$0xFFFFFF90];
	[tilespmem:s1+$0xFFFFFE20] =	vst v6  }
0x12d: {  	v9 =	vld [tilespmem:s1+$0xFFFFFFA0];
	v18 =	vmul.f32 v19, v1;
	v4 =	vsub.f32 v4, v0;
	[tilespmem:s1+$0xFFFFFEF0] =	vst v3;
	(erf) = vpow2.f32 v8  }
0x12e: {  	v16 =	vld [tilespmem:s1+$0xFFFFFFB0];
	v20 =	vmul.f32 v24, v30;
	v24 =	vmul.f32 v25, v30;
	[tilespmem:s1+$0xFFFFFEC0] =	vst v10  }
0x12f: {  	v19 =	vld [tilespmem:s1+$0xFFFFFFC0];
	v25 =	vmul.f32 $2.000000030e-01, v12;
	[tilespmem:s1+$0xFFFFFF30] =	vst v15;
	v4 =	vmul.f32 $1.442695020e+00, v4  }
0x130: {  	vm14 =	vgt.f32 v12, $0.0e+00;
	v6 =	vld [tilespmem:s1+$0xFFFFFFD0];
	[tilespmem:s1+$0xFFFFFEA0] =	vst v24;
	v24 =	vmul.f32 v32, v27  }
0x131: {  	v10 =	vld [tilespmem:s1+$0x50];
	[tilespmem:s1+$0xFFFFFE30] =	vst v18;
	v12 =	vsel vm14, v12, v25;
	v25 =	vmul.f32 $2.000000030e-01, v14;
	(erf) = vpow2.f32 v4  }
0x132: {  	vm15 =	vgt.f32 v14, $0.0e+00;
	v15 =	vld [tilespmem:s1+$0xC0];
	[tilespmem:s1+$0xFFFFFE90] =	vst v20;
	v3 =	vsub.f32 v12, v0;
	v4 =	vmul.f32 v31, v32  }
0x133: {  	v18 =	vld [tilespmem:s1+$0xFFFFFFE0];
	v21 =	vmul.f32 v21, v32;
	[tilespmem:s1+$0xFFFFFEE0] =	vst v24;
	v14 =	vsel vm15, v14, v25  }
0x134: {  	v20 =	vld [tilespmem:s1+$0x20];
	v8 =	vmul.f32 v26, v30;
	[tilespmem:s1+$0xFFFFFF20] =	vst v4;
	v4 =	vsub.f32 v14, v0  }
0x135: {  	v27 =	vld [tilespmem:s1+$0x70];
	[tilespmem:s1+$0xFFFFFF40] =	vst v21;
	v26 =	vmul.f32 v29, v32;
	v25 =	vmul.f32 $1.442695020e+00, v3  }
0x136: {  	v12 =	vld [tilespmem:s1+$0x90];
	[tilespmem:s1+$0xFFFFFEB0] =	vst v8;
	v14 =	vmul.f32 v22, v32;
	v4 =	vmul.f32 $1.442695020e+00, v4;
	v3 =	vpop (erf)  }
0x137: {  	v24 =	vld [tilespmem:s1+$0x60];
	[tilespmem:s1+$0xFFFFFF10] =	vst v26;
	(erf) = vpow2.f32 v25;
	v17 =	vmul.f32 v3, v17  }
0x138: {  	v8 =	vld [tilespmem:s1+$0x40];
	[tilespmem:s1+$0xFFFFFF50] =	vst v14;
	v5 =	vmul.f32 v3, v5  }
0x139: {  	v21 =	vld [tilespmem:s1+$0xD0];
	v7 =	vmul.f32 v3, v7;
	[tilespmem:s1+$0xFFFFFF70] =	vst v17  }
0x13a: {  	v29 =	vld [tilespmem:s1+$0x150];
	(erf) = vpow2.f32 v4;
	v9 =	vmul.f32 v9, v3;
	v4 =	vpop (erf);
	[tilespmem:s1+$0xFFFFFF80] =	vst v5  }
0x13b: {  	v26 =	vld [tilespmem:s1+$0xA0];
	v6 =	vmul.f32 v6, v3;
	v11 =	vmul.f32 v4, v11;
	[tilespmem:s1+$0xFFFFFF90] =	vst v7  }
0x13c: {  	v22 =	vld [tilespmem:s1+$0x100];
	v20 =	vmul.f32 v4, v20;
	v5 =	vmul.f32 v16, v3;
	[tilespmem:s1+$0xFFFFFFA0] =	vst v9  }
0x13d: {  	v14 =	vld [tilespmem:s1+$0xE0];
	v25 =	vmul.f32 v13, v4;
	v30 =	vmul.f32 v8, v4;
	[tilespmem:s1+$0xFFFFFFD0] =	vst v6  }
0x13e: {  	v31 =	vmul.f32 v10, v4;
	v62 =	vmul.f32 v24, v4;
	v17 =	vld [tilespmem:s1+$0xF0];
	[tilespmem:s1+$0x10] =	vst v11  }
0x13f: {  	v16 =	vmul.f32 v19, v3;
	v19 =	vld [tilespmem:s1+$0x120];
	v7 =	vmul.f32 v18, v3;
	[tilespmem:s1+$0x20] =	vst v20  }
0x140: {  	v27 =	vmul.f32 v27, v4;
	v18 =	vld [tilespmem:s1+$0x130];
	v9 =	vmul.f32 v4, v23;
	[tilespmem:s1+$0xFFFFFFB0] =	vst v5;
	v5 =	vpop (erf)  }
0x141: {  	v23 =	vld [tilespmem:s1+$0x140];
	[tilespmem:s1+$0xFFFFFFE0] =	vst v7;
	v35 =	vmul.f32 v5, v12;
	v8 =	vmul.f32 v5, v26  }
0x142: {  	v37 =	vld [tilespmem:s1+$0x1C0];
	[tilespmem:s1+$0x0] =	vst v9;
	v9 =	vmul.f32 v5, v28;
	v7 =	vmul.f32 v15, v5  }
0x143: {  	[tilespmem:s1+$0x30] =	vst v25;
	v28 =	vld [tilespmem:s1+$0x190];
	v10 =	vmul.f32 v21, v5;
	v11 =	vmul.f32 v14, v5  }
0x144: {  	[tilespmem:s1+$0x40] =	vst v30;
	v14 =	vld [tilespmem:s1+$0x1B0];
	v12 =	vmul.f32 v17, v5;
	v13 =	vmul.f32 v22, v5;
	v6 =	vpop (erf)  }
0x145: {  	v24 =	vld [tilespmem:s1+$0x1D0];
	[tilespmem:s1+$0xFFFFFFC0] =	vst v16;
	v15 =	vmul.f32 v6, v19;
	v16 =	vmul.f32 v6, v18  }
0x146: {  	[tilespmem:s1+$0x50] =	vst v31;
	v25 =	vld [tilespmem:s1+$0x1E0];
	v19 =	vmul.f32 v6, v23;
	v20 =	vmul.f32 v29, v6  }
0x147: {  	[tilespmem:s1+$0x60] =	vst v62;
	v26 =	vld [tilespmem:s1+$0x1F0];
	v21 =	vmul.f32 v61, v6;
	v22 =	vmul.f32 v63, v6  }
0x148: {  	[tilespmem:s1+$0x70] =	vst v27;
	v27 =	vld [tilespmem:s1+$0x200];
	v23 =	vmul.f32 v36, v6;
	v17 =	vmul.f32 v28, v6  }
0x149: {  	s4 =	simm.s32 $0x0;
	s9 =	simm.s32 $0x1BB40;
	[tilespmem:s1+$0x90] =	vst v35;
	v18 =	vmul.f32 v2, v14;
	v14 =	vmul.f32 v2, v37;
	v28 =	vld [tilespmem:s1+$0x210]  }
.LBB2_6:
0x14a: {  	v29 =	vld [tilespmem:s9+$0x230];
	[tilespmem:s1+$0xA0] =	vst v8;
	v8 =	vmul.f32 v2, v24;
	s2 =	sadd.s32 $0x80, s2  }
0x14b: {  	s4 =	sadd.s32 $0x8, s4;
	v24 =	vld [tilespmem:s2+$0x30];
	[tilespmem:s1+$0xB0] =	vst v9;
	v9 =	vmul.f32 v25, v2  }
0x14c: {  	p0 =	slt.u32 s4, $0x58;
	v25 =	vld [tilespmem:s2+$0xFFFFFFC0];
	[tilespmem:s1+$0xC0] =	vst v7;
	v7 =	vmul.f32 v26, v2  }
0x14d: {  	v26 =	vld [tilespmem:s9+$0xFFFFFED0];
	[tilespmem:s1+$0xD0] =	vst v10;
	v10 =	vmul.f32 v27, v2  }
0x14e: {  	v27 =	vld [tilespmem:s2+$0xFFFFFFD0];
	[tilespmem:s1+$0xE0] =	vst v11;
	v2 =	vmul.f32 v28, v2  }
0x14f: {  	v11 =	vld [tilespmem:s9+$0xFFFFFF60];
	[tilespmem:s1+$0xF0] =	vst v12  }
0x150: {  	v12 =	vld [tilespmem:s2+$0xFFFFFFE0];
	v24 =	vadd.f32 v24, v29;
	[tilespmem:s1+$0x100] =	vst v13  }
0x151: {  	v13 =	vld [tilespmem:s9+$0xFFFFFFF0];
	[tilespmem:s1+$0x120] =	vst v15  }
0x152: {  	v15 =	vld [tilespmem:s2+$0xFFFFFFF0];
	v28 =	vmul.f32 $2.000000030e-01, v24;
	[tilespmem:s1+$0x130] =	vst v16  }
0x153: {  	vm0 =	vgt.f32 v24, $0.0e+00;
	v16 =	vadd.f32 v27, v26;
	v26 =	vld [tilespmem:s9+$0x80];
	[tilespmem:s1+$0x140] =	vst v19  }
0x154: {  	v19 =	vld [tilespmem:s2+$0x0];
	v24 =	vsel vm0, v24, v28;
	[tilespmem:s1+$0x150] =	vst v20  }
0x155: {  	v20 =	vmul.f32 $2.000000030e-01, v16;
	v11 =	vadd.f32 v12, v11;
	v12 =	vld [tilespmem:s9+$0x110];
	v24 =	vsub.f32 v24, v0;
	[tilespmem:s1+$0x160] =	vst v21  }
0x156: {  	vm0 =	vgt.f32 v16, $0.0e+00;
	v21 =	vld [tilespmem:s2+$0x10];
	[tilespmem:s1+$0x170] =	vst v22  }
0x157: {  	v22 =	vmul.f32 $2.000000030e-01, v11;
	v13 =	vadd.f32 v15, v13;
	v15 =	vld [tilespmem:s9+$0x1A0];
	v24 =	vmul.f32 $1.442695020e+00, v24;
	[tilespmem:s1+$0x180] =	vst v23  }
0x158: {  	v16 =	vsel vm0, v16, v20;
	vm0 =	vgt.f32 v11, $0.0e+00;
	v20 =	vld [tilespmem:s2+$0x20];
	[tilespmem:s1+$0x190] =	vst v17  }
0x159: {  	v17 =	vld [tilespmem:s9+$0xFFFFFE40];
	v23 =	vmul.f32 $2.000000030e-01, v13;
	v19 =	vadd.f32 v19, v26;
	(erf) = vpow2.f32 v24;
	[tilespmem:s1+$0x1B0] =	vst v18  }
0x15a: {  	v16 =	vsub.f32 v16, v0;
	v11 =	vsel vm0, v11, v22;
	vm0 =	vgt.f32 v13, $0.0e+00;
	v18 =	vld [tilespmem:s9+$0xFFFFFDC0];
	[tilespmem:s1+$0x1C0] =	vst v14  }
0x15b: {  	v14 =	vld [tilespmem:s9+$0xFFFFFDD0];
	vm1 =	vgt.f32 v19, $0.0e+00;
	v22 =	vmul.f32 $2.000000030e-01, v19;
	v12 =	vadd.f32 v21, v12;
	[tilespmem:s1+$0x1D0] =	vst v8  }
0x15c: {  	v16 =	vmul.f32 $1.442695020e+00, v16;
	v11 =	vsub.f32 v11, v0;
	v13 =	vsel vm0, v13, v23;
	v8 =	vld [tilespmem:s9+$0xFFFFFDE0];
	[tilespmem:s1+$0x1E0] =	vst v9  }
0x15d: {  	v9 =	vld [tilespmem:s9+$0xFFFFFDF0];
	vm0 =	vgt.f32 v12, $0.0e+00;
	v21 =	vmul.f32 $2.000000030e-01, v12;
	v15 =	vadd.f32 v20, v15;
	[tilespmem:s1+$0x1F0] =	vst v7  }
0x15e: {  	v13 =	vsub.f32 v13, v0;
	v7 =	vadd.f32 v25, v17;
	v17 =	vsel vm1, v19, v22;
	v19 =	vld [tilespmem:s9+$0x220];
	[tilespmem:s1+$0x200] =	vst v10  }
0x15f: {  	v10 =	vld [tilespmem:s9+$0xFFFFFE00];
	v12 =	vsel vm0, v12, v21;
	vm0 =	vgt.f32 v15, $0.0e+00;
	v20 =	vmul.f32 $2.000000030e-01, v15;
	[tilespmem:s1+$0x210] =	vst v2  }
0x160: {  	v17 =	vsub.f32 v17, v0;
	vm1 =	vgt.f32 v7, $0.0e+00;
	v23 =	vmul.f32 $2.000000030e-01, v7;
	v21 =	vld [tilespmem:s9+$0xFFFFFE10];
	[tilespmem:s1+$0xFFFFFE40] =	vst v1  }
0x161: {  	v1 =	vmul.f32 $1.442695020e+00, v11;
	v11 =	vsub.f32 v12, v0;
	v22 =	vld [tilespmem:s9+$0xFFFFFE20];
	v12 =	vsel vm0, v15, v20;
	[tilespmem:s1+$0xFFFFFFF0] =	vst v3  }
0x162: {  	v13 =	vmul.f32 $1.442695020e+00, v13;
	v3 =	vsel vm1, v7, v23;
	v7 =	vld [tilespmem:s9+$0xFFFFFE30];
	v12 =	vsub.f32 v12, v0;
	v2 =	vpop (erf);
	[tilespmem:s1+$0x80] =	vst v4  }
0x163: {  	v15 =	vmul.f32 $1.442695020e+00, v17;
	v3 =	vsub.f32 v3, v0;
	v4 =	vld [tilespmem:s9+$0xFFFFFE50];
	v17 =	vmul.f32 v19, v2;
	[tilespmem:s1+$0x110] =	vst v5  }
0x164: {  	v11 =	vmul.f32 $1.442695020e+00, v11;
	v5 =	vld [tilespmem:s9+$0xFFFFFE60];
	v12 =	vmul.f32 $1.442695020e+00, v12;
	[tilespmem:s1+$0x1A0] =	vst v6;
	s1 =	smov.u32 s9  }
0x165: {  	v3 =	vmul.f32 $1.442695020e+00, v3;
	v6 =	vld [tilespmem:s9+$0xFFFFFE70];
	[tilespmem:s9+$0x220] =	vst v17;
	(erf) = vpow2.f32 v16  }
0x166: {  	v16 =	vld [tilespmem:s9+$0xFFFFFE80];
	[tilespmem:s9+$0x230] =	vst v2;
	(erf) = vpow2.f32 v1  }
0x167: {  	v17 =	vld [tilespmem:s9+$0xFFFFFE90];
	(erf) = vpow2.f32 v3  }
0x168: {  	v19 =	vld [tilespmem:s9+$0xFFFFFEA0];
	(erf) = vpow2.f32 v13  }
0x169: {  	v13 =	vld [tilespmem:s9+$0xFFFFFEB0];
	(erf) = vpow2.f32 v15  }
0x16a: {  	v15 =	vld [tilespmem:s9+$0xFFFFFEC0];
	(erf) = vpow2.f32 v11  }
0x16b: {  	v11 =	vld [tilespmem:s9+$0xFFFFFEE0];
	(erf) = vpow2.f32 v12  }
0x16c: {  	v12 =	vld [tilespmem:s9+$0xFFFFFEF0]  }
0x16d: {  	v20 =	vld [tilespmem:s9+$0xFFFFFF00]  }
0x16e: {  	v23 =	vld [tilespmem:s9+$0xFFFFFF10];
	v24 =	vpop (erf)  }
0x16f: {  	[tilespmem:s9+$0xFFFFFED0] =	vst v24;
	v29 =	vmul.f32 v24, v4;
	v30 =	vmul.f32 v24, v5;
	v25 =	vld [tilespmem:s9+$0xFFFFFF20];
	v26 =	vpop (erf)  }
0x170: {  	v27 =	vmul.f32 v24, v6;
	v16 =	vmul.f32 v16, v24;
	[tilespmem:s9+$0xFFFFFF60] =	vst v26;
	v28 =	vld [tilespmem:s9+$0xFFFFFF30];
	v1 =	vpop (erf)  }
0x171: {  	v31 =	vmul.f32 v1, v18;
	v32 =	vmul.f32 v1, v14;
	[tilespmem:s9+$0xFFFFFE50] =	vst v29;
	v14 =	vld [tilespmem:s9+$0xFFFFFF40];
	v3 =	vpop (erf)  }
0x172: {  	v8 =	vmul.f32 v1, v8;
	v9 =	vmul.f32 v9, v1;
	[tilespmem:s9+$0xFFFFFE60] =	vst v30;
	v18 =	vld [tilespmem:s9+$0xFFFFFF50];
	v4 =	vpop (erf)  }
0x173: {  	v10 =	vmul.f32 v10, v1;
	v21 =	vmul.f32 v21, v1;
	[tilespmem:s9+$0xFFFFFDC0] =	vst v31;
	v29 =	vld [tilespmem:s9+$0xFFFFFF70];
	v5 =	vpop (erf)  }
0x174: {  	v22 =	vmul.f32 v22, v1;
	v7 =	vmul.f32 v7, v1;
	[tilespmem:s9+$0xFFFFFDD0] =	vst v32;
	v30 =	vld [tilespmem:s9+$0xFFFFFF80];
	v6 =	vpop (erf)  }
0x175: {  	[tilespmem:s9+$0xFFFFFDE0] =	vst v8;
	v8 =	vmul.f32 v17, v24;
	v17 =	vmul.f32 v19, v24;
	v19 =	vld [tilespmem:s9+$0xFFFFFF90]  }
0x176: {  	[tilespmem:s9+$0xFFFFFDF0] =	vst v9;
	v9 =	vmul.f32 v13, v24;
	v13 =	vmul.f32 v15, v24;
	v15 =	vld [tilespmem:s9+$0xFFFFFFA0]  }
0x177: {  	[tilespmem:s9+$0xFFFFFE00] =	vst v10;
	v10 =	vmul.f32 v26, v11;
	v11 =	vmul.f32 v26, v12;
	v12 =	vld [tilespmem:s9+$0xFFFFFFB0]  }
0x178: {  	v20 =	vmul.f32 v26, v20;
	[tilespmem:s9+$0xFFFFFE10] =	vst v21;
	v21 =	vmul.f32 v23, v26;
	v23 =	vld [tilespmem:s9+$0xFFFFFFC0]  }
0x179: {  	v24 =	vmul.f32 v28, v26;
	[tilespmem:s9+$0xFFFFFE20] =	vst v22;
	v22 =	vmul.f32 v25, v26;
	v25 =	vld [tilespmem:s9+$0xFFFFFFD0]  }
0x17a: {  	[tilespmem:s9+$0xFFFFFE30] =	vst v7;
	v7 =	vmul.f32 v14, v26;
	v14 =	vmul.f32 v18, v26;
	v18 =	vld [tilespmem:s9+$0xFFFFFFE0]  }
0x17b: {  	v26 =	vmul.f32 v3, v29;
	[tilespmem:s9+$0xFFFFFE70] =	vst v27;
	v27 =	vmul.f32 v3, v30;
	v28 =	vld [tilespmem:s9+$0x0]  }
0x17c: {  	v15 =	vmul.f32 v15, v3;
	[tilespmem:s9+$0xFFFFFE80] =	vst v16;
	v16 =	vmul.f32 v3, v19;
	v19 =	vld [tilespmem:s9+$0x10]  }
0x17d: {  	v12 =	vmul.f32 v12, v3;
	[tilespmem:s9+$0xFFFFFE90] =	vst v8;
	v23 =	vmul.f32 v23, v3;
	v8 =	vld [tilespmem:s9+$0x20]  }
0x17e: {  	[tilespmem:s9+$0xFFFFFEA0] =	vst v17;
	v17 =	vmul.f32 v25, v3;
	v25 =	vld [tilespmem:s9+$0x30]  }
0x17f: {  	[tilespmem:s9+$0xFFFFFEB0] =	vst v9;
	v18 =	vmul.f32 v18, v3;
	v9 =	vld [tilespmem:s9+$0x40]  }
0x180: {  	[tilespmem:s9+$0xFFFFFEC0] =	vst v13;
	v28 =	vmul.f32 v4, v28;
	v13 =	vld [tilespmem:s9+$0x50]  }
0x181: {  	[tilespmem:s9+$0xFFFFFEE0] =	vst v10;
	v19 =	vmul.f32 v4, v19;
	v10 =	vld [tilespmem:s9+$0x60]  }
0x182: {  	[tilespmem:s9+$0xFFFFFEF0] =	vst v11;
	v29 =	vmul.f32 v4, v8;
	v8 =	vld [tilespmem:s9+$0x70]  }
0x183: {  	[tilespmem:s9+$0xFFFFFF00] =	vst v20;
	v25 =	vmul.f32 v25, v4;
	v11 =	vld [tilespmem:s9+$0x90]  }
0x184: {  	[tilespmem:s9+$0xFFFFFF10] =	vst v21;
	v30 =	vmul.f32 v9, v4;
	v9 =	vld [tilespmem:s9+$0xA0]  }
0x185: {  	[tilespmem:s9+$0xFFFFFF20] =	vst v22;
	v31 =	vmul.f32 v13, v4;
	v13 =	vld [tilespmem:s9+$0xB0]  }
0x186: {  	[tilespmem:s9+$0xFFFFFF30] =	vst v24;
	v32 =	vmul.f32 v10, v4;
	v10 =	vld [tilespmem:s9+$0xC0]  }
0x187: {  	[tilespmem:s9+$0xFFFFFF40] =	vst v7;
	v33 =	vmul.f32 v8, v4;
	v20 =	vld [tilespmem:s9+$0xD0]  }
0x188: {  	[tilespmem:s9+$0xFFFFFF50] =	vst v14;
	v14 =	vmul.f32 v5, v11;
	v11 =	vld [tilespmem:s9+$0xE0]  }
0x189: {  	[tilespmem:s9+$0xFFFFFF70] =	vst v26;
	v8 =	vmul.f32 v5, v9;
	v21 =	vld [tilespmem:s9+$0xF0]  }
0x18a: {  	[tilespmem:s9+$0xFFFFFF80] =	vst v27;
	v9 =	vmul.f32 v5, v13;
	v13 =	vld [tilespmem:s9+$0x100]  }
0x18b: {  	[tilespmem:s9+$0xFFFFFF90] =	vst v16;
	v7 =	vmul.f32 v10, v5;
	v16 =	vld [tilespmem:s9+$0x120]  }
0x18c: {  	[tilespmem:s9+$0xFFFFFFA0] =	vst v15;
	v10 =	vmul.f32 v20, v5;
	v20 =	vld [tilespmem:s9+$0x130]  }
0x18d: {  	[tilespmem:s9+$0xFFFFFFB0] =	vst v12;
	v11 =	vmul.f32 v11, v5;
	v22 =	vld [tilespmem:s9+$0x140]  }
0x18e: {  	[tilespmem:s9+$0xFFFFFFC0] =	vst v23;
	v12 =	vmul.f32 v21, v5;
	v21 =	vld [tilespmem:s9+$0x150]  }
0x18f: {  	[tilespmem:s9+$0xFFFFFFD0] =	vst v17;
	v13 =	vmul.f32 v13, v5;
	v17 =	vld [tilespmem:s9+$0x160]  }
0x190: {  	[tilespmem:s9+$0xFFFFFFE0] =	vst v18;
	v15 =	vmul.f32 v6, v16;
	v18 =	vld [tilespmem:s9+$0x170]  }
0x191: {  	[tilespmem:s9+$0x0] =	vst v28;
	v16 =	vmul.f32 v6, v20;
	v23 =	vld [tilespmem:s9+$0x180]  }
0x192: {  	[tilespmem:s9+$0x10] =	vst v19;
	v19 =	vmul.f32 v6, v22;
	v26 =	vld [tilespmem:s9+$0x190]  }
0x193: {  	[tilespmem:s9+$0x20] =	vst v29;
	v20 =	vmul.f32 v21, v6;
	v27 =	vld [tilespmem:s9+$0x1B0]  }
0x194: {  	[tilespmem:s9+$0x30] =	vst v25;
	v21 =	vmul.f32 v17, v6;
	v28 =	vld [tilespmem:s9+$0x1C0]  }
.Ltmp1:
0x195: {  	[tilespmem:s9+$0x40] =	vst v30;
	v22 =	vmul.f32 v18, v6;
	v24 =	vld [tilespmem:s9+$0x1D0];
	(pc) =	sbr.rel @p0 .LBB2_6-.Ltmp1, $4  }
0x196: {  	[tilespmem:s9+$0x50] =	vst v31;
	v23 =	vmul.f32 v23, v6;
	v25 =	vld [tilespmem:s9+$0x1E0]  }
0x197: {  	[tilespmem:s9+$0x60] =	vst v32;
	v17 =	vmul.f32 v26, v6;
	v26 =	vld [tilespmem:s9+$0x1F0]  }
0x198: {  	[tilespmem:s9+$0x70] =	vst v33;
	v18 =	vmul.f32 v2, v27;
	v27 =	vld [tilespmem:s9+$0x200]  }
0x199: {  	s9 =	sadd.s32 $0x480, s9;
	[tilespmem:s1+$0x90] =	vst v14;
	v14 =	vmul.f32 v2, v28;
	v28 =	vld [tilespmem:s1+$0x210]  }
0x19a: {  	[tilespmem:s1+$0xA0] =	vst v8  }
0x19b: {  	[tilespmem:s1+$0xB0] =	vst v9  }
0x19c: {  	[tilespmem:s1+$0xC0] =	vst v7  }
0x19d: {  	[tilespmem:s1+$0xD0] =	vst v10  }
0x19e: {  	[tilespmem:s1+$0xE0] =	vst v11  }
0x19f: {  	[tilespmem:s1+$0xF0] =	vst v12  }
0x1a0: {  	[tilespmem:s1+$0x100] =	vst v13  }
0x1a1: {  	[tilespmem:s1+$0x120] =	vst v15  }
0x1a2: {  	[tilespmem:s1+$0x130] =	vst v16  }
0x1a3: {  	[tilespmem:s1+$0x140] =	vst v19  }
0x1a4: {  	[tilespmem:s1+$0x150] =	vst v20  }
0x1a5: {  	[tilespmem:s1+$0x160] =	vst v21  }
0x1a6: {  	[tilespmem:s1+$0x170] =	vst v22  }
0x1a7: {  	[tilespmem:s1+$0x180] =	vst v23  }
0x1a8: {  	[tilespmem:s1+$0x190] =	vst v17  }
0x1a9: {  	[tilespmem:s1+$0x1B0] =	vst v18  }
0x1aa: {  	[tilespmem:s1+$0xFFFFFE40] =	vst v1  }
0x1ab: {  	[tilespmem:s1+$0xFFFFFFF0] =	vst v3  }
0x1ac: {  	[tilespmem:s1+$0x80] =	vst v4  }
0x1ad: {  	[tilespmem:s1+$0x110] =	vst v5  }
0x1ae: {  	v60 =	vmul.f32 v2, v24;
	[tilespmem:s1+$0x1A0] =	vst v6  }
0x1af: {  	v61 =	vmul.f32 v25, v2;
	[tilespmem:s1+$0x1C0] =	vst v14  }
0x1b0: {  	v62 =	vmul.f32 v26, v2;
	[tilespmem:s1+$0x1D0] =	vst v60  }
0x1b1: {  	v63 =	vmul.f32 v27, v2;
	[tilespmem:s1+$0x1E0] =	vst v61  }
0x1b2: {  	v2 =	vmul.f32 v28, v2;
	[tilespmem:s1+$0x1F0] =	vst v62  }
0x1b3: {  	[tilespmem:s1+$0x200] =	vst v63  }
0x1b4: {  	s31 =	sadd.s32 $0x1, s31;
	[tilespmem:s1+$0x210] =	vst v2  }
0x1b5: {  	[spmem:s3] =	stream.indirect.scatter.add.f32 [tilespmem:s22], [sflag:$0x2], $0x90, s0, s19, $0xb8;
	[tilespmem:$0x1F690] =	vst v63  }
0x1b6: {  	p0 =	sne.s32 s31, $0x12;
	_ =	swait.ge [sflag:s24], $0x3600  }
.Ltmp2:
0x1b7: {  	[sflag:s24] =	ssyncset.done $0x0;
	(pc) =	sbr.rel @p0 .LBB2_3-.Ltmp2, $4  }
0x1b8: {  	[sflag:s24] =	ssyncadd.s32 $0xFFFFCA00  }
0x1b9: {  	_ =	swait.ge [sflag:s26], $0x3600  }
0x1ba: {  	[sflag:s26] =	ssyncset.done $0x0  }
0x1bb: {  	[sflag:s26] =	ssyncadd.s32 $0xFFFFCA00  }
0x1bc: {  	s30 =	sadd.s32 $0x1, s30  }
0x1bd: {  	p0 =	sne.s32 s30, $0x3  }
.Ltmp3:
0x1be: {  	_ = 	snop;
	(pc) =	sbr.rel @p0 .LBB2_2-.Ltmp3, $1  }
0x1bf: {  	_ =	sdelay $0x3  }
0x1c0: {  	s29 =	sadd.s32 $0x1, s29  }
0x1c1: {  	p0 =	sne.s32 s29, s13  }
.Ltmp4:
0x1c2: {  	[bflag:$0x0] =	sbarrier.arrive $0xFFFF;
	(pc) =	sbr.rel @p0 .LBB2_1-.Ltmp4, $4  }
0x1c3: {  	[hbm:s12], [sflag:s10] =	dma.local [spmem:s14], $0x2C70  }
0x1c4: {  	_ =	swait.ge [sflag:s15], $0x2C70  }
0x1c5: {  	[sflag:s15] =	ssyncset.done $0x0  }
0x1c6: {  	[sflag:s15] =	ssyncadd.s32 $0xFFFFD390  }
0x1c7: {  	_ =	sfence.sel $0x180000  }
0x1c8: {  	[bflag:$0x0] =	sbarrier.arrive $0xFFFF  }
0x1c9: {  	_ =	strace $0x9000004A  }
0x1ca: {  	s0 =	stileid.u32;
	[bflag:$0x2] =	sbarrier.arrive $0xFFFF  }
0x1cb: {  	p0 =	sne.s32 s0, $0x0;
	s0 =	rddreg [dreg:$0x3]  }
0x1cc: {  	s0 =	sadd.s32 @!p0 $0x100000, s0  }
0x1cd: {  	[sflag:s0] =	ssyncadd.tile.s32 @!p0 $0x1;
	_ =	shalt  }
.Lfunc_end2:
_tile_overlayer_lowered:
.L_overlay_start_2:
0x1ce: {  	(tag) =	ssettag $0x2  }
0x1cf: {  	s0 =	rddreg [dreg:$0x0];
	s2 =	stileid.u32  }
0x1d0: {  	s1 =	rddreg [dreg:$0x1];
	p0 =	sne.s32 s2, $0x0  }
0x1d1: {  	s3 =	rddreg [dreg:$0x2];
	[bflag:$0x3] =	sbarrier.arrive $0xFFFF;
	s2 =	simm.s32 @!p0 $0x1C05  }
0x1d2: {  	[timem:s3], [sflag:s2] =	dma.local @!p0 [hbm:s0], s1  }
0x1d3: {  	s0 =	simm.s32 @!p0 $0x5  }
0x1d4: {  	_ =	swait.ge @!p0 [sflag:s0], s1  }
0x1d5: {  	s1 =	ssub.s32 @!p0 $0x0, s1;
	[sflag:s0] =	ssyncset.done @!p0 $0x0  }
0x1d6: {  	[sflag:s0] =	ssyncadd.s32 @!p0 s1  }
0x1d7: {  	[bflag:$0x3] =	sbarrier.arrive $0xFFFF  }
0x1d8: {  	_ =	shalt  }

// kernel: kernel.25.cloned.1.call-start
scs
__scs_entry_jumppad:
0x0: {  	(pc) =	sbr.rel $0x88, $3  }
0x1: {  	(tag) =	ssettag $0x0;
	lr =	simm.s32 $0x1  }
0x2: {  	[smem:$0x3F86] =	sst lr;
	_ =	strace $0xD0000000  }
0x3: {  	_ = 	snop  }
0x4: {  	_ = 	snop  }
0x5: {  	_ = 	snop  }
0x6: {  	_ = 	snop  }
0x7: {  	_ = 	snop  }
__scs_overlays_trampoline_lowered:
0x8: {  	[smem:$0x3F95] =	sst s0  }
0x9: {  	[smem:$0x3F96] =	sst s1  }
0xa: {  	[smem:$0x3F97] =	sst s2  }
0xb: {  	[smem:$0x3F98] =	sst s3  }
0xc: {  	[smem:$0x3F99] =	sst s4  }
0xd: {  	[smem:$0x3F9A] =	sst s5  }
0xe: {  	[smem:$0x3F9B] =	sst s6  }
0xf: {  	[smem:$0x3F9C] =	sst s7  }
0x10: {  	[smem:$0x3F9D] =	sst s8  }
0x11: {  	[smem:$0x3F9E] =	sst s9;
	s0 =	simm.s32 @!p0 $0x0  }
0x12: {  	s1 =	sld [smem:$0x3F84];
	s0 =	simm.s32 @p0 $0x1  }
0x13: {  	[smem:$0x3F9F] =	sst s0;
	s0 =	simm.s32 @!p1 $0x0  }
0x14: {  	s2 =	sld [smem:$0x3F83];
	s0 =	simm.s32 @p1 $0x1  }
0x15: {  	[smem:$0x3FA0] =	sst s0;
	s0 =	simm.s32 @!p2 $0x0  }
0x16: {  	s3 =	sld [smem:$0x3FDB];
	s0 =	simm.s32 @p2 $0x1  }
0x17: {  	s4 =	simm.s32 $0x1BF5;
	[smem:$0x3FA2] =	sst s0  }
0x18: {  	s0 =	sld [smem:$0x3F85];
	_ =	swait.ge [sflag:s4], $0x0  }
0x19: {  	s7 =	sld [smem:$0x3F86]  }
0x1a: {  	s8 =	sadd.s32 $0xFFFFE003, lr  }
0x1b: {  	s9 =	sadd.s32 $0xFFFFFEF7, lr;
	s5 =	simm.s32 $0xFFFFFFFF;
	p2 =	slt.u32 s8, $0xFFFFF086  }
0x1c: {  	p1 =	slt.u32 s9, $0xF7A;
	s5 =	simm.s32 @!p2 $0x0  }
0x1d: {  	s5 =	simm.s32 @p1 $0x1;
	p0 =	seq.s32 s7, s2  }
0x1e: {  	s7 =	smul.u32 @!p0 $0xF7A, s2;
	p2 =	seq.s32 @!p0 s5, $0x0  }
0x1f: {  	s9 =	smul.u32 $0xF7A, s1;
	s8 =	simm.s32 @!p0 $0x1BF5;
	p2 =	por !p2, p0  }
0x20: {  	[sflag:s8] =	ssyncset.s32 @!p0 $0xFFFFF086;
	s6 =	sadd.s32 @!p0 s3, s7;
	s7 =	simm.s32 @!p0 $0x108  }
0x21: {  	s3 =	sadd.s32 s3, s9;
	s6 =	sadd.s32 @!p0 $0x88, s6;
	s7 =	simm.s32 @p2 $0x1082  }
0x22: {  	[simem:s7], [sflag:s8] =	dma.local @!p0 [hbm:s6], $0xF7A  }
0x23: {  	s9 =	sor.u32 $0xD0000000, s2;
	s6 =	simm.s32 $0x108;
	_ =	swait.ge @!p0 [sflag:s8], $0x0  }
0x24: {  	s3 =	sadd.s32 $0x88, s3;
	s6 =	simm.s32 @!p1 $0x1082;
	[sflag:s4] =	ssyncset.s32 $0xFFFFF086  }
0x25: {  	[simem:s6], [sflag:s4] =	dma.local [hbm:s3], $0xF7A  }
0x26: {  	[smem:$0x3F86] =	sst s1;
	(tag) =	ssettag s2;
	_ =	strace s9  }
0x27: {  	s1 =	sld [smem:$0x3F96]  }
0x28: {  	s2 =	sld [smem:$0x3F97]  }
0x29: {  	s4 =	sld [smem:$0x3F99]  }
0x2a: {  	p0 =	seq.s32 s5, $0x0;
	s5 =	sld [smem:$0x3F9A]  }
0x2b: {  	s6 =	sld [smem:$0x3F9B]  }
0x2c: {  	s7 =	sld [smem:$0x3F9C]  }
0x2d: {  	s3 =	simm.s32 $0x108;
	s8 =	sld [smem:$0x3F9D]  }
0x2e: {  	s3 =	simm.s32 @!p0 $0x1082;
	s9 =	sld [smem:$0x3F9E]  }
0x2f: {  	lr =	sadd.s32 s0, s3;
	s0 =	sld [smem:$0x3F95]  }
0x30: {  	s3 =	sld [smem:$0x3F98]  }
0x31: {  	[smem:$0x3FA1] =	sst s10  }
0x32: {  	s10 =	sld [smem:$0x3F9F];
	_ =	sdelay $0x3  }
0x33: {  	p0 =	seq.s32 s10, $0x1;
	s10 =	sld [smem:$0x3FA1];
	_ =	sdelay $0x3  }
0x34: {  	[smem:$0x3FA1] =	sst s10  }
0x35: {  	s10 =	sld [smem:$0x3FA0];
	_ =	sdelay $0x3  }
0x36: {  	p1 =	seq.s32 s10, $0x1;
	s10 =	sld [smem:$0x3FA1];
	_ =	sdelay $0x3  }
0x37: {  	[smem:$0x3FA1] =	sst s10  }
0x38: {  	s10 =	sld [smem:$0x3FA2]  }
0x39: {  	_ = 	snop;
	(pc) =	sbr.ind lr, $3  }
0x3a: {  	_ = 	snop  }
0x3b: {  	_ = 	snop  }
0x3c: {  	p2 =	seq.s32 s10, $0x1;
	s10 =	sld [smem:$0x3FA1]  }
0x3d: {  	_ =	shalt  }
0x3e: {  	_ =	shalt  }
0x3f: {  	_ =	shalt  }
0x40: {  	_ =	shalt  }
0x41: {  	_ =	shalt  }
0x42: {  	_ =	shalt  }
0x43: {  	_ =	shalt  }
0x44: {  	_ =	shalt  }
0x45: {  	_ =	shalt  }
0x46: {  	_ =	shalt  }
0x47: {  	_ =	shalt  }
0x48: {  	_ =	shalt  }
0x49: {  	_ =	shalt  }
0x4a: {  	_ =	shalt  }
0x4b: {  	_ =	shalt  }
0x4c: {  	_ =	shalt  }
0x4d: {  	_ =	shalt  }
0x4e: {  	_ =	shalt  }
0x4f: {  	_ =	shalt  }
0x50: {  	_ =	shalt  }
0x51: {  	_ =	shalt  }
0x52: {  	_ =	shalt  }
0x53: {  	_ =	shalt  }
0x54: {  	_ =	shalt  }
0x55: {  	_ =	shalt  }
0x56: {  	_ =	shalt  }
0x57: {  	_ =	shalt  }
0x58: {  	_ =	shalt  }
0x59: {  	_ =	shalt  }
0x5a: {  	_ =	shalt  }
0x5b: {  	_ =	shalt  }
0x5c: {  	_ =	shalt  }
0x5d: {  	_ =	shalt  }
0x5e: {  	_ =	shalt  }
0x5f: {  	_ =	shalt  }
0x60: {  	_ =	shalt  }
0x61: {  	_ =	shalt  }
0x62: {  	_ =	shalt  }
0x63: {  	_ =	shalt  }
0x64: {  	_ =	shalt  }
0x65: {  	_ =	shalt  }
0x66: {  	_ =	shalt  }
0x67: {  	_ =	shalt  }
0x68: {  	_ =	shalt  }
0x69: {  	_ =	shalt  }
0x6a: {  	_ =	shalt  }
0x6b: {  	_ =	shalt  }
0x6c: {  	_ =	shalt  }
0x6d: {  	_ =	shalt  }
0x6e: {  	_ =	shalt  }
0x6f: {  	_ =	shalt  }
0x70: {  	_ =	shalt  }
0x71: {  	_ =	shalt  }
0x72: {  	_ =	shalt  }
0x73: {  	_ =	shalt  }
0x74: {  	_ =	shalt  }
0x75: {  	_ =	shalt  }
0x76: {  	_ =	shalt  }
0x77: {  	_ =	shalt  }
0x78: {  	_ =	shalt  }
0x79: {  	_ =	shalt  }
0x7a: {  	_ =	shalt  }
0x7b: {  	_ =	shalt  }
0x7c: {  	_ =	shalt  }
0x7d: {  	_ =	shalt  }
0x7e: {  	_ =	shalt  }
0x7f: {  	_ =	shalt  }
0x80: {  	_ =	shalt  }
0x81: {  	_ =	shalt  }
0x82: {  	_ =	shalt  }
0x83: {  	_ =	shalt  }
0x84: {  	_ =	shalt  }
0x85: {  	_ =	shalt  }
0x86: {  	_ =	shalt  }
0x87: {  	_ =	shalt  }
.Lfunc_end0:
.L_simem_size_0:
called_computation.2_lowered:
.L_overlay_start_0:
0x88: {  	s2 =	sld [smem:$0x3FD9]  }
0x89: {  	s3 =	sld [smem:$0x3FFE];
	_ =	sdelay $0x1  }
0x8a: {  	s1 =	srdreg.scid  }
0x8b: {  	s0 =	sand.u32 $0x1, s1  }
0x8c: {  	s17 =	sshll.u32 s0, $0xA;
	s2 =	sadd.s32 s3, s2  }
0x8d: {  	s2 =	sadd.s32 s2, s17  }
0x8e: {  	[smem:$0x3FAD] =	sst s2  }
0x8f: {  	_ = 	snop  }
0x90: {  	s2 =	sld [smem:$0x3FD0];
	(tm) =	ssettm $0x1  }
0x91: {  	s18 =	sld [smem:$0x3FFB];
	_ =	sdelay $0x3  }
0x92: {  	_ =	strace s18  }
0x93: {  	s3 =	sld [smem:$0x3FFC];
	_ =	sdelay $0x3  }
0x94: {  	_ =	strace s3  }
0x95: {  	s3 =	sld [smem:$0x3FFD];
	_ =	sdelay $0x3  }
0x96: {  	_ =	strace s3  }
0x97: {  	_ =	strace $0x8FFFFFFF  }
0x98: {  	s19 =	sld [smem:$0x3FDB];
	_ =	sdelay $0x1  }
0x99: {  	s4 =	simm.s32 $_scs_section_size  }
0x9a: {  	s5 =	simm.s32 $_size__tile_overlayer_lowered;
	s6 =	simm.s32 $_tile_overlayer_lowered  }
0x9b: {  	s22 =	simm.s32 $0x1BFF;
	s21 =	sshll.u32 s6, $0x1;
	s3 =	sadd.s32 s4, s19  }
0x9c: {  	s7 =	simm.s32 $0x0;
	s20 =	sshll.u32 s5, $0x1;
	s5 =	sadd.s32 s21, s3  }
0x9d: {  	[timem:s7], [sflag:s22] =	dma.local [hbm:s5], s20  }
0x9e: {  	_ =	swait.ge [sflag:s22], s20  }
0x9f: {  	s4 =	ssub.s32 $0x0, s20;
	[sflag:s22] =	ssyncset.done $0x0  }
0xa0: {  	[sflag:s22] =	ssyncadd.s32 s4;
	_ =	sdelay $0x1  }
0xa1: {  	s23 =	simm.s32 $0x1B8B  }
0xa2: {  	_ =	swait.ge [sflag:s23], $0x1  }
0xa3: {  	[sflag:s23] =	ssyncset.done $0x0  }
0xa4: {  	s25 =	simm.s32 $0x1B8E;
	s24 =	sld [smem:$0x3FFE];
	[sflag:s23] =	ssyncadd.s32 $0xFFFFFFFF  }
0xa5: {  	s26 =	simm.s32 $execute0_lowered;
	[smem:$0x3FD2] =	sst s25  }
0xa6: {  	s5 =	sshll.u32 s26, $0x1;
	_ =	strace $0x8000004C;
	[dreg:$0x1] =	wrdreg $0xFFFFFFFF  }
0xa7: {  	s28 =	simm.s32 $_size_execute0_lowered;
	s3 =	sadd.s32 s3, s5;
	[dreg:$0x0] =	wrdreg $0x0  }
0xa8: {  	s5 =	sshll.u32 s28, $0x1;
	[dreg:$0x2] =	wrdreg s3  }
0xa9: {  	[dreg:$0x3] =	wrdreg s5  }
0xaa: {  	[dreg:$0x4] =	wrdreg $0xC0  }
0xab: {  	_ =	task [dreg:s7], $0x5FFFF  }
0xac: {  	[dreg:$0x1] =	wrdreg $0xFFFFFFFF  }
0xad: {  	[dreg:$0x0] =	wrdreg $0x60  }
0xae: {  	[dreg:$0x2] =	wrdreg s24  }
0xaf: {  	[dreg:$0x3] =	wrdreg s2  }
0xb0: {  	[dreg:$0x4] =	wrdreg $0x0  }
0xb1: {  	[dreg:$0x5] =	wrdreg $0x9  }
0xb2: {  	_ =	task.clear_ibuf [dreg:s7], $0x6FFFF;
	_ =	strace $0x9000004C  }
0xb3: {  	s29 =	simm.s32 $0x9;
	_ =	strace $0x8000004E  }
0xb4: {  	_ =	swait.ge [sflag:s29], $0x1  }
0xb5: {  	[sflag:s29] =	ssyncadd.s32 $0xFFFFFFFF  }
0xb6: {  	_ =	strace $0x9000004E  }
0xb7: {  	_ =	sfence  }
0xb8: {  	s30 =	sld [smem:$0x0];
	_ =	sdelay $0x2  }
0xb9: {  	s31 =	sshll.u32 s1, $0xD;
	s1 =	sshrl.u32 s1, $0x2  }
0xba: {  	s3 =	sand.u32 $0x4000, s31;
	s1 =	sadd.s32 s1, s30  }
0xbb: {  	s0 =	sor.u32 s3, s0;
	s1 =	sshll.u32 s1, $0x11  }
0xbc: {  	s0 =	sor.u32 s1, s0  }
0xbd: {  	s0 =	sadd.s32 $0x8F2B, s0  }
0xbe: {  	[sflag:s0] =	ssyncadd.remote.s32 $0x1  }
0xbf: {  	_ =	sfence.sel $0xFFFF  }
0xc0: {  	[dreg:$0x0] =	wrdreg $0xFFFFFFFF;
	(pc) =	sbr.abs _section_cstart, $3  }
0xc1: {  	[dreg:$0x1] =	wrdreg $0xFFFFFFFF  }
0xc2: {  	_ =	task.clear_ibuf [dreg:s7], $0x2FFFF;
	_ =	strace $0x9FFFFFFF  }
0xc3: {  	(tm) =	ssettm $0x7FFFFFFF  }
tec
execute0_lowered:
.L_overlay_start_1:
0x0: {  	(tag) =	ssettag $0x1  }
0x1: {  	s0 =	rddreg [dreg:$0x0]  }
0x2: {  	s3 =	rddreg [dreg:$0x2]  }
0x3: {  	s1 =	srdreg.scid;
	s10 =	stileid.u32;
	s4 =	simm.s32 $0x0  }
0x4: {  	s15 =	simm.s32 $0x5;
	s17 =	simm.s32 $0x16380;
	s18 =	simm.s32 $0x17100  }
0x5: {  	s19 =	simm.s32 $0x60;
	s20 =	simm.s32 $0x17E80;
	s21 =	simm.s32 $0x1EA80  }
0x6: {  	s22 =	simm.s32 $0x1B480;
	s23 =	simm.s32 $0x1F080;
	s24 =	simm.s32 $0x1  }
0x7: {  	s25 =	simm.s32 $0x3;
	s28 =	simm.s32 $0x4;
	s29 =	simm.s32 $0x0  }
0x8: {  	s1 =	sand.u32 $0x1, s1;
	s2 =	smul.u32 $0x16380, s10;
	[smem:$0x7FF] =	sst s4  }
0x9: {  	s5 =	sadd.s32 $0x4D400, s0;
	s6 =	sadd.s32 $0x2C200, s0;
	s7 =	sadd.s32 $0x40400, s0  }
0xa: {  	s8 =	sadd.s32 $0x36200, s0;
	s11 =	sadd.s32 $0x4A600, s0;
	s31 =	sshll.u32 s10, $0x6  }
0xb: {  	s26 =	smul.u32 $0x163800, s1;
	_ =	strace $0x8000004D;
	s9 =	ssub.s32 $0x2, s1  }
0xc: {  	[dreg:$0x4] =	wrdreg s11;
	s1 =	sshll.u32 s1, $0x4;
	s30 =	sshrl.u32 s9, $0x1  }
0xd: {  	s1 =	sor.u32 s10, s1;
	s10 =	sor.u32 $0x1C05, s31;
	s4 =	sadd.s32 s2, s26  }
0xe: {  	s2 =	sadd.s32 s2, s3;
	s11 =	smul.u32 $0x2880, s1;
	s4 =	sshrl.u32 s4, $0x3  }
0xf: {  	s26 =	simm.s32 $0x2;
	s0 =	sadd.s32 s4, s0;
	s4 =	ssub.s32 s9, s30  }
0x10: {  	s14 =	sshrl.u32 s2, $0x3;
	s12 =	sadd.s32 $0x79C00, s0;
	s13 =	smax.u32 s4, $0x1  }
.LBB2_1:
0x11: {  	s0 =	rddreg [dreg:$0x4]  }
0x12: {  	[spmem:s14], [sflag:s10] =	dma.local [hbm:s0], $0x2C70  }
0x13: {  	_ =	swait.ge [sflag:s15], $0x2C70  }
0x14: {  	[sflag:s15] =	ssyncset.done $0x0  }
0x15: {  	[sflag:s15] =	ssyncadd.s32 $0xFFFFD390  }
0x16: {  	s1 =	simm.s32 $0x0;
	s2 =	simm.s32 $0x1F680;
	s31 =	rddreg [dreg:$0x1]  }
0x17: {  	[tilespmem:s2], [sflag:$0x5] =	stream.linear.gather [hbm4b:s31+s1], $0x10, $0x38;
	[tilespmem:$0x1F690] =	vst v63  }
0x18: {  	_ =	swait.ge [sflag:s15], $0x10  }
0x19: {  	[sflag:s15] =	ssyncset.done $0x0  }
0x1a: {  	[sflag:s15] =	ssyncadd.s32 $0xFFFFFFF0  }
0x1b: {  	[bflag:$0x0] =	sbarrier.arrive $0xFFFF  }
0x1c: {  	s30 =	simm.s32 $0x0;
	v0 =	vld [tilespmem:$0x1F680]  }
.LBB2_2:
0x1d: {  	s0 =	smul.u32 $0xD80, s30;
	_ =	sdelay $0x1  }
0x1e: {  	s0 =	sadd.s32 s11, s0  }
0x1f: {  	s0 =	sshrl.u32 s0, $0x3  }
0x20: {  	s31 =	simm.s32 $0x0;
	s1 =	sadd.s32 s7, s0  }
0x21: {  	[tilespmem:s17], [sflag:$0x5] =	stream.linear.gather [hbm4b:s1+s31], $0xD80, $0x38;
	[tilespmem:$0x1F690] =	vst v63  }
0x22: {  	_ =	swait.ge [sflag:s15], $0xD80  }
0x23: {  	[sflag:s15] =	ssyncset.done $0x0  }
0x24: {  	s0 =	sadd.s32 s8, s0;
	[sflag:s15] =	ssyncadd.s32 $0xFFFFF280  }
0x25: {  	[tilespmem:s18], [sflag:$0x5] =	stream.linear.gather [hbm4b:s0+s31], $0xD80, $0x38;
	[tilespmem:$0x1F690] =	vst v63  }
0x26: {  	_ =	swait.ge [sflag:s15], $0xD80  }
0x27: {  	[sflag:s15] =	ssyncset.done $0x0  }
0x28: {  	[sflag:s15] =	ssyncadd.s32 $0xFFFFF280  }
.LBB2_3:
0x29: {  	s0 =	smul.u32 $0xC0, s31;
	_ =	sdelay $0x1  }
0x2a: {  	s1 =	sadd.s32 $0x16380, s0  }
0x2b: {  	[tilespmem:s20], [sflag:$0x1] =	stream.indirect.gather [hbm4b:s5+s19], $0x90, s1, s19, $0xb8;
	[tilespmem:$0x1F690] =	vst v63  }
0x2c: {  	s1 =	sadd.s32 $0x17100, s0  }
0x2d: {  	[tilespmem:s21], [sflag:$0x3] =	stream.indirect.gather [hbm4b:s6+s19], $0x10, s1, s19, $0xb8;
	[tilespmem:$0x1F690] =	vst v63  }
0x2e: {  	s2 =	sadd.s32 $0x163E0, s0  }
0x2f: {  	[tilespmem:s22], [sflag:$0x2] =	stream.indirect.gather [hbm4b:s5+s19], $0x90, s2, s19, $0xb8;
	[tilespmem:$0x1F690] =	vst v63  }
0x30: {  	s0 =	sadd.s32 $0x17160, s0  }
0x31: {  	[tilespmem:s23], [sflag:$0x4] =	stream.indirect.gather [hbm4b:s6+s19], $0x10, s0, s19, $0xb8;
	[tilespmem:$0x1F690] =	vst v63  }
0x32: {  	_ =	swait.ge [sflag:s24], $0x3600  }
0x33: {  	[sflag:s24] =	ssyncset.done $0x0  }
0x34: {  	[sflag:s24] =	ssyncadd.s32 $0xFFFFCA00  }
0x35: {  	_ =	swait.ge [sflag:s25], $0x600  }
0x36: {  	[sflag:s25] =	ssyncset.done $0x0  }
0x37: {  	s2 =	simm.s32 $0x180C0;
	[sflag:s25] =	ssyncadd.s32 $0xFFFFFA00  }
0x38: {  	s16 =	simm.s32 $0x1EAC0;
	v1 =	vld [tilespmem:s2+$0x230]  }
0x39: {  	v2 =	vld [tilespmem:s16+$0x30]  }
0x3a: {  	v3 =	vld [tilespmem:s16+$0xFFFFFFC0]  }
0x3b: {  	v4 =	vld [tilespmem:s2+$0xFFFFFED0]  }
0x3c: {  	v5 =	vld [tilespmem:s16+$0xFFFFFFD0]  }
0x3d: {  	v6 =	vld [tilespmem:s2+$0xFFFFFF60]  }
0x3e: {  	v7 =	vld [tilespmem:s16+$0xFFFFFFE0]  }
0x3f: {  	v8 =	vld [tilespmem:s2+$0xFFFFFFF0]  }
0x40: {  	v9 =	vld [tilespmem:s16+$0xFFFFFFF0]  }
0x41: {  	v10 =	vld [tilespmem:s2+$0x80]  }
0x42: {  	v11 =	vld [tilespmem:s16+$0x0]  }
0x43: {  	v12 =	vld [tilespmem:s2+$0x110]  }
0x44: {  	v13 =	vld [tilespmem:s16+$0x10]  }
0x45: {  	v14 =	vld [tilespmem:s2+$0x1A0]  }
0x46: {  	v15 =	vld [tilespmem:s16+$0x20]  }
0x47: {  	v17 =	vld [tilespmem:s2+$0xFFFFFDC0];
	v1 =	vadd.f32 v2, v1  }
0x48: {  	v18 =	vld [tilespmem:s2+$0xFFFFFDF0]  }
0x49: {  	v2 =	vld [tilespmem:s2+$0xFFFFFE40];
	v16 =	vmul.f32 $2.000000030e-01, v1  }
0x4a: {  	v20 =	vld [tilespmem:s2+$0xFFFFFE10];
	v4 =	vadd.f32 v5, v4;
	vm0 =	vgt.f32 v1, $0.0e+00  }
0x4b: {  	v21 =	vld [tilespmem:s2+$0xFFFFFE50];
	v6 =	vadd.f32 v7, v6;
	v1 =	vsel vm0, v1, v16  }
0x4c: {  	v22 =	vld [tilespmem:s2+$0xFFFFFE60];
	v16 =	vmul.f32 $2.000000030e-01, v4;
	v1 =	vsub.f32 v1, v0  }
0x4d: {  	v23 =	vld [tilespmem:s2+$0xFFFFFE80];
	vm9 =	vgt.f32 v4, $0.0e+00;
	v19 =	vmul.f32 $2.000000030e-01, v6;
	vm10 =	vgt.f32 v6, $0.0e+00  }
0x4e: {  	v24 =	vld [tilespmem:s2+$0xFFFFFE90];
	v2 =	vadd.f32 v3, v2;
	v4 =	vsel vm9, v4, v16;
	v1 =	vmul.f32 $1.442695020e+00, v1  }
0x4f: {  	v25 =	vld [tilespmem:s2+$0xFFFFFEA0];
	v6 =	vsel vm10, v6, v19;
	v4 =	vsub.f32 v4, v0  }
0x50: {  	v26 =	vld [tilespmem:s2+$0xFFFFFEB0];
	v19 =	vmul.f32 $2.000000030e-01, v2;
	(erf) = vpow2.f32 v1;
	v1 =	vsub.f32 v6, v0  }
0x51: {  	v27 =	vld [tilespmem:s2+$0xFFFFFEE0];
	vm11 =	vgt.f32 v2, $0.0e+00;
	v4 =	vmul.f32 $1.442695020e+00, v4  }
0x52: {  	v28 =	vld [tilespmem:s2+$0xFFFFFF00];
	v2 =	vsel vm11, v2, v19;
	v1 =	vmul.f32 $1.442695020e+00, v1  }
0x53: {  	v29 =	vld [tilespmem:s2+$0xFFFFFF10];
	v2 =	vsub.f32 v2, v0;
	(erf) = vpow2.f32 v4  }
0x54: {  	v31 =	vld [tilespmem:s2+$0xFFFFFF20];
	(erf) = vpow2.f32 v1  }
0x55: {  	v3 =	vld [tilespmem:s2+$0x220];
	v2 =	vmul.f32 $1.442695020e+00, v2  }
0x56: {  	v33 =	vld [tilespmem:s2+$0xFFFFFEC0]  }
0x57: {  	v34 =	vld [tilespmem:s2+$0xFFFFFF30]  }
0x58: {  	v61 =	vld [tilespmem:s2+$0x160];
	(erf) = vpow2.f32 v2  }
0x59: {  	v63 =	vld [tilespmem:s2+$0x170];
	v2 =	vpop (erf)  }
0x5a: {  	v4 =	vld [tilespmem:s2+$0xFFFFFE70];
	v1 =	vmul.f32 v3, v2  }
0x5b: {  	v36 =	vld [tilespmem:s2+$0x180];
	[tilespmem:s2+$0x230] =	vst v2  }
0x5c: {  	v5 =	vld [tilespmem:s2+$0xFFFFFDD0];
	v30 =	vpop (erf);
	[tilespmem:s2+$0x220] =	vst v1  }
0x5d: {  	v7 =	vld [tilespmem:s2+$0xFFFFFDE0];
	v21 =	vmul.f32 v30, v21;
	[tilespmem:s2+$0xFFFFFED0] =	vst v30;
	v32 =	vpop (erf)  }
0x5e: {  	v12 =	vadd.f32 v13, v12;
	v13 =	vld [tilespmem:s2+$0x30];
	v22 =	vmul.f32 v30, v22;
	[tilespmem:s2+$0xFFFFFF60] =	vst v32  }
0x5f: {  	v16 =	vld [tilespmem:s2+$0xFFFFFE00];
	v4 =	vmul.f32 v30, v4;
	[tilespmem:s2+$0xFFFFFE50] =	vst v21  }
0x60: {  	v10 =	vadd.f32 v11, v10;
	v6 =	vld [tilespmem:s2+$0xFFFFFE20];
	v11 =	vmul.f32 v23, v30;
	[tilespmem:s2+$0xFFFFFE60] =	vst v22  }
0x61: {  	v14 =	vadd.f32 v15, v14;
	v19 =	vld [tilespmem:s2+$0xFFFFFE30];
	v1 =	vpop (erf);
	[tilespmem:s2+$0xFFFFFE70] =	vst v4;
	v15 =	vmul.f32 v32, v28  }
0x62: {  	v8 =	vadd.f32 v9, v8;
	v3 =	vld [tilespmem:s2+$0xFFFFFEF0];
	[tilespmem:s2+$0xFFFFFE80] =	vst v11;
	v17 =	vmul.f32 v1, v17  }
0x63: {  	v23 =	vld [tilespmem:s2+$0x0];
	v5 =	vmul.f32 v1, v5;
	v7 =	vmul.f32 v1, v7;
	[tilespmem:s2+$0xFFFFFF00] =	vst v15  }
0x64: {  	v21 =	vld [tilespmem:s2+$0xFFFFFF40];
	v9 =	vmul.f32 v18, v1;
	v18 =	vmul.f32 $2.000000030e-01, v8;
	[tilespmem:s2+$0xFFFFFDC0] =	vst v17  }
0x65: {  	vm12 =	vgt.f32 v8, $0.0e+00;
	v22 =	vld [tilespmem:s2+$0xFFFFFF50];
	[tilespmem:s2+$0xFFFFFDD0] =	vst v5  }
0x66: {  	v11 =	vld [tilespmem:s2+$0x10];
	v16 =	vmul.f32 v16, v1;
	[tilespmem:s2+$0xFFFFFDE0] =	vst v7;
	v8 =	vsel vm12, v8, v18  }
0x67: {  	v28 =	vld [tilespmem:s2+$0xB0];
	v20 =	vmul.f32 v20, v1;
	[tilespmem:s2+$0xFFFFFDF0] =	vst v9;
	v8 =	vsub.f32 v8, v0  }
0x68: {  	v4 =	vmul.f32 $2.000000030e-01, v10;
	v6 =	vmul.f32 v6, v1;
	v17 =	vld [tilespmem:s2+$0xFFFFFF70];
	[tilespmem:s2+$0xFFFFFE00] =	vst v16  }
0x69: {  	vm13 =	vgt.f32 v10, $0.0e+00;
	v3 =	vmul.f32 v32, v3;
	v5 =	vld [tilespmem:s2+$0xFFFFFF80];
	[tilespmem:s2+$0xFFFFFE10] =	vst v20;
	v8 =	vmul.f32 $1.442695020e+00, v8  }
0x6a: {  	v4 =	vsel vm13, v10, v4;
	v10 =	vmul.f32 v33, v30;
	v15 =	vmul.f32 v34, v32;
	v7 =	vld [tilespmem:s2+$0xFFFFFF90];
	[tilespmem:s2+$0xFFFFFE20] =	vst v6  }
0x6b: {  	v9 =	vld [tilespmem:s2+$0xFFFFFFA0];
	v18 =	vmul.f32 v19, v1;
	v4 =	vsub.f32 v4, v0;
	[tilespmem:s2+$0xFFFFFEF0] =	vst v3;
	(erf) = vpow2.f32 v8  }
0x6c: {  	v16 =	vld [tilespmem:s2+$0xFFFFFFB0];
	v20 =	vmul.f32 v24, v30;
	v24 =	vmul.f32 v25, v30;
	[tilespmem:s2+$0xFFFFFEC0] =	vst v10  }
0x6d: {  	v19 =	vld [tilespmem:s2+$0xFFFFFFC0];
	v25 =	vmul.f32 $2.000000030e-01, v12;
	[tilespmem:s2+$0xFFFFFF30] =	vst v15;
	v4 =	vmul.f32 $1.442695020e+00, v4  }
0x6e: {  	vm14 =	vgt.f32 v12, $0.0e+00;
	v6 =	vld [tilespmem:s2+$0xFFFFFFD0];
	[tilespmem:s2+$0xFFFFFEA0] =	vst v24;
	v24 =	vmul.f32 v32, v27  }
0x6f: {  	v10 =	vld [tilespmem:s2+$0x50];
	[tilespmem:s2+$0xFFFFFE30] =	vst v18;
	v12 =	vsel vm14, v12, v25;
	v25 =	vmul.f32 $2.000000030e-01, v14;
	(erf) = vpow2.f32 v4  }
0x70: {  	vm15 =	vgt.f32 v14, $0.0e+00;
	v15 =	vld [tilespmem:s2+$0xC0];
	[tilespmem:s2+$0xFFFFFE90] =	vst v20;
	v3 =	vsub.f32 v12, v0;
	v4 =	vmul.f32 v31, v32  }
0x71: {  	v18 =	vld [tilespmem:s2+$0xFFFFFFE0];
	v21 =	vmul.f32 v21, v32;
	[tilespmem:s2+$0xFFFFFEE0] =	vst v24;
	v14 =	vsel vm15, v14, v25  }
0x72: {  	v20 =	vld [tilespmem:s2+$0x20];
	v8 =	vmul.f32 v26, v30;
	[tilespmem:s2+$0xFFFFFF20] =	vst v4;
	v4 =	vsub.f32 v14, v0  }
0x73: {  	v27 =	vld [tilespmem:s2+$0x70];
	[tilespmem:s2+$0xFFFFFF40] =	vst v21;
	v26 =	vmul.f32 v29, v32;
	v25 =	vmul.f32 $1.442695020e+00, v3  }
0x74: {  	v12 =	vld [tilespmem:s2+$0x90];
	[tilespmem:s2+$0xFFFFFEB0] =	vst v8;
	v14 =	vmul.f32 v22, v32;
	v4 =	vmul.f32 $1.442695020e+00, v4;
	v3 =	vpop (erf)  }
0x75: {  	v24 =	vld [tilespmem:s2+$0x60];
	[tilespmem:s2+$0xFFFFFF10] =	vst v26;
	(erf) = vpow2.f32 v25;
	v17 =	vmul.f32 v3, v17  }
0x76: {  	v8 =	vld [tilespmem:s2+$0x40];
	[tilespmem:s2+$0xFFFFFF50] =	vst v14;
	v5 =	vmul.f32 v3, v5  }
0x77: {  	v21 =	vld [tilespmem:s2+$0xD0];
	v7 =	vmul.f32 v3, v7;
	[tilespmem:s2+$0xFFFFFF70] =	vst v17  }
0x78: {  	v29 =	vld [tilespmem:s2+$0x150];
	(erf) = vpow2.f32 v4;
	v9 =	vmul.f32 v9, v3;
	v4 =	vpop (erf);
	[tilespmem:s2+$0xFFFFFF80] =	vst v5  }
0x79: {  	v26 =	vld [tilespmem:s2+$0xA0];
	v6 =	vmul.f32 v6, v3;
	v11 =	vmul.f32 v4, v11;
	[tilespmem:s2+$0xFFFFFF90] =	vst v7  }
0x7a: {  	v22 =	vld [tilespmem:s2+$0x100];
	v20 =	vmul.f32 v4, v20;
	v5 =	vmul.f32 v16, v3;
	[tilespmem:s2+$0xFFFFFFA0] =	vst v9  }
0x7b: {  	v14 =	vld [tilespmem:s2+$0xE0];
	v25 =	vmul.f32 v13, v4;
	v30 =	vmul.f32 v8, v4;
	[tilespmem:s2+$0xFFFFFFD0] =	vst v6  }
0x7c: {  	v31 =	vmul.f32 v10, v4;
	v62 =	vmul.f32 v24, v4;
	v17 =	vld [tilespmem:s2+$0xF0];
	[tilespmem:s2+$0x10] =	vst v11  }
0x7d: {  	v16 =	vmul.f32 v19, v3;
	v19 =	vld [tilespmem:s2+$0x120];
	v7 =	vmul.f32 v18, v3;
	[tilespmem:s2+$0x20] =	vst v20  }
0x7e: {  	v27 =	vmul.f32 v27, v4;
	v18 =	vld [tilespmem:s2+$0x130];
	v9 =	vmul.f32 v4, v23;
	[tilespmem:s2+$0xFFFFFFB0] =	vst v5;
	v5 =	vpop (erf)  }
0x7f: {  	v23 =	vld [tilespmem:s2+$0x140];
	[tilespmem:s2+$0xFFFFFFE0] =	vst v7;
	v35 =	vmul.f32 v5, v12;
	v8 =	vmul.f32 v5, v26  }
0x80: {  	v37 =	vld [tilespmem:s2+$0x1C0];
	[tilespmem:s2+$0x0] =	vst v9;
	v9 =	vmul.f32 v5, v28;
	v7 =	vmul.f32 v15, v5  }
0x81: {  	[tilespmem:s2+$0x30] =	vst v25;
	v28 =	vld [tilespmem:s2+$0x190];
	v10 =	vmul.f32 v21, v5;
	v11 =	vmul.f32 v14, v5  }
0x82: {  	[tilespmem:s2+$0x40] =	vst v30;
	v14 =	vld [tilespmem:s2+$0x1B0];
	v12 =	vmul.f32 v17, v5;
	v13 =	vmul.f32 v22, v5;
	v6 =	vpop (erf)  }
0x83: {  	v24 =	vld [tilespmem:s2+$0x1D0];
	[tilespmem:s2+$0xFFFFFFC0] =	vst v16;
	v15 =	vmul.f32 v6, v19;
	v16 =	vmul.f32 v6, v18  }
0x84: {  	[tilespmem:s2+$0x50] =	vst v31;
	v25 =	vld [tilespmem:s2+$0x1E0];
	v19 =	vmul.f32 v6, v23;
	v20 =	vmul.f32 v29, v6  }
0x85: {  	[tilespmem:s2+$0x60] =	vst v62;
	v26 =	vld [tilespmem:s2+$0x1F0];
	v21 =	vmul.f32 v61, v6;
	v22 =	vmul.f32 v63, v6  }
0x86: {  	[tilespmem:s2+$0x70] =	vst v27;
	v27 =	vld [tilespmem:s2+$0x200];
	v23 =	vmul.f32 v36, v6;
	v17 =	vmul.f32 v28, v6  }
0x87: {  	s4 =	simm.s32 $0x0;
	s9 =	simm.s32 $0x18540;
	[tilespmem:s2+$0x90] =	vst v35;
	v18 =	vmul.f32 v2, v14;
	v14 =	vmul.f32 v2, v37;
	v28 =	vld [tilespmem:s2+$0x210]  }
.LBB2_4:
0x88: {  	v29 =	vld [tilespmem:s9+$0x230];
	[tilespmem:s2+$0xA0] =	vst v8;
	v8 =	vmul.f32 v2, v24;
	s16 =	sadd.s32 $0x80, s16  }
0x89: {  	s4 =	sadd.s32 $0x8, s4;
	v24 =	vld [tilespmem:s16+$0x30];
	[tilespmem:s2+$0xB0] =	vst v9;
	v9 =	vmul.f32 v25, v2  }
0x8a: {  	p0 =	slt.u32 s4, $0x58;
	v25 =	vld [tilespmem:s16+$0xFFFFFFC0];
	[tilespmem:s2+$0xC0] =	vst v7;
	v7 =	vmul.f32 v26, v2  }
0x8b: {  	v26 =	vld [tilespmem:s9+$0xFFFFFED0];
	[tilespmem:s2+$0xD0] =	vst v10;
	v10 =	vmul.f32 v27, v2  }
0x8c: {  	v27 =	vld [tilespmem:s16+$0xFFFFFFD0];
	[tilespmem:s2+$0xE0] =	vst v11;
	v2 =	vmul.f32 v28, v2  }
0x8d: {  	v11 =	vld [tilespmem:s9+$0xFFFFFF60];
	[tilespmem:s2+$0xF0] =	vst v12  }
0x8e: {  	v12 =	vld [tilespmem:s16+$0xFFFFFFE0];
	v24 =	vadd.f32 v24, v29;
	[tilespmem:s2+$0x100] =	vst v13  }
0x8f: {  	v13 =	vld [tilespmem:s9+$0xFFFFFFF0];
	[tilespmem:s2+$0x120] =	vst v15  }
0x90: {  	v15 =	vld [tilespmem:s16+$0xFFFFFFF0];
	v28 =	vmul.f32 $2.000000030e-01, v24;
	[tilespmem:s2+$0x130] =	vst v16  }
0x91: {  	vm0 =	vgt.f32 v24, $0.0e+00;
	v16 =	vadd.f32 v27, v26;
	v26 =	vld [tilespmem:s9+$0x80];
	[tilespmem:s2+$0x140] =	vst v19  }
0x92: {  	v19 =	vld [tilespmem:s16+$0x0];
	v24 =	vsel vm0, v24, v28;
	[tilespmem:s2+$0x150] =	vst v20  }
0x93: {  	v20 =	vmul.f32 $2.000000030e-01, v16;
	v11 =	vadd.f32 v12, v11;
	v12 =	vld [tilespmem:s9+$0x110];
	v24 =	vsub.f32 v24, v0;
	[tilespmem:s2+$0x160] =	vst v21  }
0x94: {  	vm0 =	vgt.f32 v16, $0.0e+00;
	v21 =	vld [tilespmem:s16+$0x10];
	[tilespmem:s2+$0x170] =	vst v22  }
0x95: {  	v22 =	vmul.f32 $2.000000030e-01, v11;
	v13 =	vadd.f32 v15, v13;
	v15 =	vld [tilespmem:s9+$0x1A0];
	v24 =	vmul.f32 $1.442695020e+00, v24;
	[tilespmem:s2+$0x180] =	vst v23  }
0x96: {  	v16 =	vsel vm0, v16, v20;
	vm0 =	vgt.f32 v11, $0.0e+00;
	v20 =	vld [tilespmem:s16+$0x20];
	[tilespmem:s2+$0x190] =	vst v17  }
0x97: {  	v17 =	vld [tilespmem:s9+$0xFFFFFE40];
	v23 =	vmul.f32 $2.000000030e-01, v13;
	v19 =	vadd.f32 v19, v26;
	(erf) = vpow2.f32 v24;
	[tilespmem:s2+$0x1B0] =	vst v18  }
0x98: {  	v16 =	vsub.f32 v16, v0;
	v11 =	vsel vm0, v11, v22;
	vm0 =	vgt.f32 v13, $0.0e+00;
	v18 =	vld [tilespmem:s9+$0xFFFFFDC0];
	[tilespmem:s2+$0x1C0] =	vst v14  }
0x99: {  	v14 =	vld [tilespmem:s9+$0xFFFFFDD0];
	vm1 =	vgt.f32 v19, $0.0e+00;
	v22 =	vmul.f32 $2.000000030e-01, v19;
	v12 =	vadd.f32 v21, v12;
	[tilespmem:s2+$0x1D0] =	vst v8  }
0x9a: {  	v16 =	vmul.f32 $1.442695020e+00, v16;
	v11 =	vsub.f32 v11, v0;
	v13 =	vsel vm0, v13, v23;
	v8 =	vld [tilespmem:s9+$0xFFFFFDE0];
	[tilespmem:s2+$0x1E0] =	vst v9  }
0x9b: {  	v9 =	vld [tilespmem:s9+$0xFFFFFDF0];
	vm0 =	vgt.f32 v12, $0.0e+00;
	v21 =	vmul.f32 $2.000000030e-01, v12;
	v15 =	vadd.f32 v20, v15;
	[tilespmem:s2+$0x1F0] =	vst v7  }
0x9c: {  	v13 =	vsub.f32 v13, v0;
	v7 =	vadd.f32 v25, v17;
	v17 =	vsel vm1, v19, v22;
	v19 =	vld [tilespmem:s9+$0x220];
	[tilespmem:s2+$0x200] =	vst v10  }
0x9d: {  	v10 =	vld [tilespmem:s9+$0xFFFFFE00];
	v12 =	vsel vm0, v12, v21;
	vm0 =	vgt.f32 v15, $0.0e+00;
	v20 =	vmul.f32 $2.000000030e-01, v15;
	[tilespmem:s2+$0x210] =	vst v2  }
0x9e: {  	v17 =	vsub.f32 v17, v0;
	vm1 =	vgt.f32 v7, $0.0e+00;
	v23 =	vmul.f32 $2.000000030e-01, v7;
	v21 =	vld [tilespmem:s9+$0xFFFFFE10];
	[tilespmem:s2+$0xFFFFFE40] =	vst v1  }
0x9f: {  	v1 =	vmul.f32 $1.442695020e+00, v11;
	v11 =	vsub.f32 v12, v0;
	v22 =	vld [tilespmem:s9+$0xFFFFFE20];
	v12 =	vsel vm0, v15, v20;
	[tilespmem:s2+$0xFFFFFFF0] =	vst v3  }
0xa0: {  	v13 =	vmul.f32 $1.442695020e+00, v13;
	v3 =	vsel vm1, v7, v23;
	v7 =	vld [tilespmem:s9+$0xFFFFFE30];
	v12 =	vsub.f32 v12, v0;
	v2 =	vpop (erf);
	[tilespmem:s2+$0x80] =	vst v4  }
0xa1: {  	v15 =	vmul.f32 $1.442695020e+00, v17;
	v3 =	vsub.f32 v3, v0;
	v4 =	vld [tilespmem:s9+$0xFFFFFE50];
	v17 =	vmul.f32 v19, v2;
	[tilespmem:s2+$0x110] =	vst v5  }
0xa2: {  	v11 =	vmul.f32 $1.442695020e+00, v11;
	v5 =	vld [tilespmem:s9+$0xFFFFFE60];
	v12 =	vmul.f32 $1.442695020e+00, v12;
	[tilespmem:s2+$0x1A0] =	vst v6;
	s2 =	smov.u32 s9  }
0xa3: {  	v3 =	vmul.f32 $1.442695020e+00, v3;
	v6 =	vld [tilespmem:s9+$0xFFFFFE70];
	[tilespmem:s9+$0x220] =	vst v17;
	(erf) = vpow2.f32 v16  }
0xa4: {  	v16 =	vld [tilespmem:s9+$0xFFFFFE80];
	[tilespmem:s9+$0x230] =	vst v2;
	(erf) = vpow2.f32 v1  }
0xa5: {  	v17 =	vld [tilespmem:s9+$0xFFFFFE90];
	(erf) = vpow2.f32 v3  }
0xa6: {  	v19 =	vld [tilespmem:s9+$0xFFFFFEA0];
	(erf) = vpow2.f32 v13  }
0xa7: {  	v13 =	vld [tilespmem:s9+$0xFFFFFEB0];
	(erf) = vpow2.f32 v15  }
0xa8: {  	v15 =	vld [tilespmem:s9+$0xFFFFFEC0];
	(erf) = vpow2.f32 v11  }
0xa9: {  	v11 =	vld [tilespmem:s9+$0xFFFFFEE0];
	(erf) = vpow2.f32 v12  }
0xaa: {  	v12 =	vld [tilespmem:s9+$0xFFFFFEF0]  }
0xab: {  	v20 =	vld [tilespmem:s9+$0xFFFFFF00]  }
0xac: {  	v23 =	vld [tilespmem:s9+$0xFFFFFF10];
	v24 =	vpop (erf)  }
0xad: {  	[tilespmem:s9+$0xFFFFFED0] =	vst v24;
	v29 =	vmul.f32 v24, v4;
	v30 =	vmul.f32 v24, v5;
	v25 =	vld [tilespmem:s9+$0xFFFFFF20];
	v26 =	vpop (erf)  }
0xae: {  	v27 =	vmul.f32 v24, v6;
	v16 =	vmul.f32 v16, v24;
	[tilespmem:s9+$0xFFFFFF60] =	vst v26;
	v28 =	vld [tilespmem:s9+$0xFFFFFF30];
	v1 =	vpop (erf)  }
0xaf: {  	v31 =	vmul.f32 v1, v18;
	v32 =	vmul.f32 v1, v14;
	[tilespmem:s9+$0xFFFFFE50] =	vst v29;
	v14 =	vld [tilespmem:s9+$0xFFFFFF40];
	v3 =	vpop (erf)  }
0xb0: {  	v8 =	vmul.f32 v1, v8;
	v9 =	vmul.f32 v9, v1;
	[tilespmem:s9+$0xFFFFFE60] =	vst v30;
	v18 =	vld [tilespmem:s9+$0xFFFFFF50];
	v4 =	vpop (erf)  }
0xb1: {  	v10 =	vmul.f32 v10, v1;
	v21 =	vmul.f32 v21, v1;
	[tilespmem:s9+$0xFFFFFDC0] =	vst v31;
	v29 =	vld [tilespmem:s9+$0xFFFFFF70];
	v5 =	vpop (erf)  }
0xb2: {  	v22 =	vmul.f32 v22, v1;
	v7 =	vmul.f32 v7, v1;
	[tilespmem:s9+$0xFFFFFDD0] =	vst v32;
	v30 =	vld [tilespmem:s9+$0xFFFFFF80];
	v6 =	vpop (erf)  }
0xb3: {  	[tilespmem:s9+$0xFFFFFDE0] =	vst v8;
	v8 =	vmul.f32 v17, v24;
	v17 =	vmul.f32 v19, v24;
	v19 =	vld [tilespmem:s9+$0xFFFFFF90]  }
0xb4: {  	[tilespmem:s9+$0xFFFFFDF0] =	vst v9;
	v9 =	vmul.f32 v13, v24;
	v13 =	vmul.f32 v15, v24;
	v15 =	vld [tilespmem:s9+$0xFFFFFFA0]  }
0xb5: {  	[tilespmem:s9+$0xFFFFFE00] =	vst v10;
	v10 =	vmul.f32 v26, v11;
	v11 =	vmul.f32 v26, v12;
	v12 =	vld [tilespmem:s9+$0xFFFFFFB0]  }
0xb6: {  	v20 =	vmul.f32 v26, v20;
	[tilespmem:s9+$0xFFFFFE10] =	vst v21;
	v21 =	vmul.f32 v23, v26;
	v23 =	vld [tilespmem:s9+$0xFFFFFFC0]  }
0xb7: {  	v24 =	vmul.f32 v28, v26;
	[tilespmem:s9+$0xFFFFFE20] =	vst v22;
	v22 =	vmul.f32 v25, v26;
	v25 =	vld [tilespmem:s9+$0xFFFFFFD0]  }
0xb8: {  	[tilespmem:s9+$0xFFFFFE30] =	vst v7;
	v7 =	vmul.f32 v14, v26;
	v14 =	vmul.f32 v18, v26;
	v18 =	vld [tilespmem:s9+$0xFFFFFFE0]  }
0xb9: {  	v26 =	vmul.f32 v3, v29;
	[tilespmem:s9+$0xFFFFFE70] =	vst v27;
	v27 =	vmul.f32 v3, v30;
	v28 =	vld [tilespmem:s9+$0x0]  }
0xba: {  	v15 =	vmul.f32 v15, v3;
	[tilespmem:s9+$0xFFFFFE80] =	vst v16;
	v16 =	vmul.f32 v3, v19;
	v19 =	vld [tilespmem:s9+$0x10]  }
0xbb: {  	v12 =	vmul.f32 v12, v3;
	[tilespmem:s9+$0xFFFFFE90] =	vst v8;
	v23 =	vmul.f32 v23, v3;
	v8 =	vld [tilespmem:s9+$0x20]  }
0xbc: {  	[tilespmem:s9+$0xFFFFFEA0] =	vst v17;
	v17 =	vmul.f32 v25, v3;
	v25 =	vld [tilespmem:s9+$0x30]  }
0xbd: {  	[tilespmem:s9+$0xFFFFFEB0] =	vst v9;
	v18 =	vmul.f32 v18, v3;
	v9 =	vld [tilespmem:s9+$0x40]  }
0xbe: {  	[tilespmem:s9+$0xFFFFFEC0] =	vst v13;
	v28 =	vmul.f32 v4, v28;
	v13 =	vld [tilespmem:s9+$0x50]  }
0xbf: {  	[tilespmem:s9+$0xFFFFFEE0] =	vst v10;
	v19 =	vmul.f32 v4, v19;
	v10 =	vld [tilespmem:s9+$0x60]  }
0xc0: {  	[tilespmem:s9+$0xFFFFFEF0] =	vst v11;
	v29 =	vmul.f32 v4, v8;
	v8 =	vld [tilespmem:s9+$0x70]  }
0xc1: {  	[tilespmem:s9+$0xFFFFFF00] =	vst v20;
	v25 =	vmul.f32 v25, v4;
	v11 =	vld [tilespmem:s9+$0x90]  }
0xc2: {  	[tilespmem:s9+$0xFFFFFF10] =	vst v21;
	v30 =	vmul.f32 v9, v4;
	v9 =	vld [tilespmem:s9+$0xA0]  }
0xc3: {  	[tilespmem:s9+$0xFFFFFF20] =	vst v22;
	v31 =	vmul.f32 v13, v4;
	v13 =	vld [tilespmem:s9+$0xB0]  }
0xc4: {  	[tilespmem:s9+$0xFFFFFF30] =	vst v24;
	v32 =	vmul.f32 v10, v4;
	v10 =	vld [tilespmem:s9+$0xC0]  }
0xc5: {  	[tilespmem:s9+$0xFFFFFF40] =	vst v7;
	v33 =	vmul.f32 v8, v4;
	v20 =	vld [tilespmem:s9+$0xD0]  }
0xc6: {  	[tilespmem:s9+$0xFFFFFF50] =	vst v14;
	v14 =	vmul.f32 v5, v11;
	v11 =	vld [tilespmem:s9+$0xE0]  }
0xc7: {  	[tilespmem:s9+$0xFFFFFF70] =	vst v26;
	v8 =	vmul.f32 v5, v9;
	v21 =	vld [tilespmem:s9+$0xF0]  }
0xc8: {  	[tilespmem:s9+$0xFFFFFF80] =	vst v27;
	v9 =	vmul.f32 v5, v13;
	v13 =	vld [tilespmem:s9+$0x100]  }
0xc9: {  	[tilespmem:s9+$0xFFFFFF90] =	vst v16;
	v7 =	vmul.f32 v10, v5;
	v16 =	vld [tilespmem:s9+$0x120]  }
0xca: {  	[tilespmem:s9+$0xFFFFFFA0] =	vst v15;
	v10 =	vmul.f32 v20, v5;
	v20 =	vld [tilespmem:s9+$0x130]  }
0xcb: {  	[tilespmem:s9+$0xFFFFFFB0] =	vst v12;
	v11 =	vmul.f32 v11, v5;
	v22 =	vld [tilespmem:s9+$0x140]  }
0xcc: {  	[tilespmem:s9+$0xFFFFFFC0] =	vst v23;
	v12 =	vmul.f32 v21, v5;
	v21 =	vld [tilespmem:s9+$0x150]  }
0xcd: {  	[tilespmem:s9+$0xFFFFFFD0] =	vst v17;
	v13 =	vmul.f32 v13, v5;
	v17 =	vld [tilespmem:s9+$0x160]  }
0xce: {  	[tilespmem:s9+$0xFFFFFFE0] =	vst v18;
	v15 =	vmul.f32 v6, v16;
	v18 =	vld [tilespmem:s9+$0x170]  }
0xcf: {  	[tilespmem:s9+$0x0] =	vst v28;
	v16 =	vmul.f32 v6, v20;
	v23 =	vld [tilespmem:s9+$0x180]  }
0xd0: {  	[tilespmem:s9+$0x10] =	vst v19;
	v19 =	vmul.f32 v6, v22;
	v26 =	vld [tilespmem:s9+$0x190]  }
0xd1: {  	[tilespmem:s9+$0x20] =	vst v29;
	v20 =	vmul.f32 v21, v6;
	v27 =	vld [tilespmem:s9+$0x1B0]  }
0xd2: {  	[tilespmem:s9+$0x30] =	vst v25;
	v21 =	vmul.f32 v17, v6;
	v28 =	vld [tilespmem:s9+$0x1C0]  }
.Ltmp0:
0xd3: {  	[tilespmem:s9+$0x40] =	vst v30;
	v22 =	vmul.f32 v18, v6;
	v24 =	vld [tilespmem:s9+$0x1D0];
	(pc) =	sbr.rel @p0 .LBB2_4-.Ltmp0, $4  }
0xd4: {  	[tilespmem:s9+$0x50] =	vst v31;
	v23 =	vmul.f32 v23, v6;
	v25 =	vld [tilespmem:s9+$0x1E0]  }
0xd5: {  	[tilespmem:s9+$0x60] =	vst v32;
	v17 =	vmul.f32 v26, v6;
	v26 =	vld [tilespmem:s9+$0x1F0]  }
0xd6: {  	[tilespmem:s9+$0x70] =	vst v33;
	v18 =	vmul.f32 v2, v27;
	v27 =	vld [tilespmem:s9+$0x200]  }
0xd7: {  	s9 =	sadd.s32 $0x480, s9;
	[tilespmem:s2+$0x90] =	vst v14;
	v14 =	vmul.f32 v2, v28;
	v28 =	vld [tilespmem:s2+$0x210]  }
0xd8: {  	[tilespmem:s2+$0xA0] =	vst v8  }
0xd9: {  	[tilespmem:s2+$0xB0] =	vst v9  }
0xda: {  	[tilespmem:s2+$0xC0] =	vst v7  }
0xdb: {  	[tilespmem:s2+$0xD0] =	vst v10  }
0xdc: {  	[tilespmem:s2+$0xE0] =	vst v11  }
0xdd: {  	[tilespmem:s2+$0xF0] =	vst v12  }
0xde: {  	[tilespmem:s2+$0x100] =	vst v13  }
0xdf: {  	[tilespmem:s2+$0x120] =	vst v15  }
0xe0: {  	[tilespmem:s2+$0x130] =	vst v16  }
0xe1: {  	[tilespmem:s2+$0x140] =	vst v19  }
0xe2: {  	[tilespmem:s2+$0x150] =	vst v20  }
0xe3: {  	[tilespmem:s2+$0x160] =	vst v21  }
0xe4: {  	[tilespmem:s2+$0x170] =	vst v22  }
0xe5: {  	[tilespmem:s2+$0x180] =	vst v23  }
0xe6: {  	[tilespmem:s2+$0x190] =	vst v17  }
0xe7: {  	[tilespmem:s2+$0x1B0] =	vst v18  }
0xe8: {  	[tilespmem:s2+$0xFFFFFE40] =	vst v1  }
0xe9: {  	[tilespmem:s2+$0xFFFFFFF0] =	vst v3  }
0xea: {  	[tilespmem:s2+$0x80] =	vst v4  }
0xeb: {  	[tilespmem:s2+$0x110] =	vst v5  }
0xec: {  	v7 =	vmul.f32 v2, v24;
	[tilespmem:s2+$0x1A0] =	vst v6  }
0xed: {  	v8 =	vmul.f32 v25, v2;
	[tilespmem:s2+$0x1C0] =	vst v14  }
0xee: {  	v9 =	vmul.f32 v26, v2;
	[tilespmem:s2+$0x1D0] =	vst v7  }
0xef: {  	v7 =	vmul.f32 v27, v2;
	[tilespmem:s2+$0x1E0] =	vst v8  }
0xf0: {  	v2 =	vmul.f32 v28, v2;
	[tilespmem:s2+$0x1F0] =	vst v9  }
0xf1: {  	[tilespmem:s2+$0x200] =	vst v7  }
0xf2: {  	[tilespmem:s2+$0x210] =	vst v2  }
0xf3: {  	[spmem:s3] =	stream.indirect.scatter.add.f32 [tilespmem:s20], [sflag:$0x1], $0x90, s1, s19, $0xb8;
	[tilespmem:$0x1F690] =	vst v63  }
0xf4: {  	_ =	swait.ge [sflag:s26], $0x3600  }
0xf5: {  	[sflag:s26] =	ssyncset.done $0x0  }
0xf6: {  	[sflag:s26] =	ssyncadd.s32 $0xFFFFCA00  }
0xf7: {  	_ =	swait.ge [sflag:s28], $0x600  }
0xf8: {  	[sflag:s28] =	ssyncset.done $0x0  }
0xf9: {  	s1 =	simm.s32 $0x1B6C0;
	[sflag:s28] =	ssyncadd.s32 $0xFFFFFA00  }
0xfa: {  	s2 =	simm.s32 $0x1F0C0;
	v1 =	vld [tilespmem:s1+$0x230]  }
0xfb: {  	v2 =	vld [tilespmem:s2+$0x30]  }
0xfc: {  	v3 =	vld [tilespmem:s2+$0xFFFFFFC0]  }
0xfd: {  	v4 =	vld [tilespmem:s1+$0xFFFFFED0]  }
0xfe: {  	v5 =	vld [tilespmem:s2+$0xFFFFFFD0]  }
0xff: {  	v6 =	vld [tilespmem:s1+$0xFFFFFF60]  }
0x100: {  	v7 =	vld [tilespmem:s2+$0xFFFFFFE0]  }
0x101: {  	v8 =	vld [tilespmem:s1+$0xFFFFFFF0]  }
0x102: {  	v9 =	vld [tilespmem:s2+$0xFFFFFFF0]  }
0x103: {  	v10 =	vld [tilespmem:s1+$0x80]  }
0x104: {  	v11 =	vld [tilespmem:s2+$0x0]  }
0x105: {  	v12 =	vld [tilespmem:s1+$0x110]  }
0x106: {  	v13 =	vld [tilespmem:s2+$0x10]  }
0x107: {  	v14 =	vld [tilespmem:s1+$0x1A0]  }
0x108: {  	v15 =	vld [tilespmem:s2+$0x20]  }
0x109: {  	v17 =	vld [tilespmem:s1+$0xFFFFFDC0];
	v1 =	vadd.f32 v2, v1  }
0x10a: {  	v18 =	vld [tilespmem:s1+$0xFFFFFDF0]  }
0x10b: {  	v2 =	vld [tilespmem:s1+$0xFFFFFE40];
	v16 =	vmul.f32 $2.000000030e-01, v1  }
0x10c: {  	v20 =	vld [tilespmem:s1+$0xFFFFFE10];
	v4 =	vadd.f32 v5, v4;
	vm0 =	vgt.f32 v1, $0.0e+00  }
0x10d: {  	v21 =	vld [tilespmem:s1+$0xFFFFFE50];
	v6 =	vadd.f32 v7, v6;
	v1 =	vsel vm0, v1, v16  }
0x10e: {  	v22 =	vld [tilespmem:s1+$0xFFFFFE60];
	v16 =	vmul.f32 $2.000000030e-01, v4;
	v1 =	vsub.f32 v1, v0  }
0x10f: {  	v23 =	vld [tilespmem:s1+$0xFFFFFE80];
	vm9 =	vgt.f32 v4, $0.0e+00;
	v19 =	vmul.f32 $2.000000030e-01, v6;
	vm10 =	vgt.f32 v6, $0.0e+00  }
0x110: {  	v24 =	vld [tilespmem:s1+$0xFFFFFE90];
	v2 =	vadd.f32 v3, v2;
	v4 =	vsel vm9, v4, v16;
	v1 =	vmul.f32 $1.442695020e+00, v1  }
0x111: {  	v25 =	vld [tilespmem:s1+$0xFFFFFEA0];
	v6 =	vsel vm10, v6, v19;
	v4 =	vsub.f32 v4, v0  }
0x112: {  	v26 =	vld [tilespmem:s1+$0xFFFFFEB0];
	v19 =	vmul.f32 $2.000000030e-01, v2;
	(erf) = vpow2.f32 v1;
	v1 =	vsub.f32 v6, v0  }
0x113: {  	v27 =	vld [tilespmem:s1+$0xFFFFFEE0];
	vm11 =	vgt.f32 v2, $0.0e+00;
	v4 =	vmul.f32 $1.442695020e+00, v4  }
0x114: {  	v28 =	vld [tilespmem:s1+$0xFFFFFF00];
	v2 =	vsel vm11, v2, v19;
	v1 =	vmul.f32 $1.442695020e+00, v1  }
0x115: {  	v29 =	vld [tilespmem:s1+$0xFFFFFF10];
	v2 =	vsub.f32 v2, v0;
	(erf) = vpow2.f32 v4  }
0x116: {  	v31 =	vld [tilespmem:s1+$0xFFFFFF20];
	(erf) = vpow2.f32 v1  }
0x117: {  	v3 =	vld [tilespmem:s1+$0x220];
	v2 =	vmul.f32 $1.442695020e+00, v2  }
0x118: {  	v33 =	vld [tilespmem:s1+$0xFFFFFEC0]  }
0x119: {  	v34 =	vld [tilespmem:s1+$0xFFFFFF30]  }
0x11a: {  	v61 =	vld [tilespmem:s1+$0x160];
	(erf) = vpow2.f32 v2  }
0x11b: {  	v63 =	vld [tilespmem:s1+$0x170];
	v2 =	vpop (erf)  }
0x11c: {  	v4 =	vld [tilespmem:s1+$0xFFFFFE70];
	v1 =	vmul.f32 v3, v2  }
0x11d: {  	v36 =	vld [tilespmem:s1+$0x180];
	[tilespmem:s1+$0x230] =	vst v2  }
0x11e: {  	v5 =	vld [tilespmem:s1+$0xFFFFFDD0];
	v30 =	vpop (erf);
	[tilespmem:s1+$0x220] =	vst v1  }
0x11f: {  	v7 =	vld [tilespmem:s1+$0xFFFFFDE0];
	v21 =	vmul.f32 v30, v21;
	[tilespmem:s1+$0xFFFFFED0] =	vst v30;
	v32 =	vpop (erf)  }
0x120: {  	v12 =	vadd.f32 v13, v12;
	v13 =	vld [tilespmem:s1+$0x30];
	v22 =	vmul.f32 v30, v22;
	[tilespmem:s1+$0xFFFFFF60] =	vst v32  }
0x121: {  	v16 =	vld [tilespmem:s1+$0xFFFFFE00];
	v4 =	vmul.f32 v30, v4;
	[tilespmem:s1+$0xFFFFFE50] =	vst v21  }
0x122: {  	v10 =	vadd.f32 v11, v10;
	v6 =	vld [tilespmem:s1+$0xFFFFFE20];
	v11 =	vmul.f32 v23, v30;
	[tilespmem:s1+$0xFFFFFE60] =	vst v22  }
0x123: {  	v14 =	vadd.f32 v15, v14;
	v19 =	vld [tilespmem:s1+$0xFFFFFE30];
	v1 =	vpop (erf);
	[tilespmem:s1+$0xFFFFFE70] =	vst v4;
	v15 =	vmul.f32 v32, v28  }
0x124: {  	v8 =	vadd.f32 v9, v8;
	v3 =	vld [tilespmem:s1+$0xFFFFFEF0];
	[tilespmem:s1+$0xFFFFFE80] =	vst v11;
	v17 =	vmul.f32 v1, v17  }
0x125: {  	v23 =	vld [tilespmem:s1+$0x0];
	v5 =	vmul.f32 v1, v5;
	v7 =	vmul.f32 v1, v7;
	[tilespmem:s1+$0xFFFFFF00] =	vst v15  }
0x126: {  	v21 =	vld [tilespmem:s1+$0xFFFFFF40];
	v9 =	vmul.f32 v18, v1;
	v18 =	vmul.f32 $2.000000030e-01, v8;
	[tilespmem:s1+$0xFFFFFDC0] =	vst v17  }
0x127: {  	vm12 =	vgt.f32 v8, $0.0e+00;
	v22 =	vld [tilespmem:s1+$0xFFFFFF50];
	[tilespmem:s1+$0xFFFFFDD0] =	vst v5  }
0x128: {  	v11 =	vld [tilespmem:s1+$0x10];
	v16 =	vmul.f32 v16, v1;
	[tilespmem:s1+$0xFFFFFDE0] =	vst v7;
	v8 =	vsel vm12, v8, v18  }
0x129: {  	v28 =	vld [tilespmem:s1+$0xB0];
	v20 =	vmul.f32 v20, v1;
	[tilespmem:s1+$0xFFFFFDF0] =	vst v9;
	v8 =	vsub.f32 v8, v0  }
0x12a: {  	v4 =	vmul.f32 $2.000000030e-01, v10;
	v6 =	vmul.f32 v6, v1;
	v17 =	vld [tilespmem:s1+$0xFFFFFF70];
	[tilespmem:s1+$0xFFFFFE00] =	vst v16  }
0x12b: {  	vm13 =	vgt.f32 v10, $0.0e+00;
	v3 =	vmul.f32 v32, v3;
	v5 =	vld [tilespmem:s1+$0xFFFFFF80];
	[tilespmem:s1+$0xFFFFFE10] =	vst v20;
	v8 =	vmul.f32 $1.442695020e+00, v8  }
0x12c: {  	v4 =	vsel vm13, v10, v4;
	v10 =	vmul.f32 v33, v30;
	v15 =	vmul.f32 v34, v32;
	v7 =	vld [tilespmem:s1+$0xFFFFFF90];
	[tilespmem:s1+$0xFFFFFE20] =	vst v6  }
0x12d: {  	v9 =	vld [tilespmem:s1+$0xFFFFFFA0];
	v18 =	vmul.f32 v19, v1;
	v4 =	vsub.f32 v4, v0;
	[tilespmem:s1+$0xFFFFFEF0] =	vst v3;
	(erf) = vpow2.f32 v8  }
0x12e: {  	v16 =	vld [tilespmem:s1+$0xFFFFFFB0];
	v20 =	vmul.f32 v24, v30;
	v24 =	vmul.f32 v25, v30;
	[tilespmem:s1+$0xFFFFFEC0] =	vst v10  }
0x12f: {  	v19 =	vld [tilespmem:s1+$0xFFFFFFC0];
	v25 =	vmul.f32 $2.000000030e-01, v12;
	[tilespmem:s1+$0xFFFFFF30] =	vst v15;
	v4 =	vmul.f32 $1.442695020e+00, v4  }
0x130: {  	vm14 =	vgt.f32 v12, $0.0e+00;
	v6 =	vld [tilespmem:s1+$0xFFFFFFD0];
	[tilespmem:s1+$0xFFFFFEA0] =	vst v24;
	v24 =	vmul.f32 v32, v27  }
0x131: {  	v10 =	vld [tilespmem:s1+$0x50];
	[tilespmem:s1+$0xFFFFFE30] =	vst v18;
	v12 =	vsel vm14, v12, v25;
	v25 =	vmul.f32 $2.000000030e-01, v14;
	(erf) = vpow2.f32 v4  }
0x132: {  	vm15 =	vgt.f32 v14, $0.0e+00;
	v15 =	vld [tilespmem:s1+$0xC0];
	[tilespmem:s1+$0xFFFFFE90] =	vst v20;
	v3 =	vsub.f32 v12, v0;
	v4 =	vmul.f32 v31, v32  }
0x133: {  	v18 =	vld [tilespmem:s1+$0xFFFFFFE0];
	v21 =	vmul.f32 v21, v32;
	[tilespmem:s1+$0xFFFFFEE0] =	vst v24;
	v14 =	vsel vm15, v14, v25  }
0x134: {  	v20 =	vld [tilespmem:s1+$0x20];
	v8 =	vmul.f32 v26, v30;
	[tilespmem:s1+$0xFFFFFF20] =	vst v4;
	v4 =	vsub.f32 v14, v0  }
0x135: {  	v27 =	vld [tilespmem:s1+$0x70];
	[tilespmem:s1+$0xFFFFFF40] =	vst v21;
	v26 =	vmul.f32 v29, v32;
	v25 =	vmul.f32 $1.442695020e+00, v3  }
0x136: {  	v12 =	vld [tilespmem:s1+$0x90];
	[tilespmem:s1+$0xFFFFFEB0] =	vst v8;
	v14 =	vmul.f32 v22, v32;
	v4 =	vmul.f32 $1.442695020e+00, v4;
	v3 =	vpop (erf)  }
0x137: {  	v24 =	vld [tilespmem:s1+$0x60];
	[tilespmem:s1+$0xFFFFFF10] =	vst v26;
	(erf) = vpow2.f32 v25;
	v17 =	vmul.f32 v3, v17  }
0x138: {  	v8 =	vld [tilespmem:s1+$0x40];
	[tilespmem:s1+$0xFFFFFF50] =	vst v14;
	v5 =	vmul.f32 v3, v5  }
0x139: {  	v21 =	vld [tilespmem:s1+$0xD0];
	v7 =	vmul.f32 v3, v7;
	[tilespmem:s1+$0xFFFFFF70] =	vst v17  }
0x13a: {  	v29 =	vld [tilespmem:s1+$0x150];
	(erf) = vpow2.f32 v4;
	v9 =	vmul.f32 v9, v3;
	v4 =	vpop (erf);
	[tilespmem:s1+$0xFFFFFF80] =	vst v5  }
0x13b: {  	v26 =	vld [tilespmem:s1+$0xA0];
	v6 =	vmul.f32 v6, v3;
	v11 =	vmul.f32 v4, v11;
	[tilespmem:s1+$0xFFFFFF90] =	vst v7  }
0x13c: {  	v22 =	vld [tilespmem:s1+$0x100];
	v20 =	vmul.f32 v4, v20;
	v5 =	vmul.f32 v16, v3;
	[tilespmem:s1+$0xFFFFFFA0] =	vst v9  }
0x13d: {  	v14 =	vld [tilespmem:s1+$0xE0];
	v25 =	vmul.f32 v13, v4;
	v30 =	vmul.f32 v8, v4;
	[tilespmem:s1+$0xFFFFFFD0] =	vst v6  }
0x13e: {  	v31 =	vmul.f32 v10, v4;
	v62 =	vmul.f32 v24, v4;
	v17 =	vld [tilespmem:s1+$0xF0];
	[tilespmem:s1+$0x10] =	vst v11  }
0x13f: {  	v16 =	vmul.f32 v19, v3;
	v19 =	vld [tilespmem:s1+$0x120];
	v7 =	vmul.f32 v18, v3;
	[tilespmem:s1+$0x20] =	vst v20  }
0x140: {  	v27 =	vmul.f32 v27, v4;
	v18 =	vld [tilespmem:s1+$0x130];
	v9 =	vmul.f32 v4, v23;
	[tilespmem:s1+$0xFFFFFFB0] =	vst v5;
	v5 =	vpop (erf)  }
0x141: {  	v23 =	vld [tilespmem:s1+$0x140];
	[tilespmem:s1+$0xFFFFFFE0] =	vst v7;
	v35 =	vmul.f32 v5, v12;
	v8 =	vmul.f32 v5, v26  }
0x142: {  	v37 =	vld [tilespmem:s1+$0x1C0];
	[tilespmem:s1+$0x0] =	vst v9;
	v9 =	vmul.f32 v5, v28;
	v7 =	vmul.f32 v15, v5  }
0x143: {  	[tilespmem:s1+$0x30] =	vst v25;
	v28 =	vld [tilespmem:s1+$0x190];
	v10 =	vmul.f32 v21, v5;
	v11 =	vmul.f32 v14, v5  }
0x144: {  	[tilespmem:s1+$0x40] =	vst v30;
	v14 =	vld [tilespmem:s1+$0x1B0];
	v12 =	vmul.f32 v17, v5;
	v13 =	vmul.f32 v22, v5;
	v6 =	vpop (erf)  }
0x145: {  	v24 =	vld [tilespmem:s1+$0x1D0];
	[tilespmem:s1+$0xFFFFFFC0] =	vst v16;
	v15 =	vmul.f32 v6, v19;
	v16 =	vmul.f32 v6, v18  }
0x146: {  	[tilespmem:s1+$0x50] =	vst v31;
	v25 =	vld [tilespmem:s1+$0x1E0];
	v19 =	vmul.f32 v6, v23;
	v20 =	vmul.f32 v29, v6  }
0x147: {  	[tilespmem:s1+$0x60] =	vst v62;
	v26 =	vld [tilespmem:s1+$0x1F0];
	v21 =	vmul.f32 v61, v6;
	v22 =	vmul.f32 v63, v6  }
0x148: {  	[tilespmem:s1+$0x70] =	vst v27;
	v27 =	vld [tilespmem:s1+$0x200];
	v23 =	vmul.f32 v36, v6;
	v17 =	vmul.f32 v28, v6  }
0x149: {  	s4 =	simm.s32 $0x0;
	s9 =	simm.s32 $0x1BB40;
	[tilespmem:s1+$0x90] =	vst v35;
	v18 =	vmul.f32 v2, v14;
	v14 =	vmul.f32 v2, v37;
	v28 =	vld [tilespmem:s1+$0x210]  }
.LBB2_6:
0x14a: {  	v29 =	vld [tilespmem:s9+$0x230];
	[tilespmem:s1+$0xA0] =	vst v8;
	v8 =	vmul.f32 v2, v24;
	s2 =	sadd.s32 $0x80, s2  }
0x14b: {  	s4 =	sadd.s32 $0x8, s4;
	v24 =	vld [tilespmem:s2+$0x30];
	[tilespmem:s1+$0xB0] =	vst v9;
	v9 =	vmul.f32 v25, v2  }
0x14c: {  	p0 =	slt.u32 s4, $0x58;
	v25 =	vld [tilespmem:s2+$0xFFFFFFC0];
	[tilespmem:s1+$0xC0] =	vst v7;
	v7 =	vmul.f32 v26, v2  }
0x14d: {  	v26 =	vld [tilespmem:s9+$0xFFFFFED0];
	[tilespmem:s1+$0xD0] =	vst v10;
	v10 =	vmul.f32 v27, v2  }
0x14e: {  	v27 =	vld [tilespmem:s2+$0xFFFFFFD0];
	[tilespmem:s1+$0xE0] =	vst v11;
	v2 =	vmul.f32 v28, v2  }
0x14f: {  	v11 =	vld [tilespmem:s9+$0xFFFFFF60];
	[tilespmem:s1+$0xF0] =	vst v12  }
0x150: {  	v12 =	vld [tilespmem:s2+$0xFFFFFFE0];
	v24 =	vadd.f32 v24, v29;
	[tilespmem:s1+$0x100] =	vst v13  }
0x151: {  	v13 =	vld [tilespmem:s9+$0xFFFFFFF0];
	[tilespmem:s1+$0x120] =	vst v15  }
0x152: {  	v15 =	vld [tilespmem:s2+$0xFFFFFFF0];
	v28 =	vmul.f32 $2.000000030e-01, v24;
	[tilespmem:s1+$0x130] =	vst v16  }
0x153: {  	vm0 =	vgt.f32 v24, $0.0e+00;
	v16 =	vadd.f32 v27, v26;
	v26 =	vld [tilespmem:s9+$0x80];
	[tilespmem:s1+$0x140] =	vst v19  }
0x154: {  	v19 =	vld [tilespmem:s2+$0x0];
	v24 =	vsel vm0, v24, v28;
	[tilespmem:s1+$0x150] =	vst v20  }
0x155: {  	v20 =	vmul.f32 $2.000000030e-01, v16;
	v11 =	vadd.f32 v12, v11;
	v12 =	vld [tilespmem:s9+$0x110];
	v24 =	vsub.f32 v24, v0;
	[tilespmem:s1+$0x160] =	vst v21  }
0x156: {  	vm0 =	vgt.f32 v16, $0.0e+00;
	v21 =	vld [tilespmem:s2+$0x10];
	[tilespmem:s1+$0x170] =	vst v22  }
0x157: {  	v22 =	vmul.f32 $2.000000030e-01, v11;
	v13 =	vadd.f32 v15, v13;
	v15 =	vld [tilespmem:s9+$0x1A0];
	v24 =	vmul.f32 $1.442695020e+00, v24;
	[tilespmem:s1+$0x180] =	vst v23  }
0x158: {  	v16 =	vsel vm0, v16, v20;
	vm0 =	vgt.f32 v11, $0.0e+00;
	v20 =	vld [tilespmem:s2+$0x20];
	[tilespmem:s1+$0x190] =	vst v17  }
0x159: {  	v17 =	vld [tilespmem:s9+$0xFFFFFE40];
	v23 =	vmul.f32 $2.000000030e-01, v13;
	v19 =	vadd.f32 v19, v26;
	(erf) = vpow2.f32 v24;
	[tilespmem:s1+$0x1B0] =	vst v18  }
0x15a: {  	v16 =	vsub.f32 v16, v0;
	v11 =	vsel vm0, v11, v22;
	vm0 =	vgt.f32 v13, $0.0e+00;
	v18 =	vld [tilespmem:s9+$0xFFFFFDC0];
	[tilespmem:s1+$0x1C0] =	vst v14  }
0x15b: {  	v14 =	vld [tilespmem:s9+$0xFFFFFDD0];
	vm1 =	vgt.f32 v19, $0.0e+00;
	v22 =	vmul.f32 $2.000000030e-01, v19;
	v12 =	vadd.f32 v21, v12;
	[tilespmem:s1+$0x1D0] =	vst v8  }
0x15c: {  	v16 =	vmul.f32 $1.442695020e+00, v16;
	v11 =	vsub.f32 v11, v0;
	v13 =	vsel vm0, v13, v23;
	v8 =	vld [tilespmem:s9+$0xFFFFFDE0];
	[tilespmem:s1+$0x1E0] =	vst v9  }
0x15d: {  	v9 =	vld [tilespmem:s9+$0xFFFFFDF0];
	vm0 =	vgt.f32 v12, $0.0e+00;
	v21 =	vmul.f32 $2.000000030e-01, v12;
	v15 =	vadd.f32 v20, v15;
	[tilespmem:s1+$0x1F0] =	vst v7  }
0x15e: {  	v13 =	vsub.f32 v13, v0;
	v7 =	vadd.f32 v25, v17;
	v17 =	vsel vm1, v19, v22;
	v19 =	vld [tilespmem:s9+$0x220];
	[tilespmem:s1+$0x200] =	vst v10  }
0x15f: {  	v10 =	vld [tilespmem:s9+$0xFFFFFE00];
	v12 =	vsel vm0, v12, v21;
	vm0 =	vgt.f32 v15, $0.0e+00;
	v20 =	vmul.f32 $2.000000030e-01, v15;
	[tilespmem:s1+$0x210] =	vst v2  }
0x160: {  	v17 =	vsub.f32 v17, v0;
	vm1 =	vgt.f32 v7, $0.0e+00;
	v23 =	vmul.f32 $2.000000030e-01, v7;
	v21 =	vld [tilespmem:s9+$0xFFFFFE10];
	[tilespmem:s1+$0xFFFFFE40] =	vst v1  }
0x161: {  	v1 =	vmul.f32 $1.442695020e+00, v11;
	v11 =	vsub.f32 v12, v0;
	v22 =	vld [tilespmem:s9+$0xFFFFFE20];
	v12 =	vsel vm0, v15, v20;
	[tilespmem:s1+$0xFFFFFFF0] =	vst v3  }
0x162: {  	v13 =	vmul.f32 $1.442695020e+00, v13;
	v3 =	vsel vm1, v7, v23;
	v7 =	vld [tilespmem:s9+$0xFFFFFE30];
	v12 =	vsub.f32 v12, v0;
	v2 =	vpop (erf);
	[tilespmem:s1+$0x80] =	vst v4  }
0x163: {  	v15 =	vmul.f32 $1.442695020e+00, v17;
	v3 =	vsub.f32 v3, v0;
	v4 =	vld [tilespmem:s9+$0xFFFFFE50];
	v17 =	vmul.f32 v19, v2;
	[tilespmem:s1+$0x110] =	vst v5  }
0x164: {  	v11 =	vmul.f32 $1.442695020e+00, v11;
	v5 =	vld [tilespmem:s9+$0xFFFFFE60];
	v12 =	vmul.f32 $1.442695020e+00, v12;
	[tilespmem:s1+$0x1A0] =	vst v6;
	s1 =	smov.u32 s9  }
0x165: {  	v3 =	vmul.f32 $1.442695020e+00, v3;
	v6 =	vld [tilespmem:s9+$0xFFFFFE70];
	[tilespmem:s9+$0x220] =	vst v17;
	(erf) = vpow2.f32 v16  }
0x166: {  	v16 =	vld [tilespmem:s9+$0xFFFFFE80];
	[tilespmem:s9+$0x230] =	vst v2;
	(erf) = vpow2.f32 v1  }
0x167: {  	v17 =	vld [tilespmem:s9+$0xFFFFFE90];
	(erf) = vpow2.f32 v3  }
0x168: {  	v19 =	vld [tilespmem:s9+$0xFFFFFEA0];
	(erf) = vpow2.f32 v13  }
0x169: {  	v13 =	vld [tilespmem:s9+$0xFFFFFEB0];
	(erf) = vpow2.f32 v15  }
0x16a: {  	v15 =	vld [tilespmem:s9+$0xFFFFFEC0];
	(erf) = vpow2.f32 v11  }
0x16b: {  	v11 =	vld [tilespmem:s9+$0xFFFFFEE0];
	(erf) = vpow2.f32 v12  }
0x16c: {  	v12 =	vld [tilespmem:s9+$0xFFFFFEF0]  }
0x16d: {  	v20 =	vld [tilespmem:s9+$0xFFFFFF00]  }
0x16e: {  	v23 =	vld [tilespmem:s9+$0xFFFFFF10];
	v24 =	vpop (erf)  }
0x16f: {  	[tilespmem:s9+$0xFFFFFED0] =	vst v24;
	v29 =	vmul.f32 v24, v4;
	v30 =	vmul.f32 v24, v5;
	v25 =	vld [tilespmem:s9+$0xFFFFFF20];
	v26 =	vpop (erf)  }
0x170: {  	v27 =	vmul.f32 v24, v6;
	v16 =	vmul.f32 v16, v24;
	[tilespmem:s9+$0xFFFFFF60] =	vst v26;
	v28 =	vld [tilespmem:s9+$0xFFFFFF30];
	v1 =	vpop (erf)  }
0x171: {  	v31 =	vmul.f32 v1, v18;
	v32 =	vmul.f32 v1, v14;
	[tilespmem:s9+$0xFFFFFE50] =	vst v29;
	v14 =	vld [tilespmem:s9+$0xFFFFFF40];
	v3 =	vpop (erf)  }
0x172: {  	v8 =	vmul.f32 v1, v8;
	v9 =	vmul.f32 v9, v1;
	[tilespmem:s9+$0xFFFFFE60] =	vst v30;
	v18 =	vld [tilespmem:s9+$0xFFFFFF50];
	v4 =	vpop (erf)  }
0x173: {  	v10 =	vmul.f32 v10, v1;
	v21 =	vmul.f32 v21, v1;
	[tilespmem:s9+$0xFFFFFDC0] =	vst v31;
	v29 =	vld [tilespmem:s9+$0xFFFFFF70];
	v5 =	vpop (erf)  }
0x174: {  	v22 =	vmul.f32 v22, v1;
	v7 =	vmul.f32 v7, v1;
	[tilespmem:s9+$0xFFFFFDD0] =	vst v32;
	v30 =	vld [tilespmem:s9+$0xFFFFFF80];
	v6 =	vpop (erf)  }
0x175: {  	[tilespmem:s9+$0xFFFFFDE0] =	vst v8;
	v8 =	vmul.f32 v17, v24;
	v17 =	vmul.f32 v19, v24;
	v19 =	vld [tilespmem:s9+$0xFFFFFF90]  }
0x176: {  	[tilespmem:s9+$0xFFFFFDF0] =	vst v9;
	v9 =	vmul.f32 v13, v24;
	v13 =	vmul.f32 v15, v24;
	v15 =	vld [tilespmem:s9+$0xFFFFFFA0]  }
0x177: {  	[tilespmem:s9+$0xFFFFFE00] =	vst v10;
	v10 =	vmul.f32 v26, v11;
	v11 =	vmul.f32 v26, v12;
	v12 =	vld [tilespmem:s9+$0xFFFFFFB0]  }
0x178: {  	v20 =	vmul.f32 v26, v20;
	[tilespmem:s9+$0xFFFFFE10] =	vst v21;
	v21 =	vmul.f32 v23, v26;
	v23 =	vld [tilespmem:s9+$0xFFFFFFC0]  }
0x179: {  	v24 =	vmul.f32 v28, v26;
	[tilespmem:s9+$0xFFFFFE20] =	vst v22;
	v22 =	vmul.f32 v25, v26;
	v25 =	vld [tilespmem:s9+$0xFFFFFFD0]  }
0x17a: {  	[tilespmem:s9+$0xFFFFFE30] =	vst v7;
	v7 =	vmul.f32 v14, v26;
	v14 =	vmul.f32 v18, v26;
	v18 =	vld [tilespmem:s9+$0xFFFFFFE0]  }
0x17b: {  	v26 =	vmul.f32 v3, v29;
	[tilespmem:s9+$0xFFFFFE70] =	vst v27;
	v27 =	vmul.f32 v3, v30;
	v28 =	vld [tilespmem:s9+$0x0]  }
0x17c: {  	v15 =	vmul.f32 v15, v3;
	[tilespmem:s9+$0xFFFFFE80] =	vst v16;
	v16 =	vmul.f32 v3, v19;
	v19 =	vld [tilespmem:s9+$0x10]  }
0x17d: {  	v12 =	vmul.f32 v12, v3;
	[tilespmem:s9+$0xFFFFFE90] =	vst v8;
	v23 =	vmul.f32 v23, v3;
	v8 =	vld [tilespmem:s9+$0x20]  }
0x17e: {  	[tilespmem:s9+$0xFFFFFEA0] =	vst v17;
	v17 =	vmul.f32 v25, v3;
	v25 =	vld [tilespmem:s9+$0x30]  }
0x17f: {  	[tilespmem:s9+$0xFFFFFEB0] =	vst v9;
	v18 =	vmul.f32 v18, v3;
	v9 =	vld [tilespmem:s9+$0x40]  }
0x180: {  	[tilespmem:s9+$0xFFFFFEC0] =	vst v13;
	v28 =	vmul.f32 v4, v28;
	v13 =	vld [tilespmem:s9+$0x50]  }
0x181: {  	[tilespmem:s9+$0xFFFFFEE0] =	vst v10;
	v19 =	vmul.f32 v4, v19;
	v10 =	vld [tilespmem:s9+$0x60]  }
0x182: {  	[tilespmem:s9+$0xFFFFFEF0] =	vst v11;
	v29 =	vmul.f32 v4, v8;
	v8 =	vld [tilespmem:s9+$0x70]  }
0x183: {  	[tilespmem:s9+$0xFFFFFF00] =	vst v20;
	v25 =	vmul.f32 v25, v4;
	v11 =	vld [tilespmem:s9+$0x90]  }
0x184: {  	[tilespmem:s9+$0xFFFFFF10] =	vst v21;
	v30 =	vmul.f32 v9, v4;
	v9 =	vld [tilespmem:s9+$0xA0]  }
0x185: {  	[tilespmem:s9+$0xFFFFFF20] =	vst v22;
	v31 =	vmul.f32 v13, v4;
	v13 =	vld [tilespmem:s9+$0xB0]  }
0x186: {  	[tilespmem:s9+$0xFFFFFF30] =	vst v24;
	v32 =	vmul.f32 v10, v4;
	v10 =	vld [tilespmem:s9+$0xC0]  }
0x187: {  	[tilespmem:s9+$0xFFFFFF40] =	vst v7;
	v33 =	vmul.f32 v8, v4;
	v20 =	vld [tilespmem:s9+$0xD0]  }
0x188: {  	[tilespmem:s9+$0xFFFFFF50] =	vst v14;
	v14 =	vmul.f32 v5, v11;
	v11 =	vld [tilespmem:s9+$0xE0]  }
0x189: {  	[tilespmem:s9+$0xFFFFFF70] =	vst v26;
	v8 =	vmul.f32 v5, v9;
	v21 =	vld [tilespmem:s9+$0xF0]  }
0x18a: {  	[tilespmem:s9+$0xFFFFFF80] =	vst v27;
	v9 =	vmul.f32 v5, v13;
	v13 =	vld [tilespmem:s9+$0x100]  }
0x18b: {  	[tilespmem:s9+$0xFFFFFF90] =	vst v16;
	v7 =	vmul.f32 v10, v5;
	v16 =	vld [tilespmem:s9+$0x120]  }
0x18c: {  	[tilespmem:s9+$0xFFFFFFA0] =	vst v15;
	v10 =	vmul.f32 v20, v5;
	v20 =	vld [tilespmem:s9+$0x130]  }
0x18d: {  	[tilespmem:s9+$0xFFFFFFB0] =	vst v12;
	v11 =	vmul.f32 v11, v5;
	v22 =	vld [tilespmem:s9+$0x140]  }
0x18e: {  	[tilespmem:s9+$0xFFFFFFC0] =	vst v23;
	v12 =	vmul.f32 v21, v5;
	v21 =	vld [tilespmem:s9+$0x150]  }
0x18f: {  	[tilespmem:s9+$0xFFFFFFD0] =	vst v17;
	v13 =	vmul.f32 v13, v5;
	v17 =	vld [tilespmem:s9+$0x160]  }
0x190: {  	[tilespmem:s9+$0xFFFFFFE0] =	vst v18;
	v15 =	vmul.f32 v6, v16;
	v18 =	vld [tilespmem:s9+$0x170]  }
0x191: {  	[tilespmem:s9+$0x0] =	vst v28;
	v16 =	vmul.f32 v6, v20;
	v23 =	vld [tilespmem:s9+$0x180]  }
0x192: {  	[tilespmem:s9+$0x10] =	vst v19;
	v19 =	vmul.f32 v6, v22;
	v26 =	vld [tilespmem:s9+$0x190]  }
0x193: {  	[tilespmem:s9+$0x20] =	vst v29;
	v20 =	vmul.f32 v21, v6;
	v27 =	vld [tilespmem:s9+$0x1B0]  }
0x194: {  	[tilespmem:s9+$0x30] =	vst v25;
	v21 =	vmul.f32 v17, v6;
	v28 =	vld [tilespmem:s9+$0x1C0]  }
.Ltmp1:
0x195: {  	[tilespmem:s9+$0x40] =	vst v30;
	v22 =	vmul.f32 v18, v6;
	v24 =	vld [tilespmem:s9+$0x1D0];
	(pc) =	sbr.rel @p0 .LBB2_6-.Ltmp1, $4  }
0x196: {  	[tilespmem:s9+$0x50] =	vst v31;
	v23 =	vmul.f32 v23, v6;
	v25 =	vld [tilespmem:s9+$0x1E0]  }
0x197: {  	[tilespmem:s9+$0x60] =	vst v32;
	v17 =	vmul.f32 v26, v6;
	v26 =	vld [tilespmem:s9+$0x1F0]  }
0x198: {  	[tilespmem:s9+$0x70] =	vst v33;
	v18 =	vmul.f32 v2, v27;
	v27 =	vld [tilespmem:s9+$0x200]  }
0x199: {  	s9 =	sadd.s32 $0x480, s9;
	[tilespmem:s1+$0x90] =	vst v14;
	v14 =	vmul.f32 v2, v28;
	v28 =	vld [tilespmem:s1+$0x210]  }
0x19a: {  	[tilespmem:s1+$0xA0] =	vst v8  }
0x19b: {  	[tilespmem:s1+$0xB0] =	vst v9  }
0x19c: {  	[tilespmem:s1+$0xC0] =	vst v7  }
0x19d: {  	[tilespmem:s1+$0xD0] =	vst v10  }
0x19e: {  	[tilespmem:s1+$0xE0] =	vst v11  }
0x19f: {  	[tilespmem:s1+$0xF0] =	vst v12  }
0x1a0: {  	[tilespmem:s1+$0x100] =	vst v13  }
0x1a1: {  	[tilespmem:s1+$0x120] =	vst v15  }
0x1a2: {  	[tilespmem:s1+$0x130] =	vst v16  }
0x1a3: {  	[tilespmem:s1+$0x140] =	vst v19  }
0x1a4: {  	[tilespmem:s1+$0x150] =	vst v20  }
0x1a5: {  	[tilespmem:s1+$0x160] =	vst v21  }
0x1a6: {  	[tilespmem:s1+$0x170] =	vst v22  }
0x1a7: {  	[tilespmem:s1+$0x180] =	vst v23  }
0x1a8: {  	[tilespmem:s1+$0x190] =	vst v17  }
0x1a9: {  	[tilespmem:s1+$0x1B0] =	vst v18  }
0x1aa: {  	[tilespmem:s1+$0xFFFFFE40] =	vst v1  }
0x1ab: {  	[tilespmem:s1+$0xFFFFFFF0] =	vst v3  }
0x1ac: {  	[tilespmem:s1+$0x80] =	vst v4  }
0x1ad: {  	[tilespmem:s1+$0x110] =	vst v5  }
0x1ae: {  	v60 =	vmul.f32 v2, v24;
	[tilespmem:s1+$0x1A0] =	vst v6  }
0x1af: {  	v61 =	vmul.f32 v25, v2;
	[tilespmem:s1+$0x1C0] =	vst v14  }
0x1b0: {  	v62 =	vmul.f32 v26, v2;
	[tilespmem:s1+$0x1D0] =	vst v60  }
0x1b1: {  	v63 =	vmul.f32 v27, v2;
	[tilespmem:s1+$0x1E0] =	vst v61  }
0x1b2: {  	v2 =	vmul.f32 v28, v2;
	[tilespmem:s1+$0x1F0] =	vst v62  }
0x1b3: {  	[tilespmem:s1+$0x200] =	vst v63  }
0x1b4: {  	s31 =	sadd.s32 $0x1, s31;
	[tilespmem:s1+$0x210] =	vst v2  }
0x1b5: {  	[spmem:s3] =	stream.indirect.scatter.add.f32 [tilespmem:s22], [sflag:$0x2], $0x90, s0, s19, $0xb8;
	[tilespmem:$0x1F690] =	vst v63  }
0x1b6: {  	p0 =	sne.s32 s31, $0x12;
	_ =	swait.ge [sflag:s24], $0x3600  }
.Ltmp2:
0x1b7: {  	[sflag:s24] =	ssyncset.done $0x0;
	(pc) =	sbr.rel @p0 .LBB2_3-.Ltmp2, $4  }
0x1b8: {  	[sflag:s24] =	ssyncadd.s32 $0xFFFFCA00  }
0x1b9: {  	_ =	swait.ge [sflag:s26], $0x3600  }
0x1ba: {  	[sflag:s26] =	ssyncset.done $0x0  }
0x1bb: {  	[sflag:s26] =	ssyncadd.s32 $0xFFFFCA00  }
0x1bc: {  	s30 =	sadd.s32 $0x1, s30  }
0x1bd: {  	p0 =	sne.s32 s30, $0x3  }
.Ltmp3:
0x1be: {  	_ = 	snop;
	(pc) =	sbr.rel @p0 .LBB2_2-.Ltmp3, $1  }
0x1bf: {  	_ =	sdelay $0x3  }
0x1c0: {  	s29 =	sadd.s32 $0x1, s29  }
0x1c1: {  	p0 =	sne.s32 s29, s13  }
.Ltmp4:
0x1c2: {  	[bflag:$0x0] =	sbarrier.arrive $0xFFFF;
	(pc) =	sbr.rel @p0 .LBB2_1-.Ltmp4, $4  }
0x1c3: {  	[hbm:s12], [sflag:s10] =	dma.local [spmem:s14], $0x2C70  }
0x1c4: {  	_ =	swait.ge [sflag:s15], $0x2C70  }
0x1c5: {  	[sflag:s15] =	ssyncset.done $0x0  }
0x1c6: {  	[sflag:s15] =	ssyncadd.s32 $0xFFFFD390  }
0x1c7: {  	_ =	sfence.sel $0x180000  }
0x1c8: {  	[bflag:$0x0] =	sbarrier.arrive $0xFFFF  }
0x1c9: {  	_ =	strace $0x9000004D  }
0x1ca: {  	s0 =	stileid.u32;
	[bflag:$0x2] =	sbarrier.arrive $0xFFFF  }
0x1cb: {  	p0 =	sne.s32 s0, $0x0;
	s0 =	rddreg [dreg:$0x3]  }
0x1cc: {  	s0 =	sadd.s32 @!p0 $0x100000, s0  }
0x1cd: {  	[sflag:s0] =	ssyncadd.tile.s32 @!p0 $0x1;
	_ =	shalt  }
.Lfunc_end2:
_tile_overlayer_lowered:
.L_overlay_start_2:
0x1ce: {  	(tag) =	ssettag $0x2  }
0x1cf: {  	s0 =	rddreg [dreg:$0x0];
	s2 =	stileid.u32  }
0x1d0: {  	s1 =	rddreg [dreg:$0x1];
	p0 =	sne.s32 s2, $0x0  }
0x1d1: {  	s3 =	rddreg [dreg:$0x2];
	[bflag:$0x3] =	sbarrier.arrive $0xFFFF;
	s2 =	simm.s32 @!p0 $0x1C05  }
0x1d2: {  	[timem:s3], [sflag:s2] =	dma.local @!p0 [hbm:s0], s1  }
0x1d3: {  	s0 =	simm.s32 @!p0 $0x5  }
0x1d4: {  	_ =	swait.ge @!p0 [sflag:s0], s1  }
0x1d5: {  	s1 =	ssub.s32 @!p0 $0x0, s1;
	[sflag:s0] =	ssyncset.done @!p0 $0x0  }
0x1d6: {  	[sflag:s0] =	ssyncadd.s32 @!p0 s1  }
0x1d7: {  	[bflag:$0x3] =	sbarrier.arrive $0xFFFF  }
0x1d8: {  	_ =	shalt  }

// kernel: kernel.28.cloned.1.call-start
scs
__scs_entry_jumppad:
0x0: {  	(pc) =	sbr.rel $0x88, $3  }
0x1: {  	(tag) =	ssettag $0x0;
	lr =	simm.s32 $0x1  }
0x2: {  	[smem:$0x3F86] =	sst lr;
	_ =	strace $0xD0000000  }
0x3: {  	_ = 	snop  }
0x4: {  	_ = 	snop  }
0x5: {  	_ = 	snop  }
0x6: {  	_ = 	snop  }
0x7: {  	_ = 	snop  }
__scs_overlays_trampoline_lowered:
0x8: {  	[smem:$0x3F95] =	sst s0  }
0x9: {  	[smem:$0x3F96] =	sst s1  }
0xa: {  	[smem:$0x3F97] =	sst s2  }
0xb: {  	[smem:$0x3F98] =	sst s3  }
0xc: {  	[smem:$0x3F99] =	sst s4  }
0xd: {  	[smem:$0x3F9A] =	sst s5  }
0xe: {  	[smem:$0x3F9B] =	sst s6  }
0xf: {  	[smem:$0x3F9C] =	sst s7  }
0x10: {  	[smem:$0x3F9D] =	sst s8  }
0x11: {  	[smem:$0x3F9E] =	sst s9;
	s0 =	simm.s32 @!p0 $0x0  }
0x12: {  	s1 =	sld [smem:$0x3F84];
	s0 =	simm.s32 @p0 $0x1  }
0x13: {  	[smem:$0x3F9F] =	sst s0;
	s0 =	simm.s32 @!p1 $0x0  }
0x14: {  	s2 =	sld [smem:$0x3F83];
	s0 =	simm.s32 @p1 $0x1  }
0x15: {  	[smem:$0x3FA0] =	sst s0;
	s0 =	simm.s32 @!p2 $0x0  }
0x16: {  	s3 =	sld [smem:$0x3FDB];
	s0 =	simm.s32 @p2 $0x1  }
0x17: {  	s4 =	simm.s32 $0x1BF5;
	[smem:$0x3FA2] =	sst s0  }
0x18: {  	s0 =	sld [smem:$0x3F85];
	_ =	swait.ge [sflag:s4], $0x0  }
0x19: {  	s7 =	sld [smem:$0x3F86]  }
0x1a: {  	s8 =	sadd.s32 $0xFFFFE003, lr  }
0x1b: {  	s9 =	sadd.s32 $0xFFFFFEF7, lr;
	s5 =	simm.s32 $0xFFFFFFFF;
	p2 =	slt.u32 s8, $0xFFFFF086  }
0x1c: {  	p1 =	slt.u32 s9, $0xF7A;
	s5 =	simm.s32 @!p2 $0x0  }
0x1d: {  	s5 =	simm.s32 @p1 $0x1;
	p0 =	seq.s32 s7, s2  }
0x1e: {  	s7 =	smul.u32 @!p0 $0xF7A, s2;
	p2 =	seq.s32 @!p0 s5, $0x0  }
0x1f: {  	s9 =	smul.u32 $0xF7A, s1;
	s8 =	simm.s32 @!p0 $0x1BF5;
	p2 =	por !p2, p0  }
0x20: {  	[sflag:s8] =	ssyncset.s32 @!p0 $0xFFFFF086;
	s6 =	sadd.s32 @!p0 s3, s7;
	s7 =	simm.s32 @!p0 $0x108  }
0x21: {  	s3 =	sadd.s32 s3, s9;
	s6 =	sadd.s32 @!p0 $0x88, s6;
	s7 =	simm.s32 @p2 $0x1082  }
0x22: {  	[simem:s7], [sflag:s8] =	dma.local @!p0 [hbm:s6], $0xF7A  }
0x23: {  	s9 =	sor.u32 $0xD0000000, s2;
	s6 =	simm.s32 $0x108;
	_ =	swait.ge @!p0 [sflag:s8], $0x0  }
0x24: {  	s3 =	sadd.s32 $0x88, s3;
	s6 =	simm.s32 @!p1 $0x1082;
	[sflag:s4] =	ssyncset.s32 $0xFFFFF086  }
0x25: {  	[simem:s6], [sflag:s4] =	dma.local [hbm:s3], $0xF7A  }
0x26: {  	[smem:$0x3F86] =	sst s1;
	(tag) =	ssettag s2;
	_ =	strace s9  }
0x27: {  	s1 =	sld [smem:$0x3F96]  }
0x28: {  	s2 =	sld [smem:$0x3F97]  }
0x29: {  	s4 =	sld [smem:$0x3F99]  }
0x2a: {  	p0 =	seq.s32 s5, $0x0;
	s5 =	sld [smem:$0x3F9A]  }
0x2b: {  	s6 =	sld [smem:$0x3F9B]  }
0x2c: {  	s7 =	sld [smem:$0x3F9C]  }
0x2d: {  	s3 =	simm.s32 $0x108;
	s8 =	sld [smem:$0x3F9D]  }
0x2e: {  	s3 =	simm.s32 @!p0 $0x1082;
	s9 =	sld [smem:$0x3F9E]  }
0x2f: {  	lr =	sadd.s32 s0, s3;
	s0 =	sld [smem:$0x3F95]  }
0x30: {  	s3 =	sld [smem:$0x3F98]  }
0x31: {  	[smem:$0x3FA1] =	sst s10  }
0x32: {  	s10 =	sld [smem:$0x3F9F];
	_ =	sdelay $0x3  }
0x33: {  	p0 =	seq.s32 s10, $0x1;
	s10 =	sld [smem:$0x3FA1];
	_ =	sdelay $0x3  }
0x34: {  	[smem:$0x3FA1] =	sst s10  }
0x35: {  	s10 =	sld [smem:$0x3FA0];
	_ =	sdelay $0x3  }
0x36: {  	p1 =	seq.s32 s10, $0x1;
	s10 =	sld [smem:$0x3FA1];
	_ =	sdelay $0x3  }
0x37: {  	[smem:$0x3FA1] =	sst s10  }
0x38: {  	s10 =	sld [smem:$0x3FA2]  }
0x39: {  	_ = 	snop;
	(pc) =	sbr.ind lr, $3  }
0x3a: {  	_ = 	snop  }
0x3b: {  	_ = 	snop  }
0x3c: {  	p2 =	seq.s32 s10, $0x1;
	s10 =	sld [smem:$0x3FA1]  }
0x3d: {  	_ =	shalt  }
0x3e: {  	_ =	shalt  }
0x3f: {  	_ =	shalt  }
0x40: {  	_ =	shalt  }
0x41: {  	_ =	shalt  }
0x42: {  	_ =	shalt  }
0x43: {  	_ =	shalt  }
0x44: {  	_ =	shalt  }
0x45: {  	_ =	shalt  }
0x46: {  	_ =	shalt  }
0x47: {  	_ =	shalt  }
0x48: {  	_ =	shalt  }
0x49: {  	_ =	shalt  }
0x4a: {  	_ =	shalt  }
0x4b: {  	_ =	shalt  }
0x4c: {  	_ =	shalt  }
0x4d: {  	_ =	shalt  }
0x4e: {  	_ =	shalt  }
0x4f: {  	_ =	shalt  }
0x50: {  	_ =	shalt  }
0x51: {  	_ =	shalt  }
0x52: {  	_ =	shalt  }
0x53: {  	_ =	shalt  }
0x54: {  	_ =	shalt  }
0x55: {  	_ =	shalt  }
0x56: {  	_ =	shalt  }
0x57: {  	_ =	shalt  }
0x58: {  	_ =	shalt  }
0x59: {  	_ =	shalt  }
0x5a: {  	_ =	shalt  }
0x5b: {  	_ =	shalt  }
0x5c: {  	_ =	shalt  }
0x5d: {  	_ =	shalt  }
0x5e: {  	_ =	shalt  }
0x5f: {  	_ =	shalt  }
0x60: {  	_ =	shalt  }
0x61: {  	_ =	shalt  }
0x62: {  	_ =	shalt  }
0x63: {  	_ =	shalt  }
0x64: {  	_ =	shalt  }
0x65: {  	_ =	shalt  }
0x66: {  	_ =	shalt  }
0x67: {  	_ =	shalt  }
0x68: {  	_ =	shalt  }
0x69: {  	_ =	shalt  }
0x6a: {  	_ =	shalt  }
0x6b: {  	_ =	shalt  }
0x6c: {  	_ =	shalt  }
0x6d: {  	_ =	shalt  }
0x6e: {  	_ =	shalt  }
0x6f: {  	_ =	shalt  }
0x70: {  	_ =	shalt  }
0x71: {  	_ =	shalt  }
0x72: {  	_ =	shalt  }
0x73: {  	_ =	shalt  }
0x74: {  	_ =	shalt  }
0x75: {  	_ =	shalt  }
0x76: {  	_ =	shalt  }
0x77: {  	_ =	shalt  }
0x78: {  	_ =	shalt  }
0x79: {  	_ =	shalt  }
0x7a: {  	_ =	shalt  }
0x7b: {  	_ =	shalt  }
0x7c: {  	_ =	shalt  }
0x7d: {  	_ =	shalt  }
0x7e: {  	_ =	shalt  }
0x7f: {  	_ =	shalt  }
0x80: {  	_ =	shalt  }
0x81: {  	_ =	shalt  }
0x82: {  	_ =	shalt  }
0x83: {  	_ =	shalt  }
0x84: {  	_ =	shalt  }
0x85: {  	_ =	shalt  }
0x86: {  	_ =	shalt  }
0x87: {  	_ =	shalt  }
.Lfunc_end0:
.L_simem_size_0:
called_computation.3_lowered:
.L_overlay_start_0:
0x88: {  	s2 =	sld [smem:$0x3FD9]  }
0x89: {  	s3 =	sld [smem:$0x3FFE];
	_ =	sdelay $0x1  }
0x8a: {  	s1 =	srdreg.scid  }
0x8b: {  	s0 =	sand.u32 $0x1, s1  }
0x8c: {  	s17 =	sshll.u32 s0, $0xA;
	s2 =	sadd.s32 s3, s2  }
0x8d: {  	s2 =	sadd.s32 s2, s17  }
0x8e: {  	[smem:$0x3FAD] =	sst s2  }
0x8f: {  	_ = 	snop  }
0x90: {  	s2 =	sld [smem:$0x3FD0];
	(tm) =	ssettm $0x1  }
0x91: {  	s18 =	sld [smem:$0x3FFB];
	_ =	sdelay $0x3  }
0x92: {  	_ =	strace s18  }
0x93: {  	s3 =	sld [smem:$0x3FFC];
	_ =	sdelay $0x3  }
0x94: {  	_ =	strace s3  }
0x95: {  	s3 =	sld [smem:$0x3FFD];
	_ =	sdelay $0x3  }
0x96: {  	_ =	strace s3  }
0x97: {  	_ =	strace $0x8FFFFFFF  }
0x98: {  	s19 =	sld [smem:$0x3FDB];
	_ =	sdelay $0x1  }
0x99: {  	s4 =	simm.s32 $_scs_section_size  }
0x9a: {  	s5 =	simm.s32 $_size__tile_overlayer_lowered;
	s6 =	simm.s32 $_tile_overlayer_lowered  }
0x9b: {  	s22 =	simm.s32 $0x1BFF;
	s21 =	sshll.u32 s6, $0x1;
	s3 =	sadd.s32 s4, s19  }
0x9c: {  	s7 =	simm.s32 $0x0;
	s20 =	sshll.u32 s5, $0x1;
	s5 =	sadd.s32 s21, s3  }
0x9d: {  	[timem:s7], [sflag:s22] =	dma.local [hbm:s5], s20  }
0x9e: {  	_ =	swait.ge [sflag:s22], s20  }
0x9f: {  	s4 =	ssub.s32 $0x0, s20;
	[sflag:s22] =	ssyncset.done $0x0  }
0xa0: {  	[sflag:s22] =	ssyncadd.s32 s4;
	_ =	sdelay $0x1  }
0xa1: {  	s23 =	simm.s32 $0x1B8B  }
0xa2: {  	_ =	swait.ge [sflag:s23], $0x1  }
0xa3: {  	[sflag:s23] =	ssyncset.done $0x0  }
0xa4: {  	s25 =	simm.s32 $0x1B8E;
	s24 =	sld [smem:$0x3FFE];
	[sflag:s23] =	ssyncadd.s32 $0xFFFFFFFF  }
0xa5: {  	s26 =	simm.s32 $execute0_lowered;
	[smem:$0x3FD2] =	sst s25  }
0xa6: {  	s5 =	sshll.u32 s26, $0x1;
	_ =	strace $0x8000004F;
	[dreg:$0x1] =	wrdreg $0xFFFFFFFF  }
0xa7: {  	s28 =	simm.s32 $_size_execute0_lowered;
	s3 =	sadd.s32 s3, s5;
	[dreg:$0x0] =	wrdreg $0x0  }
0xa8: {  	s5 =	sshll.u32 s28, $0x1;
	[dreg:$0x2] =	wrdreg s3  }
0xa9: {  	[dreg:$0x3] =	wrdreg s5  }
0xaa: {  	[dreg:$0x4] =	wrdreg $0xC0  }
0xab: {  	_ =	task [dreg:s7], $0x5FFFF  }
0xac: {  	[dreg:$0x1] =	wrdreg $0xFFFFFFFF  }
0xad: {  	[dreg:$0x0] =	wrdreg $0x60  }
0xae: {  	[dreg:$0x2] =	wrdreg s24  }
0xaf: {  	[dreg:$0x3] =	wrdreg s2  }
0xb0: {  	[dreg:$0x4] =	wrdreg $0x0  }
0xb1: {  	[dreg:$0x5] =	wrdreg $0x9  }
0xb2: {  	_ =	task.clear_ibuf [dreg:s7], $0x6FFFF;
	_ =	strace $0x9000004F  }
0xb3: {  	s29 =	simm.s32 $0x9;
	_ =	strace $0x80000051  }
0xb4: {  	_ =	swait.ge [sflag:s29], $0x1  }
0xb5: {  	[sflag:s29] =	ssyncadd.s32 $0xFFFFFFFF  }
0xb6: {  	_ =	strace $0x90000051  }
0xb7: {  	_ =	sfence  }
0xb8: {  	s30 =	sld [smem:$0x0];
	_ =	sdelay $0x2  }
0xb9: {  	s31 =	sshll.u32 s1, $0xD;
	s1 =	sshrl.u32 s1, $0x2  }
0xba: {  	s3 =	sand.u32 $0x4000, s31;
	s1 =	sadd.s32 s1, s30  }
0xbb: {  	s0 =	sor.u32 s3, s0;
	s1 =	sshll.u32 s1, $0x11  }
0xbc: {  	s0 =	sor.u32 s1, s0  }
0xbd: {  	s0 =	sadd.s32 $0x8F2B, s0  }
0xbe: {  	[sflag:s0] =	ssyncadd.remote.s32 $0x1  }
0xbf: {  	_ =	sfence.sel $0xFFFF  }
0xc0: {  	[dreg:$0x0] =	wrdreg $0xFFFFFFFF;
	(pc) =	sbr.abs _section_cstart, $3  }
0xc1: {  	[dreg:$0x1] =	wrdreg $0xFFFFFFFF  }
0xc2: {  	_ =	task.clear_ibuf [dreg:s7], $0x2FFFF;
	_ =	strace $0x9FFFFFFF  }
0xc3: {  	(tm) =	ssettm $0x7FFFFFFF  }
tec
execute0_lowered:
.L_overlay_start_1:
0x0: {  	(tag) =	ssettag $0x1  }
0x1: {  	s0 =	rddreg [dreg:$0x0]  }
0x2: {  	s3 =	rddreg [dreg:$0x2]  }
0x3: {  	s1 =	srdreg.scid;
	s10 =	stileid.u32;
	s4 =	simm.s32 $0x0  }
0x4: {  	s15 =	simm.s32 $0x5;
	s17 =	simm.s32 $0x16380;
	s18 =	simm.s32 $0x17100  }
0x5: {  	s19 =	simm.s32 $0x60;
	s20 =	simm.s32 $0x17E80;
	s21 =	simm.s32 $0x1EA80  }
0x6: {  	s22 =	simm.s32 $0x1B480;
	s23 =	simm.s32 $0x1F080;
	s24 =	simm.s32 $0x1  }
0x7: {  	s25 =	simm.s32 $0x3;
	s28 =	simm.s32 $0x4;
	s29 =	simm.s32 $0x0  }
0x8: {  	s1 =	sand.u32 $0x1, s1;
	s2 =	smul.u32 $0x16380, s10;
	[smem:$0x7FF] =	sst s4  }
0x9: {  	s5 =	sadd.s32 $0x4A00, s0;
	s6 =	sadd.s32 $0x31200, s0;
	s7 =	sadd.s32 $0x40400, s0  }
0xa: {  	s8 =	sadd.s32 $0x36200, s0;
	s11 =	sadd.s32 $0x4A600, s0;
	s31 =	sshll.u32 s10, $0x6  }
0xb: {  	s26 =	smul.u32 $0x163800, s1;
	_ =	strace $0x80000050;
	s9 =	ssub.s32 $0x2, s1  }
0xc: {  	[dreg:$0x4] =	wrdreg s11;
	s1 =	sshll.u32 s1, $0x4;
	s30 =	sshrl.u32 s9, $0x1  }
0xd: {  	s1 =	sor.u32 s10, s1;
	s10 =	sor.u32 $0x1C05, s31;
	s4 =	sadd.s32 s2, s26  }
0xe: {  	s2 =	sadd.s32 s2, s3;
	s11 =	smul.u32 $0x2880, s1;
	s4 =	sshrl.u32 s4, $0x3  }
0xf: {  	s26 =	simm.s32 $0x2;
	s0 =	sadd.s32 s4, s0;
	s4 =	ssub.s32 s9, s30  }
0x10: {  	s14 =	sshrl.u32 s2, $0x3;
	s12 =	sadd.s32 $0x4D400, s0;
	s13 =	smax.u32 s4, $0x1  }
.LBB2_1:
0x11: {  	s0 =	rddreg [dreg:$0x4]  }
0x12: {  	[spmem:s14], [sflag:s10] =	dma.local [hbm:s0], $0x2C70  }
0x13: {  	_ =	swait.ge [sflag:s15], $0x2C70  }
0x14: {  	[sflag:s15] =	ssyncset.done $0x0  }
0x15: {  	[sflag:s15] =	ssyncadd.s32 $0xFFFFD390  }
0x16: {  	s1 =	simm.s32 $0x0;
	s2 =	simm.s32 $0x1F680;
	s31 =	rddreg [dreg:$0x1]  }
0x17: {  	[tilespmem:s2], [sflag:$0x5] =	stream.linear.gather [hbm4b:s31+s1], $0x10, $0x38;
	[tilespmem:$0x1F690] =	vst v63  }
0x18: {  	_ =	swait.ge [sflag:s15], $0x10  }
0x19: {  	[sflag:s15] =	ssyncset.done $0x0  }
0x1a: {  	[sflag:s15] =	ssyncadd.s32 $0xFFFFFFF0  }
0x1b: {  	[bflag:$0x0] =	sbarrier.arrive $0xFFFF  }
0x1c: {  	s30 =	simm.s32 $0x0;
	v0 =	vld [tilespmem:$0x1F680]  }
.LBB2_2:
0x1d: {  	s0 =	smul.u32 $0xD80, s30;
	_ =	sdelay $0x1  }
0x1e: {  	s0 =	sadd.s32 s11, s0  }
0x1f: {  	s0 =	sshrl.u32 s0, $0x3  }
0x20: {  	s31 =	simm.s32 $0x0;
	s1 =	sadd.s32 s7, s0  }
0x21: {  	[tilespmem:s17], [sflag:$0x5] =	stream.linear.gather [hbm4b:s1+s31], $0xD80, $0x38;
	[tilespmem:$0x1F690] =	vst v63  }
0x22: {  	_ =	swait.ge [sflag:s15], $0xD80  }
0x23: {  	[sflag:s15] =	ssyncset.done $0x0  }
0x24: {  	s0 =	sadd.s32 s8, s0;
	[sflag:s15] =	ssyncadd.s32 $0xFFFFF280  }
0x25: {  	[tilespmem:s18], [sflag:$0x5] =	stream.linear.gather [hbm4b:s0+s31], $0xD80, $0x38;
	[tilespmem:$0x1F690] =	vst v63  }
0x26: {  	_ =	swait.ge [sflag:s15], $0xD80  }
0x27: {  	[sflag:s15] =	ssyncset.done $0x0  }
0x28: {  	[sflag:s15] =	ssyncadd.s32 $0xFFFFF280  }
.LBB2_3:
0x29: {  	s0 =	smul.u32 $0xC0, s31;
	_ =	sdelay $0x1  }
0x2a: {  	s1 =	sadd.s32 $0x16380, s0  }
0x2b: {  	[tilespmem:s20], [sflag:$0x1] =	stream.indirect.gather [hbm4b:s5+s19], $0x90, s1, s19, $0xb8;
	[tilespmem:$0x1F690] =	vst v63  }
0x2c: {  	s1 =	sadd.s32 $0x17100, s0  }
0x2d: {  	[tilespmem:s21], [sflag:$0x3] =	stream.indirect.gather [hbm4b:s6+s19], $0x10, s1, s19, $0xb8;
	[tilespmem:$0x1F690] =	vst v63  }
0x2e: {  	s2 =	sadd.s32 $0x163E0, s0  }
0x2f: {  	[tilespmem:s22], [sflag:$0x2] =	stream.indirect.gather [hbm4b:s5+s19], $0x90, s2, s19, $0xb8;
	[tilespmem:$0x1F690] =	vst v63  }
0x30: {  	s0 =	sadd.s32 $0x17160, s0  }
0x31: {  	[tilespmem:s23], [sflag:$0x4] =	stream.indirect.gather [hbm4b:s6+s19], $0x10, s0, s19, $0xb8;
	[tilespmem:$0x1F690] =	vst v63  }
0x32: {  	_ =	swait.ge [sflag:s24], $0x3600  }
0x33: {  	[sflag:s24] =	ssyncset.done $0x0  }
0x34: {  	[sflag:s24] =	ssyncadd.s32 $0xFFFFCA00  }
0x35: {  	_ =	swait.ge [sflag:s25], $0x600  }
0x36: {  	[sflag:s25] =	ssyncset.done $0x0  }
0x37: {  	s2 =	simm.s32 $0x180C0;
	[sflag:s25] =	ssyncadd.s32 $0xFFFFFA00  }
0x38: {  	s16 =	simm.s32 $0x1EAC0;
	v1 =	vld [tilespmem:s2+$0x230]  }
0x39: {  	v2 =	vld [tilespmem:s16+$0x30]  }
0x3a: {  	v3 =	vld [tilespmem:s16+$0xFFFFFFC0]  }
0x3b: {  	v4 =	vld [tilespmem:s2+$0xFFFFFED0]  }
0x3c: {  	v5 =	vld [tilespmem:s16+$0xFFFFFFD0]  }
0x3d: {  	v6 =	vld [tilespmem:s2+$0xFFFFFF60]  }
0x3e: {  	v7 =	vld [tilespmem:s16+$0xFFFFFFE0]  }
0x3f: {  	v8 =	vld [tilespmem:s2+$0xFFFFFFF0]  }
0x40: {  	v9 =	vld [tilespmem:s16+$0xFFFFFFF0]  }
0x41: {  	v10 =	vld [tilespmem:s2+$0x80]  }
0x42: {  	v11 =	vld [tilespmem:s16+$0x0]  }
0x43: {  	v12 =	vld [tilespmem:s2+$0x110]  }
0x44: {  	v13 =	vld [tilespmem:s16+$0x10]  }
0x45: {  	v14 =	vld [tilespmem:s2+$0x1A0]  }
0x46: {  	v15 =	vld [tilespmem:s16+$0x20]  }
0x47: {  	v17 =	vld [tilespmem:s2+$0xFFFFFDC0];
	v1 =	vadd.f32 v2, v1  }
0x48: {  	v18 =	vld [tilespmem:s2+$0xFFFFFDF0]  }
0x49: {  	v2 =	vld [tilespmem:s2+$0xFFFFFE40];
	v16 =	vmul.f32 $2.000000030e-01, v1  }
0x4a: {  	v20 =	vld [tilespmem:s2+$0xFFFFFE10];
	v4 =	vadd.f32 v5, v4;
	vm0 =	vgt.f32 v1, $0.0e+00  }
0x4b: {  	v21 =	vld [tilespmem:s2+$0xFFFFFE50];
	v6 =	vadd.f32 v7, v6;
	v1 =	vsel vm0, v1, v16  }
0x4c: {  	v22 =	vld [tilespmem:s2+$0xFFFFFE60];
	v16 =	vmul.f32 $2.000000030e-01, v4;
	v1 =	vsub.f32 v1, v0  }
0x4d: {  	v23 =	vld [tilespmem:s2+$0xFFFFFE80];
	vm9 =	vgt.f32 v4, $0.0e+00;
	v19 =	vmul.f32 $2.000000030e-01, v6;
	vm10 =	vgt.f32 v6, $0.0e+00  }
0x4e: {  	v24 =	vld [tilespmem:s2+$0xFFFFFE90];
	v2 =	vadd.f32 v3, v2;
	v4 =	vsel vm9, v4, v16;
	v1 =	vmul.f32 $1.442695020e+00, v1  }
0x4f: {  	v25 =	vld [tilespmem:s2+$0xFFFFFEA0];
	v6 =	vsel vm10, v6, v19;
	v4 =	vsub.f32 v4, v0  }
0x50: {  	v26 =	vld [tilespmem:s2+$0xFFFFFEB0];
	v19 =	vmul.f32 $2.000000030e-01, v2;
	(erf) = vpow2.f32 v1;
	v1 =	vsub.f32 v6, v0  }
0x51: {  	v27 =	vld [tilespmem:s2+$0xFFFFFEE0];
	vm11 =	vgt.f32 v2, $0.0e+00;
	v4 =	vmul.f32 $1.442695020e+00, v4  }
0x52: {  	v28 =	vld [tilespmem:s2+$0xFFFFFF00];
	v2 =	vsel vm11, v2, v19;
	v1 =	vmul.f32 $1.442695020e+00, v1  }
0x53: {  	v29 =	vld [tilespmem:s2+$0xFFFFFF10];
	v2 =	vsub.f32 v2, v0;
	(erf) = vpow2.f32 v4  }
0x54: {  	v31 =	vld [tilespmem:s2+$0xFFFFFF20];
	(erf) = vpow2.f32 v1  }
0x55: {  	v3 =	vld [tilespmem:s2+$0x220];
	v2 =	vmul.f32 $1.442695020e+00, v2  }
0x56: {  	v33 =	vld [tilespmem:s2+$0xFFFFFEC0]  }
0x57: {  	v34 =	vld [tilespmem:s2+$0xFFFFFF30]  }
0x58: {  	v61 =	vld [tilespmem:s2+$0x160];
	(erf) = vpow2.f32 v2  }
0x59: {  	v63 =	vld [tilespmem:s2+$0x170];
	v2 =	vpop (erf)  }
0x5a: {  	v4 =	vld [tilespmem:s2+$0xFFFFFE70];
	v1 =	vmul.f32 v3, v2  }
0x5b: {  	v36 =	vld [tilespmem:s2+$0x180];
	[tilespmem:s2+$0x230] =	vst v2  }
0x5c: {  	v5 =	vld [tilespmem:s2+$0xFFFFFDD0];
	v30 =	vpop (erf);
	[tilespmem:s2+$0x220] =	vst v1  }
0x5d: {  	v7 =	vld [tilespmem:s2+$0xFFFFFDE0];
	v21 =	vmul.f32 v30, v21;
	[tilespmem:s2+$0xFFFFFED0] =	vst v30;
	v32 =	vpop (erf)  }
0x5e: {  	v12 =	vadd.f32 v13, v12;
	v13 =	vld [tilespmem:s2+$0x30];
	v22 =	vmul.f32 v30, v22;
	[tilespmem:s2+$0xFFFFFF60] =	vst v32  }
0x5f: {  	v16 =	vld [tilespmem:s2+$0xFFFFFE00];
	v4 =	vmul.f32 v30, v4;
	[tilespmem:s2+$0xFFFFFE50] =	vst v21  }
0x60: {  	v10 =	vadd.f32 v11, v10;
	v6 =	vld [tilespmem:s2+$0xFFFFFE20];
	v11 =	vmul.f32 v23, v30;
	[tilespmem:s2+$0xFFFFFE60] =	vst v22  }
0x61: {  	v14 =	vadd.f32 v15, v14;
	v19 =	vld [tilespmem:s2+$0xFFFFFE30];
	v1 =	vpop (erf);
	[tilespmem:s2+$0xFFFFFE70] =	vst v4;
	v15 =	vmul.f32 v32, v28  }
0x62: {  	v8 =	vadd.f32 v9, v8;
	v3 =	vld [tilespmem:s2+$0xFFFFFEF0];
	[tilespmem:s2+$0xFFFFFE80] =	vst v11;
	v17 =	vmul.f32 v1, v17  }
0x63: {  	v23 =	vld [tilespmem:s2+$0x0];
	v5 =	vmul.f32 v1, v5;
	v7 =	vmul.f32 v1, v7;
	[tilespmem:s2+$0xFFFFFF00] =	vst v15  }
0x64: {  	v21 =	vld [tilespmem:s2+$0xFFFFFF40];
	v9 =	vmul.f32 v18, v1;
	v18 =	vmul.f32 $2.000000030e-01, v8;
	[tilespmem:s2+$0xFFFFFDC0] =	vst v17  }
0x65: {  	vm12 =	vgt.f32 v8, $0.0e+00;
	v22 =	vld [tilespmem:s2+$0xFFFFFF50];
	[tilespmem:s2+$0xFFFFFDD0] =	vst v5  }
0x66: {  	v11 =	vld [tilespmem:s2+$0x10];
	v16 =	vmul.f32 v16, v1;
	[tilespmem:s2+$0xFFFFFDE0] =	vst v7;
	v8 =	vsel vm12, v8, v18  }
0x67: {  	v28 =	vld [tilespmem:s2+$0xB0];
	v20 =	vmul.f32 v20, v1;
	[tilespmem:s2+$0xFFFFFDF0] =	vst v9;
	v8 =	vsub.f32 v8, v0  }
0x68: {  	v4 =	vmul.f32 $2.000000030e-01, v10;
	v6 =	vmul.f32 v6, v1;
	v17 =	vld [tilespmem:s2+$0xFFFFFF70];
	[tilespmem:s2+$0xFFFFFE00] =	vst v16  }
0x69: {  	vm13 =	vgt.f32 v10, $0.0e+00;
	v3 =	vmul.f32 v32, v3;
	v5 =	vld [tilespmem:s2+$0xFFFFFF80];
	[tilespmem:s2+$0xFFFFFE10] =	vst v20;
	v8 =	vmul.f32 $1.442695020e+00, v8  }
0x6a: {  	v4 =	vsel vm13, v10, v4;
	v10 =	vmul.f32 v33, v30;
	v15 =	vmul.f32 v34, v32;
	v7 =	vld [tilespmem:s2+$0xFFFFFF90];
	[tilespmem:s2+$0xFFFFFE20] =	vst v6  }
0x6b: {  	v9 =	vld [tilespmem:s2+$0xFFFFFFA0];
	v18 =	vmul.f32 v19, v1;
	v4 =	vsub.f32 v4, v0;
	[tilespmem:s2+$0xFFFFFEF0] =	vst v3;
	(erf) = vpow2.f32 v8  }
0x6c: {  	v16 =	vld [tilespmem:s2+$0xFFFFFFB0];
	v20 =	vmul.f32 v24, v30;
	v24 =	vmul.f32 v25, v30;
	[tilespmem:s2+$0xFFFFFEC0] =	vst v10  }
0x6d: {  	v19 =	vld [tilespmem:s2+$0xFFFFFFC0];
	v25 =	vmul.f32 $2.000000030e-01, v12;
	[tilespmem:s2+$0xFFFFFF30] =	vst v15;
	v4 =	vmul.f32 $1.442695020e+00, v4  }
0x6e: {  	vm14 =	vgt.f32 v12, $0.0e+00;
	v6 =	vld [tilespmem:s2+$0xFFFFFFD0];
	[tilespmem:s2+$0xFFFFFEA0] =	vst v24;
	v24 =	vmul.f32 v32, v27  }
0x6f: {  	v10 =	vld [tilespmem:s2+$0x50];
	[tilespmem:s2+$0xFFFFFE30] =	vst v18;
	v12 =	vsel vm14, v12, v25;
	v25 =	vmul.f32 $2.000000030e-01, v14;
	(erf) = vpow2.f32 v4  }
0x70: {  	vm15 =	vgt.f32 v14, $0.0e+00;
	v15 =	vld [tilespmem:s2+$0xC0];
	[tilespmem:s2+$0xFFFFFE90] =	vst v20;
	v3 =	vsub.f32 v12, v0;
	v4 =	vmul.f32 v31, v32  }
0x71: {  	v18 =	vld [tilespmem:s2+$0xFFFFFFE0];
	v21 =	vmul.f32 v21, v32;
	[tilespmem:s2+$0xFFFFFEE0] =	vst v24;
	v14 =	vsel vm15, v14, v25  }
0x72: {  	v20 =	vld [tilespmem:s2+$0x20];
	v8 =	vmul.f32 v26, v30;
	[tilespmem:s2+$0xFFFFFF20] =	vst v4;
	v4 =	vsub.f32 v14, v0  }
0x73: {  	v27 =	vld [tilespmem:s2+$0x70];
	[tilespmem:s2+$0xFFFFFF40] =	vst v21;
	v26 =	vmul.f32 v29, v32;
	v25 =	vmul.f32 $1.442695020e+00, v3  }
0x74: {  	v12 =	vld [tilespmem:s2+$0x90];
	[tilespmem:s2+$0xFFFFFEB0] =	vst v8;
	v14 =	vmul.f32 v22, v32;
	v4 =	vmul.f32 $1.442695020e+00, v4;
	v3 =	vpop (erf)  }
0x75: {  	v24 =	vld [tilespmem:s2+$0x60];
	[tilespmem:s2+$0xFFFFFF10] =	vst v26;
	(erf) = vpow2.f32 v25;
	v17 =	vmul.f32 v3, v17  }
0x76: {  	v8 =	vld [tilespmem:s2+$0x40];
	[tilespmem:s2+$0xFFFFFF50] =	vst v14;
	v5 =	vmul.f32 v3, v5  }
0x77: {  	v21 =	vld [tilespmem:s2+$0xD0];
	v7 =	vmul.f32 v3, v7;
	[tilespmem:s2+$0xFFFFFF70] =	vst v17  }
0x78: {  	v29 =	vld [tilespmem:s2+$0x150];
	(erf) = vpow2.f32 v4;
	v9 =	vmul.f32 v9, v3;
	v4 =	vpop (erf);
	[tilespmem:s2+$0xFFFFFF80] =	vst v5  }
0x79: {  	v26 =	vld [tilespmem:s2+$0xA0];
	v6 =	vmul.f32 v6, v3;
	v11 =	vmul.f32 v4, v11;
	[tilespmem:s2+$0xFFFFFF90] =	vst v7  }
0x7a: {  	v22 =	vld [tilespmem:s2+$0x100];
	v20 =	vmul.f32 v4, v20;
	v5 =	vmul.f32 v16, v3;
	[tilespmem:s2+$0xFFFFFFA0] =	vst v9  }
0x7b: {  	v14 =	vld [tilespmem:s2+$0xE0];
	v25 =	vmul.f32 v13, v4;
	v30 =	vmul.f32 v8, v4;
	[tilespmem:s2+$0xFFFFFFD0] =	vst v6  }
0x7c: {  	v31 =	vmul.f32 v10, v4;
	v62 =	vmul.f32 v24, v4;
	v17 =	vld [tilespmem:s2+$0xF0];
	[tilespmem:s2+$0x10] =	vst v11  }
0x7d: {  	v16 =	vmul.f32 v19, v3;
	v19 =	vld [tilespmem:s2+$0x120];
	v7 =	vmul.f32 v18, v3;
	[tilespmem:s2+$0x20] =	vst v20  }
0x7e: {  	v27 =	vmul.f32 v27, v4;
	v18 =	vld [tilespmem:s2+$0x130];
	v9 =	vmul.f32 v4, v23;
	[tilespmem:s2+$0xFFFFFFB0] =	vst v5;
	v5 =	vpop (erf)  }
0x7f: {  	v23 =	vld [tilespmem:s2+$0x140];
	[tilespmem:s2+$0xFFFFFFE0] =	vst v7;
	v35 =	vmul.f32 v5, v12;
	v8 =	vmul.f32 v5, v26  }
0x80: {  	v37 =	vld [tilespmem:s2+$0x1C0];
	[tilespmem:s2+$0x0] =	vst v9;
	v9 =	vmul.f32 v5, v28;
	v7 =	vmul.f32 v15, v5  }
0x81: {  	[tilespmem:s2+$0x30] =	vst v25;
	v28 =	vld [tilespmem:s2+$0x190];
	v10 =	vmul.f32 v21, v5;
	v11 =	vmul.f32 v14, v5  }
0x82: {  	[tilespmem:s2+$0x40] =	vst v30;
	v14 =	vld [tilespmem:s2+$0x1B0];
	v12 =	vmul.f32 v17, v5;
	v13 =	vmul.f32 v22, v5;
	v6 =	vpop (erf)  }
0x83: {  	v24 =	vld [tilespmem:s2+$0x1D0];
	[tilespmem:s2+$0xFFFFFFC0] =	vst v16;
	v15 =	vmul.f32 v6, v19;
	v16 =	vmul.f32 v6, v18  }
0x84: {  	[tilespmem:s2+$0x50] =	vst v31;
	v25 =	vld [tilespmem:s2+$0x1E0];
	v19 =	vmul.f32 v6, v23;
	v20 =	vmul.f32 v29, v6  }
0x85: {  	[tilespmem:s2+$0x60] =	vst v62;
	v26 =	vld [tilespmem:s2+$0x1F0];
	v21 =	vmul.f32 v61, v6;
	v22 =	vmul.f32 v63, v6  }
0x86: {  	[tilespmem:s2+$0x70] =	vst v27;
	v27 =	vld [tilespmem:s2+$0x200];
	v23 =	vmul.f32 v36, v6;
	v17 =	vmul.f32 v28, v6  }
0x87: {  	s4 =	simm.s32 $0x0;
	s9 =	simm.s32 $0x18540;
	[tilespmem:s2+$0x90] =	vst v35;
	v18 =	vmul.f32 v2, v14;
	v14 =	vmul.f32 v2, v37;
	v28 =	vld [tilespmem:s2+$0x210]  }
.LBB2_4:
0x88: {  	v29 =	vld [tilespmem:s9+$0x230];
	[tilespmem:s2+$0xA0] =	vst v8;
	v8 =	vmul.f32 v2, v24;
	s16 =	sadd.s32 $0x80, s16  }
0x89: {  	s4 =	sadd.s32 $0x8, s4;
	v24 =	vld [tilespmem:s16+$0x30];
	[tilespmem:s2+$0xB0] =	vst v9;
	v9 =	vmul.f32 v25, v2  }
0x8a: {  	p0 =	slt.u32 s4, $0x58;
	v25 =	vld [tilespmem:s16+$0xFFFFFFC0];
	[tilespmem:s2+$0xC0] =	vst v7;
	v7 =	vmul.f32 v26, v2  }
0x8b: {  	v26 =	vld [tilespmem:s9+$0xFFFFFED0];
	[tilespmem:s2+$0xD0] =	vst v10;
	v10 =	vmul.f32 v27, v2  }
0x8c: {  	v27 =	vld [tilespmem:s16+$0xFFFFFFD0];
	[tilespmem:s2+$0xE0] =	vst v11;
	v2 =	vmul.f32 v28, v2  }
0x8d: {  	v11 =	vld [tilespmem:s9+$0xFFFFFF60];
	[tilespmem:s2+$0xF0] =	vst v12  }
0x8e: {  	v12 =	vld [tilespmem:s16+$0xFFFFFFE0];
	v24 =	vadd.f32 v24, v29;
	[tilespmem:s2+$0x100] =	vst v13  }
0x8f: {  	v13 =	vld [tilespmem:s9+$0xFFFFFFF0];
	[tilespmem:s2+$0x120] =	vst v15  }
0x90: {  	v15 =	vld [tilespmem:s16+$0xFFFFFFF0];
	v28 =	vmul.f32 $2.000000030e-01, v24;
	[tilespmem:s2+$0x130] =	vst v16  }
0x91: {  	vm0 =	vgt.f32 v24, $0.0e+00;
	v16 =	vadd.f32 v27, v26;
	v26 =	vld [tilespmem:s9+$0x80];
	[tilespmem:s2+$0x140] =	vst v19  }
0x92: {  	v19 =	vld [tilespmem:s16+$0x0];
	v24 =	vsel vm0, v24, v28;
	[tilespmem:s2+$0x150] =	vst v20  }
0x93: {  	v20 =	vmul.f32 $2.000000030e-01, v16;
	v11 =	vadd.f32 v12, v11;
	v12 =	vld [tilespmem:s9+$0x110];
	v24 =	vsub.f32 v24, v0;
	[tilespmem:s2+$0x160] =	vst v21  }
0x94: {  	vm0 =	vgt.f32 v16, $0.0e+00;
	v21 =	vld [tilespmem:s16+$0x10];
	[tilespmem:s2+$0x170] =	vst v22  }
0x95: {  	v22 =	vmul.f32 $2.000000030e-01, v11;
	v13 =	vadd.f32 v15, v13;
	v15 =	vld [tilespmem:s9+$0x1A0];
	v24 =	vmul.f32 $1.442695020e+00, v24;
	[tilespmem:s2+$0x180] =	vst v23  }
0x96: {  	v16 =	vsel vm0, v16, v20;
	vm0 =	vgt.f32 v11, $0.0e+00;
	v20 =	vld [tilespmem:s16+$0x20];
	[tilespmem:s2+$0x190] =	vst v17  }
0x97: {  	v17 =	vld [tilespmem:s9+$0xFFFFFE40];
	v23 =	vmul.f32 $2.000000030e-01, v13;
	v19 =	vadd.f32 v19, v26;
	(erf) = vpow2.f32 v24;
	[tilespmem:s2+$0x1B0] =	vst v18  }
0x98: {  	v16 =	vsub.f32 v16, v0;
	v11 =	vsel vm0, v11, v22;
	vm0 =	vgt.f32 v13, $0.0e+00;
	v18 =	vld [tilespmem:s9+$0xFFFFFDC0];
	[tilespmem:s2+$0x1C0] =	vst v14  }
0x99: {  	v14 =	vld [tilespmem:s9+$0xFFFFFDD0];
	vm1 =	vgt.f32 v19, $0.0e+00;
	v22 =	vmul.f32 $2.000000030e-01, v19;
	v12 =	vadd.f32 v21, v12;
	[tilespmem:s2+$0x1D0] =	vst v8  }
0x9a: {  	v16 =	vmul.f32 $1.442695020e+00, v16;
	v11 =	vsub.f32 v11, v0;
	v13 =	vsel vm0, v13, v23;
	v8 =	vld [tilespmem:s9+$0xFFFFFDE0];
	[tilespmem:s2+$0x1E0] =	vst v9  }
0x9b: {  	v9 =	vld [tilespmem:s9+$0xFFFFFDF0];
	vm0 =	vgt.f32 v12, $0.0e+00;
	v21 =	vmul.f32 $2.000000030e-01, v12;
	v15 =	vadd.f32 v20, v15;
	[tilespmem:s2+$0x1F0] =	vst v7  }
0x9c: {  	v13 =	vsub.f32 v13, v0;
	v7 =	vadd.f32 v25, v17;
	v17 =	vsel vm1, v19, v22;
	v19 =	vld [tilespmem:s9+$0x220];
	[tilespmem:s2+$0x200] =	vst v10  }
0x9d: {  	v10 =	vld [tilespmem:s9+$0xFFFFFE00];
	v12 =	vsel vm0, v12, v21;
	vm0 =	vgt.f32 v15, $0.0e+00;
	v20 =	vmul.f32 $2.000000030e-01, v15;
	[tilespmem:s2+$0x210] =	vst v2  }
0x9e: {  	v17 =	vsub.f32 v17, v0;
	vm1 =	vgt.f32 v7, $0.0e+00;
	v23 =	vmul.f32 $2.000000030e-01, v7;
	v21 =	vld [tilespmem:s9+$0xFFFFFE10];
	[tilespmem:s2+$0xFFFFFE40] =	vst v1  }
0x9f: {  	v1 =	vmul.f32 $1.442695020e+00, v11;
	v11 =	vsub.f32 v12, v0;
	v22 =	vld [tilespmem:s9+$0xFFFFFE20];
	v12 =	vsel vm0, v15, v20;
	[tilespmem:s2+$0xFFFFFFF0] =	vst v3  }
0xa0: {  	v13 =	vmul.f32 $1.442695020e+00, v13;
	v3 =	vsel vm1, v7, v23;
	v7 =	vld [tilespmem:s9+$0xFFFFFE30];
	v12 =	vsub.f32 v12, v0;
	v2 =	vpop (erf);
	[tilespmem:s2+$0x80] =	vst v4  }
0xa1: {  	v15 =	vmul.f32 $1.442695020e+00, v17;
	v3 =	vsub.f32 v3, v0;
	v4 =	vld [tilespmem:s9+$0xFFFFFE50];
	v17 =	vmul.f32 v19, v2;
	[tilespmem:s2+$0x110] =	vst v5  }
0xa2: {  	v11 =	vmul.f32 $1.442695020e+00, v11;
	v5 =	vld [tilespmem:s9+$0xFFFFFE60];
	v12 =	vmul.f32 $1.442695020e+00, v12;
	[tilespmem:s2+$0x1A0] =	vst v6;
	s2 =	smov.u32 s9  }
0xa3: {  	v3 =	vmul.f32 $1.442695020e+00, v3;
	v6 =	vld [tilespmem:s9+$0xFFFFFE70];
	[tilespmem:s9+$0x220] =	vst v17;
	(erf) = vpow2.f32 v16  }
0xa4: {  	v16 =	vld [tilespmem:s9+$0xFFFFFE80];
	[tilespmem:s9+$0x230] =	vst v2;
	(erf) = vpow2.f32 v1  }
0xa5: {  	v17 =	vld [tilespmem:s9+$0xFFFFFE90];
	(erf) = vpow2.f32 v3  }
0xa6: {  	v19 =	vld [tilespmem:s9+$0xFFFFFEA0];
	(erf) = vpow2.f32 v13  }
0xa7: {  	v13 =	vld [tilespmem:s9+$0xFFFFFEB0];
	(erf) = vpow2.f32 v15  }
0xa8: {  	v15 =	vld [tilespmem:s9+$0xFFFFFEC0];
	(erf) = vpow2.f32 v11  }
0xa9: {  	v11 =	vld [tilespmem:s9+$0xFFFFFEE0];
	(erf) = vpow2.f32 v12  }
0xaa: {  	v12 =	vld [tilespmem:s9+$0xFFFFFEF0]  }
0xab: {  	v20 =	vld [tilespmem:s9+$0xFFFFFF00]  }
0xac: {  	v23 =	vld [tilespmem:s9+$0xFFFFFF10];
	v24 =	vpop (erf)  }
0xad: {  	[tilespmem:s9+$0xFFFFFED0] =	vst v24;
	v29 =	vmul.f32 v24, v4;
	v30 =	vmul.f32 v24, v5;
	v25 =	vld [tilespmem:s9+$0xFFFFFF20];
	v26 =	vpop (erf)  }
0xae: {  	v27 =	vmul.f32 v24, v6;
	v16 =	vmul.f32 v16, v24;
	[tilespmem:s9+$0xFFFFFF60] =	vst v26;
	v28 =	vld [tilespmem:s9+$0xFFFFFF30];
	v1 =	vpop (erf)  }
0xaf: {  	v31 =	vmul.f32 v1, v18;
	v32 =	vmul.f32 v1, v14;
	[tilespmem:s9+$0xFFFFFE50] =	vst v29;
	v14 =	vld [tilespmem:s9+$0xFFFFFF40];
	v3 =	vpop (erf)  }
0xb0: {  	v8 =	vmul.f32 v1, v8;
	v9 =	vmul.f32 v9, v1;
	[tilespmem:s9+$0xFFFFFE60] =	vst v30;
	v18 =	vld [tilespmem:s9+$0xFFFFFF50];
	v4 =	vpop (erf)  }
0xb1: {  	v10 =	vmul.f32 v10, v1;
	v21 =	vmul.f32 v21, v1;
	[tilespmem:s9+$0xFFFFFDC0] =	vst v31;
	v29 =	vld [tilespmem:s9+$0xFFFFFF70];
	v5 =	vpop (erf)  }
0xb2: {  	v22 =	vmul.f32 v22, v1;
	v7 =	vmul.f32 v7, v1;
	[tilespmem:s9+$0xFFFFFDD0] =	vst v32;
	v30 =	vld [tilespmem:s9+$0xFFFFFF80];
	v6 =	vpop (erf)  }
0xb3: {  	[tilespmem:s9+$0xFFFFFDE0] =	vst v8;
	v8 =	vmul.f32 v17, v24;
	v17 =	vmul.f32 v19, v24;
	v19 =	vld [tilespmem:s9+$0xFFFFFF90]  }
0xb4: {  	[tilespmem:s9+$0xFFFFFDF0] =	vst v9;
	v9 =	vmul.f32 v13, v24;
	v13 =	vmul.f32 v15, v24;
	v15 =	vld [tilespmem:s9+$0xFFFFFFA0]  }
0xb5: {  	[tilespmem:s9+$0xFFFFFE00] =	vst v10;
	v10 =	vmul.f32 v26, v11;
	v11 =	vmul.f32 v26, v12;
	v12 =	vld [tilespmem:s9+$0xFFFFFFB0]  }
0xb6: {  	v20 =	vmul.f32 v26, v20;
	[tilespmem:s9+$0xFFFFFE10] =	vst v21;
	v21 =	vmul.f32 v23, v26;
	v23 =	vld [tilespmem:s9+$0xFFFFFFC0]  }
0xb7: {  	v24 =	vmul.f32 v28, v26;
	[tilespmem:s9+$0xFFFFFE20] =	vst v22;
	v22 =	vmul.f32 v25, v26;
	v25 =	vld [tilespmem:s9+$0xFFFFFFD0]  }
0xb8: {  	[tilespmem:s9+$0xFFFFFE30] =	vst v7;
	v7 =	vmul.f32 v14, v26;
	v14 =	vmul.f32 v18, v26;
	v18 =	vld [tilespmem:s9+$0xFFFFFFE0]  }
0xb9: {  	v26 =	vmul.f32 v3, v29;
	[tilespmem:s9+$0xFFFFFE70] =	vst v27;
	v27 =	vmul.f32 v3, v30;
	v28 =	vld [tilespmem:s9+$0x0]  }
0xba: {  	v15 =	vmul.f32 v15, v3;
	[tilespmem:s9+$0xFFFFFE80] =	vst v16;
	v16 =	vmul.f32 v3, v19;
	v19 =	vld [tilespmem:s9+$0x10]  }
0xbb: {  	v12 =	vmul.f32 v12, v3;
	[tilespmem:s9+$0xFFFFFE90] =	vst v8;
	v23 =	vmul.f32 v23, v3;
	v8 =	vld [tilespmem:s9+$0x20]  }
0xbc: {  	[tilespmem:s9+$0xFFFFFEA0] =	vst v17;
	v17 =	vmul.f32 v25, v3;
	v25 =	vld [tilespmem:s9+$0x30]  }
0xbd: {  	[tilespmem:s9+$0xFFFFFEB0] =	vst v9;
	v18 =	vmul.f32 v18, v3;
	v9 =	vld [tilespmem:s9+$0x40]  }
0xbe: {  	[tilespmem:s9+$0xFFFFFEC0] =	vst v13;
	v28 =	vmul.f32 v4, v28;
	v13 =	vld [tilespmem:s9+$0x50]  }
0xbf: {  	[tilespmem:s9+$0xFFFFFEE0] =	vst v10;
	v19 =	vmul.f32 v4, v19;
	v10 =	vld [tilespmem:s9+$0x60]  }
0xc0: {  	[tilespmem:s9+$0xFFFFFEF0] =	vst v11;
	v29 =	vmul.f32 v4, v8;
	v8 =	vld [tilespmem:s9+$0x70]  }
0xc1: {  	[tilespmem:s9+$0xFFFFFF00] =	vst v20;
	v25 =	vmul.f32 v25, v4;
	v11 =	vld [tilespmem:s9+$0x90]  }
0xc2: {  	[tilespmem:s9+$0xFFFFFF10] =	vst v21;
	v30 =	vmul.f32 v9, v4;
	v9 =	vld [tilespmem:s9+$0xA0]  }
0xc3: {  	[tilespmem:s9+$0xFFFFFF20] =	vst v22;
	v31 =	vmul.f32 v13, v4;
	v13 =	vld [tilespmem:s9+$0xB0]  }
0xc4: {  	[tilespmem:s9+$0xFFFFFF30] =	vst v24;
	v32 =	vmul.f32 v10, v4;
	v10 =	vld [tilespmem:s9+$0xC0]  }
0xc5: {  	[tilespmem:s9+$0xFFFFFF40] =	vst v7;
	v33 =	vmul.f32 v8, v4;
	v20 =	vld [tilespmem:s9+$0xD0]  }
0xc6: {  	[tilespmem:s9+$0xFFFFFF50] =	vst v14;
	v14 =	vmul.f32 v5, v11;
	v11 =	vld [tilespmem:s9+$0xE0]  }
0xc7: {  	[tilespmem:s9+$0xFFFFFF70] =	vst v26;
	v8 =	vmul.f32 v5, v9;
	v21 =	vld [tilespmem:s9+$0xF0]  }
0xc8: {  	[tilespmem:s9+$0xFFFFFF80] =	vst v27;
	v9 =	vmul.f32 v5, v13;
	v13 =	vld [tilespmem:s9+$0x100]  }
0xc9: {  	[tilespmem:s9+$0xFFFFFF90] =	vst v16;
	v7 =	vmul.f32 v10, v5;
	v16 =	vld [tilespmem:s9+$0x120]  }
0xca: {  	[tilespmem:s9+$0xFFFFFFA0] =	vst v15;
	v10 =	vmul.f32 v20, v5;
	v20 =	vld [tilespmem:s9+$0x130]  }
0xcb: {  	[tilespmem:s9+$0xFFFFFFB0] =	vst v12;
	v11 =	vmul.f32 v11, v5;
	v22 =	vld [tilespmem:s9+$0x140]  }
0xcc: {  	[tilespmem:s9+$0xFFFFFFC0] =	vst v23;
	v12 =	vmul.f32 v21, v5;
	v21 =	vld [tilespmem:s9+$0x150]  }
0xcd: {  	[tilespmem:s9+$0xFFFFFFD0] =	vst v17;
	v13 =	vmul.f32 v13, v5;
	v17 =	vld [tilespmem:s9+$0x160]  }
0xce: {  	[tilespmem:s9+$0xFFFFFFE0] =	vst v18;
	v15 =	vmul.f32 v6, v16;
	v18 =	vld [tilespmem:s9+$0x170]  }
0xcf: {  	[tilespmem:s9+$0x0] =	vst v28;
	v16 =	vmul.f32 v6, v20;
	v23 =	vld [tilespmem:s9+$0x180]  }
0xd0: {  	[tilespmem:s9+$0x10] =	vst v19;
	v19 =	vmul.f32 v6, v22;
	v26 =	vld [tilespmem:s9+$0x190]  }
0xd1: {  	[tilespmem:s9+$0x20] =	vst v29;
	v20 =	vmul.f32 v21, v6;
	v27 =	vld [tilespmem:s9+$0x1B0]  }
0xd2: {  	[tilespmem:s9+$0x30] =	vst v25;
	v21 =	vmul.f32 v17, v6;
	v28 =	vld [tilespmem:s9+$0x1C0]  }
.Ltmp0:
0xd3: {  	[tilespmem:s9+$0x40] =	vst v30;
	v22 =	vmul.f32 v18, v6;
	v24 =	vld [tilespmem:s9+$0x1D0];
	(pc) =	sbr.rel @p0 .LBB2_4-.Ltmp0, $4  }
0xd4: {  	[tilespmem:s9+$0x50] =	vst v31;
	v23 =	vmul.f32 v23, v6;
	v25 =	vld [tilespmem:s9+$0x1E0]  }
0xd5: {  	[tilespmem:s9+$0x60] =	vst v32;
	v17 =	vmul.f32 v26, v6;
	v26 =	vld [tilespmem:s9+$0x1F0]  }
0xd6: {  	[tilespmem:s9+$0x70] =	vst v33;
	v18 =	vmul.f32 v2, v27;
	v27 =	vld [tilespmem:s9+$0x200]  }
0xd7: {  	s9 =	sadd.s32 $0x480, s9;
	[tilespmem:s2+$0x90] =	vst v14;
	v14 =	vmul.f32 v2, v28;
	v28 =	vld [tilespmem:s2+$0x210]  }
0xd8: {  	[tilespmem:s2+$0xA0] =	vst v8  }
0xd9: {  	[tilespmem:s2+$0xB0] =	vst v9  }
0xda: {  	[tilespmem:s2+$0xC0] =	vst v7  }
0xdb: {  	[tilespmem:s2+$0xD0] =	vst v10  }
0xdc: {  	[tilespmem:s2+$0xE0] =	vst v11  }
0xdd: {  	[tilespmem:s2+$0xF0] =	vst v12  }
0xde: {  	[tilespmem:s2+$0x100] =	vst v13  }
0xdf: {  	[tilespmem:s2+$0x120] =	vst v15  }
0xe0: {  	[tilespmem:s2+$0x130] =	vst v16  }
0xe1: {  	[tilespmem:s2+$0x140] =	vst v19  }
0xe2: {  	[tilespmem:s2+$0x150] =	vst v20  }
0xe3: {  	[tilespmem:s2+$0x160] =	vst v21  }
0xe4: {  	[tilespmem:s2+$0x170] =	vst v22  }
0xe5: {  	[tilespmem:s2+$0x180] =	vst v23  }
0xe6: {  	[tilespmem:s2+$0x190] =	vst v17  }
0xe7: {  	[tilespmem:s2+$0x1B0] =	vst v18  }
0xe8: {  	[tilespmem:s2+$0xFFFFFE40] =	vst v1  }
0xe9: {  	[tilespmem:s2+$0xFFFFFFF0] =	vst v3  }
0xea: {  	[tilespmem:s2+$0x80] =	vst v4  }
0xeb: {  	[tilespmem:s2+$0x110] =	vst v5  }
0xec: {  	v7 =	vmul.f32 v2, v24;
	[tilespmem:s2+$0x1A0] =	vst v6  }
0xed: {  	v8 =	vmul.f32 v25, v2;
	[tilespmem:s2+$0x1C0] =	vst v14  }
0xee: {  	v9 =	vmul.f32 v26, v2;
	[tilespmem:s2+$0x1D0] =	vst v7  }
0xef: {  	v7 =	vmul.f32 v27, v2;
	[tilespmem:s2+$0x1E0] =	vst v8  }
0xf0: {  	v2 =	vmul.f32 v28, v2;
	[tilespmem:s2+$0x1F0] =	vst v9  }
0xf1: {  	[tilespmem:s2+$0x200] =	vst v7  }
0xf2: {  	[tilespmem:s2+$0x210] =	vst v2  }
0xf3: {  	[spmem:s3] =	stream.indirect.scatter.add.f32 [tilespmem:s20], [sflag:$0x1], $0x90, s1, s19, $0xb8;
	[tilespmem:$0x1F690] =	vst v63  }
0xf4: {  	_ =	swait.ge [sflag:s26], $0x3600  }
0xf5: {  	[sflag:s26] =	ssyncset.done $0x0  }
0xf6: {  	[sflag:s26] =	ssyncadd.s32 $0xFFFFCA00  }
0xf7: {  	_ =	swait.ge [sflag:s28], $0x600  }
0xf8: {  	[sflag:s28] =	ssyncset.done $0x0  }
0xf9: {  	s1 =	simm.s32 $0x1B6C0;
	[sflag:s28] =	ssyncadd.s32 $0xFFFFFA00  }
0xfa: {  	s2 =	simm.s32 $0x1F0C0;
	v1 =	vld [tilespmem:s1+$0x230]  }
0xfb: {  	v2 =	vld [tilespmem:s2+$0x30]  }
0xfc: {  	v3 =	vld [tilespmem:s2+$0xFFFFFFC0]  }
0xfd: {  	v4 =	vld [tilespmem:s1+$0xFFFFFED0]  }
0xfe: {  	v5 =	vld [tilespmem:s2+$0xFFFFFFD0]  }
0xff: {  	v6 =	vld [tilespmem:s1+$0xFFFFFF60]  }
0x100: {  	v7 =	vld [tilespmem:s2+$0xFFFFFFE0]  }
0x101: {  	v8 =	vld [tilespmem:s1+$0xFFFFFFF0]  }
0x102: {  	v9 =	vld [tilespmem:s2+$0xFFFFFFF0]  }
0x103: {  	v10 =	vld [tilespmem:s1+$0x80]  }
0x104: {  	v11 =	vld [tilespmem:s2+$0x0]  }
0x105: {  	v12 =	vld [tilespmem:s1+$0x110]  }
0x106: {  	v13 =	vld [tilespmem:s2+$0x10]  }
0x107: {  	v14 =	vld [tilespmem:s1+$0x1A0]  }
0x108: {  	v15 =	vld [tilespmem:s2+$0x20]  }
0x109: {  	v17 =	vld [tilespmem:s1+$0xFFFFFDC0];
	v1 =	vadd.f32 v2, v1  }
0x10a: {  	v18 =	vld [tilespmem:s1+$0xFFFFFDF0]  }
0x10b: {  	v2 =	vld [tilespmem:s1+$0xFFFFFE40];
	v16 =	vmul.f32 $2.000000030e-01, v1  }
0x10c: {  	v20 =	vld [tilespmem:s1+$0xFFFFFE10];
	v4 =	vadd.f32 v5, v4;
	vm0 =	vgt.f32 v1, $0.0e+00  }
0x10d: {  	v21 =	vld [tilespmem:s1+$0xFFFFFE50];
	v6 =	vadd.f32 v7, v6;
	v1 =	vsel vm0, v1, v16  }
0x10e: {  	v22 =	vld [tilespmem:s1+$0xFFFFFE60];
	v16 =	vmul.f32 $2.000000030e-01, v4;
	v1 =	vsub.f32 v1, v0  }
0x10f: {  	v23 =	vld [tilespmem:s1+$0xFFFFFE80];
	vm9 =	vgt.f32 v4, $0.0e+00;
	v19 =	vmul.f32 $2.000000030e-01, v6;
	vm10 =	vgt.f32 v6, $0.0e+00  }
0x110: {  	v24 =	vld [tilespmem:s1+$0xFFFFFE90];
	v2 =	vadd.f32 v3, v2;
	v4 =	vsel vm9, v4, v16;
	v1 =	vmul.f32 $1.442695020e+00, v1  }
0x111: {  	v25 =	vld [tilespmem:s1+$0xFFFFFEA0];
	v6 =	vsel vm10, v6, v19;
	v4 =	vsub.f32 v4, v0  }
0x112: {  	v26 =	vld [tilespmem:s1+$0xFFFFFEB0];
	v19 =	vmul.f32 $2.000000030e-01, v2;
	(erf) = vpow2.f32 v1;
	v1 =	vsub.f32 v6, v0  }
0x113: {  	v27 =	vld [tilespmem:s1+$0xFFFFFEE0];
	vm11 =	vgt.f32 v2, $0.0e+00;
	v4 =	vmul.f32 $1.442695020e+00, v4  }
0x114: {  	v28 =	vld [tilespmem:s1+$0xFFFFFF00];
	v2 =	vsel vm11, v2, v19;
	v1 =	vmul.f32 $1.442695020e+00, v1  }
0x115: {  	v29 =	vld [tilespmem:s1+$0xFFFFFF10];
	v2 =	vsub.f32 v2, v0;
	(erf) = vpow2.f32 v4  }
0x116: {  	v31 =	vld [tilespmem:s1+$0xFFFFFF20];
	(erf) = vpow2.f32 v1  }
0x117: {  	v3 =	vld [tilespmem:s1+$0x220];
	v2 =	vmul.f32 $1.442695020e+00, v2  }
0x118: {  	v33 =	vld [tilespmem:s1+$0xFFFFFEC0]  }
0x119: {  	v34 =	vld [tilespmem:s1+$0xFFFFFF30]  }
0x11a: {  	v61 =	vld [tilespmem:s1+$0x160];
	(erf) = vpow2.f32 v2  }
0x11b: {  	v63 =	vld [tilespmem:s1+$0x170];
	v2 =	vpop (erf)  }
0x11c: {  	v4 =	vld [tilespmem:s1+$0xFFFFFE70];
	v1 =	vmul.f32 v3, v2  }
0x11d: {  	v36 =	vld [tilespmem:s1+$0x180];
	[tilespmem:s1+$0x230] =	vst v2  }
0x11e: {  	v5 =	vld [tilespmem:s1+$0xFFFFFDD0];
	v30 =	vpop (erf);
	[tilespmem:s1+$0x220] =	vst v1  }
0x11f: {  	v7 =	vld [tilespmem:s1+$0xFFFFFDE0];
	v21 =	vmul.f32 v30, v21;
	[tilespmem:s1+$0xFFFFFED0] =	vst v30;
	v32 =	vpop (erf)  }
0x120: {  	v12 =	vadd.f32 v13, v12;
	v13 =	vld [tilespmem:s1+$0x30];
	v22 =	vmul.f32 v30, v22;
	[tilespmem:s1+$0xFFFFFF60] =	vst v32  }
0x121: {  	v16 =	vld [tilespmem:s1+$0xFFFFFE00];
	v4 =	vmul.f32 v30, v4;
	[tilespmem:s1+$0xFFFFFE50] =	vst v21  }
0x122: {  	v10 =	vadd.f32 v11, v10;
	v6 =	vld [tilespmem:s1+$0xFFFFFE20];
	v11 =	vmul.f32 v23, v30;
	[tilespmem:s1+$0xFFFFFE60] =	vst v22  }
0x123: {  	v14 =	vadd.f32 v15, v14;
	v19 =	vld [tilespmem:s1+$0xFFFFFE30];
	v1 =	vpop (erf);
	[tilespmem:s1+$0xFFFFFE70] =	vst v4;
	v15 =	vmul.f32 v32, v28  }
0x124: {  	v8 =	vadd.f32 v9, v8;
	v3 =	vld [tilespmem:s1+$0xFFFFFEF0];
	[tilespmem:s1+$0xFFFFFE80] =	vst v11;
	v17 =	vmul.f32 v1, v17  }
0x125: {  	v23 =	vld [tilespmem:s1+$0x0];
	v5 =	vmul.f32 v1, v5;
	v7 =	vmul.f32 v1, v7;
	[tilespmem:s1+$0xFFFFFF00] =	vst v15  }
0x126: {  	v21 =	vld [tilespmem:s1+$0xFFFFFF40];
	v9 =	vmul.f32 v18, v1;
	v18 =	vmul.f32 $2.000000030e-01, v8;
	[tilespmem:s1+$0xFFFFFDC0] =	vst v17  }
0x127: {  	vm12 =	vgt.f32 v8, $0.0e+00;
	v22 =	vld [tilespmem:s1+$0xFFFFFF50];
	[tilespmem:s1+$0xFFFFFDD0] =	vst v5  }
0x128: {  	v11 =	vld [tilespmem:s1+$0x10];
	v16 =	vmul.f32 v16, v1;
	[tilespmem:s1+$0xFFFFFDE0] =	vst v7;
	v8 =	vsel vm12, v8, v18  }
0x129: {  	v28 =	vld [tilespmem:s1+$0xB0];
	v20 =	vmul.f32 v20, v1;
	[tilespmem:s1+$0xFFFFFDF0] =	vst v9;
	v8 =	vsub.f32 v8, v0  }
0x12a: {  	v4 =	vmul.f32 $2.000000030e-01, v10;
	v6 =	vmul.f32 v6, v1;
	v17 =	vld [tilespmem:s1+$0xFFFFFF70];
	[tilespmem:s1+$0xFFFFFE00] =	vst v16  }
0x12b: {  	vm13 =	vgt.f32 v10, $0.0e+00;
	v3 =	vmul.f32 v32, v3;
	v5 =	vld [tilespmem:s1+$0xFFFFFF80];
	[tilespmem:s1+$0xFFFFFE10] =	vst v20;
	v8 =	vmul.f32 $1.442695020e+00, v8  }
0x12c: {  	v4 =	vsel vm13, v10, v4;
	v10 =	vmul.f32 v33, v30;
	v15 =	vmul.f32 v34, v32;
	v7 =	vld [tilespmem:s1+$0xFFFFFF90];
	[tilespmem:s1+$0xFFFFFE20] =	vst v6  }
0x12d: {  	v9 =	vld [tilespmem:s1+$0xFFFFFFA0];
	v18 =	vmul.f32 v19, v1;
	v4 =	vsub.f32 v4, v0;
	[tilespmem:s1+$0xFFFFFEF0] =	vst v3;
	(erf) = vpow2.f32 v8  }
0x12e: {  	v16 =	vld [tilespmem:s1+$0xFFFFFFB0];
	v20 =	vmul.f32 v24, v30;
	v24 =	vmul.f32 v25, v30;
	[tilespmem:s1+$0xFFFFFEC0] =	vst v10  }
0x12f: {  	v19 =	vld [tilespmem:s1+$0xFFFFFFC0];
	v25 =	vmul.f32 $2.000000030e-01, v12;
	[tilespmem:s1+$0xFFFFFF30] =	vst v15;
	v4 =	vmul.f32 $1.442695020e+00, v4  }
0x130: {  	vm14 =	vgt.f32 v12, $0.0e+00;
	v6 =	vld [tilespmem:s1+$0xFFFFFFD0];
	[tilespmem:s1+$0xFFFFFEA0] =	vst v24;
	v24 =	vmul.f32 v32, v27  }
0x131: {  	v10 =	vld [tilespmem:s1+$0x50];
	[tilespmem:s1+$0xFFFFFE30] =	vst v18;
	v12 =	vsel vm14, v12, v25;
	v25 =	vmul.f32 $2.000000030e-01, v14;
	(erf) = vpow2.f32 v4  }
0x132: {  	vm15 =	vgt.f32 v14, $0.0e+00;
	v15 =	vld [tilespmem:s1+$0xC0];
	[tilespmem:s1+$0xFFFFFE90] =	vst v20;
	v3 =	vsub.f32 v12, v0;
	v4 =	vmul.f32 v31, v32  }
0x133: {  	v18 =	vld [tilespmem:s1+$0xFFFFFFE0];
	v21 =	vmul.f32 v21, v32;
	[tilespmem:s1+$0xFFFFFEE0] =	vst v24;
	v14 =	vsel vm15, v14, v25  }
0x134: {  	v20 =	vld [tilespmem:s1+$0x20];
	v8 =	vmul.f32 v26, v30;
	[tilespmem:s1+$0xFFFFFF20] =	vst v4;
	v4 =	vsub.f32 v14, v0  }
0x135: {  	v27 =	vld [tilespmem:s1+$0x70];
	[tilespmem:s1+$0xFFFFFF40] =	vst v21;
	v26 =	vmul.f32 v29, v32;
	v25 =	vmul.f32 $1.442695020e+00, v3  }
0x136: {  	v12 =	vld [tilespmem:s1+$0x90];
	[tilespmem:s1+$0xFFFFFEB0] =	vst v8;
	v14 =	vmul.f32 v22, v32;
	v4 =	vmul.f32 $1.442695020e+00, v4;
	v3 =	vpop (erf)  }
0x137: {  	v24 =	vld [tilespmem:s1+$0x60];
	[tilespmem:s1+$0xFFFFFF10] =	vst v26;
	(erf) = vpow2.f32 v25;
	v17 =	vmul.f32 v3, v17  }
0x138: {  	v8 =	vld [tilespmem:s1+$0x40];
	[tilespmem:s1+$0xFFFFFF50] =	vst v14;
	v5 =	vmul.f32 v3, v5  }
0x139: {  	v21 =	vld [tilespmem:s1+$0xD0];
	v7 =	vmul.f32 v3, v7;
	[tilespmem:s1+$0xFFFFFF70] =	vst v17  }
0x13a: {  	v29 =	vld [tilespmem:s1+$0x150];
	(erf) = vpow2.f32 v4;
	v9 =	vmul.f32 v9, v3;
	v4 =	vpop (erf);
	[tilespmem:s1+$0xFFFFFF80] =	vst v5  }
0x13b: {  	v26 =	vld [tilespmem:s1+$0xA0];
	v6 =	vmul.f32 v6, v3;
	v11 =	vmul.f32 v4, v11;
	[tilespmem:s1+$0xFFFFFF90] =	vst v7  }
0x13c: {  	v22 =	vld [tilespmem:s1+$0x100];
	v20 =	vmul.f32 v4, v20;
	v5 =	vmul.f32 v16, v3;
	[tilespmem:s1+$0xFFFFFFA0] =	vst v9  }
0x13d: {  	v14 =	vld [tilespmem:s1+$0xE0];
	v25 =	vmul.f32 v13, v4;
	v30 =	vmul.f32 v8, v4;
	[tilespmem:s1+$0xFFFFFFD0] =	vst v6  }
0x13e: {  	v31 =	vmul.f32 v10, v4;
	v62 =	vmul.f32 v24, v4;
	v17 =	vld [tilespmem:s1+$0xF0];
	[tilespmem:s1+$0x10] =	vst v11  }
0x13f: {  	v16 =	vmul.f32 v19, v3;
	v19 =	vld [tilespmem:s1+$0x120];
	v7 =	vmul.f32 v18, v3;
	[tilespmem:s1+$0x20] =	vst v20  }
0x140: {  	v27 =	vmul.f32 v27, v4;
	v18 =	vld [tilespmem:s1+$0x130];
	v9 =	vmul.f32 v4, v23;
	[tilespmem:s1+$0xFFFFFFB0] =	vst v5;
	v5 =	vpop (erf)  }
0x141: {  	v23 =	vld [tilespmem:s1+$0x140];
	[tilespmem:s1+$0xFFFFFFE0] =	vst v7;
	v35 =	vmul.f32 v5, v12;
	v8 =	vmul.f32 v5, v26  }
0x142: {  	v37 =	vld [tilespmem:s1+$0x1C0];
	[tilespmem:s1+$0x0] =	vst v9;
	v9 =	vmul.f32 v5, v28;
	v7 =	vmul.f32 v15, v5  }
0x143: {  	[tilespmem:s1+$0x30] =	vst v25;
	v28 =	vld [tilespmem:s1+$0x190];
	v10 =	vmul.f32 v21, v5;
	v11 =	vmul.f32 v14, v5  }
0x144: {  	[tilespmem:s1+$0x40] =	vst v30;
	v14 =	vld [tilespmem:s1+$0x1B0];
	v12 =	vmul.f32 v17, v5;
	v13 =	vmul.f32 v22, v5;
	v6 =	vpop (erf)  }
0x145: {  	v24 =	vld [tilespmem:s1+$0x1D0];
	[tilespmem:s1+$0xFFFFFFC0] =	vst v16;
	v15 =	vmul.f32 v6, v19;
	v16 =	vmul.f32 v6, v18  }
0x146: {  	[tilespmem:s1+$0x50] =	vst v31;
	v25 =	vld [tilespmem:s1+$0x1E0];
	v19 =	vmul.f32 v6, v23;
	v20 =	vmul.f32 v29, v6  }
0x147: {  	[tilespmem:s1+$0x60] =	vst v62;
	v26 =	vld [tilespmem:s1+$0x1F0];
	v21 =	vmul.f32 v61, v6;
	v22 =	vmul.f32 v63, v6  }
0x148: {  	[tilespmem:s1+$0x70] =	vst v27;
	v27 =	vld [tilespmem:s1+$0x200];
	v23 =	vmul.f32 v36, v6;
	v17 =	vmul.f32 v28, v6  }
0x149: {  	s4 =	simm.s32 $0x0;
	s9 =	simm.s32 $0x1BB40;
	[tilespmem:s1+$0x90] =	vst v35;
	v18 =	vmul.f32 v2, v14;
	v14 =	vmul.f32 v2, v37;
	v28 =	vld [tilespmem:s1+$0x210]  }
.LBB2_6:
0x14a: {  	v29 =	vld [tilespmem:s9+$0x230];
	[tilespmem:s1+$0xA0] =	vst v8;
	v8 =	vmul.f32 v2, v24;
	s2 =	sadd.s32 $0x80, s2  }
0x14b: {  	s4 =	sadd.s32 $0x8, s4;
	v24 =	vld [tilespmem:s2+$0x30];
	[tilespmem:s1+$0xB0] =	vst v9;
	v9 =	vmul.f32 v25, v2  }
0x14c: {  	p0 =	slt.u32 s4, $0x58;
	v25 =	vld [tilespmem:s2+$0xFFFFFFC0];
	[tilespmem:s1+$0xC0] =	vst v7;
	v7 =	vmul.f32 v26, v2  }
0x14d: {  	v26 =	vld [tilespmem:s9+$0xFFFFFED0];
	[tilespmem:s1+$0xD0] =	vst v10;
	v10 =	vmul.f32 v27, v2  }
0x14e: {  	v27 =	vld [tilespmem:s2+$0xFFFFFFD0];
	[tilespmem:s1+$0xE0] =	vst v11;
	v2 =	vmul.f32 v28, v2  }
0x14f: {  	v11 =	vld [tilespmem:s9+$0xFFFFFF60];
	[tilespmem:s1+$0xF0] =	vst v12  }
0x150: {  	v12 =	vld [tilespmem:s2+$0xFFFFFFE0];
	v24 =	vadd.f32 v24, v29;
	[tilespmem:s1+$0x100] =	vst v13  }
0x151: {  	v13 =	vld [tilespmem:s9+$0xFFFFFFF0];
	[tilespmem:s1+$0x120] =	vst v15  }
0x152: {  	v15 =	vld [tilespmem:s2+$0xFFFFFFF0];
	v28 =	vmul.f32 $2.000000030e-01, v24;
	[tilespmem:s1+$0x130] =	vst v16  }
0x153: {  	vm0 =	vgt.f32 v24, $0.0e+00;
	v16 =	vadd.f32 v27, v26;
	v26 =	vld [tilespmem:s9+$0x80];
	[tilespmem:s1+$0x140] =	vst v19  }
0x154: {  	v19 =	vld [tilespmem:s2+$0x0];
	v24 =	vsel vm0, v24, v28;
	[tilespmem:s1+$0x150] =	vst v20  }
0x155: {  	v20 =	vmul.f32 $2.000000030e-01, v16;
	v11 =	vadd.f32 v12, v11;
	v12 =	vld [tilespmem:s9+$0x110];
	v24 =	vsub.f32 v24, v0;
	[tilespmem:s1+$0x160] =	vst v21  }
0x156: {  	vm0 =	vgt.f32 v16, $0.0e+00;
	v21 =	vld [tilespmem:s2+$0x10];
	[tilespmem:s1+$0x170] =	vst v22  }
0x157: {  	v22 =	vmul.f32 $2.000000030e-01, v11;
	v13 =	vadd.f32 v15, v13;
	v15 =	vld [tilespmem:s9+$0x1A0];
	v24 =	vmul.f32 $1.442695020e+00, v24;
	[tilespmem:s1+$0x180] =	vst v23  }
0x158: {  	v16 =	vsel vm0, v16, v20;
	vm0 =	vgt.f32 v11, $0.0e+00;
	v20 =	vld [tilespmem:s2+$0x20];
	[tilespmem:s1+$0x190] =	vst v17  }
0x159: {  	v17 =	vld [tilespmem:s9+$0xFFFFFE40];
	v23 =	vmul.f32 $2.000000030e-01, v13;
	v19 =	vadd.f32 v19, v26;
	(erf) = vpow2.f32 v24;
	[tilespmem:s1+$0x1B0] =	vst v18  }
0x15a: {  	v16 =	vsub.f32 v16, v0;
	v11 =	vsel vm0, v11, v22;
	vm0 =	vgt.f32 v13, $0.0e+00;
	v18 =	vld [tilespmem:s9+$0xFFFFFDC0];
	[tilespmem:s1+$0x1C0] =	vst v14  }
0x15b: {  	v14 =	vld [tilespmem:s9+$0xFFFFFDD0];
	vm1 =	vgt.f32 v19, $0.0e+00;
	v22 =	vmul.f32 $2.000000030e-01, v19;
	v12 =	vadd.f32 v21, v12;
	[tilespmem:s1+$0x1D0] =	vst v8  }
0x15c: {  	v16 =	vmul.f32 $1.442695020e+00, v16;
	v11 =	vsub.f32 v11, v0;
	v13 =	vsel vm0, v13, v23;
	v8 =	vld [tilespmem:s9+$0xFFFFFDE0];
	[tilespmem:s1+$0x1E0] =	vst v9  }
0x15d: {  	v9 =	vld [tilespmem:s9+$0xFFFFFDF0];
	vm0 =	vgt.f32 v12, $0.0e+00;
	v21 =	vmul.f32 $2.000000030e-01, v12;
	v15 =	vadd.f32 v20, v15;
	[tilespmem:s1+$0x1F0] =	vst v7  }
0x15e: {  	v13 =	vsub.f32 v13, v0;
	v7 =	vadd.f32 v25, v17;
	v17 =	vsel vm1, v19, v22;
	v19 =	vld [tilespmem:s9+$0x220];
	[tilespmem:s1+$0x200] =	vst v10  }
0x15f: {  	v10 =	vld [tilespmem:s9+$0xFFFFFE00];
	v12 =	vsel vm0, v12, v21;
	vm0 =	vgt.f32 v15, $0.0e+00;
	v20 =	vmul.f32 $2.000000030e-01, v15;
	[tilespmem:s1+$0x210] =	vst v2  }
0x160: {  	v17 =	vsub.f32 v17, v0;
	vm1 =	vgt.f32 v7, $0.0e+00;
	v23 =	vmul.f32 $2.000000030e-01, v7;
	v21 =	vld [tilespmem:s9+$0xFFFFFE10];
	[tilespmem:s1+$0xFFFFFE40] =	vst v1  }
0x161: {  	v1 =	vmul.f32 $1.442695020e+00, v11;
	v11 =	vsub.f32 v12, v0;
	v22 =	vld [tilespmem:s9+$0xFFFFFE20];
	v12 =	vsel vm0, v15, v20;
	[tilespmem:s1+$0xFFFFFFF0] =	vst v3  }
0x162: {  	v13 =	vmul.f32 $1.442695020e+00, v13;
	v3 =	vsel vm1, v7, v23;
	v7 =	vld [tilespmem:s9+$0xFFFFFE30];
	v12 =	vsub.f32 v12, v0;
	v2 =	vpop (erf);
	[tilespmem:s1+$0x80] =	vst v4  }
0x163: {  	v15 =	vmul.f32 $1.442695020e+00, v17;
	v3 =	vsub.f32 v3, v0;
	v4 =	vld [tilespmem:s9+$0xFFFFFE50];
	v17 =	vmul.f32 v19, v2;
	[tilespmem:s1+$0x110] =	vst v5  }
0x164: {  	v11 =	vmul.f32 $1.442695020e+00, v11;
	v5 =	vld [tilespmem:s9+$0xFFFFFE60];
	v12 =	vmul.f32 $1.442695020e+00, v12;
	[tilespmem:s1+$0x1A0] =	vst v6;
	s1 =	smov.u32 s9  }
0x165: {  	v3 =	vmul.f32 $1.442695020e+00, v3;
	v6 =	vld [tilespmem:s9+$0xFFFFFE70];
	[tilespmem:s9+$0x220] =	vst v17;
	(erf) = vpow2.f32 v16  }
0x166: {  	v16 =	vld [tilespmem:s9+$0xFFFFFE80];
	[tilespmem:s9+$0x230] =	vst v2;
	(erf) = vpow2.f32 v1  }
0x167: {  	v17 =	vld [tilespmem:s9+$0xFFFFFE90];
	(erf) = vpow2.f32 v3  }
0x168: {  	v19 =	vld [tilespmem:s9+$0xFFFFFEA0];
	(erf) = vpow2.f32 v13  }
0x169: {  	v13 =	vld [tilespmem:s9+$0xFFFFFEB0];
	(erf) = vpow2.f32 v15  }
0x16a: {  	v15 =	vld [tilespmem:s9+$0xFFFFFEC0];
	(erf) = vpow2.f32 v11  }
0x16b: {  	v11 =	vld [tilespmem:s9+$0xFFFFFEE0];
	(erf) = vpow2.f32 v12  }
0x16c: {  	v12 =	vld [tilespmem:s9+$0xFFFFFEF0]  }
0x16d: {  	v20 =	vld [tilespmem:s9+$0xFFFFFF00]  }
0x16e: {  	v23 =	vld [tilespmem:s9+$0xFFFFFF10];
	v24 =	vpop (erf)  }
0x16f: {  	[tilespmem:s9+$0xFFFFFED0] =	vst v24;
	v29 =	vmul.f32 v24, v4;
	v30 =	vmul.f32 v24, v5;
	v25 =	vld [tilespmem:s9+$0xFFFFFF20];
	v26 =	vpop (erf)  }
0x170: {  	v27 =	vmul.f32 v24, v6;
	v16 =	vmul.f32 v16, v24;
	[tilespmem:s9+$0xFFFFFF60] =	vst v26;
	v28 =	vld [tilespmem:s9+$0xFFFFFF30];
	v1 =	vpop (erf)  }
0x171: {  	v31 =	vmul.f32 v1, v18;
	v32 =	vmul.f32 v1, v14;
	[tilespmem:s9+$0xFFFFFE50] =	vst v29;
	v14 =	vld [tilespmem:s9+$0xFFFFFF40];
	v3 =	vpop (erf)  }
0x172: {  	v8 =	vmul.f32 v1, v8;
	v9 =	vmul.f32 v9, v1;
	[tilespmem:s9+$0xFFFFFE60] =	vst v30;
	v18 =	vld [tilespmem:s9+$0xFFFFFF50];
	v4 =	vpop (erf)  }
0x173: {  	v10 =	vmul.f32 v10, v1;
	v21 =	vmul.f32 v21, v1;
	[tilespmem:s9+$0xFFFFFDC0] =	vst v31;
	v29 =	vld [tilespmem:s9+$0xFFFFFF70];
	v5 =	vpop (erf)  }
0x174: {  	v22 =	vmul.f32 v22, v1;
	v7 =	vmul.f32 v7, v1;
	[tilespmem:s9+$0xFFFFFDD0] =	vst v32;
	v30 =	vld [tilespmem:s9+$0xFFFFFF80];
	v6 =	vpop (erf)  }
0x175: {  	[tilespmem:s9+$0xFFFFFDE0] =	vst v8;
	v8 =	vmul.f32 v17, v24;
	v17 =	vmul.f32 v19, v24;
	v19 =	vld [tilespmem:s9+$0xFFFFFF90]  }
0x176: {  	[tilespmem:s9+$0xFFFFFDF0] =	vst v9;
	v9 =	vmul.f32 v13, v24;
	v13 =	vmul.f32 v15, v24;
	v15 =	vld [tilespmem:s9+$0xFFFFFFA0]  }
0x177: {  	[tilespmem:s9+$0xFFFFFE00] =	vst v10;
	v10 =	vmul.f32 v26, v11;
	v11 =	vmul.f32 v26, v12;
	v12 =	vld [tilespmem:s9+$0xFFFFFFB0]  }
0x178: {  	v20 =	vmul.f32 v26, v20;
	[tilespmem:s9+$0xFFFFFE10] =	vst v21;
	v21 =	vmul.f32 v23, v26;
	v23 =	vld [tilespmem:s9+$0xFFFFFFC0]  }
0x179: {  	v24 =	vmul.f32 v28, v26;
	[tilespmem:s9+$0xFFFFFE20] =	vst v22;
	v22 =	vmul.f32 v25, v26;
	v25 =	vld [tilespmem:s9+$0xFFFFFFD0]  }
0x17a: {  	[tilespmem:s9+$0xFFFFFE30] =	vst v7;
	v7 =	vmul.f32 v14, v26;
	v14 =	vmul.f32 v18, v26;
	v18 =	vld [tilespmem:s9+$0xFFFFFFE0]  }
0x17b: {  	v26 =	vmul.f32 v3, v29;
	[tilespmem:s9+$0xFFFFFE70] =	vst v27;
	v27 =	vmul.f32 v3, v30;
	v28 =	vld [tilespmem:s9+$0x0]  }
0x17c: {  	v15 =	vmul.f32 v15, v3;
	[tilespmem:s9+$0xFFFFFE80] =	vst v16;
	v16 =	vmul.f32 v3, v19;
	v19 =	vld [tilespmem:s9+$0x10]  }
0x17d: {  	v12 =	vmul.f32 v12, v3;
	[tilespmem:s9+$0xFFFFFE90] =	vst v8;
	v23 =	vmul.f32 v23, v3;
	v8 =	vld [tilespmem:s9+$0x20]  }
0x17e: {  	[tilespmem:s9+$0xFFFFFEA0] =	vst v17;
	v17 =	vmul.f32 v25, v3;
	v25 =	vld [tilespmem:s9+$0x30]  }
0x17f: {  	[tilespmem:s9+$0xFFFFFEB0] =	vst v9;
	v18 =	vmul.f32 v18, v3;
	v9 =	vld [tilespmem:s9+$0x40]  }
0x180: {  	[tilespmem:s9+$0xFFFFFEC0] =	vst v13;
	v28 =	vmul.f32 v4, v28;
	v13 =	vld [tilespmem:s9+$0x50]  }
0x181: {  	[tilespmem:s9+$0xFFFFFEE0] =	vst v10;
	v19 =	vmul.f32 v4, v19;
	v10 =	vld [tilespmem:s9+$0x60]  }
0x182: {  	[tilespmem:s9+$0xFFFFFEF0] =	vst v11;
	v29 =	vmul.f32 v4, v8;
	v8 =	vld [tilespmem:s9+$0x70]  }
0x183: {  	[tilespmem:s9+$0xFFFFFF00] =	vst v20;
	v25 =	vmul.f32 v25, v4;
	v11 =	vld [tilespmem:s9+$0x90]  }
0x184: {  	[tilespmem:s9+$0xFFFFFF10] =	vst v21;
	v30 =	vmul.f32 v9, v4;
	v9 =	vld [tilespmem:s9+$0xA0]  }
0x185: {  	[tilespmem:s9+$0xFFFFFF20] =	vst v22;
	v31 =	vmul.f32 v13, v4;
	v13 =	vld [tilespmem:s9+$0xB0]  }
0x186: {  	[tilespmem:s9+$0xFFFFFF30] =	vst v24;
	v32 =	vmul.f32 v10, v4;
	v10 =	vld [tilespmem:s9+$0xC0]  }
0x187: {  	[tilespmem:s9+$0xFFFFFF40] =	vst v7;
	v33 =	vmul.f32 v8, v4;
	v20 =	vld [tilespmem:s9+$0xD0]  }
0x188: {  	[tilespmem:s9+$0xFFFFFF50] =	vst v14;
	v14 =	vmul.f32 v5, v11;
	v11 =	vld [tilespmem:s9+$0xE0]  }
0x189: {  	[tilespmem:s9+$0xFFFFFF70] =	vst v26;
	v8 =	vmul.f32 v5, v9;
	v21 =	vld [tilespmem:s9+$0xF0]  }
0x18a: {  	[tilespmem:s9+$0xFFFFFF80] =	vst v27;
	v9 =	vmul.f32 v5, v13;
	v13 =	vld [tilespmem:s9+$0x100]  }
0x18b: {  	[tilespmem:s9+$0xFFFFFF90] =	vst v16;
	v7 =	vmul.f32 v10, v5;
	v16 =	vld [tilespmem:s9+$0x120]  }
0x18c: {  	[tilespmem:s9+$0xFFFFFFA0] =	vst v15;
	v10 =	vmul.f32 v20, v5;
	v20 =	vld [tilespmem:s9+$0x130]  }
0x18d: {  	[tilespmem:s9+$0xFFFFFFB0] =	vst v12;
	v11 =	vmul.f32 v11, v5;
	v22 =	vld [tilespmem:s9+$0x140]  }
0x18e: {  	[tilespmem:s9+$0xFFFFFFC0] =	vst v23;
	v12 =	vmul.f32 v21, v5;
	v21 =	vld [tilespmem:s9+$0x150]  }
0x18f: {  	[tilespmem:s9+$0xFFFFFFD0] =	vst v17;
	v13 =	vmul.f32 v13, v5;
	v17 =	vld [tilespmem:s9+$0x160]  }
0x190: {  	[tilespmem:s9+$0xFFFFFFE0] =	vst v18;
	v15 =	vmul.f32 v6, v16;
	v18 =	vld [tilespmem:s9+$0x170]  }
0x191: {  	[tilespmem:s9+$0x0] =	vst v28;
	v16 =	vmul.f32 v6, v20;
	v23 =	vld [tilespmem:s9+$0x180]  }
0x192: {  	[tilespmem:s9+$0x10] =	vst v19;
	v19 =	vmul.f32 v6, v22;
	v26 =	vld [tilespmem:s9+$0x190]  }
0x193: {  	[tilespmem:s9+$0x20] =	vst v29;
	v20 =	vmul.f32 v21, v6;
	v27 =	vld [tilespmem:s9+$0x1B0]  }
0x194: {  	[tilespmem:s9+$0x30] =	vst v25;
	v21 =	vmul.f32 v17, v6;
	v28 =	vld [tilespmem:s9+$0x1C0]  }
.Ltmp1:
0x195: {  	[tilespmem:s9+$0x40] =	vst v30;
	v22 =	vmul.f32 v18, v6;
	v24 =	vld [tilespmem:s9+$0x1D0];
	(pc) =	sbr.rel @p0 .LBB2_6-.Ltmp1, $4  }
0x196: {  	[tilespmem:s9+$0x50] =	vst v31;
	v23 =	vmul.f32 v23, v6;
	v25 =	vld [tilespmem:s9+$0x1E0]  }
0x197: {  	[tilespmem:s9+$0x60] =	vst v32;
	v17 =	vmul.f32 v26, v6;
	v26 =	vld [tilespmem:s9+$0x1F0]  }
0x198: {  	[tilespmem:s9+$0x70] =	vst v33;
	v18 =	vmul.f32 v2, v27;
	v27 =	vld [tilespmem:s9+$0x200]  }
0x199: {  	s9 =	sadd.s32 $0x480, s9;
	[tilespmem:s1+$0x90] =	vst v14;
	v14 =	vmul.f32 v2, v28;
	v28 =	vld [tilespmem:s1+$0x210]  }
0x19a: {  	[tilespmem:s1+$0xA0] =	vst v8  }
0x19b: {  	[tilespmem:s1+$0xB0] =	vst v9  }
0x19c: {  	[tilespmem:s1+$0xC0] =	vst v7  }
0x19d: {  	[tilespmem:s1+$0xD0] =	vst v10  }
0x19e: {  	[tilespmem:s1+$0xE0] =	vst v11  }
0x19f: {  	[tilespmem:s1+$0xF0] =	vst v12  }
0x1a0: {  	[tilespmem:s1+$0x100] =	vst v13  }
0x1a1: {  	[tilespmem:s1+$0x120] =	vst v15  }
0x1a2: {  	[tilespmem:s1+$0x130] =	vst v16  }
0x1a3: {  	[tilespmem:s1+$0x140] =	vst v19  }
0x1a4: {  	[tilespmem:s1+$0x150] =	vst v20  }
0x1a5: {  	[tilespmem:s1+$0x160] =	vst v21  }
0x1a6: {  	[tilespmem:s1+$0x170] =	vst v22  }
0x1a7: {  	[tilespmem:s1+$0x180] =	vst v23  }
0x1a8: {  	[tilespmem:s1+$0x190] =	vst v17  }
0x1a9: {  	[tilespmem:s1+$0x1B0] =	vst v18  }
0x1aa: {  	[tilespmem:s1+$0xFFFFFE40] =	vst v1  }
0x1ab: {  	[tilespmem:s1+$0xFFFFFFF0] =	vst v3  }
0x1ac: {  	[tilespmem:s1+$0x80] =	vst v4  }
0x1ad: {  	[tilespmem:s1+$0x110] =	vst v5  }
0x1ae: {  	v60 =	vmul.f32 v2, v24;
	[tilespmem:s1+$0x1A0] =	vst v6  }
0x1af: {  	v61 =	vmul.f32 v25, v2;
	[tilespmem:s1+$0x1C0] =	vst v14  }
0x1b0: {  	v62 =	vmul.f32 v26, v2;
	[tilespmem:s1+$0x1D0] =	vst v60  }
0x1b1: {  	v63 =	vmul.f32 v27, v2;
	[tilespmem:s1+$0x1E0] =	vst v61  }
0x1b2: {  	v2 =	vmul.f32 v28, v2;
	[tilespmem:s1+$0x1F0] =	vst v62  }
0x1b3: {  	[tilespmem:s1+$0x200] =	vst v63  }
0x1b4: {  	s31 =	sadd.s32 $0x1, s31;
	[tilespmem:s1+$0x210] =	vst v2  }
0x1b5: {  	[spmem:s3] =	stream.indirect.scatter.add.f32 [tilespmem:s22], [sflag:$0x2], $0x90, s0, s19, $0xb8;
	[tilespmem:$0x1F690] =	vst v63  }
0x1b6: {  	p0 =	sne.s32 s31, $0x12;
	_ =	swait.ge [sflag:s24], $0x3600  }
.Ltmp2:
0x1b7: {  	[sflag:s24] =	ssyncset.done $0x0;
	(pc) =	sbr.rel @p0 .LBB2_3-.Ltmp2, $4  }
0x1b8: {  	[sflag:s24] =	ssyncadd.s32 $0xFFFFCA00  }
0x1b9: {  	_ =	swait.ge [sflag:s26], $0x3600  }
0x1ba: {  	[sflag:s26] =	ssyncset.done $0x0  }
0x1bb: {  	[sflag:s26] =	ssyncadd.s32 $0xFFFFCA00  }
0x1bc: {  	s30 =	sadd.s32 $0x1, s30  }
0x1bd: {  	p0 =	sne.s32 s30, $0x3  }
.Ltmp3:
0x1be: {  	_ = 	snop;
	(pc) =	sbr.rel @p0 .LBB2_2-.Ltmp3, $1  }
0x1bf: {  	_ =	sdelay $0x3  }
0x1c0: {  	s29 =	sadd.s32 $0x1, s29  }
0x1c1: {  	p0 =	sne.s32 s29, s13  }
.Ltmp4:
0x1c2: {  	[bflag:$0x0] =	sbarrier.arrive $0xFFFF;
	(pc) =	sbr.rel @p0 .LBB2_1-.Ltmp4, $4  }
0x1c3: {  	[hbm:s12], [sflag:s10] =	dma.local [spmem:s14], $0x2C70  }
0x1c4: {  	_ =	swait.ge [sflag:s15], $0x2C70  }
0x1c5: {  	[sflag:s15] =	ssyncset.done $0x0  }
0x1c6: {  	[sflag:s15] =	ssyncadd.s32 $0xFFFFD390  }
0x1c7: {  	_ =	sfence.sel $0x180000  }
0x1c8: {  	[bflag:$0x0] =	sbarrier.arrive $0xFFFF  }
0x1c9: {  	_ =	strace $0x90000050  }
0x1ca: {  	s0 =	stileid.u32;
	[bflag:$0x2] =	sbarrier.arrive $0xFFFF  }
0x1cb: {  	p0 =	sne.s32 s0, $0x0;
	s0 =	rddreg [dreg:$0x3]  }
0x1cc: {  	s0 =	sadd.s32 @!p0 $0x100000, s0  }
0x1cd: {  	[sflag:s0] =	ssyncadd.tile.s32 @!p0 $0x1;
	_ =	shalt  }
.Lfunc_end2:
_tile_overlayer_lowered:
.L_overlay_start_2:
0x1ce: {  	(tag) =	ssettag $0x2  }
0x1cf: {  	s0 =	rddreg [dreg:$0x0];
	s2 =	stileid.u32  }
0x1d0: {  	s1 =	rddreg [dreg:$0x1];
	p0 =	sne.s32 s2, $0x0  }
0x1d1: {  	s3 =	rddreg [dreg:$0x2];
	[bflag:$0x3] =	sbarrier.arrive $0xFFFF;
	s2 =	simm.s32 @!p0 $0x1C05  }
0x1d2: {  	[timem:s3], [sflag:s2] =	dma.local @!p0 [hbm:s0], s1  }
0x1d3: {  	s0 =	simm.s32 @!p0 $0x5  }
0x1d4: {  	_ =	swait.ge @!p0 [sflag:s0], s1  }
0x1d5: {  	s1 =	ssub.s32 @!p0 $0x0, s1;
	[sflag:s0] =	ssyncset.done @!p0 $0x0  }
0x1d6: {  	[sflag:s0] =	ssyncadd.s32 @!p0 s1  }
0x1d7: {  	[bflag:$0x3] =	sbarrier.arrive $0xFFFF  }
0x1d8: {  	_ =	shalt  }

</sc_bundles>
